<compile_context>
chip_gen: v7x
topology: tpu7x:2x2x1
jax: 0.10.2.dev20260603
libtpu: 0.0.44.dev20260713+nightly
codegen_flags: <defaults>
</compile_context>

<pallas_src>
import functools

import jax
import jax.numpy as jnp
from jax import lax
from jax.experimental import pallas as pl
from jax.experimental.pallas import tpu as pltpu, tpu_sc as plsc

_NC, _NS = 2, 16
_NW = _NC * _NS
_CHUNK_ROWS = 32


def _make_sc_kernel(B, L, D):
    rows_per_w = L // _NW
    n_chunks = rows_per_w // _CHUNK_ROWS
    chunk = _CHUNK_ROWS * D
    n_vec = chunk // 16
    n_units = n_chunks * B
    mesh = plsc.VectorSubcoreMesh(core_axis_name="c", subcore_axis_name="s")

    @functools.partial(
        pl.kernel,
        out_type=jax.ShapeDtypeStruct((B * L * D,), jnp.float32),
        mesh=mesh,
        scratch_types=[
            pltpu.VMEM((2, chunk), jnp.float32),
            pltpu.VMEM((2, chunk), jnp.float32),
            pltpu.SemaphoreType.DMA,
            pltpu.SemaphoreType.DMA,
            pltpu.SemaphoreType.DMA,
            pltpu.SemaphoreType.DMA,
            pltpu.SemaphoreType.DMA,
            pltpu.SemaphoreType.DMA,
        ],
    )
    def sc_kernel(x_hbm, pos_hbm, out_hbm, pos_v, x_v,
                  in_s0, in_s1, out_s0, out_s1, pos_s0, pos_s1):
        in_s = (in_s0, in_s1)
        out_s = (out_s0, out_s1)
        pos_s = (pos_s0, pos_s1)
        w = lax.axis_index("s") * _NC + lax.axis_index("c")
        row0 = w * rows_per_w

        def x_off(u):
            ci, b = divmod(u, B)
            return b * L * D + (row0 + ci * _CHUNK_ROWS) * D

        def run_add(xbuf, pbuf):
            @plsc.parallel_loop(0, chunk, step=16, unroll=8)
            def add_body(i):
                pv = pos_v[pbuf, pl.ds(i, 16)]
                plsc.addupdate(x_v.at[xbuf, pl.ds(i, 16)], pv)

        hp = {0: pltpu.async_copy(
            pos_hbm.at[pl.ds(row0 * D, chunk)], pos_v.at[0], pos_s[0])}
        hx = {0: pltpu.async_copy(
            x_hbm.at[pl.ds(x_off(0), chunk)], x_v.at[0], in_s[0])}
        hout = {}
        for u in range(n_units):
            ci, b = divmod(u, B)
            pbuf = ci % 2
            xbuf = u % 2
            hx[u].wait()
            if b == 0:
                hp[ci].wait()
                if ci + 1 < n_chunks:
                    p_off = (row0 + (ci + 1) * _CHUNK_ROWS) * D
                    hp[ci + 1] = pltpu.async_copy(
                        pos_hbm.at[pl.ds(p_off, chunk)],
                        pos_v.at[(ci + 1) % 2], pos_s[(ci + 1) % 2])
            if u + 1 < n_units:
                if u - 1 >= 0:
                    hout[u - 1].wait()
                hx[u + 1] = pltpu.async_copy(
                    x_hbm.at[pl.ds(x_off(u + 1), chunk)],
                    x_v.at[(u + 1) % 2], in_s[(u + 1) % 2])
            run_add(xbuf, pbuf)
            hout[u] = pltpu.async_copy(
                x_v.at[xbuf], out_hbm.at[pl.ds(x_off(u), chunk)],
                out_s[xbuf])
        hout[n_units - 2].wait()
        hout[n_units - 1].wait()

    return sc_kernel


def kernel(x, pos_table):
    B, L, D = x.shape
    out_flat = _make_sc_kernel(B, L, D)(
        x.reshape(B * L * D), pos_table[:L].reshape(L * D)
    )
    return out_flat.reshape(B, L, D)

# --- scband reference (transcript-rebuilt; emitter-appended) ---
"""Pipeline reference for scband-relative-positional-encoding-4054449127858 (READ-ONLY COPY).

The authoritative reference and input builder live on the scoring server;
editing this copy changes nothing except your own understanding.
"""

import jax, jax.numpy as jnp
import numpy as np

B, L, D = 4, 8192, 768
MAX_LEN = 8192

def setup_inputs(seed: int = 0) -> dict:
    key = jax.random.key(seed)
    k1, k2 = jax.random.split(key)
    x = jax.random.normal(k1, (B, L, D), dtype=jnp.float32)
    # learnable position embedding table, init normal(0, 0.02) like the torch module
    pos_table = jax.random.normal(k2, (MAX_LEN, D), dtype=jnp.float32) * 0.02
    return {"x": x, "pos_table": pos_table}

def reference(x, pos_table):
    Bx, Lx, Dx = x.shape
    positions = jnp.arange(Lx, dtype=jnp.int32)
    # embedding lookup: gather rows of the table
    pos_emb = jnp.take(pos_table, positions, axis=0)  # (L, D)
    out = x + pos_emb[None, :, :]
    # dropout p=0.0 -> identity (eval-mode / deterministic reference)
    return out

if __name__ == "__main__":
    import jax
    _d = setup_inputs()
    print(jax.jit(kernel)(*tuple(_d.values())))

</pallas_src>

<mosaic_0001>
#map = affine_map<(d0, d1) -> (0)>
module attributes {stable_mosaic.version = 14 : i64} {
  func.func @sc_kernel(%arg0: i32, %arg1: i32, %arg2: memref<25165824xf32, #tpu.memory_space<hbm>>, %arg3: memref<6291456xf32, #tpu.memory_space<hbm>>, %arg4: memref<25165824xf32, #tpu.memory_space<hbm>>, %arg5: memref<2x24576xf32, #tpu.memory_space<vmem>>, %arg6: memref<2x24576xf32, #tpu.memory_space<vmem>>, %arg7: memref<!tpu.dma_semaphore, #tpu.memory_space<semaphore_mem>>, %arg8: memref<!tpu.dma_semaphore, #tpu.memory_space<semaphore_mem>>, %arg9: memref<!tpu.dma_semaphore, #tpu.memory_space<semaphore_mem>>, %arg10: memref<!tpu.dma_semaphore, #tpu.memory_space<semaphore_mem>>, %arg11: memref<!tpu.dma_semaphore, #tpu.memory_space<semaphore_mem>>, %arg12: memref<!tpu.dma_semaphore, #tpu.memory_space<semaphore_mem>>) attributes {dimension_semantics = [#tpu.dimension_semantics<core_parallel>, #tpu.dimension_semantics<subcore_parallel>], iteration_bounds = array<i64: 2, 16>, scalar_prefetch = 0 : i64, scratch_operands = 8 : i64, tpu.core_type = #tpu.core_type<sc_vector_subcore>, window_params = [{transform_indices = #map}, {transform_indices = #map}, {transform_indices = #map}]} {
    %mul3A = arith.constant 2 : i32
    %mul3A_0 = arith.muli %arg1, %mul3A : i32
    %add3A = arith.addi %mul3A_0, %arg0 : i32
    %mul3A_1 = arith.constant 256 : i32
    %mul3A_2 = arith.muli %add3A, %mul3A_1 : i32
    %mul3A_3 = arith.constant 768 : i32
    %mul3A_4 = arith.muli %mul3A_2, %mul3A_3 : i32
    %dma_start3A = arith.constant 0 : i32
    %dma_start3A_5 = arith.constant 0 : i32
    %dma_start3A_6 = tpu.memref_slice %arg5[%dma_start3A, %dma_start3A_5] : memref<2x24576xf32, #tpu.memory_space<vmem>> -> memref<1x24576xf32, #tpu.memory_space<vmem>>
    %dma_start3A_7 = tpu.memref_squeeze %dma_start3A_6 : memref<1x24576xf32, #tpu.memory_space<vmem>> -> memref<24576xf32, #tpu.memory_space<vmem>>
    %dma_start3A_8 = tpu.memref_slice %arg3[%mul3A_4] : memref<6291456xf32, #tpu.memory_space<hbm>> -> memref<24576xf32, #tpu.memory_space<hbm>>
    %dma_start3A_9 = arith.constant 0 : i32
    %dma_start3A_10 = tpu.memref_slice %arg5[%dma_start3A, %dma_start3A_9] : memref<2x24576xf32, #tpu.memory_space<vmem>> -> memref<1x24576xf32, #tpu.memory_space<vmem>>
    %dma_start3A_11 = tpu.memref_squeeze %dma_start3A_10 : memref<1x24576xf32, #tpu.memory_space<vmem>> -> memref<24576xf32, #tpu.memory_space<vmem>>
    %dma_start3A_12 = tpu.memref_slice %arg3[%mul3A_4] : memref<6291456xf32, #tpu.memory_space<hbm>> -> memref<24576xf32, #tpu.memory_space<hbm>>
    tpu.enqueue_dma source(%dma_start3A_12 : memref<24576xf32, #tpu.memory_space<hbm>>) target(%dma_start3A_11 : memref<24576xf32, #tpu.memory_space<vmem>>) target_semaphore(%arg11 : memref<!tpu.dma_semaphore, #tpu.memory_space<semaphore_mem>>)
    %add3A_13 = arith.constant 0 : i32
    %add3A_14 = arith.addi %mul3A_2, %add3A_13 : i32
    %mul3A_15 = arith.constant 768 : i32
    %mul3A_16 = arith.muli %add3A_14, %mul3A_15 : i32
    %add3A_17 = arith.constant 0 : i32
    %add3A_18 = arith.addi %add3A_17, %mul3A_16 : i32
    %dma_start3A_19 = arith.constant 0 : i32
    %dma_start3A_20 = arith.constant 0 : i32
    %dma_start3A_21 = tpu.memref_slice %arg6[%dma_start3A_19, %dma_start3A_20] : memref<2x24576xf32, #tpu.memory_space<vmem>> -> memref<1x24576xf32, #tpu.memory_space<vmem>>
    %dma_start3A_22 = tpu.memref_squeeze %dma_start3A_21 : memref<1x24576xf32, #tpu.memory_space<vmem>> -> memref<24576xf32, #tpu.memory_space<vmem>>
    %dma_start3A_23 = tpu.memref_slice %arg2[%add3A_18] : memref<25165824xf32, #tpu.memory_space<hbm>> -> memref<24576xf32, #tpu.memory_space<hbm>>
    %dma_start3A_24 = arith.constant 0 : i32
    %dma_start3A_25 = tpu.memref_slice %arg6[%dma_start3A_19, %dma_start3A_24] : memref<2x24576xf32, #tpu.memory_space<vmem>> -> memref<1x24576xf32, #tpu.memory_space<vmem>>
    %dma_start3A_26 = tpu.memref_squeeze %dma_start3A_25 : memref<1x24576xf32, #tpu.memory_space<vmem>> -> memref<24576xf32, #tpu.memory_space<vmem>>
    %dma_start3A_27 = tpu.memref_slice %arg2[%add3A_18] : memref<25165824xf32, #tpu.memory_space<hbm>> -> memref<24576xf32, #tpu.memory_space<hbm>>
    tpu.enqueue_dma source(%dma_start3A_27 : memref<24576xf32, #tpu.memory_space<hbm>>) target(%dma_start3A_26 : memref<24576xf32, #tpu.memory_space<vmem>>) target_semaphore(%arg7 : memref<!tpu.dma_semaphore, #tpu.memory_space<semaphore_mem>>)
    %dma_wait3A = arith.constant 0 : i32
    %dma_wait3A_28 = arith.constant 0 : i32
    %dma_wait3A_29 = tpu.memref_slice %arg6[%dma_wait3A, %dma_wait3A_28] : memref<2x24576xf32, #tpu.memory_space<vmem>> -> memref<1x24576xf32, #tpu.memory_space<vmem>>
    %dma_wait3A_30 = tpu.memref_squeeze %dma_wait3A_29 : memref<1x24576xf32, #tpu.memory_space<vmem>> -> memref<24576xf32, #tpu.memory_space<vmem>>
    %dma_wait3A_31 = tpu.memref_slice %arg2[%add3A_18] : memref<25165824xf32, #tpu.memory_space<hbm>> -> memref<24576xf32, #tpu.memory_space<hbm>>
    %dma_wait3A_32 = arith.constant 0 : i32
    %dma_wait3A_33 = tpu.memref_slice %arg6[%dma_wait3A, %dma_wait3A_32] : memref<2x24576xf32, #tpu.memory_space<vmem>> -> memref<1x24576xf32, #tpu.memory_space<vmem>>
    %dma_wait3A_34 = tpu.memref_squeeze %dma_wait3A_33 : memref<1x24576xf32, #tpu.memory_space<vmem>> -> memref<24576xf32, #tpu.memory_space<vmem>>
    %dma_wait3A_35 = tpu.memref_slice %arg2[%add3A_18] : memref<25165824xf32, #tpu.memory_space<hbm>> -> memref<24576xf32, #tpu.memory_space<hbm>>
    tpu.wait_dma2 semaphore(%arg7 : memref<!tpu.dma_semaphore, #tpu.memory_space<semaphore_mem>>) src(%dma_wait3A_35 : memref<24576xf32, #tpu.memory_space<hbm>>) dst(%dma_wait3A_34 : memref<24576xf32, #tpu.memory_space<vmem>>)
    %dma_wait3A_36 = arith.constant 0 : i32
    %dma_wait3A_37 = arith.constant 0 : i32
    %dma_wait3A_38 = tpu.memref_slice %arg5[%dma_wait3A_36, %dma_wait3A_37] : memref<2x24576xf32, #tpu.memory_space<vmem>> -> memref<1x24576xf32, #tpu.memory_space<vmem>>
    %dma_wait3A_39 = tpu.memref_squeeze %dma_wait3A_38 : memref<1x24576xf32, #tpu.memory_space<vmem>> -> memref<24576xf32, #tpu.memory_space<vmem>>
    %dma_wait3A_40 = tpu.memref_slice %arg3[%mul3A_4] : memref<6291456xf32, #tpu.memory_space<hbm>> -> memref<24576xf32, #tpu.memory_space<hbm>>
    %dma_wait3A_41 = arith.constant 0 : i32
    %dma_wait3A_42 = tpu.memref_slice %arg5[%dma_wait3A_36, %dma_wait3A_41] : memref<2x24576xf32, #tpu.memory_space<vmem>> -> memref<1x24576xf32, #tpu.memory_space<vmem>>
    %dma_wait3A_43 = tpu.memref_squeeze %dma_wait3A_42 : memref<1x24576xf32, #tpu.memory_space<vmem>> -> memref<24576xf32, #tpu.memory_space<vmem>>
    %dma_wait3A_44 = tpu.memref_slice %arg3[%mul3A_4] : memref<6291456xf32, #tpu.memory_space<hbm>> -> memref<24576xf32, #tpu.memory_space<hbm>>
    tpu.wait_dma2 semaphore(%arg11 : memref<!tpu.dma_semaphore, #tpu.memory_space<semaphore_mem>>) src(%dma_wait3A_44 : memref<24576xf32, #tpu.memory_space<hbm>>) dst(%dma_wait3A_43 : memref<24576xf32, #tpu.memory_space<vmem>>)
    %add3A_45 = arith.constant 32 : i32
    %add3A_46 = arith.addi %mul3A_2, %add3A_45 : i32
    %mul3A_47 = arith.constant 768 : i32
    %mul3A_48 = arith.muli %add3A_46, %mul3A_47 : i32
    %dma_start3A_49 = arith.constant 1 : i32
    %dma_start3A_50 = arith.constant 0 : i32
    %dma_start3A_51 = tpu.memref_slice %arg5[%dma_start3A_49, %dma_start3A_50] : memref<2x24576xf32, #tpu.memory_space<vmem>> -> memref<1x24576xf32, #tpu.memory_space<vmem>>
    %dma_start3A_52 = tpu.memref_squeeze %dma_start3A_51 : memref<1x24576xf32, #tpu.memory_space<vmem>> -> memref<24576xf32, #tpu.memory_space<vmem>>
    %dma_start3A_53 = tpu.memref_slice %arg3[%mul3A_48] : memref<6291456xf32, #tpu.memory_space<hbm>> -> memref<24576xf32, #tpu.memory_space<hbm>>
    %dma_start3A_54 = arith.constant 0 : i32
    %dma_start3A_55 = tpu.memref_slice %arg5[%dma_start3A_49, %dma_start3A_54] : memref<2x24576xf32, #tpu.memory_space<vmem>> -> memref<1x24576xf32, #tpu.memory_space<vmem>>
    %dma_start3A_56 = tpu.memref_squeeze %dma_start3A_55 : memref<1x24576xf32, #tpu.memory_space<vmem>> -> memref<24576xf32, #tpu.memory_space<vmem>>
    %dma_start3A_57 = tpu.memref_slice %arg3[%mul3A_48] : memref<6291456xf32, #tpu.memory_space<hbm>> -> memref<24576xf32, #tpu.memory_space<hbm>>
    tpu.enqueue_dma source(%dma_start3A_57 : memref<24576xf32, #tpu.memory_space<hbm>>) target(%dma_start3A_56 : memref<24576xf32, #tpu.memory_space<vmem>>) target_semaphore(%arg12 : memref<!tpu.dma_semaphore, #tpu.memory_space<semaphore_mem>>)
    %add3A_58 = arith.constant 0 : i32
    %add3A_59 = arith.addi %mul3A_2, %add3A_58 : i32
    %mul3A_60 = arith.constant 768 : i32
    %mul3A_61 = arith.muli %add3A_59, %mul3A_60 : i32
    %add3A_62 = arith.constant 6291456 : i32
    %add3A_63 = arith.addi %add3A_62, %mul3A_61 : i32
    %dma_start3A_64 = arith.constant 1 : i32
    %dma_start3A_65 = arith.constant 0 : i32
    %dma_start3A_66 = tpu.memref_slice %arg6[%dma_start3A_64, %dma_start3A_65] : memref<2x24576xf32, #tpu.memory_space<vmem>> -> memref<1x24576xf32, #tpu.memory_space<vmem>>
    %dma_start3A_67 = tpu.memref_squeeze %dma_start3A_66 : memref<1x24576xf32, #tpu.memory_space<vmem>> -> memref<24576xf32, #tpu.memory_space<vmem>>
    %dma_start3A_68 = tpu.memref_slice %arg2[%add3A_63] : memref<25165824xf32, #tpu.memory_space<hbm>> -> memref<24576xf32, #tpu.memory_space<hbm>>
    %dma_start3A_69 = arith.constant 0 : i32
    %dma_start3A_70 = tpu.memref_slice %arg6[%dma_start3A_64, %dma_start3A_69] : memref<2x24576xf32, #tpu.memory_space<vmem>> -> memref<1x24576xf32, #tpu.memory_space<vmem>>
    %dma_start3A_71 = tpu.memref_squeeze %dma_start3A_70 : memref<1x24576xf32, #tpu.memory_space<vmem>> -> memref<24576xf32, #tpu.memory_space<vmem>>
    %dma_start3A_72 = tpu.memref_slice %arg2[%add3A_63] : memref<25165824xf32, #tpu.memory_space<hbm>> -> memref<24576xf32, #tpu.memory_space<hbm>>
    tpu.enqueue_dma source(%dma_start3A_72 : memref<24576xf32, #tpu.memory_space<hbm>>) target(%dma_start3A_71 : memref<24576xf32, #tpu.memory_space<vmem>>) target_semaphore(%arg8 : memref<!tpu.dma_semaphore, #tpu.memory_space<semaphore_mem>>)
    %parallel_loop3A = arith.constant 0 : i32
    %parallel_loop3A_73 = arith.constant 24576 : i32
    %parallel_loop3A_74 = arith.constant 16 : i32
    scf.for %parallel_loop3A_1806 = %parallel_loop3A to %parallel_loop3A_73 step %parallel_loop3A_74  : i32 {
      %parallel_loop3A_1807 = arith.constant 0 : i32
      %parallel_loop3A_1808 = arith.index_cast %parallel_loop3A_1807 : i32 to index
      %parallel_loop3A_1809 = arith.index_cast %parallel_loop3A_1806 : i32 to index
      %parallel_loop3A_1810 = tpu.vector_load %arg5[%parallel_loop3A_1808, %parallel_loop3A_1809] {strides = array<i32>} : memref<2x24576xf32, #tpu.memory_space<vmem>>, vector<1x16xf32>,
      %parallel_loop3A_1811 = vector.shape_cast %parallel_loop3A_1810 : vector<1x16xf32> to vector<16xf32>
      %parallel_loop3A_1812 = arith.constant 0 : i32
      %parallel_loop3A_1813 = arith.index_cast %parallel_loop3A_1812 : i32 to index
      %parallel_loop3A_1814 = arith.index_cast %parallel_loop3A_1806 : i32 to index
      %parallel_loop3A_1815 = tpu.vector_load %arg6[%parallel_loop3A_1813, %parallel_loop3A_1814] {strides = array<i32>} : memref<2x24576xf32, #tpu.memory_space<vmem>>, vector<1x16xf32>,
      %parallel_loop3A_1816 = vector.shape_cast %parallel_loop3A_1815 : vector<1x16xf32> to vector<16xf32>
      %parallel_loop3A_1817 = vector.shape_cast %parallel_loop3A_1811 : vector<16xf32> to vector<1x16xf32>
      tpu.vector_store %arg6[%parallel_loop3A_1813, %parallel_loop3A_1814], %parallel_loop3A_1817 {add = true, strides = array<i32>} : memref<2x24576xf32, #tpu.memory_space<vmem>>, vector<1x16xf32>,
    } {sc.loop_unroll_factor = 8 : i64, sc.parallel_access}
    %add3A_75 = arith.constant 0 : i32
    %add3A_76 = arith.addi %mul3A_2, %add3A_75 : i32
    %mul3A_77 = arith.constant 768 : i32
    %mul3A_78 = arith.muli %add3A_76, %mul3A_77 : i32
    %add3A_79 = arith.constant 0 : i32
    %add3A_80 = arith.addi %add3A_79, %mul3A_78 : i32
    %dma_start3A_81 = arith.constant 0 : i32
    %dma_start3A_82 = arith.constant 0 : i32
    %dma_start3A_83 = tpu.memref_slice %arg6[%dma_start3A_81, %dma_start3A_82] : memref<2x24576xf32, #tpu.memory_space<vmem>> -> memref<1x24576xf32, #tpu.memory_space<vmem>>
    %dma_start3A_84 = tpu.memref_squeeze %dma_start3A_83 : memref<1x24576xf32, #tpu.memory_space<vmem>> -> memref<24576xf32, #tpu.memory_space<vmem>>
    %dma_start3A_85 = tpu.memref_slice %arg4[%add3A_80] : memref<25165824xf32, #tpu.memory_space<hbm>> -> memref<24576xf32, #tpu.memory_space<hbm>>
    %dma_start3A_86 = tpu.memref_slice %arg4[%add3A_80] : memref<25165824xf32, #tpu.memory_space<hbm>> -> memref<24576xf32, #tpu.memory_space<hbm>>
    %dma_start3A_87 = arith.constant 0 : i32
    %dma_start3A_88 = tpu.memref_slice %arg6[%dma_start3A_81, %dma_start3A_87] : memref<2x24576xf32, #tpu.memory_space<vmem>> -> memref<1x24576xf32, #tpu.memory_space<vmem>>
    %dma_start3A_89 = tpu.memref_squeeze %dma_start3A_88 : memref<1x24576xf32, #tpu.memory_space<vmem>> -> memref<24576xf32, #tpu.memory_space<vmem>>
    tpu.enqueue_dma source(%dma_start3A_89 : memref<24576xf32, #tpu.memory_space<vmem>>) target(%dma_start3A_86 : memref<24576xf32, #tpu.memory_space<hbm>>) target_semaphore(%arg9 : memref<!tpu.dma_semaphore, #tpu.memory_space<semaphore_mem>>)
    %dma_wait3A_90 = arith.constant 1 : i32
    %dma_wait3A_91 = arith.constant 0 : i32
    %dma_wait3A_92 = tpu.memref_slice %arg6[%dma_wait3A_90, %dma_wait3A_91] : memref<2x24576xf32, #tpu.memory_space<vmem>> -> memref<1x24576xf32, #tpu.memory_space<vmem>>
    %dma_wait3A_93 = tpu.memref_squeeze %dma_wait3A_92 : memref<1x24576xf32, #tpu.memory_space<vmem>> -> memref<24576xf32, #tpu.memory_space<vmem>>
    %dma_wait3A_94 = tpu.memref_slice %arg2[%add3A_63] : memref<25165824xf32, #tpu.memory_space<hbm>> -> memref<24576xf32, #tpu.memory_space<hbm>>
    %dma_wait3A_95 = arith.constant 0 : i32
    %dma_wait3A_96 = tpu.memref_slice %arg6[%dma_wait3A_90, %dma_wait3A_95] : memref<2x24576xf32, #tpu.memory_space<vmem>> -> memref<1x24576xf32, #tpu.memory_space<vmem>>
    %dma_wait3A_97 = tpu.memref_squeeze %dma_wait3A_96 : memref<1x24576xf32, #tpu.memory_space<vmem>> -> memref<24576xf32, #tpu.memory_space<vmem>>
    %dma_wait3A_98 = tpu.memref_slice %arg2[%add3A_63] : memref<25165824xf32, #tpu.memory_space<hbm>> -> memref<24576xf32, #tpu.memory_space<hbm>>
    tpu.wait_dma2 semaphore(%arg8 : memref<!tpu.dma_semaphore, #tpu.memory_space<semaphore_mem>>) src(%dma_wait3A_98 : memref<24576xf32, #tpu.memory_space<hbm>>) dst(%dma_wait3A_97 : memref<24576xf32, #tpu.memory_space<vmem>>)
    %dma_wait3A_99 = arith.constant 0 : i32
    %dma_wait3A_100 = arith.constant 0 : i32
    %dma_wait3A_101 = tpu.memref_slice %arg6[%dma_wait3A_99, %dma_wait3A_100] : memref<2x24576xf32, #tpu.memory_space<vmem>> -> memref<1x24576xf32, #tpu.memory_space<vmem>>
    %dma_wait3A_102 = tpu.memref_squeeze %dma_wait3A_101 : memref<1x24576xf32, #tpu.memory_space<vmem>> -> memref<24576xf32, #tpu.memory_space<vmem>>
    %dma_wait3A_103 = tpu.memref_slice %arg4[%add3A_80] : memref<25165824xf32, #tpu.memory_space<hbm>> -> memref<24576xf32, #tpu.memory_space<hbm>>
    %dma_wait3A_104 = tpu.memref_slice %arg4[%add3A_80] : memref<25165824xf32, #tpu.memory_space<hbm>> -> memref<24576xf32, #tpu.memory_space<hbm>>
    %dma_wait3A_105 = arith.constant 0 : i32
    %dma_wait3A_106 = tpu.memref_slice %arg6[%dma_wait3A_99, %dma_wait3A_105] : memref<2x24576xf32, #tpu.memory_space<vmem>> -> memref<1x24576xf32, #tpu.memory_space<vmem>>
    %dma_wait3A_107 = tpu.memref_squeeze %dma_wait3A_106 : memref<1x24576xf32, #tpu.memory_space<vmem>> -> memref<24576xf32, #tpu.memory_space<vmem>>
    tpu.wait_dma2 semaphore(%arg9 : memref<!tpu.dma_semaphore, #tpu.memory_space<semaphore_mem>>) src(%dma_wait3A_107 : memref<24576xf32, #tpu.memory_space<vmem>>) dst(%dma_wait3A_104 : memref<24576xf32, #tpu.memory_space<hbm>>)
    %add3A_108 = arith.constant 0 : i32
    %add3A_109 = arith.addi %mul3A_2, %add3A_108 : i32
    %mul3A_110 = arith.constant 768 : i32
    %mul3A_111 = arith.muli %add3A_109, %mul3A_110 : i32
    %add3A_112 = arith.constant 12582912 : i32
    %add3A_113 = arith.addi %add3A_112, %mul3A_111 : i32
    %dma_start3A_114 = arith.constant 0 : i32
    %dma_start3A_115 = arith.constant 0 : i32
    %dma_start3A_116 = tpu.memref_slice %arg6[%dma_start3A_114, %dma_start3A_115] : memref<2x24576xf32, #tpu.memory_space<vmem>> -> memref<1x24576xf32, #tpu.memory_space<vmem>>
    %dma_start3A_117 = tpu.memref_squeeze %dma_start3A_116 : memref<1x24576xf32, #tpu.memory_space<vmem>> -> memref<24576xf32, #tpu.memory_space<vmem>>
    %dma_start3A_118 = tpu.memref_slice %arg2[%add3A_113] : memref<25165824xf32, #tpu.memory_space<hbm>> -> memref<24576xf32, #tpu.memory_space<hbm>>
    %dma_start3A_119 = arith.constant 0 : i32
    %dma_start3A_120 = tpu.memref_slice %arg6[%dma_start3A_114, %dma_start3A_119] : memref<2x24576xf32, #tpu.memory_space<vmem>> -> memref<1x24576xf32, #tpu.memory_space<vmem>>
    %dma_start3A_121 = tpu.memref_squeeze %dma_start3A_120 : memref<1x24576xf32, #tpu.memory_space<vmem>> -> memref<24576xf32, #tpu.memory_space<vmem>>
    %dma_start3A_122 = tpu.memref_slice %arg2[%add3A_113] : memref<25165824xf32, #tpu.memory_space<hbm>> -> memref<24576xf32, #tpu.memory_space<hbm>>
    tpu.enqueue_dma source(%dma_start3A_122 : memref<24576xf32, #tpu.memory_space<hbm>>) target(%dma_start3A_121 : memref<24576xf32, #tpu.memory_space<vmem>>) target_semaphore(%arg7 : memref<!tpu.dma_semaphore, #tpu.memory_space<semaphore_mem>>)
    %parallel_loop3A_123 = arith.constant 0 : i32
    %parallel_loop3A_124 = arith.constant 24576 : i32
    %parallel_loop3A_125 = arith.constant 16 : i32
    scf.for %parallel_loop3A_1806 = %parallel_loop3A_123 to %parallel_loop3A_124 step %parallel_loop3A_125  : i32 {
      %parallel_loop3A_1807 = arith.constant 0 : i32
      %parallel_loop3A_1808 = arith.index_cast %parallel_loop3A_1807 : i32 to index
      %parallel_loop3A_1809 = arith.index_cast %parallel_loop3A_1806 : i32 to index
      %parallel_loop3A_1810 = tpu.vector_load %arg5[%parallel_loop3A_1808, %parallel_loop3A_1809] {strides = array<i32>} : memref<2x24576xf32, #tpu.memory_space<vmem>>, vector<1x16xf32>,
      %parallel_loop3A_1811 = vector.shape_cast %parallel_loop3A_1810 : vector<1x16xf32> to vector<16xf32>
      %parallel_loop3A_1812 = arith.constant 1 : i32
      %parallel_loop3A_1813 = arith.index_cast %parallel_loop3A_1812 : i32 to index
      %parallel_loop3A_1814 = arith.index_cast %parallel_loop3A_1806 : i32 to index
      %parallel_loop3A_1815 = tpu.vector_load %arg6[%parallel_loop3A_1813, %parallel_loop3A_1814] {strides = array<i32>} : memref<2x24576xf32, #tpu.memory_space<vmem>>, vector<1x16xf32>,
      %parallel_loop3A_1816 = vector.shape_cast %parallel_loop3A_1815 : vector<1x16xf32> to vector<16xf32>
      %parallel_loop3A_1817 = vector.shape_cast %parallel_loop3A_1811 : vector<16xf32> to vector<1x16xf32>
      tpu.vector_store %arg6[%parallel_loop3A_1813, %parallel_loop3A_1814], %parallel_loop3A_1817 {add = true, strides = array<i32>} : memref<2x24576xf32, #tpu.memory_space<vmem>>, vector<1x16xf32>,
    } {sc.loop_unroll_factor = 8 : i64, sc.parallel_access}
    %add3A_126 = arith.constant 0 : i32
    %add3A_127 = arith.addi %mul3A_2, %add3A_126 : i32
    %mul3A_128 = arith.constant 768 : i32
    %mul3A_129 = arith.muli %add3A_127, %mul3A_128 : i32
    %add3A_130 = arith.constant 6291456 : i32
    %add3A_131 = arith.addi %add3A_130, %mul3A_129 : i32
    %dma_start3A_132 = arith.constant 1 : i32
    %dma_start3A_133 = arith.constant 0 : i32
    %dma_start3A_134 = tpu.memref_slice %arg6[%dma_start3A_132, %dma_start3A_133] : memref<2x24576xf32, #tpu.memory_space<vmem>> -> memref<1x24576xf32, #tpu.memory_space<vmem>>
    %dma_start3A_135 = tpu.memref_squeeze %dma_start3A_134 : memref<1x24576xf32, #tpu.memory_space<vmem>> -> memref<24576xf32, #tpu.memory_space<vmem>>
    %dma_start3A_136 = tpu.memref_slice %arg4[%add3A_131] : memref<25165824xf32, #tpu.memory_space<hbm>> -> memref<24576xf32, #tpu.memory_space<hbm>>
    %dma_start3A_137 = tpu.memref_slice %arg4[%add3A_131] : memref<25165824xf32, #tpu.memory_space<hbm>> -> memref<24576xf32, #tpu.memory_space<hbm>>
    %dma_start3A_138 = arith.constant 0 : i32
    %dma_start3A_139 = tpu.memref_slice %arg6[%dma_start3A_132, %dma_start3A_138] : memref<2x24576xf32, #tpu.memory_space<vmem>> -> memref<1x24576xf32, #tpu.memory_space<vmem>>
    %dma_start3A_140 = tpu.memref_squeeze %dma_start3A_139 : memref<1x24576xf32, #tpu.memory_space<vmem>> -> memref<24576xf32, #tpu.memory_space<vmem>>
    tpu.enqueue_dma source(%dma_start3A_140 : memref<24576xf32, #tpu.memory_space<vmem>>) target(%dma_start3A_137 : memref<24576xf32, #tpu.memory_space<hbm>>) target_semaphore(%arg10 : memref<!tpu.dma_semaphore, #tpu.memory_space<semaphore_mem>>)
    %dma_wait3A_141 = arith.constant 0 : i32
    %dma_wait3A_142 = arith.constant 0 : i32
    %dma_wait3A_143 = tpu.memref_slice %arg6[%dma_wait3A_141, %dma_wait3A_142] : memref<2x24576xf32, #tpu.memory_space<vmem>> -> memref<1x24576xf32, #tpu.memory_space<vmem>>
    %dma_wait3A_144 = tpu.memref_squeeze %dma_wait3A_143 : memref<1x24576xf32, #tpu.memory_space<vmem>> -> memref<24576xf32, #tpu.memory_space<vmem>>
    %dma_wait3A_145 = tpu.memref_slice %arg2[%add3A_113] : memref<25165824xf32, #tpu.memory_space<hbm>> -> memref<24576xf32, #tpu.memory_space<hbm>>
    %dma_wait3A_146 = arith.constant 0 : i32
    %dma_wait3A_147 = tpu.memref_slice %arg6[%dma_wait3A_141, %dma_wait3A_146] : memref<2x24576xf32, #tpu.memory_space<vmem>> -> memref<1x24576xf32, #tpu.memory_space<vmem>>
    %dma_wait3A_148 = tpu.memref_squeeze %dma_wait3A_147 : memref<1x24576xf32, #tpu.memory_space<vmem>> -> memref<24576xf32, #tpu.memory_space<vmem>>
    %dma_wait3A_149 = tpu.memref_slice %arg2[%add3A_113] : memref<25165824xf32, #tpu.memory_space<hbm>> -> memref<24576xf32, #tpu.memory_space<hbm>>
    tpu.wait_dma2 semaphore(%arg7 : memref<!tpu.dma_semaphore, #tpu.memory_space<semaphore_mem>>) src(%dma_wait3A_149 : memref<24576xf32, #tpu.memory_space<hbm>>) dst(%dma_wait3A_148 : memref<24576xf32, #tpu.memory_space<vmem>>)
    %dma_wait3A_150 = arith.constant 1 : i32
    %dma_wait3A_151 = arith.constant 0 : i32
    %dma_wait3A_152 = tpu.memref_slice %arg6[%dma_wait3A_150, %dma_wait3A_151] : memref<2x24576xf32, #tpu.memory_space<vmem>> -> memref<1x24576xf32, #tpu.memory_space<vmem>>
    %dma_wait3A_153 = tpu.memref_squeeze %dma_wait3A_152 : memref<1x24576xf32, #tpu.memory_space<vmem>> -> memref<24576xf32, #tpu.memory_space<vmem>>
    %dma_wait3A_154 = tpu.memref_slice %arg4[%add3A_131] : memref<25165824xf32, #tpu.memory_space<hbm>> -> memref<24576xf32, #tpu.memory_space<hbm>>
    %dma_wait3A_155 = tpu.memref_slice %arg4[%add3A_131] : memref<25165824xf32, #tpu.memory_space<hbm>> -> memref<24576xf32, #tpu.memory_space<hbm>>
    %dma_wait3A_156 = arith.constant 0 : i32
    %dma_wait3A_157 = tpu.memref_slice %arg6[%dma_wait3A_150, %dma_wait3A_156] : memref<2x24576xf32, #tpu.memory_space<vmem>> -> memref<1x24576xf32, #tpu.memory_space<vmem>>
    %dma_wait3A_158 = tpu.memref_squeeze %dma_wait3A_157 : memref<1x24576xf32, #tpu.memory_space<vmem>> -> memref<24576xf32, #tpu.memory_space<vmem>>
    tpu.wait_dma2 semaphore(%arg10 : memref<!tpu.dma_semaphore, #tpu.memory_space<semaphore_mem>>) src(%dma_wait3A_158 : memref<24576xf32, #tpu.memory_space<vmem>>) dst(%dma_wait3A_155 : memref<24576xf32, #tpu.memory_space<hbm>>)
    %add3A_159 = arith.constant 0 : i32
    %add3A_160 = arith.addi %mul3A_2, %add3A_159 : i32
    %mul3A_161 = arith.constant 768 : i32
    %mul3A_162 = arith.muli %add3A_160, %mul3A_161 : i32
    %add3A_163 = arith.constant 18874368 : i32
    %add3A_164 = arith.addi %add3A_163, %mul3A_162 : i32
    %dma_start3A_165 = arith.constant 1 : i32
    %dma_start3A_166 = arith.constant 0 : i32
    %dma_start3A_167 = tpu.memref_slice %arg6[%dma_start3A_165, %dma_start3A_166] : memref<2x24576xf32, #tpu.memory_space<vmem>> -> memref<1x24576xf32, #tpu.memory_space<vmem>>
    %dma_start3A_168 = tpu.memref_squeeze %dma_start3A_167 : memref<1x24576xf32, #tpu.memory_space<vmem>> -> memref<24576xf32, #tpu.memory_space<vmem>>
    %dma_start3A_169 = tpu.memref_slice %arg2[%add3A_164] : memref<25165824xf32, #tpu.memory_space<hbm>> -> memref<24576xf32, #tpu.memory_space<hbm>>
    %dma_start3A_170 = arith.constant 0 : i32
    %dma_start3A_171 = tpu.memref_slice %arg6[%dma_start3A_165, %dma_start3A_170] : memref<2x24576xf32, #tpu.memory_space<vmem>> -> memref<1x24576xf32, #tpu.memory_space<vmem>>
    %dma_start3A_172 = tpu.memref_squeeze %dma_start3A_171 : memref<1x24576xf32, #tpu.memory_space<vmem>> -> memref<24576xf32, #tpu.memory_space<vmem>>
    %dma_start3A_173 = tpu.memref_slice %arg2[%add3A_164] : memref<25165824xf32, #tpu.memory_space<hbm>> -> memref<24576xf32, #tpu.memory_space<hbm>>
    tpu.enqueue_dma source(%dma_start3A_173 : memref<24576xf32, #tpu.memory_space<hbm>>) target(%dma_start3A_172 : memref<24576xf32, #tpu.memory_space<vmem>>) target_semaphore(%arg8 : memref<!tpu.dma_semaphore, #tpu.memory_space<semaphore_mem>>)
    %parallel_loop3A_174 = arith.constant 0 : i32
    %parallel_loop3A_175 = arith.constant 24576 : i32
    %parallel_loop3A_176 = arith.constant 16 : i32
    scf.for %parallel_loop3A_1806 = %parallel_loop3A_174 to %parallel_loop3A_175 step %parallel_loop3A_176  : i32 {
      %parallel_loop3A_1807 = arith.constant 0 : i32
      %parallel_loop3A_1808 = arith.index_cast %parallel_loop3A_1807 : i32 to index
      %parallel_loop3A_1809 = arith.index_cast %parallel_loop3A_1806 : i32 to index
      %parallel_loop3A_1810 = tpu.vector_load %arg5[%parallel_loop3A_1808, %parallel_loop3A_1809] {strides = array<i32>} : memref<2x24576xf32, #tpu.memory_space<vmem>>, vector<1x16xf32>,
      %parallel_loop3A_1811 = vector.shape_cast %parallel_loop3A_1810 : vector<1x16xf32> to vector<16xf32>
      %parallel_loop3A_1812 = arith.constant 0 : i32
      %parallel_loop3A_1813 = arith.index_cast %parallel_loop3A_1812 : i32 to index
      %parallel_loop3A_1814 = arith.index_cast %parallel_loop3A_1806 : i32 to index
      %parallel_loop3A_1815 = tpu.vector_load %arg6[%parallel_loop3A_1813, %parallel_loop3A_1814] {strides = array<i32>} : memref<2x24576xf32, #tpu.memory_space<vmem>>, vector<1x16xf32>,
      %parallel_loop3A_1816 = vector.shape_cast %parallel_loop3A_1815 : vector<1x16xf32> to vector<16xf32>
      %parallel_loop3A_1817 = vector.shape_cast %parallel_loop3A_1811 : vector<16xf32> to vector<1x16xf32>
      tpu.vector_store %arg6[%parallel_loop3A_1813, %parallel_loop3A_1814], %parallel_loop3A_1817 {add = true, strides = array<i32>} : memref<2x24576xf32, #tpu.memory_space<vmem>>, vector<1x16xf32>,
    } {sc.loop_unroll_factor = 8 : i64, sc.parallel_access}
    %add3A_177 = arith.constant 0 : i32
    %add3A_178 = arith.addi %mul3A_2, %add3A_177 : i32
    %mul3A_179 = arith.constant 768 : i32
    %mul3A_180 = arith.muli %add3A_178, %mul3A_179 : i32
    %add3A_181 = arith.constant 12582912 : i32
    %add3A_182 = arith.addi %add3A_181, %mul3A_180 : i32
    %dma_start3A_183 = arith.constant 0 : i32
    %dma_start3A_184 = arith.constant 0 : i32
    %dma_start3A_185 = tpu.memref_slice %arg6[%dma_start3A_183, %dma_start3A_184] : memref<2x24576xf32, #tpu.memory_space<vmem>> -> memref<1x24576xf32, #tpu.memory_space<vmem>>
    %dma_start3A_186 = tpu.memref_squeeze %dma_start3A_185 : memref<1x24576xf32, #tpu.memory_space<vmem>> -> memref<24576xf32, #tpu.memory_space<vmem>>
    %dma_start3A_187 = tpu.memref_slice %arg4[%add3A_182] : memref<25165824xf32, #tpu.memory_space<hbm>> -> memref<24576xf32, #tpu.memory_space<hbm>>
    %dma_start3A_188 = tpu.memref_slice %arg4[%add3A_182] : memref<25165824xf32, #tpu.memory_space<hbm>> -> memref<24576xf32, #tpu.memory_space<hbm>>
    %dma_start3A_189 = arith.constant 0 : i32
    %dma_start3A_190 = tpu.memref_slice %arg6[%dma_start3A_183, %dma_start3A_189] : memref<2x24576xf32, #tpu.memory_space<vmem>> -> memref<1x24576xf32, #tpu.memory_space<vmem>>
    %dma_start3A_191 = tpu.memref_squeeze %dma_start3A_190 : memref<1x24576xf32, #tpu.memory_space<vmem>> -> memref<24576xf32, #tpu.memory_space<vmem>>
    tpu.enqueue_dma source(%dma_start3A_191 : memref<24576xf32, #tpu.memory_space<vmem>>) target(%dma_start3A_188 : memref<24576xf32, #tpu.memory_space<hbm>>) target_semaphore(%arg9 : memref<!tpu.dma_semaphore, #tpu.memory_space<semaphore_mem>>)
    %dma_wait3A_192 = arith.constant 1 : i32
    %dma_wait3A_193 = arith.constant 0 : i32
    %dma_wait3A_194 = tpu.memref_slice %arg6[%dma_wait3A_192, %dma_wait3A_193] : memref<2x24576xf32, #tpu.memory_space<vmem>> -> memref<1x24576xf32, #tpu.memory_space<vmem>>
    %dma_wait3A_195 = tpu.memref_squeeze %dma_wait3A_194 : memref<1x24576xf32, #tpu.memory_space<vmem>> -> memref<24576xf32, #tpu.memory_space<vmem>>
    %dma_wait3A_196 = tpu.memref_slice %arg2[%add3A_164] : memref<25165824xf32, #tpu.memory_space<hbm>> -> memref<24576xf32, #tpu.memory_space<hbm>>
    %dma_wait3A_197 = arith.constant 0 : i32
    %dma_wait3A_198 = tpu.memref_slice %arg6[%dma_wait3A_192, %dma_wait3A_197] : memref<2x24576xf32, #tpu.memory_space<vmem>> -> memref<1x24576xf32, #tpu.memory_space<vmem>>
    %dma_wait3A_199 = tpu.memref_squeeze %dma_wait3A_198 : memref<1x24576xf32, #tpu.memory_space<vmem>> -> memref<24576xf32, #tpu.memory_space<vmem>>
    %dma_wait3A_200 = tpu.memref_slice %arg2[%add3A_164] : memref<25165824xf32, #tpu.memory_space<hbm>> -> memref<24576xf32, #tpu.memory_space<hbm>>
    tpu.wait_dma2 semaphore(%arg8 : memref<!tpu.dma_semaphore, #tpu.memory_space<semaphore_mem>>) src(%dma_wait3A_200 : memref<24576xf32, #tpu.memory_space<hbm>>) dst(%dma_wait3A_199 : memref<24576xf32, #tpu.memory_space<vmem>>)
    %dma_wait3A_201 = arith.constant 0 : i32
    %dma_wait3A_202 = arith.constant 0 : i32
    %dma_wait3A_203 = tpu.memref_slice %arg6[%dma_wait3A_201, %dma_wait3A_202] : memref<2x24576xf32, #tpu.memory_space<vmem>> -> memref<1x24576xf32, #tpu.memory_space<vmem>>
    %dma_wait3A_204 = tpu.memref_squeeze %dma_wait3A_203 : memref<1x24576xf32, #tpu.memory_space<vmem>> -> memref<24576xf32, #tpu.memory_space<vmem>>
    %dma_wait3A_205 = tpu.memref_slice %arg4[%add3A_182] : memref<25165824xf32, #tpu.memory_space<hbm>> -> memref<24576xf32, #tpu.memory_space<hbm>>
    %dma_wait3A_206 = tpu.memref_slice %arg4[%add3A_182] : memref<25165824xf32, #tpu.memory_space<hbm>> -> memref<24576xf32, #tpu.memory_space<hbm>>
    %dma_wait3A_207 = arith.constant 0 : i32
    %dma_wait3A_208 = tpu.memref_slice %arg6[%dma_wait3A_201, %dma_wait3A_207] : memref<2x24576xf32, #tpu.memory_space<vmem>> -> memref<1x24576xf32, #tpu.memory_space<vmem>>
    %dma_wait3A_209 = tpu.memref_squeeze %dma_wait3A_208 : memref<1x24576xf32, #tpu.memory_space<vmem>> -> memref<24576xf32, #tpu.memory_space<vmem>>
    tpu.wait_dma2 semaphore(%arg9 : memref<!tpu.dma_semaphore, #tpu.memory_space<semaphore_mem>>) src(%dma_wait3A_209 : memref<24576xf32, #tpu.memory_space<vmem>>) dst(%dma_wait3A_206 : memref<24576xf32, #tpu.memory_space<hbm>>)
    %add3A_210 = arith.constant 32 : i32
    %add3A_211 = arith.addi %mul3A_2, %add3A_210 : i32
    %mul3A_212 = arith.constant 768 : i32
    %mul3A_213 = arith.muli %add3A_211, %mul3A_212 : i32
    %add3A_214 = arith.constant 0 : i32
    %add3A_215 = arith.addi %add3A_214, %mul3A_213 : i32
    %dma_start3A_216 = arith.constant 0 : i32
    %dma_start3A_217 = arith.constant 0 : i32
    %dma_start3A_218 = tpu.memref_slice %arg6[%dma_start3A_216, %dma_start3A_217] : memref<2x24576xf32, #tpu.memory_space<vmem>> -> memref<1x24576xf32, #tpu.memory_space<vmem>>
    %dma_start3A_219 = tpu.memref_squeeze %dma_start3A_218 : memref<1x24576xf32, #tpu.memory_space<vmem>> -> memref<24576xf32, #tpu.memory_space<vmem>>
    %dma_start3A_220 = tpu.memref_slice %arg2[%add3A_215] : memref<25165824xf32, #tpu.memory_space<hbm>> -> memref<24576xf32, #tpu.memory_space<hbm>>
    %dma_start3A_221 = arith.constant 0 : i32
    %dma_start3A_222 = tpu.memref_slice %arg6[%dma_start3A_216, %dma_start3A_221] : memref<2x24576xf32, #tpu.memory_space<vmem>> -> memref<1x24576xf32, #tpu.memory_space<vmem>>
    %dma_start3A_223 = tpu.memref_squeeze %dma_start3A_222 : memref<1x24576xf32, #tpu.memory_space<vmem>> -> memref<24576xf32, #tpu.memory_space<vmem>>
    %dma_start3A_224 = tpu.memref_slice %arg2[%add3A_215] : memref<25165824xf32, #tpu.memory_space<hbm>> -> memref<24576xf32, #tpu.memory_space<hbm>>
    tpu.enqueue_dma source(%dma_start3A_224 : memref<24576xf32, #tpu.memory_space<hbm>>) target(%dma_start3A_223 : memref<24576xf32, #tpu.memory_space<vmem>>) target_semaphore(%arg7 : memref<!tpu.dma_semaphore, #tpu.memory_space<semaphore_mem>>)
    %parallel_loop3A_225 = arith.constant 0 : i32
    %parallel_loop3A_226 = arith.constant 24576 : i32
    %parallel_loop3A_227 = arith.constant 16 : i32
    scf.for %parallel_loop3A_1806 = %parallel_loop3A_225 to %parallel_loop3A_226 step %parallel_loop3A_227  : i32 {
      %parallel_loop3A_1807 = arith.constant 0 : i32
      %parallel_loop3A_1808 = arith.index_cast %parallel_loop3A_1807 : i32 to index
      %parallel_loop3A_1809 = arith.index_cast %parallel_loop3A_1806 : i32 to index
      %parallel_loop3A_1810 = tpu.vector_load %arg5[%parallel_loop3A_1808, %parallel_loop3A_1809] {strides = array<i32>} : memref<2x24576xf32, #tpu.memory_space<vmem>>, vector<1x16xf32>,
      %parallel_loop3A_1811 = vector.shape_cast %parallel_loop3A_1810 : vector<1x16xf32> to vector<16xf32>
      %parallel_loop3A_1812 = arith.constant 1 : i32
      %parallel_loop3A_1813 = arith.index_cast %parallel_loop3A_1812 : i32 to index
      %parallel_loop3A_1814 = arith.index_cast %parallel_loop3A_1806 : i32 to index
      %parallel_loop3A_1815 = tpu.vector_load %arg6[%parallel_loop3A_1813, %parallel_loop3A_1814] {strides = array<i32>} : memref<2x24576xf32, #tpu.memory_space<vmem>>, vector<1x16xf32>,
      %parallel_loop3A_1816 = vector.shape_cast %parallel_loop3A_1815 : vector<1x16xf32> to vector<16xf32>
      %parallel_loop3A_1817 = vector.shape_cast %parallel_loop3A_1811 : vector<16xf32> to vector<1x16xf32>
      tpu.vector_store %arg6[%parallel_loop3A_1813, %parallel_loop3A_1814], %parallel_loop3A_1817 {add = true, strides = array<i32>} : memref<2x24576xf32, #tpu.memory_space<vmem>>, vector<1x16xf32>,
    } {sc.loop_unroll_factor = 8 : i64, sc.parallel_access}
    %add3A_228 = arith.constant 0 : i32
    %add3A_229 = arith.addi %mul3A_2, %add3A_228 : i32
    %mul3A_230 = arith.constant 768 : i32
    %mul3A_231 = arith.muli %add3A_229, %mul3A_230 : i32
    %add3A_232 = arith.constant 18874368 : i32
    %add3A_233 = arith.addi %add3A_232, %mul3A_231 : i32
    %dma_start3A_234 = arith.constant 1 : i32
    %dma_start3A_235 = arith.constant 0 : i32
    %dma_start3A_236 = tpu.memref_slice %arg6[%dma_start3A_234, %dma_start3A_235] : memref<2x24576xf32, #tpu.memory_space<vmem>> -> memref<1x24576xf32, #tpu.memory_space<vmem>>
    %dma_start3A_237 = tpu.memref_squeeze %dma_start3A_236 : memref<1x24576xf32, #tpu.memory_space<vmem>> -> memref<24576xf32, #tpu.memory_space<vmem>>
    %dma_start3A_238 = tpu.memref_slice %arg4[%add3A_233] : memref<25165824xf32, #tpu.memory_space<hbm>> -> memref<24576xf32, #tpu.memory_space<hbm>>
    %dma_start3A_239 = tpu.memref_slice %arg4[%add3A_233] : memref<25165824xf32, #tpu.memory_space<hbm>> -> memref<24576xf32, #tpu.memory_space<hbm>>
    %dma_start3A_240 = arith.constant 0 : i32
    %dma_start3A_241 = tpu.memref_slice %arg6[%dma_start3A_234, %dma_start3A_240] : memref<2x24576xf32, #tpu.memory_space<vmem>> -> memref<1x24576xf32, #tpu.memory_space<vmem>>
    %dma_start3A_242 = tpu.memref_squeeze %dma_start3A_241 : memref<1x24576xf32, #tpu.memory_space<vmem>> -> memref<24576xf32, #tpu.memory_space<vmem>>
    tpu.enqueue_dma source(%dma_start3A_242 : memref<24576xf32, #tpu.memory_space<vmem>>) target(%dma_start3A_239 : memref<24576xf32, #tpu.memory_space<hbm>>) target_semaphore(%arg10 : memref<!tpu.dma_semaphore, #tpu.memory_space<semaphore_mem>>)
    %dma_wait3A_243 = arith.constant 0 : i32
    %dma_wait3A_244 = arith.constant 0 : i32
    %dma_wait3A_245 = tpu.memref_slice %arg6[%dma_wait3A_243, %dma_wait3A_244] : memref<2x24576xf32, #tpu.memory_space<vmem>> -> memref<1x24576xf32, #tpu.memory_space<vmem>>
    %dma_wait3A_246 = tpu.memref_squeeze %dma_wait3A_245 : memref<1x24576xf32, #tpu.memory_space<vmem>> -> memref<24576xf32, #tpu.memory_space<vmem>>
    %dma_wait3A_247 = tpu.memref_slice %arg2[%add3A_215] : memref<25165824xf32, #tpu.memory_space<hbm>> -> memref<24576xf32, #tpu.memory_space<hbm>>
    %dma_wait3A_248 = arith.constant 0 : i32
    %dma_wait3A_249 = tpu.memref_slice %arg6[%dma_wait3A_243, %dma_wait3A_248] : memref<2x24576xf32, #tpu.memory_space<vmem>> -> memref<1x24576xf32, #tpu.memory_space<vmem>>
    %dma_wait3A_250 = tpu.memref_squeeze %dma_wait3A_249 : memref<1x24576xf32, #tpu.memory_space<vmem>> -> memref<24576xf32, #tpu.memory_space<vmem>>
    %dma_wait3A_251 = tpu.memref_slice %arg2[%add3A_215] : memref<25165824xf32, #tpu.memory_space<hbm>> -> memref<24576xf32, #tpu.memory_space<hbm>>
    tpu.wait_dma2 semaphore(%arg7 : memref<!tpu.dma_semaphore, #tpu.memory_space<semaphore_mem>>) src(%dma_wait3A_251 : memref<24576xf32, #tpu.memory_space<hbm>>) dst(%dma_wait3A_250 : memref<24576xf32, #tpu.memory_space<vmem>>)
    %dma_wait3A_252 = arith.constant 1 : i32
    %dma_wait3A_253 = arith.constant 0 : i32
    %dma_wait3A_254 = tpu.memref_slice %arg5[%dma_wait3A_252, %dma_wait3A_253] : memref<2x24576xf32, #tpu.memory_space<vmem>> -> memref<1x24576xf32, #tpu.memory_space<vmem>>
    %dma_wait3A_255 = tpu.memref_squeeze %dma_wait3A_254 : memref<1x24576xf32, #tpu.memory_space<vmem>> -> memref<24576xf32, #tpu.memory_space<vmem>>
    %dma_wait3A_256 = tpu.memref_slice %arg3[%mul3A_48] : memref<6291456xf32, #tpu.memory_space<hbm>> -> memref<24576xf32, #tpu.memory_space<hbm>>
    %dma_wait3A_257 = arith.constant 0 : i32
    %dma_wait3A_258 = tpu.memref_slice %arg5[%dma_wait3A_252, %dma_wait3A_257] : memref<2x24576xf32, #tpu.memory_space<vmem>> -> memref<1x24576xf32, #tpu.memory_space<vmem>>
    %dma_wait3A_259 = tpu.memref_squeeze %dma_wait3A_258 : memref<1x24576xf32, #tpu.memory_space<vmem>> -> memref<24576xf32, #tpu.memory_space<vmem>>
    %dma_wait3A_260 = tpu.memref_slice %arg3[%mul3A_48] : memref<6291456xf32, #tpu.memory_space<hbm>> -> memref<24576xf32, #tpu.memory_space<hbm>>
    tpu.wait_dma2 semaphore(%arg12 : memref<!tpu.dma_semaphore, #tpu.memory_space<semaphore_mem>>) src(%dma_wait3A_260 : memref<24576xf32, #tpu.memory_space<hbm>>) dst(%dma_wait3A_259 : memref<24576xf32, #tpu.memory_space<vmem>>)
    %add3A_261 = arith.constant 64 : i32
    %add3A_262 = arith.addi %mul3A_2, %add3A_261 : i32
    %mul3A_263 = arith.constant 768 : i32
    %mul3A_264 = arith.muli %add3A_262, %mul3A_263 : i32
    %dma_start3A_265 = arith.constant 0 : i32
    %dma_start3A_266 = arith.constant 0 : i32
    %dma_start3A_267 = tpu.memref_slice %arg5[%dma_start3A_265, %dma_start3A_266] : memref<2x24576xf32, #tpu.memory_space<vmem>> -> memref<1x24576xf32, #tpu.memory_space<vmem>>
    %dma_start3A_268 = tpu.memref_squeeze %dma_start3A_267 : memref<1x24576xf32, #tpu.memory_space<vmem>> -> memref<24576xf32, #tpu.memory_space<vmem>>
    %dma_start3A_269 = tpu.memref_slice %arg3[%mul3A_264] : memref<6291456xf32, #tpu.memory_space<hbm>> -> memref<24576xf32, #tpu.memory_space<hbm>>
    %dma_start3A_270 = arith.constant 0 : i32
    %dma_start3A_271 = tpu.memref_slice %arg5[%dma_start3A_265, %dma_start3A_270] : memref<2x24576xf32, #tpu.memory_space<vmem>> -> memref<1x24576xf32, #tpu.memory_space<vmem>>
    %dma_start3A_272 = tpu.memref_squeeze %dma_start3A_271 : memref<1x24576xf32, #tpu.memory_space<vmem>> -> memref<24576xf32, #tpu.memory_space<vmem>>
    %dma_start3A_273 = tpu.memref_slice %arg3[%mul3A_264] : memref<6291456xf32, #tpu.memory_space<hbm>> -> memref<24576xf32, #tpu.memory_space<hbm>>
    tpu.enqueue_dma source(%dma_start3A_273 : memref<24576xf32, #tpu.memory_space<hbm>>) target(%dma_start3A_272 : memref<24576xf32, #tpu.memory_space<vmem>>) target_semaphore(%arg11 : memref<!tpu.dma_semaphore, #tpu.memory_space<semaphore_mem>>)
    %dma_wait3A_274 = arith.constant 1 : i32
    %dma_wait3A_275 = arith.constant 0 : i32
    %dma_wait3A_276 = tpu.memref_slice %arg6[%dma_wait3A_274, %dma_wait3A_275] : memref<2x24576xf32, #tpu.memory_space<vmem>> -> memref<1x24576xf32, #tpu.memory_space<vmem>>
    %dma_wait3A_277 = tpu.memref_squeeze %dma_wait3A_276 : memref<1x24576xf32, #tpu.memory_space<vmem>> -> memref<24576xf32, #tpu.memory_space<vmem>>
    %dma_wait3A_278 = tpu.memref_slice %arg4[%add3A_233] : memref<25165824xf32, #tpu.memory_space<hbm>> -> memref<24576xf32, #tpu.memory_space<hbm>>
    %dma_wait3A_279 = tpu.memref_slice %arg4[%add3A_233] : memref<25165824xf32, #tpu.memory_space<hbm>> -> memref<24576xf32, #tpu.memory_space<hbm>>
    %dma_wait3A_280 = arith.constant 0 : i32
    %dma_wait3A_281 = tpu.memref_slice %arg6[%dma_wait3A_274, %dma_wait3A_280] : memref<2x24576xf32, #tpu.memory_space<vmem>> -> memref<1x24576xf32, #tpu.memory_space<vmem>>
    %dma_wait3A_282 = tpu.memref_squeeze %dma_wait3A_281 : memref<1x24576xf32, #tpu.memory_space<vmem>> -> memref<24576xf32, #tpu.memory_space<vmem>>
    tpu.wait_dma2 semaphore(%arg10 : memref<!tpu.dma_semaphore, #tpu.memory_space<semaphore_mem>>) src(%dma_wait3A_282 : memref<24576xf32, #tpu.memory_space<vmem>>) dst(%dma_wait3A_279 : memref<24576xf32, #tpu.memory_space<hbm>>)
    %add3A_283 = arith.constant 32 : i32
    %add3A_284 = arith.addi %mul3A_2, %add3A_283 : i32
    %mul3A_285 = arith.constant 768 : i32
    %mul3A_286 = arith.muli %add3A_284, %mul3A_285 : i32
    %add3A_287 = arith.constant 6291456 : i32
    %add3A_288 = arith.addi %add3A_287, %mul3A_286 : i32
    %dma_start3A_289 = arith.constant 1 : i32
    %dma_start3A_290 = arith.constant 0 : i32
    %dma_start3A_291 = tpu.memref_slice %arg6[%dma_start3A_289, %dma_start3A_290] : memref<2x24576xf32, #tpu.memory_space<vmem>> -> memref<1x24576xf32, #tpu.memory_space<vmem>>
    %dma_start3A_292 = tpu.memref_squeeze %dma_start3A_291 : memref<1x24576xf32, #tpu.memory_space<vmem>> -> memref<24576xf32, #tpu.memory_space<vmem>>
    %dma_start3A_293 = tpu.memref_slice %arg2[%add3A_288] : memref<25165824xf32, #tpu.memory_space<hbm>> -> memref<24576xf32, #tpu.memory_space<hbm>>
    %dma_start3A_294 = arith.constant 0 : i32
    %dma_start3A_295 = tpu.memref_slice %arg6[%dma_start3A_289, %dma_start3A_294] : memref<2x24576xf32, #tpu.memory_space<vmem>> -> memref<1x24576xf32, #tpu.memory_space<vmem>>
    %dma_start3A_296 = tpu.memref_squeeze %dma_start3A_295 : memref<1x24576xf32, #tpu.memory_space<vmem>> -> memref<24576xf32, #tpu.memory_space<vmem>>
    %dma_start3A_297 = tpu.memref_slice %arg2[%add3A_288] : memref<25165824xf32, #tpu.memory_space<hbm>> -> memref<24576xf32, #tpu.memory_space<hbm>>
    tpu.enqueue_dma source(%dma_start3A_297 : memref<24576xf32, #tpu.memory_space<hbm>>) target(%dma_start3A_296 : memref<24576xf32, #tpu.memory_space<vmem>>) target_semaphore(%arg8 : memref<!tpu.dma_semaphore, #tpu.memory_space<semaphore_mem>>)
    %parallel_loop3A_298 = arith.constant 0 : i32
    %parallel_loop3A_299 = arith.constant 24576 : i32
    %parallel_loop3A_300 = arith.constant 16 : i32
    scf.for %parallel_loop3A_1806 = %parallel_loop3A_298 to %parallel_loop3A_299 step %parallel_loop3A_300  : i32 {
      %parallel_loop3A_1807 = arith.constant 1 : i32
      %parallel_loop3A_1808 = arith.index_cast %parallel_loop3A_1807 : i32 to index
      %parallel_loop3A_1809 = arith.index_cast %parallel_loop3A_1806 : i32 to index
      %parallel_loop3A_1810 = tpu.vector_load %arg5[%parallel_loop3A_1808, %parallel_loop3A_1809] {strides = array<i32>} : memref<2x24576xf32, #tpu.memory_space<vmem>>, vector<1x16xf32>,
      %parallel_loop3A_1811 = vector.shape_cast %parallel_loop3A_1810 : vector<1x16xf32> to vector<16xf32>
      %parallel_loop3A_1812 = arith.constant 0 : i32
      %parallel_loop3A_1813 = arith.index_cast %parallel_loop3A_1812 : i32 to index
      %parallel_loop3A_1814 = arith.index_cast %parallel_loop3A_1806 : i32 to index
      %parallel_loop3A_1815 = tpu.vector_load %arg6[%parallel_loop3A_1813, %parallel_loop3A_1814] {strides = array<i32>} : memref<2x24576xf32, #tpu.memory_space<vmem>>, vector<1x16xf32>,
      %parallel_loop3A_1816 = vector.shape_cast %parallel_loop3A_1815 : vector<1x16xf32> to vector<16xf32>
      %parallel_loop3A_1817 = vector.shape_cast %parallel_loop3A_1811 : vector<16xf32> to vector<1x16xf32>
      tpu.vector_store %arg6[%parallel_loop3A_1813, %parallel_loop3A_1814], %parallel_loop3A_1817 {add = true, strides = array<i32>} : memref<2x24576xf32, #tpu.memory_space<vmem>>, vector<1x16xf32>,
    } {sc.loop_unroll_factor = 8 : i64, sc.parallel_access}
    %add3A_301 = arith.constant 32 : i32
    %add3A_302 = arith.addi %mul3A_2, %add3A_301 : i32
    %mul3A_303 = arith.constant 768 : i32
    %mul3A_304 = arith.muli %add3A_302, %mul3A_303 : i32
    %add3A_305 = arith.constant 0 : i32
    %add3A_306 = arith.addi %add3A_305, %mul3A_304 : i32
    %dma_start3A_307 = arith.constant 0 : i32
    %dma_start3A_308 = arith.constant 0 : i32
    %dma_start3A_309 = tpu.memref_slice %arg6[%dma_start3A_307, %dma_start3A_308] : memref<2x24576xf32, #tpu.memory_space<vmem>> -> memref<1x24576xf32, #tpu.memory_space<vmem>>
    %dma_start3A_310 = tpu.memref_squeeze %dma_start3A_309 : memref<1x24576xf32, #tpu.memory_space<vmem>> -> memref<24576xf32, #tpu.memory_space<vmem>>
    %dma_start3A_311 = tpu.memref_slice %arg4[%add3A_306] : memref<25165824xf32, #tpu.memory_space<hbm>> -> memref<24576xf32, #tpu.memory_space<hbm>>
    %dma_start3A_312 = tpu.memref_slice %arg4[%add3A_306] : memref<25165824xf32, #tpu.memory_space<hbm>> -> memref<24576xf32, #tpu.memory_space<hbm>>
    %dma_start3A_313 = arith.constant 0 : i32
    %dma_start3A_314 = tpu.memref_slice %arg6[%dma_start3A_307, %dma_start3A_313] : memref<2x24576xf32, #tpu.memory_space<vmem>> -> memref<1x24576xf32, #tpu.memory_space<vmem>>
    %dma_start3A_315 = tpu.memref_squeeze %dma_start3A_314 : memref<1x24576xf32, #tpu.memory_space<vmem>> -> memref<24576xf32, #tpu.memory_space<vmem>>
    tpu.enqueue_dma source(%dma_start3A_315 : memref<24576xf32, #tpu.memory_space<vmem>>) target(%dma_start3A_312 : memref<24576xf32, #tpu.memory_space<hbm>>) target_semaphore(%arg9 : memref<!tpu.dma_semaphore, #tpu.memory_space<semaphore_mem>>)
    %dma_wait3A_316 = arith.constant 1 : i32
    %dma_wait3A_317 = arith.constant 0 : i32
    %dma_wait3A_318 = tpu.memref_slice %arg6[%dma_wait3A_316, %dma_wait3A_317] : memref<2x24576xf32, #tpu.memory_space<vmem>> -> memref<1x24576xf32, #tpu.memory_space<vmem>>
    %dma_wait3A_319 = tpu.memref_squeeze %dma_wait3A_318 : memref<1x24576xf32, #tpu.memory_space<vmem>> -> memref<24576xf32, #tpu.memory_space<vmem>>
    %dma_wait3A_320 = tpu.memref_slice %arg2[%add3A_288] : memref<25165824xf32, #tpu.memory_space<hbm>> -> memref<24576xf32, #tpu.memory_space<hbm>>
    %dma_wait3A_321 = arith.constant 0 : i32
    %dma_wait3A_322 = tpu.memref_slice %arg6[%dma_wait3A_316, %dma_wait3A_321] : memref<2x24576xf32, #tpu.memory_space<vmem>> -> memref<1x24576xf32, #tpu.memory_space<vmem>>
    %dma_wait3A_323 = tpu.memref_squeeze %dma_wait3A_322 : memref<1x24576xf32, #tpu.memory_space<vmem>> -> memref<24576xf32, #tpu.memory_space<vmem>>
    %dma_wait3A_324 = tpu.memref_slice %arg2[%add3A_288] : memref<25165824xf32, #tpu.memory_space<hbm>> -> memref<24576xf32, #tpu.memory_space<hbm>>
    tpu.wait_dma2 semaphore(%arg8 : memref<!tpu.dma_semaphore, #tpu.memory_space<semaphore_mem>>) src(%dma_wait3A_324 : memref<24576xf32, #tpu.memory_space<hbm>>) dst(%dma_wait3A_323 : memref<24576xf32, #tpu.memory_space<vmem>>)
    %dma_wait3A_325 = arith.constant 0 : i32
    %dma_wait3A_326 = arith.constant 0 : i32
    %dma_wait3A_327 = tpu.memref_slice %arg6[%dma_wait3A_325, %dma_wait3A_326] : memref<2x24576xf32, #tpu.memory_space<vmem>> -> memref<1x24576xf32, #tpu.memory_space<vmem>>
    %dma_wait3A_328 = tpu.memref_squeeze %dma_wait3A_327 : memref<1x24576xf32, #tpu.memory_space<vmem>> -> memref<24576xf32, #tpu.memory_space<vmem>>
    %dma_wait3A_329 = tpu.memref_slice %arg4[%add3A_306] : memref<25165824xf32, #tpu.memory_space<hbm>> -> memref<24576xf32, #tpu.memory_space<hbm>>
    %dma_wait3A_330 = tpu.memref_slice %arg4[%add3A_306] : memref<25165824xf32, #tpu.memory_space<hbm>> -> memref<24576xf32, #tpu.memory_space<hbm>>
    %dma_wait3A_331 = arith.constant 0 : i32
    %dma_wait3A_332 = tpu.memref_slice %arg6[%dma_wait3A_325, %dma_wait3A_331] : memref<2x24576xf32, #tpu.memory_space<vmem>> -> memref<1x24576xf32, #tpu.memory_space<vmem>>
    %dma_wait3A_333 = tpu.memref_squeeze %dma_wait3A_332 : memref<1x24576xf32, #tpu.memory_space<vmem>> -> memref<24576xf32, #tpu.memory_space<vmem>>
    tpu.wait_dma2 semaphore(%arg9 : memref<!tpu.dma_semaphore, #tpu.memory_space<semaphore_mem>>) src(%dma_wait3A_333 : memref<24576xf32, #tpu.memory_space<vmem>>) dst(%dma_wait3A_330 : memref<24576xf32, #tpu.memory_space<hbm>>)
    %add3A_334 = arith.constant 32 : i32
    %add3A_335 = arith.addi %mul3A_2, %add3A_334 : i32
    %mul3A_336 = arith.constant 768 : i32
    %mul3A_337 = arith.muli %add3A_335, %mul3A_336 : i32
    %add3A_338 = arith.constant 12582912 : i32
    %add3A_339 = arith.addi %add3A_338, %mul3A_337 : i32
    %dma_start3A_340 = arith.constant 0 : i32
    %dma_start3A_341 = arith.constant 0 : i32
    %dma_start3A_342 = tpu.memref_slice %arg6[%dma_start3A_340, %dma_start3A_341] : memref<2x24576xf32, #tpu.memory_space<vmem>> -> memref<1x24576xf32, #tpu.memory_space<vmem>>
    %dma_start3A_343 = tpu.memref_squeeze %dma_start3A_342 : memref<1x24576xf32, #tpu.memory_space<vmem>> -> memref<24576xf32, #tpu.memory_space<vmem>>
    %dma_start3A_344 = tpu.memref_slice %arg2[%add3A_339] : memref<25165824xf32, #tpu.memory_space<hbm>> -> memref<24576xf32, #tpu.memory_space<hbm>>
    %dma_start3A_345 = arith.constant 0 : i32
    %dma_start3A_346 = tpu.memref_slice %arg6[%dma_start3A_340, %dma_start3A_345] : memref<2x24576xf32, #tpu.memory_space<vmem>> -> memref<1x24576xf32, #tpu.memory_space<vmem>>
    %dma_start3A_347 = tpu.memref_squeeze %dma_start3A_346 : memref<1x24576xf32, #tpu.memory_space<vmem>> -> memref<24576xf32, #tpu.memory_space<vmem>>
    %dma_start3A_348 = tpu.memref_slice %arg2[%add3A_339] : memref<25165824xf32, #tpu.memory_space<hbm>> -> memref<24576xf32, #tpu.memory_space<hbm>>
    tpu.enqueue_dma source(%dma_start3A_348 : memref<24576xf32, #tpu.memory_space<hbm>>) target(%dma_start3A_347 : memref<24576xf32, #tpu.memory_space<vmem>>) target_semaphore(%arg7 : memref<!tpu.dma_semaphore, #tpu.memory_space<semaphore_mem>>)
    %parallel_loop3A_349 = arith.constant 0 : i32
    %parallel_loop3A_350 = arith.constant 24576 : i32
    %parallel_loop3A_351 = arith.constant 16 : i32
    scf.for %parallel_loop3A_1806 = %parallel_loop3A_349 to %parallel_loop3A_350 step %parallel_loop3A_351  : i32 {
      %parallel_loop3A_1807 = arith.constant 1 : i32
      %parallel_loop3A_1808 = arith.index_cast %parallel_loop3A_1807 : i32 to index
      %parallel_loop3A_1809 = arith.index_cast %parallel_loop3A_1806 : i32 to index
      %parallel_loop3A_1810 = tpu.vector_load %arg5[%parallel_loop3A_1808, %parallel_loop3A_1809] {strides = array<i32>} : memref<2x24576xf32, #tpu.memory_space<vmem>>, vector<1x16xf32>,
      %parallel_loop3A_1811 = vector.shape_cast %parallel_loop3A_1810 : vector<1x16xf32> to vector<16xf32>
      %parallel_loop3A_1812 = arith.constant 1 : i32
      %parallel_loop3A_1813 = arith.index_cast %parallel_loop3A_1812 : i32 to index
      %parallel_loop3A_1814 = arith.index_cast %parallel_loop3A_1806 : i32 to index
      %parallel_loop3A_1815 = tpu.vector_load %arg6[%parallel_loop3A_1813, %parallel_loop3A_1814] {strides = array<i32>} : memref<2x24576xf32, #tpu.memory_space<vmem>>, vector<1x16xf32>,
      %parallel_loop3A_1816 = vector.shape_cast %parallel_loop3A_1815 : vector<1x16xf32> to vector<16xf32>
      %parallel_loop3A_1817 = vector.shape_cast %parallel_loop3A_1811 : vector<16xf32> to vector<1x16xf32>
      tpu.vector_store %arg6[%parallel_loop3A_1813, %parallel_loop3A_1814], %parallel_loop3A_1817 {add = true, strides = array<i32>} : memref<2x24576xf32, #tpu.memory_space<vmem>>, vector<1x16xf32>,
    } {sc.loop_unroll_factor = 8 : i64, sc.parallel_access}
    %add3A_352 = arith.constant 32 : i32
    %add3A_353 = arith.addi %mul3A_2, %add3A_352 : i32
    %mul3A_354 = arith.constant 768 : i32
    %mul3A_355 = arith.muli %add3A_353, %mul3A_354 : i32
    %add3A_356 = arith.constant 6291456 : i32
    %add3A_357 = arith.addi %add3A_356, %mul3A_355 : i32
    %dma_start3A_358 = arith.constant 1 : i32
    %dma_start3A_359 = arith.constant 0 : i32
    %dma_start3A_360 = tpu.memref_slice %arg6[%dma_start3A_358, %dma_start3A_359] : memref<2x24576xf32, #tpu.memory_space<vmem>> -> memref<1x24576xf32, #tpu.memory_space<vmem>>
    %dma_start3A_361 = tpu.memref_squeeze %dma_start3A_360 : memref<1x24576xf32, #tpu.memory_space<vmem>> -> memref<24576xf32, #tpu.memory_space<vmem>>
    %dma_start3A_362 = tpu.memref_slice %arg4[%add3A_357] : memref<25165824xf32, #tpu.memory_space<hbm>> -> memref<24576xf32, #tpu.memory_space<hbm>>
    %dma_start3A_363 = tpu.memref_slice %arg4[%add3A_357] : memref<25165824xf32, #tpu.memory_space<hbm>> -> memref<24576xf32, #tpu.memory_space<hbm>>
    %dma_start3A_364 = arith.constant 0 : i32
    %dma_start3A_365 = tpu.memref_slice %arg6[%dma_start3A_358, %dma_start3A_364] : memref<2x24576xf32, #tpu.memory_space<vmem>> -> memref<1x24576xf32, #tpu.memory_space<vmem>>
    %dma_start3A_366 = tpu.memref_squeeze %dma_start3A_365 : memref<1x24576xf32, #tpu.memory_space<vmem>> -> memref<24576xf32, #tpu.memory_space<vmem>>
    tpu.enqueue_dma source(%dma_start3A_366 : memref<24576xf32, #tpu.memory_space<vmem>>) target(%dma_start3A_363 : memref<24576xf32, #tpu.memory_space<hbm>>) target_semaphore(%arg10 : memref<!tpu.dma_semaphore, #tpu.memory_space<semaphore_mem>>)
    %dma_wait3A_367 = arith.constant 0 : i32
    %dma_wait3A_368 = arith.constant 0 : i32
    %dma_wait3A_369 = tpu.memref_slice %arg6[%dma_wait3A_367, %dma_wait3A_368] : memref<2x24576xf32, #tpu.memory_space<vmem>> -> memref<1x24576xf32, #tpu.memory_space<vmem>>
    %dma_wait3A_370 = tpu.memref_squeeze %dma_wait3A_369 : memref<1x24576xf32, #tpu.memory_space<vmem>> -> memref<24576xf32, #tpu.memory_space<vmem>>
    %dma_wait3A_371 = tpu.memref_slice %arg2[%add3A_339] : memref<25165824xf32, #tpu.memory_space<hbm>> -> memref<24576xf32, #tpu.memory_space<hbm>>
    %dma_wait3A_372 = arith.constant 0 : i32
    %dma_wait3A_373 = tpu.memref_slice %arg6[%dma_wait3A_367, %dma_wait3A_372] : memref<2x24576xf32, #tpu.memory_space<vmem>> -> memref<1x24576xf32, #tpu.memory_space<vmem>>
    %dma_wait3A_374 = tpu.memref_squeeze %dma_wait3A_373 : memref<1x24576xf32, #tpu.memory_space<vmem>> -> memref<24576xf32, #tpu.memory_space<vmem>>
    %dma_wait3A_375 = tpu.memref_slice %arg2[%add3A_339] : memref<25165824xf32, #tpu.memory_space<hbm>> -> memref<24576xf32, #tpu.memory_space<hbm>>
    tpu.wait_dma2 semaphore(%arg7 : memref<!tpu.dma_semaphore, #tpu.memory_space<semaphore_mem>>) src(%dma_wait3A_375 : memref<24576xf32, #tpu.memory_space<hbm>>) dst(%dma_wait3A_374 : memref<24576xf32, #tpu.memory_space<vmem>>)
    %dma_wait3A_376 = arith.constant 1 : i32
    %dma_wait3A_377 = arith.constant 0 : i32
    %dma_wait3A_378 = tpu.memref_slice %arg6[%dma_wait3A_376, %dma_wait3A_377] : memref<2x24576xf32, #tpu.memory_space<vmem>> -> memref<1x24576xf32, #tpu.memory_space<vmem>>
    %dma_wait3A_379 = tpu.memref_squeeze %dma_wait3A_378 : memref<1x24576xf32, #tpu.memory_space<vmem>> -> memref<24576xf32, #tpu.memory_space<vmem>>
    %dma_wait3A_380 = tpu.memref_slice %arg4[%add3A_357] : memref<25165824xf32, #tpu.memory_space<hbm>> -> memref<24576xf32, #tpu.memory_space<hbm>>
    %dma_wait3A_381 = tpu.memref_slice %arg4[%add3A_357] : memref<25165824xf32, #tpu.memory_space<hbm>> -> memref<24576xf32, #tpu.memory_space<hbm>>
    %dma_wait3A_382 = arith.constant 0 : i32
    %dma_wait3A_383 = tpu.memref_slice %arg6[%dma_wait3A_376, %dma_wait3A_382] : memref<2x24576xf32, #tpu.memory_space<vmem>> -> memref<1x24576xf32, #tpu.memory_space<vmem>>
    %dma_wait3A_384 = tpu.memref_squeeze %dma_wait3A_383 : memref<1x24576xf32, #tpu.memory_space<vmem>> -> memref<24576xf32, #tpu.memory_space<vmem>>
    tpu.wait_dma2 semaphore(%arg10 : memref<!tpu.dma_semaphore, #tpu.memory_space<semaphore_mem>>) src(%dma_wait3A_384 : memref<24576xf32, #tpu.memory_space<vmem>>) dst(%dma_wait3A_381 : memref<24576xf32, #tpu.memory_space<hbm>>)
    %add3A_385 = arith.constant 32 : i32
    %add3A_386 = arith.addi %mul3A_2, %add3A_385 : i32
    %mul3A_387 = arith.constant 768 : i32
    %mul3A_388 = arith.muli %add3A_386, %mul3A_387 : i32
    %add3A_389 = arith.constant 18874368 : i32
    %add3A_390 = arith.addi %add3A_389, %mul3A_388 : i32
    %dma_start3A_391 = arith.constant 1 : i32
    %dma_start3A_392 = arith.constant 0 : i32
    %dma_start3A_393 = tpu.memref_slice %arg6[%dma_start3A_391, %dma_start3A_392] : memref<2x24576xf32, #tpu.memory_space<vmem>> -> memref<1x24576xf32, #tpu.memory_space<vmem>>
    %dma_start3A_394 = tpu.memref_squeeze %dma_start3A_393 : memref<1x24576xf32, #tpu.memory_space<vmem>> -> memref<24576xf32, #tpu.memory_space<vmem>>
    %dma_start3A_395 = tpu.memref_slice %arg2[%add3A_390] : memref<25165824xf32, #tpu.memory_space<hbm>> -> memref<24576xf32, #tpu.memory_space<hbm>>
    %dma_start3A_396 = arith.constant 0 : i32
    %dma_start3A_397 = tpu.memref_slice %arg6[%dma_start3A_391, %dma_start3A_396] : memref<2x24576xf32, #tpu.memory_space<vmem>> -> memref<1x24576xf32, #tpu.memory_space<vmem>>
    %dma_start3A_398 = tpu.memref_squeeze %dma_start3A_397 : memref<1x24576xf32, #tpu.memory_space<vmem>> -> memref<24576xf32, #tpu.memory_space<vmem>>
    %dma_start3A_399 = tpu.memref_slice %arg2[%add3A_390] : memref<25165824xf32, #tpu.memory_space<hbm>> -> memref<24576xf32, #tpu.memory_space<hbm>>
    tpu.enqueue_dma source(%dma_start3A_399 : memref<24576xf32, #tpu.memory_space<hbm>>) target(%dma_start3A_398 : memref<24576xf32, #tpu.memory_space<vmem>>) target_semaphore(%arg8 : memref<!tpu.dma_semaphore, #tpu.memory_space<semaphore_mem>>)
    %parallel_loop3A_400 = arith.constant 0 : i32
    %parallel_loop3A_401 = arith.constant 24576 : i32
    %parallel_loop3A_402 = arith.constant 16 : i32
    scf.for %parallel_loop3A_1806 = %parallel_loop3A_400 to %parallel_loop3A_401 step %parallel_loop3A_402  : i32 {
      %parallel_loop3A_1807 = arith.constant 1 : i32
      %parallel_loop3A_1808 = arith.index_cast %parallel_loop3A_1807 : i32 to index
      %parallel_loop3A_1809 = arith.index_cast %parallel_loop3A_1806 : i32 to index
      %parallel_loop3A_1810 = tpu.vector_load %arg5[%parallel_loop3A_1808, %parallel_loop3A_1809] {strides = array<i32>} : memref<2x24576xf32, #tpu.memory_space<vmem>>, vector<1x16xf32>,
      %parallel_loop3A_1811 = vector.shape_cast %parallel_loop3A_1810 : vector<1x16xf32> to vector<16xf32>
      %parallel_loop3A_1812 = arith.constant 0 : i32
      %parallel_loop3A_1813 = arith.index_cast %parallel_loop3A_1812 : i32 to index
      %parallel_loop3A_1814 = arith.index_cast %parallel_loop3A_1806 : i32 to index
      %parallel_loop3A_1815 = tpu.vector_load %arg6[%parallel_loop3A_1813, %parallel_loop3A_1814] {strides = array<i32>} : memref<2x24576xf32, #tpu.memory_space<vmem>>, vector<1x16xf32>,
      %parallel_loop3A_1816 = vector.shape_cast %parallel_loop3A_1815 : vector<1x16xf32> to vector<16xf32>
      %parallel_loop3A_1817 = vector.shape_cast %parallel_loop3A_1811 : vector<16xf32> to vector<1x16xf32>
      tpu.vector_store %arg6[%parallel_loop3A_1813, %parallel_loop3A_1814], %parallel_loop3A_1817 {add = true, strides = array<i32>} : memref<2x24576xf32, #tpu.memory_space<vmem>>, vector<1x16xf32>,
    } {sc.loop_unroll_factor = 8 : i64, sc.parallel_access}
    %add3A_403 = arith.constant 32 : i32
    %add3A_404 = arith.addi %mul3A_2, %add3A_403 : i32
    %mul3A_405 = arith.constant 768 : i32
    %mul3A_406 = arith.muli %add3A_404, %mul3A_405 : i32
    %add3A_407 = arith.constant 12582912 : i32
    %add3A_408 = arith.addi %add3A_407, %mul3A_406 : i32
    %dma_start3A_409 = arith.constant 0 : i32
    %dma_start3A_410 = arith.constant 0 : i32
    %dma_start3A_411 = tpu.memref_slice %arg6[%dma_start3A_409, %dma_start3A_410] : memref<2x24576xf32, #tpu.memory_space<vmem>> -> memref<1x24576xf32, #tpu.memory_space<vmem>>
    %dma_start3A_412 = tpu.memref_squeeze %dma_start3A_411 : memref<1x24576xf32, #tpu.memory_space<vmem>> -> memref<24576xf32, #tpu.memory_space<vmem>>
    %dma_start3A_413 = tpu.memref_slice %arg4[%add3A_408] : memref<25165824xf32, #tpu.memory_space<hbm>> -> memref<24576xf32, #tpu.memory_space<hbm>>
    %dma_start3A_414 = tpu.memref_slice %arg4[%add3A_408] : memref<25165824xf32, #tpu.memory_space<hbm>> -> memref<24576xf32, #tpu.memory_space<hbm>>
    %dma_start3A_415 = arith.constant 0 : i32
    %dma_start3A_416 = tpu.memref_slice %arg6[%dma_start3A_409, %dma_start3A_415] : memref<2x24576xf32, #tpu.memory_space<vmem>> -> memref<1x24576xf32, #tpu.memory_space<vmem>>
    %dma_start3A_417 = tpu.memref_squeeze %dma_start3A_416 : memref<1x24576xf32, #tpu.memory_space<vmem>> -> memref<24576xf32, #tpu.memory_space<vmem>>
    tpu.enqueue_dma source(%dma_start3A_417 : memref<24576xf32, #tpu.memory_space<vmem>>) target(%dma_start3A_414 : memref<24576xf32, #tpu.memory_space<hbm>>) target_semaphore(%arg9 : memref<!tpu.dma_semaphore, #tpu.memory_space<semaphore_mem>>)
    %dma_wait3A_418 = arith.constant 1 : i32
    %dma_wait3A_419 = arith.constant 0 : i32
    %dma_wait3A_420 = tpu.memref_slice %arg6[%dma_wait3A_418, %dma_wait3A_419] : memref<2x24576xf32, #tpu.memory_space<vmem>> -> memref<1x24576xf32, #tpu.memory_space<vmem>>
    %dma_wait3A_421 = tpu.memref_squeeze %dma_wait3A_420 : memref<1x24576xf32, #tpu.memory_space<vmem>> -> memref<24576xf32, #tpu.memory_space<vmem>>
    %dma_wait3A_422 = tpu.memref_slice %arg2[%add3A_390] : memref<25165824xf32, #tpu.memory_space<hbm>> -> memref<24576xf32, #tpu.memory_space<hbm>>
    %dma_wait3A_423 = arith.constant 0 : i32
    %dma_wait3A_424 = tpu.memref_slice %arg6[%dma_wait3A_418, %dma_wait3A_423] : memref<2x24576xf32, #tpu.memory_space<vmem>> -> memref<1x24576xf32, #tpu.memory_space<vmem>>
    %dma_wait3A_425 = tpu.memref_squeeze %dma_wait3A_424 : memref<1x24576xf32, #tpu.memory_space<vmem>> -> memref<24576xf32, #tpu.memory_space<vmem>>
    %dma_wait3A_426 = tpu.memref_slice %arg2[%add3A_390] : memref<25165824xf32, #tpu.memory_space<hbm>> -> memref<24576xf32, #tpu.memory_space<hbm>>
    tpu.wait_dma2 semaphore(%arg8 : memref<!tpu.dma_semaphore, #tpu.memory_space<semaphore_mem>>) src(%dma_wait3A_426 : memref<24576xf32, #tpu.memory_space<hbm>>) dst(%dma_wait3A_425 : memref<24576xf32, #tpu.memory_space<vmem>>)
    %dma_wait3A_427 = arith.constant 0 : i32
    %dma_wait3A_428 = arith.constant 0 : i32
    %dma_wait3A_429 = tpu.memref_slice %arg6[%dma_wait3A_427, %dma_wait3A_428] : memref<2x24576xf32, #tpu.memory_space<vmem>> -> memref<1x24576xf32, #tpu.memory_space<vmem>>
    %dma_wait3A_430 = tpu.memref_squeeze %dma_wait3A_429 : memref<1x24576xf32, #tpu.memory_space<vmem>> -> memref<24576xf32, #tpu.memory_space<vmem>>
    %dma_wait3A_431 = tpu.memref_slice %arg4[%add3A_408] : memref<25165824xf32, #tpu.memory_space<hbm>> -> memref<24576xf32, #tpu.memory_space<hbm>>
    %dma_wait3A_432 = tpu.memref_slice %arg4[%add3A_408] : memref<25165824xf32, #tpu.memory_space<hbm>> -> memref<24576xf32, #tpu.memory_space<hbm>>
    %dma_wait3A_433 = arith.constant 0 : i32
    %dma_wait3A_434 = tpu.memref_slice %arg6[%dma_wait3A_427, %dma_wait3A_433] : memref<2x24576xf32, #tpu.memory_space<vmem>> -> memref<1x24576xf32, #tpu.memory_space<vmem>>
    %dma_wait3A_435 = tpu.memref_squeeze %dma_wait3A_434 : memref<1x24576xf32, #tpu.memory_space<vmem>> -> memref<24576xf32, #tpu.memory_space<vmem>>
    tpu.wait_dma2 semaphore(%arg9 : memref<!tpu.dma_semaphore, #tpu.memory_space<semaphore_mem>>) src(%dma_wait3A_435 : memref<24576xf32, #tpu.memory_space<vmem>>) dst(%dma_wait3A_432 : memref<24576xf32, #tpu.memory_space<hbm>>)
    %add3A_436 = arith.constant 64 : i32
    %add3A_437 = arith.addi %mul3A_2, %add3A_436 : i32
    %mul3A_438 = arith.constant 768 : i32
    %mul3A_439 = arith.muli %add3A_437, %mul3A_438 : i32
    %add3A_440 = arith.constant 0 : i32
    %add3A_441 = arith.addi %add3A_440, %mul3A_439 : i32
    %dma_start3A_442 = arith.constant 0 : i32
    %dma_start3A_443 = arith.constant 0 : i32
    %dma_start3A_444 = tpu.memref_slice %arg6[%dma_start3A_442, %dma_start3A_443] : memref<2x24576xf32, #tpu.memory_space<vmem>> -> memref<1x24576xf32, #tpu.memory_space<vmem>>
    %dma_start3A_445 = tpu.memref_squeeze %dma_start3A_444 : memref<1x24576xf32, #tpu.memory_space<vmem>> -> memref<24576xf32, #tpu.memory_space<vmem>>
    %dma_start3A_446 = tpu.memref_slice %arg2[%add3A_441] : memref<25165824xf32, #tpu.memory_space<hbm>> -> memref<24576xf32, #tpu.memory_space<hbm>>
    %dma_start3A_447 = arith.constant 0 : i32
    %dma_start3A_448 = tpu.memref_slice %arg6[%dma_start3A_442, %dma_start3A_447] : memref<2x24576xf32, #tpu.memory_space<vmem>> -> memref<1x24576xf32, #tpu.memory_space<vmem>>
    %dma_start3A_449 = tpu.memref_squeeze %dma_start3A_448 : memref<1x24576xf32, #tpu.memory_space<vmem>> -> memref<24576xf32, #tpu.memory_space<vmem>>
    %dma_start3A_450 = tpu.memref_slice %arg2[%add3A_441] : memref<25165824xf32, #tpu.memory_space<hbm>> -> memref<24576xf32, #tpu.memory_space<hbm>>
    tpu.enqueue_dma source(%dma_start3A_450 : memref<24576xf32, #tpu.memory_space<hbm>>) target(%dma_start3A_449 : memref<24576xf32, #tpu.memory_space<vmem>>) target_semaphore(%arg7 : memref<!tpu.dma_semaphore, #tpu.memory_space<semaphore_mem>>)
    %parallel_loop3A_451 = arith.constant 0 : i32
    %parallel_loop3A_452 = arith.constant 24576 : i32
    %parallel_loop3A_453 = arith.constant 16 : i32
    scf.for %parallel_loop3A_1806 = %parallel_loop3A_451 to %parallel_loop3A_452 step %parallel_loop3A_453  : i32 {
      %parallel_loop3A_1807 = arith.constant 1 : i32
      %parallel_loop3A_1808 = arith.index_cast %parallel_loop3A_1807 : i32 to index
      %parallel_loop3A_1809 = arith.index_cast %parallel_loop3A_1806 : i32 to index
      %parallel_loop3A_1810 = tpu.vector_load %arg5[%parallel_loop3A_1808, %parallel_loop3A_1809] {strides = array<i32>} : memref<2x24576xf32, #tpu.memory_space<vmem>>, vector<1x16xf32>,
      %parallel_loop3A_1811 = vector.shape_cast %parallel_loop3A_1810 : vector<1x16xf32> to vector<16xf32>
      %parallel_loop3A_1812 = arith.constant 1 : i32
      %parallel_loop3A_1813 = arith.index_cast %parallel_loop3A_1812 : i32 to index
      %parallel_loop3A_1814 = arith.index_cast %parallel_loop3A_1806 : i32 to index
      %parallel_loop3A_1815 = tpu.vector_load %arg6[%parallel_loop3A_1813, %parallel_loop3A_1814] {strides = array<i32>} : memref<2x24576xf32, #tpu.memory_space<vmem>>, vector<1x16xf32>,
      %parallel_loop3A_1816 = vector.shape_cast %parallel_loop3A_1815 : vector<1x16xf32> to vector<16xf32>
      %parallel_loop3A_1817 = vector.shape_cast %parallel_loop3A_1811 : vector<16xf32> to vector<1x16xf32>
      tpu.vector_store %arg6[%parallel_loop3A_1813, %parallel_loop3A_1814], %parallel_loop3A_1817 {add = true, strides = array<i32>} : memref<2x24576xf32, #tpu.memory_space<vmem>>, vector<1x16xf32>,
    } {sc.loop_unroll_factor = 8 : i64, sc.parallel_access}
    %add3A_454 = arith.constant 32 : i32
    %add3A_455 = arith.addi %mul3A_2, %add3A_454 : i32
    %mul3A_456 = arith.constant 768 : i32
    %mul3A_457 = arith.muli %add3A_455, %mul3A_456 : i32
    %add3A_458 = arith.constant 18874368 : i32
    %add3A_459 = arith.addi %add3A_458, %mul3A_457 : i32
    %dma_start3A_460 = arith.constant 1 : i32
    %dma_start3A_461 = arith.constant 0 : i32
    %dma_start3A_462 = tpu.memref_slice %arg6[%dma_start3A_460, %dma_start3A_461] : memref<2x24576xf32, #tpu.memory_space<vmem>> -> memref<1x24576xf32, #tpu.memory_space<vmem>>
    %dma_start3A_463 = tpu.memref_squeeze %dma_start3A_462 : memref<1x24576xf32, #tpu.memory_space<vmem>> -> memref<24576xf32, #tpu.memory_space<vmem>>
    %dma_start3A_464 = tpu.memref_slice %arg4[%add3A_459] : memref<25165824xf32, #tpu.memory_space<hbm>> -> memref<24576xf32, #tpu.memory_space<hbm>>
    %dma_start3A_465 = tpu.memref_slice %arg4[%add3A_459] : memref<25165824xf32, #tpu.memory_space<hbm>> -> memref<24576xf32, #tpu.memory_space<hbm>>
    %dma_start3A_466 = arith.constant 0 : i32
    %dma_start3A_467 = tpu.memref_slice %arg6[%dma_start3A_460, %dma_start3A_466] : memref<2x24576xf32, #tpu.memory_space<vmem>> -> memref<1x24576xf32, #tpu.memory_space<vmem>>
    %dma_start3A_468 = tpu.memref_squeeze %dma_start3A_467 : memref<1x24576xf32, #tpu.memory_space<vmem>> -> memref<24576xf32, #tpu.memory_space<vmem>>
    tpu.enqueue_dma source(%dma_start3A_468 : memref<24576xf32, #tpu.memory_space<vmem>>) target(%dma_start3A_465 : memref<24576xf32, #tpu.memory_space<hbm>>) target_semaphore(%arg10 : memref<!tpu.dma_semaphore, #tpu.memory_space<semaphore_mem>>)
    %dma_wait3A_469 = arith.constant 0 : i32
    %dma_wait3A_470 = arith.constant 0 : i32
    %dma_wait3A_471 = tpu.memref_slice %arg6[%dma_wait3A_469, %dma_wait3A_470] : memref<2x24576xf32, #tpu.memory_space<vmem>> -> memref<1x24576xf32, #tpu.memory_space<vmem>>
    %dma_wait3A_472 = tpu.memref_squeeze %dma_wait3A_471 : memref<1x24576xf32, #tpu.memory_space<vmem>> -> memref<24576xf32, #tpu.memory_space<vmem>>
    %dma_wait3A_473 = tpu.memref_slice %arg2[%add3A_441] : memref<25165824xf32, #tpu.memory_space<hbm>> -> memref<24576xf32, #tpu.memory_space<hbm>>
    %dma_wait3A_474 = arith.constant 0 : i32
    %dma_wait3A_475 = tpu.memref_slice %arg6[%dma_wait3A_469, %dma_wait3A_474] : memref<2x24576xf32, #tpu.memory_space<vmem>> -> memref<1x24576xf32, #tpu.memory_space<vmem>>
    %dma_wait3A_476 = tpu.memref_squeeze %dma_wait3A_475 : memref<1x24576xf32, #tpu.memory_space<vmem>> -> memref<24576xf32, #tpu.memory_space<vmem>>
    %dma_wait3A_477 = tpu.memref_slice %arg2[%add3A_441] : memref<25165824xf32, #tpu.memory_space<hbm>> -> memref<24576xf32, #tpu.memory_space<hbm>>
    tpu.wait_dma2 semaphore(%arg7 : memref<!tpu.dma_semaphore, #tpu.memory_space<semaphore_mem>>) src(%dma_wait3A_477 : memref<24576xf32, #tpu.memory_space<hbm>>) dst(%dma_wait3A_476 : memref<24576xf32, #tpu.memory_space<vmem>>)
    %dma_wait3A_478 = arith.constant 0 : i32
    %dma_wait3A_479 = arith.constant 0 : i32
    %dma_wait3A_480 = tpu.memref_slice %arg5[%dma_wait3A_478, %dma_wait3A_479] : memref<2x24576xf32, #tpu.memory_space<vmem>> -> memref<1x24576xf32, #tpu.memory_space<vmem>>
    %dma_wait3A_481 = tpu.memref_squeeze %dma_wait3A_480 : memref<1x24576xf32, #tpu.memory_space<vmem>> -> memref<24576xf32, #tpu.memory_space<vmem>>
    %dma_wait3A_482 = tpu.memref_slice %arg3[%mul3A_264] : memref<6291456xf32, #tpu.memory_space<hbm>> -> memref<24576xf32, #tpu.memory_space<hbm>>
    %dma_wait3A_483 = arith.constant 0 : i32
    %dma_wait3A_484 = tpu.memref_slice %arg5[%dma_wait3A_478, %dma_wait3A_483] : memref<2x24576xf32, #tpu.memory_space<vmem>> -> memref<1x24576xf32, #tpu.memory_space<vmem>>
    %dma_wait3A_485 = tpu.memref_squeeze %dma_wait3A_484 : memref<1x24576xf32, #tpu.memory_space<vmem>> -> memref<24576xf32, #tpu.memory_space<vmem>>
    %dma_wait3A_486 = tpu.memref_slice %arg3[%mul3A_264] : memref<6291456xf32, #tpu.memory_space<hbm>> -> memref<24576xf32, #tpu.memory_space<hbm>>
    tpu.wait_dma2 semaphore(%arg11 : memref<!tpu.dma_semaphore, #tpu.memory_space<semaphore_mem>>) src(%dma_wait3A_486 : memref<24576xf32, #tpu.memory_space<hbm>>) dst(%dma_wait3A_485 : memref<24576xf32, #tpu.memory_space<vmem>>)
    %add3A_487 = arith.constant 96 : i32
    %add3A_488 = arith.addi %mul3A_2, %add3A_487 : i32
    %mul3A_489 = arith.constant 768 : i32
    %mul3A_490 = arith.muli %add3A_488, %mul3A_489 : i32
    %dma_start3A_491 = arith.constant 1 : i32
    %dma_start3A_492 = arith.constant 0 : i32
    %dma_start3A_493 = tpu.memref_slice %arg5[%dma_start3A_491, %dma_start3A_492] : memref<2x24576xf32, #tpu.memory_space<vmem>> -> memref<1x24576xf32, #tpu.memory_space<vmem>>
    %dma_start3A_494 = tpu.memref_squeeze %dma_start3A_493 : memref<1x24576xf32, #tpu.memory_space<vmem>> -> memref<24576xf32, #tpu.memory_space<vmem>>
    %dma_start3A_495 = tpu.memref_slice %arg3[%mul3A_490] : memref<6291456xf32, #tpu.memory_space<hbm>> -> memref<24576xf32, #tpu.memory_space<hbm>>
    %dma_start3A_496 = arith.constant 0 : i32
    %dma_start3A_497 = tpu.memref_slice %arg5[%dma_start3A_491, %dma_start3A_496] : memref<2x24576xf32, #tpu.memory_space<vmem>> -> memref<1x24576xf32, #tpu.memory_space<vmem>>
    %dma_start3A_498 = tpu.memref_squeeze %dma_start3A_497 : memref<1x24576xf32, #tpu.memory_space<vmem>> -> memref<24576xf32, #tpu.memory_space<vmem>>
    %dma_start3A_499 = tpu.memref_slice %arg3[%mul3A_490] : memref<6291456xf32, #tpu.memory_space<hbm>> -> memref<24576xf32, #tpu.memory_space<hbm>>
    tpu.enqueue_dma source(%dma_start3A_499 : memref<24576xf32, #tpu.memory_space<hbm>>) target(%dma_start3A_498 : memref<24576xf32, #tpu.memory_space<vmem>>) target_semaphore(%arg12 : memref<!tpu.dma_semaphore, #tpu.memory_space<semaphore_mem>>)
    %dma_wait3A_500 = arith.constant 1 : i32
    %dma_wait3A_501 = arith.constant 0 : i32
    %dma_wait3A_502 = tpu.memref_slice %arg6[%dma_wait3A_500, %dma_wait3A_501] : memref<2x24576xf32, #tpu.memory_space<vmem>> -> memref<1x24576xf32, #tpu.memory_space<vmem>>
    %dma_wait3A_503 = tpu.memref_squeeze %dma_wait3A_502 : memref<1x24576xf32, #tpu.memory_space<vmem>> -> memref<24576xf32, #tpu.memory_space<vmem>>
    %dma_wait3A_504 = tpu.memref_slice %arg4[%add3A_459] : memref<25165824xf32, #tpu.memory_space<hbm>> -> memref<24576xf32, #tpu.memory_space<hbm>>
    %dma_wait3A_505 = tpu.memref_slice %arg4[%add3A_459] : memref<25165824xf32, #tpu.memory_space<hbm>> -> memref<24576xf32, #tpu.memory_space<hbm>>
    %dma_wait3A_506 = arith.constant 0 : i32
    %dma_wait3A_507 = tpu.memref_slice %arg6[%dma_wait3A_500, %dma_wait3A_506] : memref<2x24576xf32, #tpu.memory_space<vmem>> -> memref<1x24576xf32, #tpu.memory_space<vmem>>
    %dma_wait3A_508 = tpu.memref_squeeze %dma_wait3A_507 : memref<1x24576xf32, #tpu.memory_space<vmem>> -> memref<24576xf32, #tpu.memory_space<vmem>>
    tpu.wait_dma2 semaphore(%arg10 : memref<!tpu.dma_semaphore, #tpu.memory_space<semaphore_mem>>) src(%dma_wait3A_508 : memref<24576xf32, #tpu.memory_space<vmem>>) dst(%dma_wait3A_505 : memref<24576xf32, #tpu.memory_space<hbm>>)
    %add3A_509 = arith.constant 64 : i32
    %add3A_510 = arith.addi %mul3A_2, %add3A_509 : i32
    %mul3A_511 = arith.constant 768 : i32
    %mul3A_512 = arith.muli %add3A_510, %mul3A_511 : i32
    %add3A_513 = arith.constant 6291456 : i32
    %add3A_514 = arith.addi %add3A_513, %mul3A_512 : i32
    %dma_start3A_515 = arith.constant 1 : i32
    %dma_start3A_516 = arith.constant 0 : i32
    %dma_start3A_517 = tpu.memref_slice %arg6[%dma_start3A_515, %dma_start3A_516] : memref<2x24576xf32, #tpu.memory_space<vmem>> -> memref<1x24576xf32, #tpu.memory_space<vmem>>
    %dma_start3A_518 = tpu.memref_squeeze %dma_start3A_517 : memref<1x24576xf32, #tpu.memory_space<vmem>> -> memref<24576xf32, #tpu.memory_space<vmem>>
    %dma_start3A_519 = tpu.memref_slice %arg2[%add3A_514] : memref<25165824xf32, #tpu.memory_space<hbm>> -> memref<24576xf32, #tpu.memory_space<hbm>>
    %dma_start3A_520 = arith.constant 0 : i32
    %dma_start3A_521 = tpu.memref_slice %arg6[%dma_start3A_515, %dma_start3A_520] : memref<2x24576xf32, #tpu.memory_space<vmem>> -> memref<1x24576xf32, #tpu.memory_space<vmem>>
    %dma_start3A_522 = tpu.memref_squeeze %dma_start3A_521 : memref<1x24576xf32, #tpu.memory_space<vmem>> -> memref<24576xf32, #tpu.memory_space<vmem>>
    %dma_start3A_523 = tpu.memref_slice %arg2[%add3A_514] : memref<25165824xf32, #tpu.memory_space<hbm>> -> memref<24576xf32, #tpu.memory_space<hbm>>
    tpu.enqueue_dma source(%dma_start3A_523 : memref<24576xf32, #tpu.memory_space<hbm>>) target(%dma_start3A_522 : memref<24576xf32, #tpu.memory_space<vmem>>) target_semaphore(%arg8 : memref<!tpu.dma_semaphore, #tpu.memory_space<semaphore_mem>>)
    %parallel_loop3A_524 = arith.constant 0 : i32
    %parallel_loop3A_525 = arith.constant 24576 : i32
    %parallel_loop3A_526 = arith.constant 16 : i32
    scf.for %parallel_loop3A_1806 = %parallel_loop3A_524 to %parallel_loop3A_525 step %parallel_loop3A_526  : i32 {
      %parallel_loop3A_1807 = arith.constant 0 : i32
      %parallel_loop3A_1808 = arith.index_cast %parallel_loop3A_1807 : i32 to index
      %parallel_loop3A_1809 = arith.index_cast %parallel_loop3A_1806 : i32 to index
      %parallel_loop3A_1810 = tpu.vector_load %arg5[%parallel_loop3A_1808, %parallel_loop3A_1809] {strides = array<i32>} : memref<2x24576xf32, #tpu.memory_space<vmem>>, vector<1x16xf32>,
      %parallel_loop3A_1811 = vector.shape_cast %parallel_loop3A_1810 : vector<1x16xf32> to vector<16xf32>
      %parallel_loop3A_1812 = arith.constant 0 : i32
      %parallel_loop3A_1813 = arith.index_cast %parallel_loop3A_1812 : i32 to index
      %parallel_loop3A_1814 = arith.index_cast %parallel_loop3A_1806 : i32 to index
      %parallel_loop3A_1815 = tpu.vector_load %arg6[%parallel_loop3A_1813, %parallel_loop3A_1814] {strides = array<i32>} : memref<2x24576xf32, #tpu.memory_space<vmem>>, vector<1x16xf32>,
      %parallel_loop3A_1816 = vector.shape_cast %parallel_loop3A_1815 : vector<1x16xf32> to vector<16xf32>
      %parallel_loop3A_1817 = vector.shape_cast %parallel_loop3A_1811 : vector<16xf32> to vector<1x16xf32>
      tpu.vector_store %arg6[%parallel_loop3A_1813, %parallel_loop3A_1814], %parallel_loop3A_1817 {add = true, strides = array<i32>} : memref<2x24576xf32, #tpu.memory_space<vmem>>, vector<1x16xf32>,
    } {sc.loop_unroll_factor = 8 : i64, sc.parallel_access}
    %add3A_527 = arith.constant 64 : i32
    %add3A_528 = arith.addi %mul3A_2, %add3A_527 : i32
    %mul3A_529 = arith.constant 768 : i32
    %mul3A_530 = arith.muli %add3A_528, %mul3A_529 : i32
    %add3A_531 = arith.constant 0 : i32
    %add3A_532 = arith.addi %add3A_531, %mul3A_530 : i32
    %dma_start3A_533 = arith.constant 0 : i32
    %dma_start3A_534 = arith.constant 0 : i32
    %dma_start3A_535 = tpu.memref_slice %arg6[%dma_start3A_533, %dma_start3A_534] : memref<2x24576xf32, #tpu.memory_space<vmem>> -> memref<1x24576xf32, #tpu.memory_space<vmem>>
    %dma_start3A_536 = tpu.memref_squeeze %dma_start3A_535 : memref<1x24576xf32, #tpu.memory_space<vmem>> -> memref<24576xf32, #tpu.memory_space<vmem>>
    %dma_start3A_537 = tpu.memref_slice %arg4[%add3A_532] : memref<25165824xf32, #tpu.memory_space<hbm>> -> memref<24576xf32, #tpu.memory_space<hbm>>
    %dma_start3A_538 = tpu.memref_slice %arg4[%add3A_532] : memref<25165824xf32, #tpu.memory_space<hbm>> -> memref<24576xf32, #tpu.memory_space<hbm>>
    %dma_start3A_539 = arith.constant 0 : i32
    %dma_start3A_540 = tpu.memref_slice %arg6[%dma_start3A_533, %dma_start3A_539] : memref<2x24576xf32, #tpu.memory_space<vmem>> -> memref<1x24576xf32, #tpu.memory_space<vmem>>
    %dma_start3A_541 = tpu.memref_squeeze %dma_start3A_540 : memref<1x24576xf32, #tpu.memory_space<vmem>> -> memref<24576xf32, #tpu.memory_space<vmem>>
    tpu.enqueue_dma source(%dma_start3A_541 : memref<24576xf32, #tpu.memory_space<vmem>>) target(%dma_start3A_538 : memref<24576xf32, #tpu.memory_space<hbm>>) target_semaphore(%arg9 : memref<!tpu.dma_semaphore, #tpu.memory_space<semaphore_mem>>)
    %dma_wait3A_542 = arith.constant 1 : i32
    %dma_wait3A_543 = arith.constant 0 : i32
    %dma_wait3A_544 = tpu.memref_slice %arg6[%dma_wait3A_542, %dma_wait3A_543] : memref<2x24576xf32, #tpu.memory_space<vmem>> -> memref<1x24576xf32, #tpu.memory_space<vmem>>
    %dma_wait3A_545 = tpu.memref_squeeze %dma_wait3A_544 : memref<1x24576xf32, #tpu.memory_space<vmem>> -> memref<24576xf32, #tpu.memory_space<vmem>>
    %dma_wait3A_546 = tpu.memref_slice %arg2[%add3A_514] : memref<25165824xf32, #tpu.memory_space<hbm>> -> memref<24576xf32, #tpu.memory_space<hbm>>
    %dma_wait3A_547 = arith.constant 0 : i32
    %dma_wait3A_548 = tpu.memref_slice %arg6[%dma_wait3A_542, %dma_wait3A_547] : memref<2x24576xf32, #tpu.memory_space<vmem>> -> memref<1x24576xf32, #tpu.memory_space<vmem>>
    %dma_wait3A_549 = tpu.memref_squeeze %dma_wait3A_548 : memref<1x24576xf32, #tpu.memory_space<vmem>> -> memref<24576xf32, #tpu.memory_space<vmem>>
    %dma_wait3A_550 = tpu.memref_slice %arg2[%add3A_514] : memref<25165824xf32, #tpu.memory_space<hbm>> -> memref<24576xf32, #tpu.memory_space<hbm>>
    tpu.wait_dma2 semaphore(%arg8 : memref<!tpu.dma_semaphore, #tpu.memory_space<semaphore_mem>>) src(%dma_wait3A_550 : memref<24576xf32, #tpu.memory_space<hbm>>) dst(%dma_wait3A_549 : memref<24576xf32, #tpu.memory_space<vmem>>)
    %dma_wait3A_551 = arith.constant 0 : i32
    %dma_wait3A_552 = arith.constant 0 : i32
    %dma_wait3A_553 = tpu.memref_slice %arg6[%dma_wait3A_551, %dma_wait3A_552] : memref<2x24576xf32, #tpu.memory_space<vmem>> -> memref<1x24576xf32, #tpu.memory_space<vmem>>
    %dma_wait3A_554 = tpu.memref_squeeze %dma_wait3A_553 : memref<1x24576xf32, #tpu.memory_space<vmem>> -> memref<24576xf32, #tpu.memory_space<vmem>>
    %dma_wait3A_555 = tpu.memref_slice %arg4[%add3A_532] : memref<25165824xf32, #tpu.memory_space<hbm>> -> memref<24576xf32, #tpu.memory_space<hbm>>
    %dma_wait3A_556 = tpu.memref_slice %arg4[%add3A_532] : memref<25165824xf32, #tpu.memory_space<hbm>> -> memref<24576xf32, #tpu.memory_space<hbm>>
    %dma_wait3A_557 = arith.constant 0 : i32
    %dma_wait3A_558 = tpu.memref_slice %arg6[%dma_wait3A_551, %dma_wait3A_557] : memref<2x24576xf32, #tpu.memory_space<vmem>> -> memref<1x24576xf32, #tpu.memory_space<vmem>>
    %dma_wait3A_559 = tpu.memref_squeeze %dma_wait3A_558 : memref<1x24576xf32, #tpu.memory_space<vmem>> -> memref<24576xf32, #tpu.memory_space<vmem>>
    tpu.wait_dma2 semaphore(%arg9 : memref<!tpu.dma_semaphore, #tpu.memory_space<semaphore_mem>>) src(%dma_wait3A_559 : memref<24576xf32, #tpu.memory_space<vmem>>) dst(%dma_wait3A_556 : memref<24576xf32, #tpu.memory_space<hbm>>)
    %add3A_560 = arith.constant 64 : i32
    %add3A_561 = arith.addi %mul3A_2, %add3A_560 : i32
    %mul3A_562 = arith.constant 768 : i32
    %mul3A_563 = arith.muli %add3A_561, %mul3A_562 : i32
    %add3A_564 = arith.constant 12582912 : i32
    %add3A_565 = arith.addi %add3A_564, %mul3A_563 : i32
    %dma_start3A_566 = arith.constant 0 : i32
    %dma_start3A_567 = arith.constant 0 : i32
    %dma_start3A_568 = tpu.memref_slice %arg6[%dma_start3A_566, %dma_start3A_567] : memref<2x24576xf32, #tpu.memory_space<vmem>> -> memref<1x24576xf32, #tpu.memory_space<vmem>>
    %dma_start3A_569 = tpu.memref_squeeze %dma_start3A_568 : memref<1x24576xf32, #tpu.memory_space<vmem>> -> memref<24576xf32, #tpu.memory_space<vmem>>
    %dma_start3A_570 = tpu.memref_slice %arg2[%add3A_565] : memref<25165824xf32, #tpu.memory_space<hbm>> -> memref<24576xf32, #tpu.memory_space<hbm>>
    %dma_start3A_571 = arith.constant 0 : i32
    %dma_start3A_572 = tpu.memref_slice %arg6[%dma_start3A_566, %dma_start3A_571] : memref<2x24576xf32, #tpu.memory_space<vmem>> -> memref<1x24576xf32, #tpu.memory_space<vmem>>
    %dma_start3A_573 = tpu.memref_squeeze %dma_start3A_572 : memref<1x24576xf32, #tpu.memory_space<vmem>> -> memref<24576xf32, #tpu.memory_space<vmem>>
    %dma_start3A_574 = tpu.memref_slice %arg2[%add3A_565] : memref<25165824xf32, #tpu.memory_space<hbm>> -> memref<24576xf32, #tpu.memory_space<hbm>>
    tpu.enqueue_dma source(%dma_start3A_574 : memref<24576xf32, #tpu.memory_space<hbm>>) target(%dma_start3A_573 : memref<24576xf32, #tpu.memory_space<vmem>>) target_semaphore(%arg7 : memref<!tpu.dma_semaphore, #tpu.memory_space<semaphore_mem>>)
    %parallel_loop3A_575 = arith.constant 0 : i32
    %parallel_loop3A_576 = arith.constant 24576 : i32
    %parallel_loop3A_577 = arith.constant 16 : i32
    scf.for %parallel_loop3A_1806 = %parallel_loop3A_575 to %parallel_loop3A_576 step %parallel_loop3A_577  : i32 {
      %parallel_loop3A_1807 = arith.constant 0 : i32
      %parallel_loop3A_1808 = arith.index_cast %parallel_loop3A_1807 : i32 to index
      %parallel_loop3A_1809 = arith.index_cast %parallel_loop3A_1806 : i32 to index
      %parallel_loop3A_1810 = tpu.vector_load %arg5[%parallel_loop3A_1808, %parallel_loop3A_1809] {strides = array<i32>} : memref<2x24576xf32, #tpu.memory_space<vmem>>, vector<1x16xf32>,
      %parallel_loop3A_1811 = vector.shape_cast %parallel_loop3A_1810 : vector<1x16xf32> to vector<16xf32>
      %parallel_loop3A_1812 = arith.constant 1 : i32
      %parallel_loop3A_1813 = arith.index_cast %parallel_loop3A_1812 : i32 to index
      %parallel_loop3A_1814 = arith.index_cast %parallel_loop3A_1806 : i32 to index
      %parallel_loop3A_1815 = tpu.vector_load %arg6[%parallel_loop3A_1813, %parallel_loop3A_1814] {strides = array<i32>} : memref<2x24576xf32, #tpu.memory_space<vmem>>, vector<1x16xf32>,
      %parallel_loop3A_1816 = vector.shape_cast %parallel_loop3A_1815 : vector<1x16xf32> to vector<16xf32>
      %parallel_loop3A_1817 = vector.shape_cast %parallel_loop3A_1811 : vector<16xf32> to vector<1x16xf32>
      tpu.vector_store %arg6[%parallel_loop3A_1813, %parallel_loop3A_1814], %parallel_loop3A_1817 {add = true, strides = array<i32>} : memref<2x24576xf32, #tpu.memory_space<vmem>>, vector<1x16xf32>,
    } {sc.loop_unroll_factor = 8 : i64, sc.parallel_access}
    %add3A_578 = arith.constant 64 : i32
    %add3A_579 = arith.addi %mul3A_2, %add3A_578 : i32
    %mul3A_580 = arith.constant 768 : i32
    %mul3A_581 = arith.muli %add3A_579, %mul3A_580 : i32
    %add3A_582 = arith.constant 6291456 : i32
    %add3A_583 = arith.addi %add3A_582, %mul3A_581 : i32
    %dma_start3A_584 = arith.constant 1 : i32
    %dma_start3A_585 = arith.constant 0 : i32
    %dma_start3A_586 = tpu.memref_slice %arg6[%dma_start3A_584, %dma_start3A_585] : memref<2x24576xf32, #tpu.memory_space<vmem>> -> memref<1x24576xf32, #tpu.memory_space<vmem>>
    %dma_start3A_587 = tpu.memref_squeeze %dma_start3A_586 : memref<1x24576xf32, #tpu.memory_space<vmem>> -> memref<24576xf32, #tpu.memory_space<vmem>>
    %dma_start3A_588 = tpu.memref_slice %arg4[%add3A_583] : memref<25165824xf32, #tpu.memory_space<hbm>> -> memref<24576xf32, #tpu.memory_space<hbm>>
    %dma_start3A_589 = tpu.memref_slice %arg4[%add3A_583] : memref<25165824xf32, #tpu.memory_space<hbm>> -> memref<24576xf32, #tpu.memory_space<hbm>>
    %dma_start3A_590 = arith.constant 0 : i32
    %dma_start3A_591 = tpu.memref_slice %arg6[%dma_start3A_584, %dma_start3A_590] : memref<2x24576xf32, #tpu.memory_space<vmem>> -> memref<1x24576xf32, #tpu.memory_space<vmem>>
    %dma_start3A_592 = tpu.memref_squeeze %dma_start3A_591 : memref<1x24576xf32, #tpu.memory_space<vmem>> -> memref<24576xf32, #tpu.memory_space<vmem>>
    tpu.enqueue_dma source(%dma_start3A_592 : memref<24576xf32, #tpu.memory_space<vmem>>) target(%dma_start3A_589 : memref<24576xf32, #tpu.memory_space<hbm>>) target_semaphore(%arg10 : memref<!tpu.dma_semaphore, #tpu.memory_space<semaphore_mem>>)
    %dma_wait3A_593 = arith.constant 0 : i32
    %dma_wait3A_594 = arith.constant 0 : i32
    %dma_wait3A_595 = tpu.memref_slice %arg6[%dma_wait3A_593, %dma_wait3A_594] : memref<2x24576xf32, #tpu.memory_space<vmem>> -> memref<1x24576xf32, #tpu.memory_space<vmem>>
    %dma_wait3A_596 = tpu.memref_squeeze %dma_wait3A_595 : memref<1x24576xf32, #tpu.memory_space<vmem>> -> memref<24576xf32, #tpu.memory_space<vmem>>
    %dma_wait3A_597 = tpu.memref_slice %arg2[%add3A_565] : memref<25165824xf32, #tpu.memory_space<hbm>> -> memref<24576xf32, #tpu.memory_space<hbm>>
    %dma_wait3A_598 = arith.constant 0 : i32
    %dma_wait3A_599 = tpu.memref_slice %arg6[%dma_wait3A_593, %dma_wait3A_598] : memref<2x24576xf32, #tpu.memory_space<vmem>> -> memref<1x24576xf32, #tpu.memory_space<vmem>>
    %dma_wait3A_600 = tpu.memref_squeeze %dma_wait3A_599 : memref<1x24576xf32, #tpu.memory_space<vmem>> -> memref<24576xf32, #tpu.memory_space<vmem>>
    %dma_wait3A_601 = tpu.memref_slice %arg2[%add3A_565] : memref<25165824xf32, #tpu.memory_space<hbm>> -> memref<24576xf32, #tpu.memory_space<hbm>>
    tpu.wait_dma2 semaphore(%arg7 : memref<!tpu.dma_semaphore, #tpu.memory_space<semaphore_mem>>) src(%dma_wait3A_601 : memref<24576xf32, #tpu.memory_space<hbm>>) dst(%dma_wait3A_600 : memref<24576xf32, #tpu.memory_space<vmem>>)
    %dma_wait3A_602 = arith.constant 1 : i32
    %dma_wait3A_603 = arith.constant 0 : i32
    %dma_wait3A_604 = tpu.memref_slice %arg6[%dma_wait3A_602, %dma_wait3A_603] : memref<2x24576xf32, #tpu.memory_space<vmem>> -> memref<1x24576xf32, #tpu.memory_space<vmem>>
    %dma_wait3A_605 = tpu.memref_squeeze %dma_wait3A_604 : memref<1x24576xf32, #tpu.memory_space<vmem>> -> memref<24576xf32, #tpu.memory_space<vmem>>
    %dma_wait3A_606 = tpu.memref_slice %arg4[%add3A_583] : memref<25165824xf32, #tpu.memory_space<hbm>> -> memref<24576xf32, #tpu.memory_space<hbm>>
    %dma_wait3A_607 = tpu.memref_slice %arg4[%add3A_583] : memref<25165824xf32, #tpu.memory_space<hbm>> -> memref<24576xf32, #tpu.memory_space<hbm>>
    %dma_wait3A_608 = arith.constant 0 : i32
    %dma_wait3A_609 = tpu.memref_slice %arg6[%dma_wait3A_602, %dma_wait3A_608] : memref<2x24576xf32, #tpu.memory_space<vmem>> -> memref<1x24576xf32, #tpu.memory_space<vmem>>
    %dma_wait3A_610 = tpu.memref_squeeze %dma_wait3A_609 : memref<1x24576xf32, #tpu.memory_space<vmem>> -> memref<24576xf32, #tpu.memory_space<vmem>>
    tpu.wait_dma2 semaphore(%arg10 : memref<!tpu.dma_semaphore, #tpu.memory_space<semaphore_mem>>) src(%dma_wait3A_610 : memref<24576xf32, #tpu.memory_space<vmem>>) dst(%dma_wait3A_607 : memref<24576xf32, #tpu.memory_space<hbm>>)
    %add3A_611 = arith.constant 64 : i32
    %add3A_612 = arith.addi %mul3A_2, %add3A_611 : i32
    %mul3A_613 = arith.constant 768 : i32
    %mul3A_614 = arith.muli %add3A_612, %mul3A_613 : i32
    %add3A_615 = arith.constant 18874368 : i32
    %add3A_616 = arith.addi %add3A_615, %mul3A_614 : i32
    %dma_start3A_617 = arith.constant 1 : i32
    %dma_start3A_618 = arith.constant 0 : i32
    %dma_start3A_619 = tpu.memref_slice %arg6[%dma_start3A_617, %dma_start3A_618] : memref<2x24576xf32, #tpu.memory_space<vmem>> -> memref<1x24576xf32, #tpu.memory_space<vmem>>
    %dma_start3A_620 = tpu.memref_squeeze %dma_start3A_619 : memref<1x24576xf32, #tpu.memory_space<vmem>> -> memref<24576xf32, #tpu.memory_space<vmem>>
    %dma_start3A_621 = tpu.memref_slice %arg2[%add3A_616] : memref<25165824xf32, #tpu.memory_space<hbm>> -> memref<24576xf32, #tpu.memory_space<hbm>>
    %dma_start3A_622 = arith.constant 0 : i32
    %dma_start3A_623 = tpu.memref_slice %arg6[%dma_start3A_617, %dma_start3A_622] : memref<2x24576xf32, #tpu.memory_space<vmem>> -> memref<1x24576xf32, #tpu.memory_space<vmem>>
    %dma_start3A_624 = tpu.memref_squeeze %dma_start3A_623 : memref<1x24576xf32, #tpu.memory_space<vmem>> -> memref<24576xf32, #tpu.memory_space<vmem>>
    %dma_start3A_625 = tpu.memref_slice %arg2[%add3A_616] : memref<25165824xf32, #tpu.memory_space<hbm>> -> memref<24576xf32, #tpu.memory_space<hbm>>
    tpu.enqueue_dma source(%dma_start3A_625 : memref<24576xf32, #tpu.memory_space<hbm>>) target(%dma_start3A_624 : memref<24576xf32, #tpu.memory_space<vmem>>) target_semaphore(%arg8 : memref<!tpu.dma_semaphore, #tpu.memory_space<semaphore_mem>>)
    %parallel_loop3A_626 = arith.constant 0 : i32
    %parallel_loop3A_627 = arith.constant 24576 : i32
    %parallel_loop3A_628 = arith.constant 16 : i32
    scf.for %parallel_loop3A_1806 = %parallel_loop3A_626 to %parallel_loop3A_627 step %parallel_loop3A_628  : i32 {
      %parallel_loop3A_1807 = arith.constant 0 : i32
      %parallel_loop3A_1808 = arith.index_cast %parallel_loop3A_1807 : i32 to index
      %parallel_loop3A_1809 = arith.index_cast %parallel_loop3A_1806 : i32 to index
      %parallel_loop3A_1810 = tpu.vector_load %arg5[%parallel_loop3A_1808, %parallel_loop3A_1809] {strides = array<i32>} : memref<2x24576xf32, #tpu.memory_space<vmem>>, vector<1x16xf32>,
      %parallel_loop3A_1811 = vector.shape_cast %parallel_loop3A_1810 : vector<1x16xf32> to vector<16xf32>
      %parallel_loop3A_1812 = arith.constant 0 : i32
      %parallel_loop3A_1813 = arith.index_cast %parallel_loop3A_1812 : i32 to index
      %parallel_loop3A_1814 = arith.index_cast %parallel_loop3A_1806 : i32 to index
      %parallel_loop3A_1815 = tpu.vector_load %arg6[%parallel_loop3A_1813, %parallel_loop3A_1814] {strides = array<i32>} : memref<2x24576xf32, #tpu.memory_space<vmem>>, vector<1x16xf32>,
      %parallel_loop3A_1816 = vector.shape_cast %parallel_loop3A_1815 : vector<1x16xf32> to vector<16xf32>
      %parallel_loop3A_1817 = vector.shape_cast %parallel_loop3A_1811 : vector<16xf32> to vector<1x16xf32>
      tpu.vector_store %arg6[%parallel_loop3A_1813, %parallel_loop3A_1814], %parallel_loop3A_1817 {add = true, strides = array<i32>} : memref<2x24576xf32, #tpu.memory_space<vmem>>, vector<1x16xf32>,
    } {sc.loop_unroll_factor = 8 : i64, sc.parallel_access}
    %add3A_629 = arith.constant 64 : i32
    %add3A_630 = arith.addi %mul3A_2, %add3A_629 : i32
    %mul3A_631 = arith.constant 768 : i32
    %mul3A_632 = arith.muli %add3A_630, %mul3A_631 : i32
    %add3A_633 = arith.constant 12582912 : i32
    %add3A_634 = arith.addi %add3A_633, %mul3A_632 : i32
    %dma_start3A_635 = arith.constant 0 : i32
    %dma_start3A_636 = arith.constant 0 : i32
    %dma_start3A_637 = tpu.memref_slice %arg6[%dma_start3A_635, %dma_start3A_636] : memref<2x24576xf32, #tpu.memory_space<vmem>> -> memref<1x24576xf32, #tpu.memory_space<vmem>>
    %dma_start3A_638 = tpu.memref_squeeze %dma_start3A_637 : memref<1x24576xf32, #tpu.memory_space<vmem>> -> memref<24576xf32, #tpu.memory_space<vmem>>
    %dma_start3A_639 = tpu.memref_slice %arg4[%add3A_634] : memref<25165824xf32, #tpu.memory_space<hbm>> -> memref<24576xf32, #tpu.memory_space<hbm>>
    %dma_start3A_640 = tpu.memref_slice %arg4[%add3A_634] : memref<25165824xf32, #tpu.memory_space<hbm>> -> memref<24576xf32, #tpu.memory_space<hbm>>
    %dma_start3A_641 = arith.constant 0 : i32
    %dma_start3A_642 = tpu.memref_slice %arg6[%dma_start3A_635, %dma_start3A_641] : memref<2x24576xf32, #tpu.memory_space<vmem>> -> memref<1x24576xf32, #tpu.memory_space<vmem>>
    %dma_start3A_643 = tpu.memref_squeeze %dma_start3A_642 : memref<1x24576xf32, #tpu.memory_space<vmem>> -> memref<24576xf32, #tpu.memory_space<vmem>>
    tpu.enqueue_dma source(%dma_start3A_643 : memref<24576xf32, #tpu.memory_space<vmem>>) target(%dma_start3A_640 : memref<24576xf32, #tpu.memory_space<hbm>>) target_semaphore(%arg9 : memref<!tpu.dma_semaphore, #tpu.memory_space<semaphore_mem>>)
    %dma_wait3A_644 = arith.constant 1 : i32
    %dma_wait3A_645 = arith.constant 0 : i32
    %dma_wait3A_646 = tpu.memref_slice %arg6[%dma_wait3A_644, %dma_wait3A_645] : memref<2x24576xf32, #tpu.memory_space<vmem>> -> memref<1x24576xf32, #tpu.memory_space<vmem>>
    %dma_wait3A_647 = tpu.memref_squeeze %dma_wait3A_646 : memref<1x24576xf32, #tpu.memory_space<vmem>> -> memref<24576xf32, #tpu.memory_space<vmem>>
    %dma_wait3A_648 = tpu.memref_slice %arg2[%add3A_616] : memref<25165824xf32, #tpu.memory_space<hbm>> -> memref<24576xf32, #tpu.memory_space<hbm>>
    %dma_wait3A_649 = arith.constant 0 : i32
    %dma_wait3A_650 = tpu.memref_slice %arg6[%dma_wait3A_644, %dma_wait3A_649] : memref<2x24576xf32, #tpu.memory_space<vmem>> -> memref<1x24576xf32, #tpu.memory_space<vmem>>
    %dma_wait3A_651 = tpu.memref_squeeze %dma_wait3A_650 : memref<1x24576xf32, #tpu.memory_space<vmem>> -> memref<24576xf32, #tpu.memory_space<vmem>>
    %dma_wait3A_652 = tpu.memref_slice %arg2[%add3A_616] : memref<25165824xf32, #tpu.memory_space<hbm>> -> memref<24576xf32, #tpu.memory_space<hbm>>
    tpu.wait_dma2 semaphore(%arg8 : memref<!tpu.dma_semaphore, #tpu.memory_space<semaphore_mem>>) src(%dma_wait3A_652 : memref<24576xf32, #tpu.memory_space<hbm>>) dst(%dma_wait3A_651 : memref<24576xf32, #tpu.memory_space<vmem>>)
    %dma_wait3A_653 = arith.constant 0 : i32
    %dma_wait3A_654 = arith.constant 0 : i32
    %dma_wait3A_655 = tpu.memref_slice %arg6[%dma_wait3A_653, %dma_wait3A_654] : memref<2x24576xf32, #tpu.memory_space<vmem>> -> memref<1x24576xf32, #tpu.memory_space<vmem>>
    %dma_wait3A_656 = tpu.memref_squeeze %dma_wait3A_655 : memref<1x24576xf32, #tpu.memory_space<vmem>> -> memref<24576xf32, #tpu.memory_space<vmem>>
    %dma_wait3A_657 = tpu.memref_slice %arg4[%add3A_634] : memref<25165824xf32, #tpu.memory_space<hbm>> -> memref<24576xf32, #tpu.memory_space<hbm>>
    %dma_wait3A_658 = tpu.memref_slice %arg4[%add3A_634] : memref<25165824xf32, #tpu.memory_space<hbm>> -> memref<24576xf32, #tpu.memory_space<hbm>>
    %dma_wait3A_659 = arith.constant 0 : i32
    %dma_wait3A_660 = tpu.memref_slice %arg6[%dma_wait3A_653, %dma_wait3A_659] : memref<2x24576xf32, #tpu.memory_space<vmem>> -> memref<1x24576xf32, #tpu.memory_space<vmem>>
    %dma_wait3A_661 = tpu.memref_squeeze %dma_wait3A_660 : memref<1x24576xf32, #tpu.memory_space<vmem>> -> memref<24576xf32, #tpu.memory_space<vmem>>
    tpu.wait_dma2 semaphore(%arg9 : memref<!tpu.dma_semaphore, #tpu.memory_space<semaphore_mem>>) src(%dma_wait3A_661 : memref<24576xf32, #tpu.memory_space<vmem>>) dst(%dma_wait3A_658 : memref<24576xf32, #tpu.memory_space<hbm>>)
    %add3A_662 = arith.constant 96 : i32
    %add3A_663 = arith.addi %mul3A_2, %add3A_662 : i32
    %mul3A_664 = arith.constant 768 : i32
    %mul3A_665 = arith.muli %add3A_663, %mul3A_664 : i32
    %add3A_666 = arith.constant 0 : i32
    %add3A_667 = arith.addi %add3A_666, %mul3A_665 : i32
    %dma_start3A_668 = arith.constant 0 : i32
    %dma_start3A_669 = arith.constant 0 : i32
    %dma_start3A_670 = tpu.memref_slice %arg6[%dma_start3A_668, %dma_start3A_669] : memref<2x24576xf32, #tpu.memory_space<vmem>> -> memref<1x24576xf32, #tpu.memory_space<vmem>>
    %dma_start3A_671 = tpu.memref_squeeze %dma_start3A_670 : memref<1x24576xf32, #tpu.memory_space<vmem>> -> memref<24576xf32, #tpu.memory_space<vmem>>
    %dma_start3A_672 = tpu.memref_slice %arg2[%add3A_667] : memref<25165824xf32, #tpu.memory_space<hbm>> -> memref<24576xf32, #tpu.memory_space<hbm>>
    %dma_start3A_673 = arith.constant 0 : i32
    %dma_start3A_674 = tpu.memref_slice %arg6[%dma_start3A_668, %dma_start3A_673] : memref<2x24576xf32, #tpu.memory_space<vmem>> -> memref<1x24576xf32, #tpu.memory_space<vmem>>
    %dma_start3A_675 = tpu.memref_squeeze %dma_start3A_674 : memref<1x24576xf32, #tpu.memory_space<vmem>> -> memref<24576xf32, #tpu.memory_space<vmem>>
    %dma_start3A_676 = tpu.memref_slice %arg2[%add3A_667] : memref<25165824xf32, #tpu.memory_space<hbm>> -> memref<24576xf32, #tpu.memory_space<hbm>>
    tpu.enqueue_dma source(%dma_start3A_676 : memref<24576xf32, #tpu.memory_space<hbm>>) target(%dma_start3A_675 : memref<24576xf32, #tpu.memory_space<vmem>>) target_semaphore(%arg7 : memref<!tpu.dma_semaphore, #tpu.memory_space<semaphore_mem>>)
    %parallel_loop3A_677 = arith.constant 0 : i32
    %parallel_loop3A_678 = arith.constant 24576 : i32
    %parallel_loop3A_679 = arith.constant 16 : i32
    scf.for %parallel_loop3A_1806 = %parallel_loop3A_677 to %parallel_loop3A_678 step %parallel_loop3A_679  : i32 {
      %parallel_loop3A_1807 = arith.constant 0 : i32
      %parallel_loop3A_1808 = arith.index_cast %parallel_loop3A_1807 : i32 to index
      %parallel_loop3A_1809 = arith.index_cast %parallel_loop3A_1806 : i32 to index
      %parallel_loop3A_1810 = tpu.vector_load %arg5[%parallel_loop3A_1808, %parallel_loop3A_1809] {strides = array<i32>} : memref<2x24576xf32, #tpu.memory_space<vmem>>, vector<1x16xf32>,
      %parallel_loop3A_1811 = vector.shape_cast %parallel_loop3A_1810 : vector<1x16xf32> to vector<16xf32>
      %parallel_loop3A_1812 = arith.constant 1 : i32
      %parallel_loop3A_1813 = arith.index_cast %parallel_loop3A_1812 : i32 to index
      %parallel_loop3A_1814 = arith.index_cast %parallel_loop3A_1806 : i32 to index
      %parallel_loop3A_1815 = tpu.vector_load %arg6[%parallel_loop3A_1813, %parallel_loop3A_1814] {strides = array<i32>} : memref<2x24576xf32, #tpu.memory_space<vmem>>, vector<1x16xf32>,
      %parallel_loop3A_1816 = vector.shape_cast %parallel_loop3A_1815 : vector<1x16xf32> to vector<16xf32>
      %parallel_loop3A_1817 = vector.shape_cast %parallel_loop3A_1811 : vector<16xf32> to vector<1x16xf32>
      tpu.vector_store %arg6[%parallel_loop3A_1813, %parallel_loop3A_1814], %parallel_loop3A_1817 {add = true, strides = array<i32>} : memref<2x24576xf32, #tpu.memory_space<vmem>>, vector<1x16xf32>,
    } {sc.loop_unroll_factor = 8 : i64, sc.parallel_access}
    %add3A_680 = arith.constant 64 : i32
    %add3A_681 = arith.addi %mul3A_2, %add3A_680 : i32
    %mul3A_682 = arith.constant 768 : i32
    %mul3A_683 = arith.muli %add3A_681, %mul3A_682 : i32
    %add3A_684 = arith.constant 18874368 : i32
    %add3A_685 = arith.addi %add3A_684, %mul3A_683 : i32
    %dma_start3A_686 = arith.constant 1 : i32
    %dma_start3A_687 = arith.constant 0 : i32
    %dma_start3A_688 = tpu.memref_slice %arg6[%dma_start3A_686, %dma_start3A_687] : memref<2x24576xf32, #tpu.memory_space<vmem>> -> memref<1x24576xf32, #tpu.memory_space<vmem>>
    %dma_start3A_689 = tpu.memref_squeeze %dma_start3A_688 : memref<1x24576xf32, #tpu.memory_space<vmem>> -> memref<24576xf32, #tpu.memory_space<vmem>>
    %dma_start3A_690 = tpu.memref_slice %arg4[%add3A_685] : memref<25165824xf32, #tpu.memory_space<hbm>> -> memref<24576xf32, #tpu.memory_space<hbm>>
    %dma_start3A_691 = tpu.memref_slice %arg4[%add3A_685] : memref<25165824xf32, #tpu.memory_space<hbm>> -> memref<24576xf32, #tpu.memory_space<hbm>>
    %dma_start3A_692 = arith.constant 0 : i32
    %dma_start3A_693 = tpu.memref_slice %arg6[%dma_start3A_686, %dma_start3A_692] : memref<2x24576xf32, #tpu.memory_space<vmem>> -> memref<1x24576xf32, #tpu.memory_space<vmem>>
    %dma_start3A_694 = tpu.memref_squeeze %dma_start3A_693 : memref<1x24576xf32, #tpu.memory_space<vmem>> -> memref<24576xf32, #tpu.memory_space<vmem>>
    tpu.enqueue_dma source(%dma_start3A_694 : memref<24576xf32, #tpu.memory_space<vmem>>) target(%dma_start3A_691 : memref<24576xf32, #tpu.memory_space<hbm>>) target_semaphore(%arg10 : memref<!tpu.dma_semaphore, #tpu.memory_space<semaphore_mem>>)
    %dma_wait3A_695 = arith.constant 0 : i32
    %dma_wait3A_696 = arith.constant 0 : i32
    %dma_wait3A_697 = tpu.memref_slice %arg6[%dma_wait3A_695, %dma_wait3A_696] : memref<2x24576xf32, #tpu.memory_space<vmem>> -> memref<1x24576xf32, #tpu.memory_space<vmem>>
    %dma_wait3A_698 = tpu.memref_squeeze %dma_wait3A_697 : memref<1x24576xf32, #tpu.memory_space<vmem>> -> memref<24576xf32, #tpu.memory_space<vmem>>
    %dma_wait3A_699 = tpu.memref_slice %arg2[%add3A_667] : memref<25165824xf32, #tpu.memory_space<hbm>> -> memref<24576xf32, #tpu.memory_space<hbm>>
    %dma_wait3A_700 = arith.constant 0 : i32
    %dma_wait3A_701 = tpu.memref_slice %arg6[%dma_wait3A_695, %dma_wait3A_700] : memref<2x24576xf32, #tpu.memory_space<vmem>> -> memref<1x24576xf32, #tpu.memory_space<vmem>>
    %dma_wait3A_702 = tpu.memref_squeeze %dma_wait3A_701 : memref<1x24576xf32, #tpu.memory_space<vmem>> -> memref<24576xf32, #tpu.memory_space<vmem>>
    %dma_wait3A_703 = tpu.memref_slice %arg2[%add3A_667] : memref<25165824xf32, #tpu.memory_space<hbm>> -> memref<24576xf32, #tpu.memory_space<hbm>>
    tpu.wait_dma2 semaphore(%arg7 : memref<!tpu.dma_semaphore, #tpu.memory_space<semaphore_mem>>) src(%dma_wait3A_703 : memref<24576xf32, #tpu.memory_space<hbm>>) dst(%dma_wait3A_702 : memref<24576xf32, #tpu.memory_space<vmem>>)
    %dma_wait3A_704 = arith.constant 1 : i32
    %dma_wait3A_705 = arith.constant 0 : i32
    %dma_wait3A_706 = tpu.memref_slice %arg5[%dma_wait3A_704, %dma_wait3A_705] : memref<2x24576xf32, #tpu.memory_space<vmem>> -> memref<1x24576xf32, #tpu.memory_space<vmem>>
    %dma_wait3A_707 = tpu.memref_squeeze %dma_wait3A_706 : memref<1x24576xf32, #tpu.memory_space<vmem>> -> memref<24576xf32, #tpu.memory_space<vmem>>
    %dma_wait3A_708 = tpu.memref_slice %arg3[%mul3A_490] : memref<6291456xf32, #tpu.memory_space<hbm>> -> memref<24576xf32, #tpu.memory_space<hbm>>
    %dma_wait3A_709 = arith.constant 0 : i32
    %dma_wait3A_710 = tpu.memref_slice %arg5[%dma_wait3A_704, %dma_wait3A_709] : memref<2x24576xf32, #tpu.memory_space<vmem>> -> memref<1x24576xf32, #tpu.memory_space<vmem>>
    %dma_wait3A_711 = tpu.memref_squeeze %dma_wait3A_710 : memref<1x24576xf32, #tpu.memory_space<vmem>> -> memref<24576xf32, #tpu.memory_space<vmem>>
    %dma_wait3A_712 = tpu.memref_slice %arg3[%mul3A_490] : memref<6291456xf32, #tpu.memory_space<hbm>> -> memref<24576xf32, #tpu.memory_space<hbm>>
    tpu.wait_dma2 semaphore(%arg12 : memref<!tpu.dma_semaphore, #tpu.memory_space<semaphore_mem>>) src(%dma_wait3A_712 : memref<24576xf32, #tpu.memory_space<hbm>>) dst(%dma_wait3A_711 : memref<24576xf32, #tpu.memory_space<vmem>>)
    %add3A_713 = arith.constant 128 : i32
    %add3A_714 = arith.addi %mul3A_2, %add3A_713 : i32
    %mul3A_715 = arith.constant 768 : i32
    %mul3A_716 = arith.muli %add3A_714, %mul3A_715 : i32
    %dma_start3A_717 = arith.constant 0 : i32
    %dma_start3A_718 = arith.constant 0 : i32
    %dma_start3A_719 = tpu.memref_slice %arg5[%dma_start3A_717, %dma_start3A_718] : memref<2x24576xf32, #tpu.memory_space<vmem>> -> memref<1x24576xf32, #tpu.memory_space<vmem>>
    %dma_start3A_720 = tpu.memref_squeeze %dma_start3A_719 : memref<1x24576xf32, #tpu.memory_space<vmem>> -> memref<24576xf32, #tpu.memory_space<vmem>>
    %dma_start3A_721 = tpu.memref_slice %arg3[%mul3A_716] : memref<6291456xf32, #tpu.memory_space<hbm>> -> memref<24576xf32, #tpu.memory_space<hbm>>
    %dma_start3A_722 = arith.constant 0 : i32
    %dma_start3A_723 = tpu.memref_slice %arg5[%dma_start3A_717, %dma_start3A_722] : memref<2x24576xf32, #tpu.memory_space<vmem>> -> memref<1x24576xf32, #tpu.memory_space<vmem>>
    %dma_start3A_724 = tpu.memref_squeeze %dma_start3A_723 : memref<1x24576xf32, #tpu.memory_space<vmem>> -> memref<24576xf32, #tpu.memory_space<vmem>>
    %dma_start3A_725 = tpu.memref_slice %arg3[%mul3A_716] : memref<6291456xf32, #tpu.memory_space<hbm>> -> memref<24576xf32, #tpu.memory_space<hbm>>
    tpu.enqueue_dma source(%dma_start3A_725 : memref<24576xf32, #tpu.memory_space<hbm>>) target(%dma_start3A_724 : memref<24576xf32, #tpu.memory_space<vmem>>) target_semaphore(%arg11 : memref<!tpu.dma_semaphore, #tpu.memory_space<semaphore_mem>>)
    %dma_wait3A_726 = arith.constant 1 : i32
    %dma_wait3A_727 = arith.constant 0 : i32
    %dma_wait3A_728 = tpu.memref_slice %arg6[%dma_wait3A_726, %dma_wait3A_727] : memref<2x24576xf32, #tpu.memory_space<vmem>> -> memref<1x24576xf32, #tpu.memory_space<vmem>>
    %dma_wait3A_729 = tpu.memref_squeeze %dma_wait3A_728 : memref<1x24576xf32, #tpu.memory_space<vmem>> -> memref<24576xf32, #tpu.memory_space<vmem>>
    %dma_wait3A_730 = tpu.memref_slice %arg4[%add3A_685] : memref<25165824xf32, #tpu.memory_space<hbm>> -> memref<24576xf32, #tpu.memory_space<hbm>>
    %dma_wait3A_731 = tpu.memref_slice %arg4[%add3A_685] : memref<25165824xf32, #tpu.memory_space<hbm>> -> memref<24576xf32, #tpu.memory_space<hbm>>
    %dma_wait3A_732 = arith.constant 0 : i32
    %dma_wait3A_733 = tpu.memref_slice %arg6[%dma_wait3A_726, %dma_wait3A_732] : memref<2x24576xf32, #tpu.memory_space<vmem>> -> memref<1x24576xf32, #tpu.memory_space<vmem>>
    %dma_wait3A_734 = tpu.memref_squeeze %dma_wait3A_733 : memref<1x24576xf32, #tpu.memory_space<vmem>> -> memref<24576xf32, #tpu.memory_space<vmem>>
    tpu.wait_dma2 semaphore(%arg10 : memref<!tpu.dma_semaphore, #tpu.memory_space<semaphore_mem>>) src(%dma_wait3A_734 : memref<24576xf32, #tpu.memory_space<vmem>>) dst(%dma_wait3A_731 : memref<24576xf32, #tpu.memory_space<hbm>>)
    %add3A_735 = arith.constant 96 : i32
    %add3A_736 = arith.addi %mul3A_2, %add3A_735 : i32
    %mul3A_737 = arith.constant 768 : i32
    %mul3A_738 = arith.muli %add3A_736, %mul3A_737 : i32
    %add3A_739 = arith.constant 6291456 : i32
    %add3A_740 = arith.addi %add3A_739, %mul3A_738 : i32
    %dma_start3A_741 = arith.constant 1 : i32
    %dma_start3A_742 = arith.constant 0 : i32
    %dma_start3A_743 = tpu.memref_slice %arg6[%dma_start3A_741, %dma_start3A_742] : memref<2x24576xf32, #tpu.memory_space<vmem>> -> memref<1x24576xf32, #tpu.memory_space<vmem>>
    %dma_start3A_744 = tpu.memref_squeeze %dma_start3A_743 : memref<1x24576xf32, #tpu.memory_space<vmem>> -> memref<24576xf32, #tpu.memory_space<vmem>>
    %dma_start3A_745 = tpu.memref_slice %arg2[%add3A_740] : memref<25165824xf32, #tpu.memory_space<hbm>> -> memref<24576xf32, #tpu.memory_space<hbm>>
    %dma_start3A_746 = arith.constant 0 : i32
    %dma_start3A_747 = tpu.memref_slice %arg6[%dma_start3A_741, %dma_start3A_746] : memref<2x24576xf32, #tpu.memory_space<vmem>> -> memref<1x24576xf32, #tpu.memory_space<vmem>>
    %dma_start3A_748 = tpu.memref_squeeze %dma_start3A_747 : memref<1x24576xf32, #tpu.memory_space<vmem>> -> memref<24576xf32, #tpu.memory_space<vmem>>
    %dma_start3A_749 = tpu.memref_slice %arg2[%add3A_740] : memref<25165824xf32, #tpu.memory_space<hbm>> -> memref<24576xf32, #tpu.memory_space<hbm>>
    tpu.enqueue_dma source(%dma_start3A_749 : memref<24576xf32, #tpu.memory_space<hbm>>) target(%dma_start3A_748 : memref<24576xf32, #tpu.memory_space<vmem>>) target_semaphore(%arg8 : memref<!tpu.dma_semaphore, #tpu.memory_space<semaphore_mem>>)
    %parallel_loop3A_750 = arith.constant 0 : i32
    %parallel_loop3A_751 = arith.constant 24576 : i32
    %parallel_loop3A_752 = arith.constant 16 : i32
    scf.for %parallel_loop3A_1806 = %parallel_loop3A_750 to %parallel_loop3A_751 step %parallel_loop3A_752  : i32 {
      %parallel_loop3A_1807 = arith.constant 1 : i32
      %parallel_loop3A_1808 = arith.index_cast %parallel_loop3A_1807 : i32 to index
      %parallel_loop3A_1809 = arith.index_cast %parallel_loop3A_1806 : i32 to index
      %parallel_loop3A_1810 = tpu.vector_load %arg5[%parallel_loop3A_1808, %parallel_loop3A_1809] {strides = array<i32>} : memref<2x24576xf32, #tpu.memory_space<vmem>>, vector<1x16xf32>,
      %parallel_loop3A_1811 = vector.shape_cast %parallel_loop3A_1810 : vector<1x16xf32> to vector<16xf32>
      %parallel_loop3A_1812 = arith.constant 0 : i32
      %parallel_loop3A_1813 = arith.index_cast %parallel_loop3A_1812 : i32 to index
      %parallel_loop3A_1814 = arith.index_cast %parallel_loop3A_1806 : i32 to index
      %parallel_loop3A_1815 = tpu.vector_load %arg6[%parallel_loop3A_1813, %parallel_loop3A_1814] {strides = array<i32>} : memref<2x24576xf32, #tpu.memory_space<vmem>>, vector<1x16xf32>,
      %parallel_loop3A_1816 = vector.shape_cast %parallel_loop3A_1815 : vector<1x16xf32> to vector<16xf32>
      %parallel_loop3A_1817 = vector.shape_cast %parallel_loop3A_1811 : vector<16xf32> to vector<1x16xf32>
      tpu.vector_store %arg6[%parallel_loop3A_1813, %parallel_loop3A_1814], %parallel_loop3A_1817 {add = true, strides = array<i32>} : memref<2x24576xf32, #tpu.memory_space<vmem>>, vector<1x16xf32>,
    } {sc.loop_unroll_factor = 8 : i64, sc.parallel_access}
    %add3A_753 = arith.constant 96 : i32
    %add3A_754 = arith.addi %mul3A_2, %add3A_753 : i32
    %mul3A_755 = arith.constant 768 : i32
    %mul3A_756 = arith.muli %add3A_754, %mul3A_755 : i32
    %add3A_757 = arith.constant 0 : i32
    %add3A_758 = arith.addi %add3A_757, %mul3A_756 : i32
    %dma_start3A_759 = arith.constant 0 : i32
    %dma_start3A_760 = arith.constant 0 : i32
    %dma_start3A_761 = tpu.memref_slice %arg6[%dma_start3A_759, %dma_start3A_760] : memref<2x24576xf32, #tpu.memory_space<vmem>> -> memref<1x24576xf32, #tpu.memory_space<vmem>>
    %dma_start3A_762 = tpu.memref_squeeze %dma_start3A_761 : memref<1x24576xf32, #tpu.memory_space<vmem>> -> memref<24576xf32, #tpu.memory_space<vmem>>
    %dma_start3A_763 = tpu.memref_slice %arg4[%add3A_758] : memref<25165824xf32, #tpu.memory_space<hbm>> -> memref<24576xf32, #tpu.memory_space<hbm>>
    %dma_start3A_764 = tpu.memref_slice %arg4[%add3A_758] : memref<25165824xf32, #tpu.memory_space<hbm>> -> memref<24576xf32, #tpu.memory_space<hbm>>
    %dma_start3A_765 = arith.constant 0 : i32
    %dma_start3A_766 = tpu.memref_slice %arg6[%dma_start3A_759, %dma_start3A_765] : memref<2x24576xf32, #tpu.memory_space<vmem>> -> memref<1x24576xf32, #tpu.memory_space<vmem>>
    %dma_start3A_767 = tpu.memref_squeeze %dma_start3A_766 : memref<1x24576xf32, #tpu.memory_space<vmem>> -> memref<24576xf32, #tpu.memory_space<vmem>>
    tpu.enqueue_dma source(%dma_start3A_767 : memref<24576xf32, #tpu.memory_space<vmem>>) target(%dma_start3A_764 : memref<24576xf32, #tpu.memory_space<hbm>>) target_semaphore(%arg9 : memref<!tpu.dma_semaphore, #tpu.memory_space<semaphore_mem>>)
    %dma_wait3A_768 = arith.constant 1 : i32
    %dma_wait3A_769 = arith.constant 0 : i32
    %dma_wait3A_770 = tpu.memref_slice %arg6[%dma_wait3A_768, %dma_wait3A_769] : memref<2x24576xf32, #tpu.memory_space<vmem>> -> memref<1x24576xf32, #tpu.memory_space<vmem>>
    %dma_wait3A_771 = tpu.memref_squeeze %dma_wait3A_770 : memref<1x24576xf32, #tpu.memory_space<vmem>> -> memref<24576xf32, #tpu.memory_space<vmem>>
    %dma_wait3A_772 = tpu.memref_slice %arg2[%add3A_740] : memref<25165824xf32, #tpu.memory_space<hbm>> -> memref<24576xf32, #tpu.memory_space<hbm>>
    %dma_wait3A_773 = arith.constant 0 : i32
    %dma_wait3A_774 = tpu.memref_slice %arg6[%dma_wait3A_768, %dma_wait3A_773] : memref<2x24576xf32, #tpu.memory_space<vmem>> -> memref<1x24576xf32, #tpu.memory_space<vmem>>
    %dma_wait3A_775 = tpu.memref_squeeze %dma_wait3A_774 : memref<1x24576xf32, #tpu.memory_space<vmem>> -> memref<24576xf32, #tpu.memory_space<vmem>>
    %dma_wait3A_776 = tpu.memref_slice %arg2[%add3A_740] : memref<25165824xf32, #tpu.memory_space<hbm>> -> memref<24576xf32, #tpu.memory_space<hbm>>
    tpu.wait_dma2 semaphore(%arg8 : memref<!tpu.dma_semaphore, #tpu.memory_space<semaphore_mem>>) src(%dma_wait3A_776 : memref<24576xf32, #tpu.memory_space<hbm>>) dst(%dma_wait3A_775 : memref<24576xf32, #tpu.memory_space<vmem>>)
    %dma_wait3A_777 = arith.constant 0 : i32
    %dma_wait3A_778 = arith.constant 0 : i32
    %dma_wait3A_779 = tpu.memref_slice %arg6[%dma_wait3A_777, %dma_wait3A_778] : memref<2x24576xf32, #tpu.memory_space<vmem>> -> memref<1x24576xf32, #tpu.memory_space<vmem>>
    %dma_wait3A_780 = tpu.memref_squeeze %dma_wait3A_779 : memref<1x24576xf32, #tpu.memory_space<vmem>> -> memref<24576xf32, #tpu.memory_space<vmem>>
    %dma_wait3A_781 = tpu.memref_slice %arg4[%add3A_758] : memref<25165824xf32, #tpu.memory_space<hbm>> -> memref<24576xf32, #tpu.memory_space<hbm>>
    %dma_wait3A_782 = tpu.memref_slice %arg4[%add3A_758] : memref<25165824xf32, #tpu.memory_space<hbm>> -> memref<24576xf32, #tpu.memory_space<hbm>>
    %dma_wait3A_783 = arith.constant 0 : i32
    %dma_wait3A_784 = tpu.memref_slice %arg6[%dma_wait3A_777, %dma_wait3A_783] : memref<2x24576xf32, #tpu.memory_space<vmem>> -> memref<1x24576xf32, #tpu.memory_space<vmem>>
    %dma_wait3A_785 = tpu.memref_squeeze %dma_wait3A_784 : memref<1x24576xf32, #tpu.memory_space<vmem>> -> memref<24576xf32, #tpu.memory_space<vmem>>
    tpu.wait_dma2 semaphore(%arg9 : memref<!tpu.dma_semaphore, #tpu.memory_space<semaphore_mem>>) src(%dma_wait3A_785 : memref<24576xf32, #tpu.memory_space<vmem>>) dst(%dma_wait3A_782 : memref<24576xf32, #tpu.memory_space<hbm>>)
    %add3A_786 = arith.constant 96 : i32
    %add3A_787 = arith.addi %mul3A_2, %add3A_786 : i32
    %mul3A_788 = arith.constant 768 : i32
    %mul3A_789 = arith.muli %add3A_787, %mul3A_788 : i32
    %add3A_790 = arith.constant 12582912 : i32
    %add3A_791 = arith.addi %add3A_790, %mul3A_789 : i32
    %dma_start3A_792 = arith.constant 0 : i32
    %dma_start3A_793 = arith.constant 0 : i32
    %dma_start3A_794 = tpu.memref_slice %arg6[%dma_start3A_792, %dma_start3A_793] : memref<2x24576xf32, #tpu.memory_space<vmem>> -> memref<1x24576xf32, #tpu.memory_space<vmem>>
    %dma_start3A_795 = tpu.memref_squeeze %dma_start3A_794 : memref<1x24576xf32, #tpu.memory_space<vmem>> -> memref<24576xf32, #tpu.memory_space<vmem>>
    %dma_start3A_796 = tpu.memref_slice %arg2[%add3A_791] : memref<25165824xf32, #tpu.memory_space<hbm>> -> memref<24576xf32, #tpu.memory_space<hbm>>
    %dma_start3A_797 = arith.constant 0 : i32
    %dma_start3A_798 = tpu.memref_slice %arg6[%dma_start3A_792, %dma_start3A_797] : memref<2x24576xf32, #tpu.memory_space<vmem>> -> memref<1x24576xf32, #tpu.memory_space<vmem>>
    %dma_start3A_799 = tpu.memref_squeeze %dma_start3A_798 : memref<1x24576xf32, #tpu.memory_space<vmem>> -> memref<24576xf32, #tpu.memory_space<vmem>>
    %dma_start3A_800 = tpu.memref_slice %arg2[%add3A_791] : memref<25165824xf32, #tpu.memory_space<hbm>> -> memref<24576xf32, #tpu.memory_space<hbm>>
    tpu.enqueue_dma source(%dma_start3A_800 : memref<24576xf32, #tpu.memory_space<hbm>>) target(%dma_start3A_799 : memref<24576xf32, #tpu.memory_space<vmem>>) target_semaphore(%arg7 : memref<!tpu.dma_semaphore, #tpu.memory_space<semaphore_mem>>)
    %parallel_loop3A_801 = arith.constant 0 : i32
    %parallel_loop3A_802 = arith.constant 24576 : i32
    %parallel_loop3A_803 = arith.constant 16 : i32
    scf.for %parallel_loop3A_1806 = %parallel_loop3A_801 to %parallel_loop3A_802 step %parallel_loop3A_803  : i32 {
      %parallel_loop3A_1807 = arith.constant 1 : i32
      %parallel_loop3A_1808 = arith.index_cast %parallel_loop3A_1807 : i32 to index
      %parallel_loop3A_1809 = arith.index_cast %parallel_loop3A_1806 : i32 to index
      %parallel_loop3A_1810 = tpu.vector_load %arg5[%parallel_loop3A_1808, %parallel_loop3A_1809] {strides = array<i32>} : memref<2x24576xf32, #tpu.memory_space<vmem>>, vector<1x16xf32>,
      %parallel_loop3A_1811 = vector.shape_cast %parallel_loop3A_1810 : vector<1x16xf32> to vector<16xf32>
      %parallel_loop3A_1812 = arith.constant 1 : i32
      %parallel_loop3A_1813 = arith.index_cast %parallel_loop3A_1812 : i32 to index
      %parallel_loop3A_1814 = arith.index_cast %parallel_loop3A_1806 : i32 to index
      %parallel_loop3A_1815 = tpu.vector_load %arg6[%parallel_loop3A_1813, %parallel_loop3A_1814] {strides = array<i32>} : memref<2x24576xf32, #tpu.memory_space<vmem>>, vector<1x16xf32>,
      %parallel_loop3A_1816 = vector.shape_cast %parallel_loop3A_1815 : vector<1x16xf32> to vector<16xf32>
      %parallel_loop3A_1817 = vector.shape_cast %parallel_loop3A_1811 : vector<16xf32> to vector<1x16xf32>
      tpu.vector_store %arg6[%parallel_loop3A_1813, %parallel_loop3A_1814], %parallel_loop3A_1817 {add = true, strides = array<i32>} : memref<2x24576xf32, #tpu.memory_space<vmem>>, vector<1x16xf32>,
    } {sc.loop_unroll_factor = 8 : i64, sc.parallel_access}
    %add3A_804 = arith.constant 96 : i32
    %add3A_805 = arith.addi %mul3A_2, %add3A_804 : i32
    %mul3A_806 = arith.constant 768 : i32
    %mul3A_807 = arith.muli %add3A_805, %mul3A_806 : i32
    %add3A_808 = arith.constant 6291456 : i32
    %add3A_809 = arith.addi %add3A_808, %mul3A_807 : i32
    %dma_start3A_810 = arith.constant 1 : i32
    %dma_start3A_811 = arith.constant 0 : i32
    %dma_start3A_812 = tpu.memref_slice %arg6[%dma_start3A_810, %dma_start3A_811] : memref<2x24576xf32, #tpu.memory_space<vmem>> -> memref<1x24576xf32, #tpu.memory_space<vmem>>
    %dma_start3A_813 = tpu.memref_squeeze %dma_start3A_812 : memref<1x24576xf32, #tpu.memory_space<vmem>> -> memref<24576xf32, #tpu.memory_space<vmem>>
    %dma_start3A_814 = tpu.memref_slice %arg4[%add3A_809] : memref<25165824xf32, #tpu.memory_space<hbm>> -> memref<24576xf32, #tpu.memory_space<hbm>>
    %dma_start3A_815 = tpu.memref_slice %arg4[%add3A_809] : memref<25165824xf32, #tpu.memory_space<hbm>> -> memref<24576xf32, #tpu.memory_space<hbm>>
    %dma_start3A_816 = arith.constant 0 : i32
    %dma_start3A_817 = tpu.memref_slice %arg6[%dma_start3A_810, %dma_start3A_816] : memref<2x24576xf32, #tpu.memory_space<vmem>> -> memref<1x24576xf32, #tpu.memory_space<vmem>>
    %dma_start3A_818 = tpu.memref_squeeze %dma_start3A_817 : memref<1x24576xf32, #tpu.memory_space<vmem>> -> memref<24576xf32, #tpu.memory_space<vmem>>
    tpu.enqueue_dma source(%dma_start3A_818 : memref<24576xf32, #tpu.memory_space<vmem>>) target(%dma_start3A_815 : memref<24576xf32, #tpu.memory_space<hbm>>) target_semaphore(%arg10 : memref<!tpu.dma_semaphore, #tpu.memory_space<semaphore_mem>>)
    %dma_wait3A_819 = arith.constant 0 : i32
    %dma_wait3A_820 = arith.constant 0 : i32
    %dma_wait3A_821 = tpu.memref_slice %arg6[%dma_wait3A_819, %dma_wait3A_820] : memref<2x24576xf32, #tpu.memory_space<vmem>> -> memref<1x24576xf32, #tpu.memory_space<vmem>>
    %dma_wait3A_822 = tpu.memref_squeeze %dma_wait3A_821 : memref<1x24576xf32, #tpu.memory_space<vmem>> -> memref<24576xf32, #tpu.memory_space<vmem>>
    %dma_wait3A_823 = tpu.memref_slice %arg2[%add3A_791] : memref<25165824xf32, #tpu.memory_space<hbm>> -> memref<24576xf32, #tpu.memory_space<hbm>>
    %dma_wait3A_824 = arith.constant 0 : i32
    %dma_wait3A_825 = tpu.memref_slice %arg6[%dma_wait3A_819, %dma_wait3A_824] : memref<2x24576xf32, #tpu.memory_space<vmem>> -> memref<1x24576xf32, #tpu.memory_space<vmem>>
    %dma_wait3A_826 = tpu.memref_squeeze %dma_wait3A_825 : memref<1x24576xf32, #tpu.memory_space<vmem>> -> memref<24576xf32, #tpu.memory_space<vmem>>
    %dma_wait3A_827 = tpu.memref_slice %arg2[%add3A_791] : memref<25165824xf32, #tpu.memory_space<hbm>> -> memref<24576xf32, #tpu.memory_space<hbm>>
    tpu.wait_dma2 semaphore(%arg7 : memref<!tpu.dma_semaphore, #tpu.memory_space<semaphore_mem>>) src(%dma_wait3A_827 : memref<24576xf32, #tpu.memory_space<hbm>>) dst(%dma_wait3A_826 : memref<24576xf32, #tpu.memory_space<vmem>>)
    %dma_wait3A_828 = arith.constant 1 : i32
    %dma_wait3A_829 = arith.constant 0 : i32
    %dma_wait3A_830 = tpu.memref_slice %arg6[%dma_wait3A_828, %dma_wait3A_829] : memref<2x24576xf32, #tpu.memory_space<vmem>> -> memref<1x24576xf32, #tpu.memory_space<vmem>>
    %dma_wait3A_831 = tpu.memref_squeeze %dma_wait3A_830 : memref<1x24576xf32, #tpu.memory_space<vmem>> -> memref<24576xf32, #tpu.memory_space<vmem>>
    %dma_wait3A_832 = tpu.memref_slice %arg4[%add3A_809] : memref<25165824xf32, #tpu.memory_space<hbm>> -> memref<24576xf32, #tpu.memory_space<hbm>>
    %dma_wait3A_833 = tpu.memref_slice %arg4[%add3A_809] : memref<25165824xf32, #tpu.memory_space<hbm>> -> memref<24576xf32, #tpu.memory_space<hbm>>
    %dma_wait3A_834 = arith.constant 0 : i32
    %dma_wait3A_835 = tpu.memref_slice %arg6[%dma_wait3A_828, %dma_wait3A_834] : memref<2x24576xf32, #tpu.memory_space<vmem>> -> memref<1x24576xf32, #tpu.memory_space<vmem>>
    %dma_wait3A_836 = tpu.memref_squeeze %dma_wait3A_835 : memref<1x24576xf32, #tpu.memory_space<vmem>> -> memref<24576xf32, #tpu.memory_space<vmem>>
    tpu.wait_dma2 semaphore(%arg10 : memref<!tpu.dma_semaphore, #tpu.memory_space<semaphore_mem>>) src(%dma_wait3A_836 : memref<24576xf32, #tpu.memory_space<vmem>>) dst(%dma_wait3A_833 : memref<24576xf32, #tpu.memory_space<hbm>>)
    %add3A_837 = arith.constant 96 : i32
    %add3A_838 = arith.addi %mul3A_2, %add3A_837 : i32
    %mul3A_839 = arith.constant 768 : i32
    %mul3A_840 = arith.muli %add3A_838, %mul3A_839 : i32
    %add3A_841 = arith.constant 18874368 : i32
    %add3A_842 = arith.addi %add3A_841, %mul3A_840 : i32
    %dma_start3A_843 = arith.constant 1 : i32
    %dma_start3A_844 = arith.constant 0 : i32
    %dma_start3A_845 = tpu.memref_slice %arg6[%dma_start3A_843, %dma_start3A_844] : memref<2x24576xf32, #tpu.memory_space<vmem>> -> memref<1x24576xf32, #tpu.memory_space<vmem>>
    %dma_start3A_846 = tpu.memref_squeeze %dma_start3A_845 : memref<1x24576xf32, #tpu.memory_space<vmem>> -> memref<24576xf32, #tpu.memory_space<vmem>>
    %dma_start3A_847 = tpu.memref_slice %arg2[%add3A_842] : memref<25165824xf32, #tpu.memory_space<hbm>> -> memref<24576xf32, #tpu.memory_space<hbm>>
    %dma_start3A_848 = arith.constant 0 : i32
    %dma_start3A_849 = tpu.memref_slice %arg6[%dma_start3A_843, %dma_start3A_848] : memref<2x24576xf32, #tpu.memory_space<vmem>> -> memref<1x24576xf32, #tpu.memory_space<vmem>>
    %dma_start3A_850 = tpu.memref_squeeze %dma_start3A_849 : memref<1x24576xf32, #tpu.memory_space<vmem>> -> memref<24576xf32, #tpu.memory_space<vmem>>
    %dma_start3A_851 = tpu.memref_slice %arg2[%add3A_842] : memref<25165824xf32, #tpu.memory_space<hbm>> -> memref<24576xf32, #tpu.memory_space<hbm>>
    tpu.enqueue_dma source(%dma_start3A_851 : memref<24576xf32, #tpu.memory_space<hbm>>) target(%dma_start3A_850 : memref<24576xf32, #tpu.memory_space<vmem>>) target_semaphore(%arg8 : memref<!tpu.dma_semaphore, #tpu.memory_space<semaphore_mem>>)
    %parallel_loop3A_852 = arith.constant 0 : i32
    %parallel_loop3A_853 = arith.constant 24576 : i32
    %parallel_loop3A_854 = arith.constant 16 : i32
    scf.for %parallel_loop3A_1806 = %parallel_loop3A_852 to %parallel_loop3A_853 step %parallel_loop3A_854  : i32 {
      %parallel_loop3A_1807 = arith.constant 1 : i32
      %parallel_loop3A_1808 = arith.index_cast %parallel_loop3A_1807 : i32 to index
      %parallel_loop3A_1809 = arith.index_cast %parallel_loop3A_1806 : i32 to index
      %parallel_loop3A_1810 = tpu.vector_load %arg5[%parallel_loop3A_1808, %parallel_loop3A_1809] {strides = array<i32>} : memref<2x24576xf32, #tpu.memory_space<vmem>>, vector<1x16xf32>,
      %parallel_loop3A_1811 = vector.shape_cast %parallel_loop3A_1810 : vector<1x16xf32> to vector<16xf32>
      %parallel_loop3A_1812 = arith.constant 0 : i32
      %parallel_loop3A_1813 = arith.index_cast %parallel_loop3A_1812 : i32 to index
      %parallel_loop3A_1814 = arith.index_cast %parallel_loop3A_1806 : i32 to index
      %parallel_loop3A_1815 = tpu.vector_load %arg6[%parallel_loop3A_1813, %parallel_loop3A_1814] {strides = array<i32>} : memref<2x24576xf32, #tpu.memory_space<vmem>>, vector<1x16xf32>,
      %parallel_loop3A_1816 = vector.shape_cast %parallel_loop3A_1815 : vector<1x16xf32> to vector<16xf32>
      %parallel_loop3A_1817 = vector.shape_cast %parallel_loop3A_1811 : vector<16xf32> to vector<1x16xf32>
      tpu.vector_store %arg6[%parallel_loop3A_1813, %parallel_loop3A_1814], %parallel_loop3A_1817 {add = true, strides = array<i32>} : memref<2x24576xf32, #tpu.memory_space<vmem>>, vector<1x16xf32>,
    } {sc.loop_unroll_factor = 8 : i64, sc.parallel_access}
    %add3A_855 = arith.constant 96 : i32
    %add3A_856 = arith.addi %mul3A_2, %add3A_855 : i32
    %mul3A_857 = arith.constant 768 : i32
    %mul3A_858 = arith.muli %add3A_856, %mul3A_857 : i32
    %add3A_859 = arith.constant 12582912 : i32
    %add3A_860 = arith.addi %add3A_859, %mul3A_858 : i32
    %dma_start3A_861 = arith.constant 0 : i32
    %dma_start3A_862 = arith.constant 0 : i32
    %dma_start3A_863 = tpu.memref_slice %arg6[%dma_start3A_861, %dma_start3A_862] : memref<2x24576xf32, #tpu.memory_space<vmem>> -> memref<1x24576xf32, #tpu.memory_space<vmem>>
    %dma_start3A_864 = tpu.memref_squeeze %dma_start3A_863 : memref<1x24576xf32, #tpu.memory_space<vmem>> -> memref<24576xf32, #tpu.memory_space<vmem>>
    %dma_start3A_865 = tpu.memref_slice %arg4[%add3A_860] : memref<25165824xf32, #tpu.memory_space<hbm>> -> memref<24576xf32, #tpu.memory_space<hbm>>
    %dma_start3A_866 = tpu.memref_slice %arg4[%add3A_860] : memref<25165824xf32, #tpu.memory_space<hbm>> -> memref<24576xf32, #tpu.memory_space<hbm>>
    %dma_start3A_867 = arith.constant 0 : i32
    %dma_start3A_868 = tpu.memref_slice %arg6[%dma_start3A_861, %dma_start3A_867] : memref<2x24576xf32, #tpu.memory_space<vmem>> -> memref<1x24576xf32, #tpu.memory_space<vmem>>
    %dma_start3A_869 = tpu.memref_squeeze %dma_start3A_868 : memref<1x24576xf32, #tpu.memory_space<vmem>> -> memref<24576xf32, #tpu.memory_space<vmem>>
    tpu.enqueue_dma source(%dma_start3A_869 : memref<24576xf32, #tpu.memory_space<vmem>>) target(%dma_start3A_866 : memref<24576xf32, #tpu.memory_space<hbm>>) target_semaphore(%arg9 : memref<!tpu.dma_semaphore, #tpu.memory_space<semaphore_mem>>)
    %dma_wait3A_870 = arith.constant 1 : i32
    %dma_wait3A_871 = arith.constant 0 : i32
    %dma_wait3A_872 = tpu.memref_slice %arg6[%dma_wait3A_870, %dma_wait3A_871] : memref<2x24576xf32, #tpu.memory_space<vmem>> -> memref<1x24576xf32, #tpu.memory_space<vmem>>
    %dma_wait3A_873 = tpu.memref_squeeze %dma_wait3A_872 : memref<1x24576xf32, #tpu.memory_space<vmem>> -> memref<24576xf32, #tpu.memory_space<vmem>>
    %dma_wait3A_874 = tpu.memref_slice %arg2[%add3A_842] : memref<25165824xf32, #tpu.memory_space<hbm>> -> memref<24576xf32, #tpu.memory_space<hbm>>
    %dma_wait3A_875 = arith.constant 0 : i32
    %dma_wait3A_876 = tpu.memref_slice %arg6[%dma_wait3A_870, %dma_wait3A_875] : memref<2x24576xf32, #tpu.memory_space<vmem>> -> memref<1x24576xf32, #tpu.memory_space<vmem>>
    %dma_wait3A_877 = tpu.memref_squeeze %dma_wait3A_876 : memref<1x24576xf32, #tpu.memory_space<vmem>> -> memref<24576xf32, #tpu.memory_space<vmem>>
    %dma_wait3A_878 = tpu.memref_slice %arg2[%add3A_842] : memref<25165824xf32, #tpu.memory_space<hbm>> -> memref<24576xf32, #tpu.memory_space<hbm>>
    tpu.wait_dma2 semaphore(%arg8 : memref<!tpu.dma_semaphore, #tpu.memory_space<semaphore_mem>>) src(%dma_wait3A_878 : memref<24576xf32, #tpu.memory_space<hbm>>) dst(%dma_wait3A_877 : memref<24576xf32, #tpu.memory_space<vmem>>)
    %dma_wait3A_879 = arith.constant 0 : i32
    %dma_wait3A_880 = arith.constant 0 : i32
    %dma_wait3A_881 = tpu.memref_slice %arg6[%dma_wait3A_879, %dma_wait3A_880] : memref<2x24576xf32, #tpu.memory_space<vmem>> -> memref<1x24576xf32, #tpu.memory_space<vmem>>
    %dma_wait3A_882 = tpu.memref_squeeze %dma_wait3A_881 : memref<1x24576xf32, #tpu.memory_space<vmem>> -> memref<24576xf32, #tpu.memory_space<vmem>>
    %dma_wait3A_883 = tpu.memref_slice %arg4[%add3A_860] : memref<25165824xf32, #tpu.memory_space<hbm>> -> memref<24576xf32, #tpu.memory_space<hbm>>
    %dma_wait3A_884 = tpu.memref_slice %arg4[%add3A_860] : memref<25165824xf32, #tpu.memory_space<hbm>> -> memref<24576xf32, #tpu.memory_space<hbm>>
    %dma_wait3A_885 = arith.constant 0 : i32
    %dma_wait3A_886 = tpu.memref_slice %arg6[%dma_wait3A_879, %dma_wait3A_885] : memref<2x24576xf32, #tpu.memory_space<vmem>> -> memref<1x24576xf32, #tpu.memory_space<vmem>>
    %dma_wait3A_887 = tpu.memref_squeeze %dma_wait3A_886 : memref<1x24576xf32, #tpu.memory_space<vmem>> -> memref<24576xf32, #tpu.memory_space<vmem>>
    tpu.wait_dma2 semaphore(%arg9 : memref<!tpu.dma_semaphore, #tpu.memory_space<semaphore_mem>>) src(%dma_wait3A_887 : memref<24576xf32, #tpu.memory_space<vmem>>) dst(%dma_wait3A_884 : memref<24576xf32, #tpu.memory_space<hbm>>)
    %add3A_888 = arith.constant 128 : i32
    %add3A_889 = arith.addi %mul3A_2, %add3A_888 : i32
    %mul3A_890 = arith.constant 768 : i32
    %mul3A_891 = arith.muli %add3A_889, %mul3A_890 : i32
    %add3A_892 = arith.constant 0 : i32
    %add3A_893 = arith.addi %add3A_892, %mul3A_891 : i32
    %dma_start3A_894 = arith.constant 0 : i32
    %dma_start3A_895 = arith.constant 0 : i32
    %dma_start3A_896 = tpu.memref_slice %arg6[%dma_start3A_894, %dma_start3A_895] : memref<2x24576xf32, #tpu.memory_space<vmem>> -> memref<1x24576xf32, #tpu.memory_space<vmem>>
    %dma_start3A_897 = tpu.memref_squeeze %dma_start3A_896 : memref<1x24576xf32, #tpu.memory_space<vmem>> -> memref<24576xf32, #tpu.memory_space<vmem>>
    %dma_start3A_898 = tpu.memref_slice %arg2[%add3A_893] : memref<25165824xf32, #tpu.memory_space<hbm>> -> memref<24576xf32, #tpu.memory_space<hbm>>
    %dma_start3A_899 = arith.constant 0 : i32
    %dma_start3A_900 = tpu.memref_slice %arg6[%dma_start3A_894, %dma_start3A_899] : memref<2x24576xf32, #tpu.memory_space<vmem>> -> memref<1x24576xf32, #tpu.memory_space<vmem>>
    %dma_start3A_901 = tpu.memref_squeeze %dma_start3A_900 : memref<1x24576xf32, #tpu.memory_space<vmem>> -> memref<24576xf32, #tpu.memory_space<vmem>>
    %dma_start3A_902 = tpu.memref_slice %arg2[%add3A_893] : memref<25165824xf32, #tpu.memory_space<hbm>> -> memref<24576xf32, #tpu.memory_space<hbm>>
    tpu.enqueue_dma source(%dma_start3A_902 : memref<24576xf32, #tpu.memory_space<hbm>>) target(%dma_start3A_901 : memref<24576xf32, #tpu.memory_space<vmem>>) target_semaphore(%arg7 : memref<!tpu.dma_semaphore, #tpu.memory_space<semaphore_mem>>)
    %parallel_loop3A_903 = arith.constant 0 : i32
    %parallel_loop3A_904 = arith.constant 24576 : i32
    %parallel_loop3A_905 = arith.constant 16 : i32
    scf.for %parallel_loop3A_1806 = %parallel_loop3A_903 to %parallel_loop3A_904 step %parallel_loop3A_905  : i32 {
      %parallel_loop3A_1807 = arith.constant 1 : i32
      %parallel_loop3A_1808 = arith.index_cast %parallel_loop3A_1807 : i32 to index
      %parallel_loop3A_1809 = arith.index_cast %parallel_loop3A_1806 : i32 to index
      %parallel_loop3A_1810 = tpu.vector_load %arg5[%parallel_loop3A_1808, %parallel_loop3A_1809] {strides = array<i32>} : memref<2x24576xf32, #tpu.memory_space<vmem>>, vector<1x16xf32>,
      %parallel_loop3A_1811 = vector.shape_cast %parallel_loop3A_1810 : vector<1x16xf32> to vector<16xf32>
      %parallel_loop3A_1812 = arith.constant 1 : i32
      %parallel_loop3A_1813 = arith.index_cast %parallel_loop3A_1812 : i32 to index
      %parallel_loop3A_1814 = arith.index_cast %parallel_loop3A_1806 : i32 to index
      %parallel_loop3A_1815 = tpu.vector_load %arg6[%parallel_loop3A_1813, %parallel_loop3A_1814] {strides = array<i32>} : memref<2x24576xf32, #tpu.memory_space<vmem>>, vector<1x16xf32>,
      %parallel_loop3A_1816 = vector.shape_cast %parallel_loop3A_1815 : vector<1x16xf32> to vector<16xf32>
      %parallel_loop3A_1817 = vector.shape_cast %parallel_loop3A_1811 : vector<16xf32> to vector<1x16xf32>
      tpu.vector_store %arg6[%parallel_loop3A_1813, %parallel_loop3A_1814], %parallel_loop3A_1817 {add = true, strides = array<i32>} : memref<2x24576xf32, #tpu.memory_space<vmem>>, vector<1x16xf32>,
    } {sc.loop_unroll_factor = 8 : i64, sc.parallel_access}
    %add3A_906 = arith.constant 96 : i32
    %add3A_907 = arith.addi %mul3A_2, %add3A_906 : i32
    %mul3A_908 = arith.constant 768 : i32
    %mul3A_909 = arith.muli %add3A_907, %mul3A_908 : i32
    %add3A_910 = arith.constant 18874368 : i32
    %add3A_911 = arith.addi %add3A_910, %mul3A_909 : i32
    %dma_start3A_912 = arith.constant 1 : i32
    %dma_start3A_913 = arith.constant 0 : i32
    %dma_start3A_914 = tpu.memref_slice %arg6[%dma_start3A_912, %dma_start3A_913] : memref<2x24576xf32, #tpu.memory_space<vmem>> -> memref<1x24576xf32, #tpu.memory_space<vmem>>
    %dma_start3A_915 = tpu.memref_squeeze %dma_start3A_914 : memref<1x24576xf32, #tpu.memory_space<vmem>> -> memref<24576xf32, #tpu.memory_space<vmem>>
    %dma_start3A_916 = tpu.memref_slice %arg4[%add3A_911] : memref<25165824xf32, #tpu.memory_space<hbm>> -> memref<24576xf32, #tpu.memory_space<hbm>>
    %dma_start3A_917 = tpu.memref_slice %arg4[%add3A_911] : memref<25165824xf32, #tpu.memory_space<hbm>> -> memref<24576xf32, #tpu.memory_space<hbm>>
    %dma_start3A_918 = arith.constant 0 : i32
    %dma_start3A_919 = tpu.memref_slice %arg6[%dma_start3A_912, %dma_start3A_918] : memref<2x24576xf32, #tpu.memory_space<vmem>> -> memref<1x24576xf32, #tpu.memory_space<vmem>>
    %dma_start3A_920 = tpu.memref_squeeze %dma_start3A_919 : memref<1x24576xf32, #tpu.memory_space<vmem>> -> memref<24576xf32, #tpu.memory_space<vmem>>
    tpu.enqueue_dma source(%dma_start3A_920 : memref<24576xf32, #tpu.memory_space<vmem>>) target(%dma_start3A_917 : memref<24576xf32, #tpu.memory_space<hbm>>) target_semaphore(%arg10 : memref<!tpu.dma_semaphore, #tpu.memory_space<semaphore_mem>>)
    %dma_wait3A_921 = arith.constant 0 : i32
    %dma_wait3A_922 = arith.constant 0 : i32
    %dma_wait3A_923 = tpu.memref_slice %arg6[%dma_wait3A_921, %dma_wait3A_922] : memref<2x24576xf32, #tpu.memory_space<vmem>> -> memref<1x24576xf32, #tpu.memory_space<vmem>>
    %dma_wait3A_924 = tpu.memref_squeeze %dma_wait3A_923 : memref<1x24576xf32, #tpu.memory_space<vmem>> -> memref<24576xf32, #tpu.memory_space<vmem>>
    %dma_wait3A_925 = tpu.memref_slice %arg2[%add3A_893] : memref<25165824xf32, #tpu.memory_space<hbm>> -> memref<24576xf32, #tpu.memory_space<hbm>>
    %dma_wait3A_926 = arith.constant 0 : i32
    %dma_wait3A_927 = tpu.memref_slice %arg6[%dma_wait3A_921, %dma_wait3A_926] : memref<2x24576xf32, #tpu.memory_space<vmem>> -> memref<1x24576xf32, #tpu.memory_space<vmem>>
    %dma_wait3A_928 = tpu.memref_squeeze %dma_wait3A_927 : memref<1x24576xf32, #tpu.memory_space<vmem>> -> memref<24576xf32, #tpu.memory_space<vmem>>
    %dma_wait3A_929 = tpu.memref_slice %arg2[%add3A_893] : memref<25165824xf32, #tpu.memory_space<hbm>> -> memref<24576xf32, #tpu.memory_space<hbm>>
    tpu.wait_dma2 semaphore(%arg7 : memref<!tpu.dma_semaphore, #tpu.memory_space<semaphore_mem>>) src(%dma_wait3A_929 : memref<24576xf32, #tpu.memory_space<hbm>>) dst(%dma_wait3A_928 : memref<24576xf32, #tpu.memory_space<vmem>>)
    %dma_wait3A_930 = arith.constant 0 : i32
    %dma_wait3A_931 = arith.constant 0 : i32
    %dma_wait3A_932 = tpu.memref_slice %arg5[%dma_wait3A_930, %dma_wait3A_931] : memref<2x24576xf32, #tpu.memory_space<vmem>> -> memref<1x24576xf32, #tpu.memory_space<vmem>>
    %dma_wait3A_933 = tpu.memref_squeeze %dma_wait3A_932 : memref<1x24576xf32, #tpu.memory_space<vmem>> -> memref<24576xf32, #tpu.memory_space<vmem>>
    %dma_wait3A_934 = tpu.memref_slice %arg3[%mul3A_716] : memref<6291456xf32, #tpu.memory_space<hbm>> -> memref<24576xf32, #tpu.memory_space<hbm>>
    %dma_wait3A_935 = arith.constant 0 : i32
    %dma_wait3A_936 = tpu.memref_slice %arg5[%dma_wait3A_930, %dma_wait3A_935] : memref<2x24576xf32, #tpu.memory_space<vmem>> -> memref<1x24576xf32, #tpu.memory_space<vmem>>
    %dma_wait3A_937 = tpu.memref_squeeze %dma_wait3A_936 : memref<1x24576xf32, #tpu.memory_space<vmem>> -> memref<24576xf32, #tpu.memory_space<vmem>>
    %dma_wait3A_938 = tpu.memref_slice %arg3[%mul3A_716] : memref<6291456xf32, #tpu.memory_space<hbm>> -> memref<24576xf32, #tpu.memory_space<hbm>>
    tpu.wait_dma2 semaphore(%arg11 : memref<!tpu.dma_semaphore, #tpu.memory_space<semaphore_mem>>) src(%dma_wait3A_938 : memref<24576xf32, #tpu.memory_space<hbm>>) dst(%dma_wait3A_937 : memref<24576xf32, #tpu.memory_space<vmem>>)
    %add3A_939 = arith.constant 160 : i32
    %add3A_940 = arith.addi %mul3A_2, %add3A_939 : i32
    %mul3A_941 = arith.constant 768 : i32
    %mul3A_942 = arith.muli %add3A_940, %mul3A_941 : i32
    %dma_start3A_943 = arith.constant 1 : i32
    %dma_start3A_944 = arith.constant 0 : i32
    %dma_start3A_945 = tpu.memref_slice %arg5[%dma_start3A_943, %dma_start3A_944] : memref<2x24576xf32, #tpu.memory_space<vmem>> -> memref<1x24576xf32, #tpu.memory_space<vmem>>
    %dma_start3A_946 = tpu.memref_squeeze %dma_start3A_945 : memref<1x24576xf32, #tpu.memory_space<vmem>> -> memref<24576xf32, #tpu.memory_space<vmem>>
    %dma_start3A_947 = tpu.memref_slice %arg3[%mul3A_942] : memref<6291456xf32, #tpu.memory_space<hbm>> -> memref<24576xf32, #tpu.memory_space<hbm>>
    %dma_start3A_948 = arith.constant 0 : i32
    %dma_start3A_949 = tpu.memref_slice %arg5[%dma_start3A_943, %dma_start3A_948] : memref<2x24576xf32, #tpu.memory_space<vmem>> -> memref<1x24576xf32, #tpu.memory_space<vmem>>
    %dma_start3A_950 = tpu.memref_squeeze %dma_start3A_949 : memref<1x24576xf32, #tpu.memory_space<vmem>> -> memref<24576xf32, #tpu.memory_space<vmem>>
    %dma_start3A_951 = tpu.memref_slice %arg3[%mul3A_942] : memref<6291456xf32, #tpu.memory_space<hbm>> -> memref<24576xf32, #tpu.memory_space<hbm>>
    tpu.enqueue_dma source(%dma_start3A_951 : memref<24576xf32, #tpu.memory_space<hbm>>) target(%dma_start3A_950 : memref<24576xf32, #tpu.memory_space<vmem>>) target_semaphore(%arg12 : memref<!tpu.dma_semaphore, #tpu.memory_space<semaphore_mem>>)
    %dma_wait3A_952 = arith.constant 1 : i32
    %dma_wait3A_953 = arith.constant 0 : i32
    %dma_wait3A_954 = tpu.memref_slice %arg6[%dma_wait3A_952, %dma_wait3A_953] : memref<2x24576xf32, #tpu.memory_space<vmem>> -> memref<1x24576xf32, #tpu.memory_space<vmem>>
    %dma_wait3A_955 = tpu.memref_squeeze %dma_wait3A_954 : memref<1x24576xf32, #tpu.memory_space<vmem>> -> memref<24576xf32, #tpu.memory_space<vmem>>
    %dma_wait3A_956 = tpu.memref_slice %arg4[%add3A_911] : memref<25165824xf32, #tpu.memory_space<hbm>> -> memref<24576xf32, #tpu.memory_space<hbm>>
    %dma_wait3A_957 = tpu.memref_slice %arg4[%add3A_911] : memref<25165824xf32, #tpu.memory_space<hbm>> -> memref<24576xf32, #tpu.memory_space<hbm>>
    %dma_wait3A_958 = arith.constant 0 : i32
    %dma_wait3A_959 = tpu.memref_slice %arg6[%dma_wait3A_952, %dma_wait3A_958] : memref<2x24576xf32, #tpu.memory_space<vmem>> -> memref<1x24576xf32, #tpu.memory_space<vmem>>
    %dma_wait3A_960 = tpu.memref_squeeze %dma_wait3A_959 : memref<1x24576xf32, #tpu.memory_space<vmem>> -> memref<24576xf32, #tpu.memory_space<vmem>>
    tpu.wait_dma2 semaphore(%arg10 : memref<!tpu.dma_semaphore, #tpu.memory_space<semaphore_mem>>) src(%dma_wait3A_960 : memref<24576xf32, #tpu.memory_space<vmem>>) dst(%dma_wait3A_957 : memref<24576xf32, #tpu.memory_space<hbm>>)
    %add3A_961 = arith.constant 128 : i32
    %add3A_962 = arith.addi %mul3A_2, %add3A_961 : i32
    %mul3A_963 = arith.constant 768 : i32
    %mul3A_964 = arith.muli %add3A_962, %mul3A_963 : i32
    %add3A_965 = arith.constant 6291456 : i32
    %add3A_966 = arith.addi %add3A_965, %mul3A_964 : i32
    %dma_start3A_967 = arith.constant 1 : i32
    %dma_start3A_968 = arith.constant 0 : i32
    %dma_start3A_969 = tpu.memref_slice %arg6[%dma_start3A_967, %dma_start3A_968] : memref<2x24576xf32, #tpu.memory_space<vmem>> -> memref<1x24576xf32, #tpu.memory_space<vmem>>
    %dma_start3A_970 = tpu.memref_squeeze %dma_start3A_969 : memref<1x24576xf32, #tpu.memory_space<vmem>> -> memref<24576xf32, #tpu.memory_space<vmem>>
    %dma_start3A_971 = tpu.memref_slice %arg2[%add3A_966] : memref<25165824xf32, #tpu.memory_space<hbm>> -> memref<24576xf32, #tpu.memory_space<hbm>>
    %dma_start3A_972 = arith.constant 0 : i32
    %dma_start3A_973 = tpu.memref_slice %arg6[%dma_start3A_967, %dma_start3A_972] : memref<2x24576xf32, #tpu.memory_space<vmem>> -> memref<1x24576xf32, #tpu.memory_space<vmem>>
    %dma_start3A_974 = tpu.memref_squeeze %dma_start3A_973 : memref<1x24576xf32, #tpu.memory_space<vmem>> -> memref<24576xf32, #tpu.memory_space<vmem>>
    %dma_start3A_975 = tpu.memref_slice %arg2[%add3A_966] : memref<25165824xf32, #tpu.memory_space<hbm>> -> memref<24576xf32, #tpu.memory_space<hbm>>
    tpu.enqueue_dma source(%dma_start3A_975 : memref<24576xf32, #tpu.memory_space<hbm>>) target(%dma_start3A_974 : memref<24576xf32, #tpu.memory_space<vmem>>) target_semaphore(%arg8 : memref<!tpu.dma_semaphore, #tpu.memory_space<semaphore_mem>>)
    %parallel_loop3A_976 = arith.constant 0 : i32
    %parallel_loop3A_977 = arith.constant 24576 : i32
    %parallel_loop3A_978 = arith.constant 16 : i32
    scf.for %parallel_loop3A_1806 = %parallel_loop3A_976 to %parallel_loop3A_977 step %parallel_loop3A_978  : i32 {
      %parallel_loop3A_1807 = arith.constant 0 : i32
      %parallel_loop3A_1808 = arith.index_cast %parallel_loop3A_1807 : i32 to index
      %parallel_loop3A_1809 = arith.index_cast %parallel_loop3A_1806 : i32 to index
      %parallel_loop3A_1810 = tpu.vector_load %arg5[%parallel_loop3A_1808, %parallel_loop3A_1809] {strides = array<i32>} : memref<2x24576xf32, #tpu.memory_space<vmem>>, vector<1x16xf32>,
      %parallel_loop3A_1811 = vector.shape_cast %parallel_loop3A_1810 : vector<1x16xf32> to vector<16xf32>
      %parallel_loop3A_1812 = arith.constant 0 : i32
      %parallel_loop3A_1813 = arith.index_cast %parallel_loop3A_1812 : i32 to index
      %parallel_loop3A_1814 = arith.index_cast %parallel_loop3A_1806 : i32 to index
      %parallel_loop3A_1815 = tpu.vector_load %arg6[%parallel_loop3A_1813, %parallel_loop3A_1814] {strides = array<i32>} : memref<2x24576xf32, #tpu.memory_space<vmem>>, vector<1x16xf32>,
      %parallel_loop3A_1816 = vector.shape_cast %parallel_loop3A_1815 : vector<1x16xf32> to vector<16xf32>
      %parallel_loop3A_1817 = vector.shape_cast %parallel_loop3A_1811 : vector<16xf32> to vector<1x16xf32>
      tpu.vector_store %arg6[%parallel_loop3A_1813, %parallel_loop3A_1814], %parallel_loop3A_1817 {add = true, strides = array<i32>} : memref<2x24576xf32, #tpu.memory_space<vmem>>, vector<1x16xf32>,
    } {sc.loop_unroll_factor = 8 : i64, sc.parallel_access}
    %add3A_979 = arith.constant 128 : i32
    %add3A_980 = arith.addi %mul3A_2, %add3A_979 : i32
    %mul3A_981 = arith.constant 768 : i32
    %mul3A_982 = arith.muli %add3A_980, %mul3A_981 : i32
    %add3A_983 = arith.constant 0 : i32
    %add3A_984 = arith.addi %add3A_983, %mul3A_982 : i32
    %dma_start3A_985 = arith.constant 0 : i32
    %dma_start3A_986 = arith.constant 0 : i32
    %dma_start3A_987 = tpu.memref_slice %arg6[%dma_start3A_985, %dma_start3A_986] : memref<2x24576xf32, #tpu.memory_space<vmem>> -> memref<1x24576xf32, #tpu.memory_space<vmem>>
    %dma_start3A_988 = tpu.memref_squeeze %dma_start3A_987 : memref<1x24576xf32, #tpu.memory_space<vmem>> -> memref<24576xf32, #tpu.memory_space<vmem>>
    %dma_start3A_989 = tpu.memref_slice %arg4[%add3A_984] : memref<25165824xf32, #tpu.memory_space<hbm>> -> memref<24576xf32, #tpu.memory_space<hbm>>
    %dma_start3A_990 = tpu.memref_slice %arg4[%add3A_984] : memref<25165824xf32, #tpu.memory_space<hbm>> -> memref<24576xf32, #tpu.memory_space<hbm>>
    %dma_start3A_991 = arith.constant 0 : i32
    %dma_start3A_992 = tpu.memref_slice %arg6[%dma_start3A_985, %dma_start3A_991] : memref<2x24576xf32, #tpu.memory_space<vmem>> -> memref<1x24576xf32, #tpu.memory_space<vmem>>
    %dma_start3A_993 = tpu.memref_squeeze %dma_start3A_992 : memref<1x24576xf32, #tpu.memory_space<vmem>> -> memref<24576xf32, #tpu.memory_space<vmem>>
    tpu.enqueue_dma source(%dma_start3A_993 : memref<24576xf32, #tpu.memory_space<vmem>>) target(%dma_start3A_990 : memref<24576xf32, #tpu.memory_space<hbm>>) target_semaphore(%arg9 : memref<!tpu.dma_semaphore, #tpu.memory_space<semaphore_mem>>)
    %dma_wait3A_994 = arith.constant 1 : i32
    %dma_wait3A_995 = arith.constant 0 : i32
    %dma_wait3A_996 = tpu.memref_slice %arg6[%dma_wait3A_994, %dma_wait3A_995] : memref<2x24576xf32, #tpu.memory_space<vmem>> -> memref<1x24576xf32, #tpu.memory_space<vmem>>
    %dma_wait3A_997 = tpu.memref_squeeze %dma_wait3A_996 : memref<1x24576xf32, #tpu.memory_space<vmem>> -> memref<24576xf32, #tpu.memory_space<vmem>>
    %dma_wait3A_998 = tpu.memref_slice %arg2[%add3A_966] : memref<25165824xf32, #tpu.memory_space<hbm>> -> memref<24576xf32, #tpu.memory_space<hbm>>
    %dma_wait3A_999 = arith.constant 0 : i32
    %dma_wait3A_1000 = tpu.memref_slice %arg6[%dma_wait3A_994, %dma_wait3A_999] : memref<2x24576xf32, #tpu.memory_space<vmem>> -> memref<1x24576xf32, #tpu.memory_space<vmem>>
    %dma_wait3A_1001 = tpu.memref_squeeze %dma_wait3A_1000 : memref<1x24576xf32, #tpu.memory_space<vmem>> -> memref<24576xf32, #tpu.memory_space<vmem>>
    %dma_wait3A_1002 = tpu.memref_slice %arg2[%add3A_966] : memref<25165824xf32, #tpu.memory_space<hbm>> -> memref<24576xf32, #tpu.memory_space<hbm>>
    tpu.wait_dma2 semaphore(%arg8 : memref<!tpu.dma_semaphore, #tpu.memory_space<semaphore_mem>>) src(%dma_wait3A_1002 : memref<24576xf32, #tpu.memory_space<hbm>>) dst(%dma_wait3A_1001 : memref<24576xf32, #tpu.memory_space<vmem>>)
    %dma_wait3A_1003 = arith.constant 0 : i32
    %dma_wait3A_1004 = arith.constant 0 : i32
    %dma_wait3A_1005 = tpu.memref_slice %arg6[%dma_wait3A_1003, %dma_wait3A_1004] : memref<2x24576xf32, #tpu.memory_space<vmem>> -> memref<1x24576xf32, #tpu.memory_space<vmem>>
    %dma_wait3A_1006 = tpu.memref_squeeze %dma_wait3A_1005 : memref<1x24576xf32, #tpu.memory_space<vmem>> -> memref<24576xf32, #tpu.memory_space<vmem>>
    %dma_wait3A_1007 = tpu.memref_slice %arg4[%add3A_984] : memref<25165824xf32, #tpu.memory_space<hbm>> -> memref<24576xf32, #tpu.memory_space<hbm>>
    %dma_wait3A_1008 = tpu.memref_slice %arg4[%add3A_984] : memref<25165824xf32, #tpu.memory_space<hbm>> -> memref<24576xf32, #tpu.memory_space<hbm>>
    %dma_wait3A_1009 = arith.constant 0 : i32
    %dma_wait3A_1010 = tpu.memref_slice %arg6[%dma_wait3A_1003, %dma_wait3A_1009] : memref<2x24576xf32, #tpu.memory_space<vmem>> -> memref<1x24576xf32, #tpu.memory_space<vmem>>
    %dma_wait3A_1011 = tpu.memref_squeeze %dma_wait3A_1010 : memref<1x24576xf32, #tpu.memory_space<vmem>> -> memref<24576xf32, #tpu.memory_space<vmem>>
    tpu.wait_dma2 semaphore(%arg9 : memref<!tpu.dma_semaphore, #tpu.memory_space<semaphore_mem>>) src(%dma_wait3A_1011 : memref<24576xf32, #tpu.memory_space<vmem>>) dst(%dma_wait3A_1008 : memref<24576xf32, #tpu.memory_space<hbm>>)
    %add3A_1012 = arith.constant 128 : i32
    %add3A_1013 = arith.addi %mul3A_2, %add3A_1012 : i32
    %mul3A_1014 = arith.constant 768 : i32
    %mul3A_1015 = arith.muli %add3A_1013, %mul3A_1014 : i32
    %add3A_1016 = arith.constant 12582912 : i32
    %add3A_1017 = arith.addi %add3A_1016, %mul3A_1015 : i32
    %dma_start3A_1018 = arith.constant 0 : i32
    %dma_start3A_1019 = arith.constant 0 : i32
    %dma_start3A_1020 = tpu.memref_slice %arg6[%dma_start3A_1018, %dma_start3A_1019] : memref<2x24576xf32, #tpu.memory_space<vmem>> -> memref<1x24576xf32, #tpu.memory_space<vmem>>
    %dma_start3A_1021 = tpu.memref_squeeze %dma_start3A_1020 : memref<1x24576xf32, #tpu.memory_space<vmem>> -> memref<24576xf32, #tpu.memory_space<vmem>>
    %dma_start3A_1022 = tpu.memref_slice %arg2[%add3A_1017] : memref<25165824xf32, #tpu.memory_space<hbm>> -> memref<24576xf32, #tpu.memory_space<hbm>>
    %dma_start3A_1023 = arith.constant 0 : i32
    %dma_start3A_1024 = tpu.memref_slice %arg6[%dma_start3A_1018, %dma_start3A_1023] : memref<2x24576xf32, #tpu.memory_space<vmem>> -> memref<1x24576xf32, #tpu.memory_space<vmem>>
    %dma_start3A_1025 = tpu.memref_squeeze %dma_start3A_1024 : memref<1x24576xf32, #tpu.memory_space<vmem>> -> memref<24576xf32, #tpu.memory_space<vmem>>
    %dma_start3A_1026 = tpu.memref_slice %arg2[%add3A_1017] : memref<25165824xf32, #tpu.memory_space<hbm>> -> memref<24576xf32, #tpu.memory_space<hbm>>
    tpu.enqueue_dma source(%dma_start3A_1026 : memref<24576xf32, #tpu.memory_space<hbm>>) target(%dma_start3A_1025 : memref<24576xf32, #tpu.memory_space<vmem>>) target_semaphore(%arg7 : memref<!tpu.dma_semaphore, #tpu.memory_space<semaphore_mem>>)
    %parallel_loop3A_1027 = arith.constant 0 : i32
    %parallel_loop3A_1028 = arith.constant 24576 : i32
    %parallel_loop3A_1029 = arith.constant 16 : i32
    scf.for %parallel_loop3A_1806 = %parallel_loop3A_1027 to %parallel_loop3A_1028 step %parallel_loop3A_1029  : i32 {
      %parallel_loop3A_1807 = arith.constant 0 : i32
      %parallel_loop3A_1808 = arith.index_cast %parallel_loop3A_1807 : i32 to index
      %parallel_loop3A_1809 = arith.index_cast %parallel_loop3A_1806 : i32 to index
      %parallel_loop3A_1810 = tpu.vector_load %arg5[%parallel_loop3A_1808, %parallel_loop3A_1809] {strides = array<i32>} : memref<2x24576xf32, #tpu.memory_space<vmem>>, vector<1x16xf32>,
      %parallel_loop3A_1811 = vector.shape_cast %parallel_loop3A_1810 : vector<1x16xf32> to vector<16xf32>
      %parallel_loop3A_1812 = arith.constant 1 : i32
      %parallel_loop3A_1813 = arith.index_cast %parallel_loop3A_1812 : i32 to index
      %parallel_loop3A_1814 = arith.index_cast %parallel_loop3A_1806 : i32 to index
      %parallel_loop3A_1815 = tpu.vector_load %arg6[%parallel_loop3A_1813, %parallel_loop3A_1814] {strides = array<i32>} : memref<2x24576xf32, #tpu.memory_space<vmem>>, vector<1x16xf32>,
      %parallel_loop3A_1816 = vector.shape_cast %parallel_loop3A_1815 : vector<1x16xf32> to vector<16xf32>
      %parallel_loop3A_1817 = vector.shape_cast %parallel_loop3A_1811 : vector<16xf32> to vector<1x16xf32>
      tpu.vector_store %arg6[%parallel_loop3A_1813, %parallel_loop3A_1814], %parallel_loop3A_1817 {add = true, strides = array<i32>} : memref<2x24576xf32, #tpu.memory_space<vmem>>, vector<1x16xf32>,
    } {sc.loop_unroll_factor = 8 : i64, sc.parallel_access}
    %add3A_1030 = arith.constant 128 : i32
    %add3A_1031 = arith.addi %mul3A_2, %add3A_1030 : i32
    %mul3A_1032 = arith.constant 768 : i32
    %mul3A_1033 = arith.muli %add3A_1031, %mul3A_1032 : i32
    %add3A_1034 = arith.constant 6291456 : i32
    %add3A_1035 = arith.addi %add3A_1034, %mul3A_1033 : i32
    %dma_start3A_1036 = arith.constant 1 : i32
    %dma_start3A_1037 = arith.constant 0 : i32
    %dma_start3A_1038 = tpu.memref_slice %arg6[%dma_start3A_1036, %dma_start3A_1037] : memref<2x24576xf32, #tpu.memory_space<vmem>> -> memref<1x24576xf32, #tpu.memory_space<vmem>>
    %dma_start3A_1039 = tpu.memref_squeeze %dma_start3A_1038 : memref<1x24576xf32, #tpu.memory_space<vmem>> -> memref<24576xf32, #tpu.memory_space<vmem>>
    %dma_start3A_1040 = tpu.memref_slice %arg4[%add3A_1035] : memref<25165824xf32, #tpu.memory_space<hbm>> -> memref<24576xf32, #tpu.memory_space<hbm>>
    %dma_start3A_1041 = tpu.memref_slice %arg4[%add3A_1035] : memref<25165824xf32, #tpu.memory_space<hbm>> -> memref<24576xf32, #tpu.memory_space<hbm>>
    %dma_start3A_1042 = arith.constant 0 : i32
    %dma_start3A_1043 = tpu.memref_slice %arg6[%dma_start3A_1036, %dma_start3A_1042] : memref<2x24576xf32, #tpu.memory_space<vmem>> -> memref<1x24576xf32, #tpu.memory_space<vmem>>
    %dma_start3A_1044 = tpu.memref_squeeze %dma_start3A_1043 : memref<1x24576xf32, #tpu.memory_space<vmem>> -> memref<24576xf32, #tpu.memory_space<vmem>>
    tpu.enqueue_dma source(%dma_start3A_1044 : memref<24576xf32, #tpu.memory_space<vmem>>) target(%dma_start3A_1041 : memref<24576xf32, #tpu.memory_space<hbm>>) target_semaphore(%arg10 : memref<!tpu.dma_semaphore, #tpu.memory_space<semaphore_mem>>)
    %dma_wait3A_1045 = arith.constant 0 : i32
    %dma_wait3A_1046 = arith.constant 0 : i32
    %dma_wait3A_1047 = tpu.memref_slice %arg6[%dma_wait3A_1045, %dma_wait3A_1046] : memref<2x24576xf32, #tpu.memory_space<vmem>> -> memref<1x24576xf32, #tpu.memory_space<vmem>>
    %dma_wait3A_1048 = tpu.memref_squeeze %dma_wait3A_1047 : memref<1x24576xf32, #tpu.memory_space<vmem>> -> memref<24576xf32, #tpu.memory_space<vmem>>
    %dma_wait3A_1049 = tpu.memref_slice %arg2[%add3A_1017] : memref<25165824xf32, #tpu.memory_space<hbm>> -> memref<24576xf32, #tpu.memory_space<hbm>>
    %dma_wait3A_1050 = arith.constant 0 : i32
    %dma_wait3A_1051 = tpu.memref_slice %arg6[%dma_wait3A_1045, %dma_wait3A_1050] : memref<2x24576xf32, #tpu.memory_space<vmem>> -> memref<1x24576xf32, #tpu.memory_space<vmem>>
    %dma_wait3A_1052 = tpu.memref_squeeze %dma_wait3A_1051 : memref<1x24576xf32, #tpu.memory_space<vmem>> -> memref<24576xf32, #tpu.memory_space<vmem>>
    %dma_wait3A_1053 = tpu.memref_slice %arg2[%add3A_1017] : memref<25165824xf32, #tpu.memory_space<hbm>> -> memref<24576xf32, #tpu.memory_space<hbm>>
    tpu.wait_dma2 semaphore(%arg7 : memref<!tpu.dma_semaphore, #tpu.memory_space<semaphore_mem>>) src(%dma_wait3A_1053 : memref<24576xf32, #tpu.memory_space<hbm>>) dst(%dma_wait3A_1052 : memref<24576xf32, #tpu.memory_space<vmem>>)
    %dma_wait3A_1054 = arith.constant 1 : i32
    %dma_wait3A_1055 = arith.constant 0 : i32
    %dma_wait3A_1056 = tpu.memref_slice %arg6[%dma_wait3A_1054, %dma_wait3A_1055] : memref<2x24576xf32, #tpu.memory_space<vmem>> -> memref<1x24576xf32, #tpu.memory_space<vmem>>
    %dma_wait3A_1057 = tpu.memref_squeeze %dma_wait3A_1056 : memref<1x24576xf32, #tpu.memory_space<vmem>> -> memref<24576xf32, #tpu.memory_space<vmem>>
    %dma_wait3A_1058 = tpu.memref_slice %arg4[%add3A_1035] : memref<25165824xf32, #tpu.memory_space<hbm>> -> memref<24576xf32, #tpu.memory_space<hbm>>
    %dma_wait3A_1059 = tpu.memref_slice %arg4[%add3A_1035] : memref<25165824xf32, #tpu.memory_space<hbm>> -> memref<24576xf32, #tpu.memory_space<hbm>>
    %dma_wait3A_1060 = arith.constant 0 : i32
    %dma_wait3A_1061 = tpu.memref_slice %arg6[%dma_wait3A_1054, %dma_wait3A_1060] : memref<2x24576xf32, #tpu.memory_space<vmem>> -> memref<1x24576xf32, #tpu.memory_space<vmem>>
    %dma_wait3A_1062 = tpu.memref_squeeze %dma_wait3A_1061 : memref<1x24576xf32, #tpu.memory_space<vmem>> -> memref<24576xf32, #tpu.memory_space<vmem>>
    tpu.wait_dma2 semaphore(%arg10 : memref<!tpu.dma_semaphore, #tpu.memory_space<semaphore_mem>>) src(%dma_wait3A_1062 : memref<24576xf32, #tpu.memory_space<vmem>>) dst(%dma_wait3A_1059 : memref<24576xf32, #tpu.memory_space<hbm>>)
    %add3A_1063 = arith.constant 128 : i32
    %add3A_1064 = arith.addi %mul3A_2, %add3A_1063 : i32
    %mul3A_1065 = arith.constant 768 : i32
    %mul3A_1066 = arith.muli %add3A_1064, %mul3A_1065 : i32
    %add3A_1067 = arith.constant 18874368 : i32
    %add3A_1068 = arith.addi %add3A_1067, %mul3A_1066 : i32
    %dma_start3A_1069 = arith.constant 1 : i32
    %dma_start3A_1070 = arith.constant 0 : i32
    %dma_start3A_1071 = tpu.memref_slice %arg6[%dma_start3A_1069, %dma_start3A_1070] : memref<2x24576xf32, #tpu.memory_space<vmem>> -> memref<1x24576xf32, #tpu.memory_space<vmem>>
    %dma_start3A_1072 = tpu.memref_squeeze %dma_start3A_1071 : memref<1x24576xf32, #tpu.memory_space<vmem>> -> memref<24576xf32, #tpu.memory_space<vmem>>
    %dma_start3A_1073 = tpu.memref_slice %arg2[%add3A_1068] : memref<25165824xf32, #tpu.memory_space<hbm>> -> memref<24576xf32, #tpu.memory_space<hbm>>
    %dma_start3A_1074 = arith.constant 0 : i32
    %dma_start3A_1075 = tpu.memref_slice %arg6[%dma_start3A_1069, %dma_start3A_1074] : memref<2x24576xf32, #tpu.memory_space<vmem>> -> memref<1x24576xf32, #tpu.memory_space<vmem>>
    %dma_start3A_1076 = tpu.memref_squeeze %dma_start3A_1075 : memref<1x24576xf32, #tpu.memory_space<vmem>> -> memref<24576xf32, #tpu.memory_space<vmem>>
    %dma_start3A_1077 = tpu.memref_slice %arg2[%add3A_1068] : memref<25165824xf32, #tpu.memory_space<hbm>> -> memref<24576xf32, #tpu.memory_space<hbm>>
    tpu.enqueue_dma source(%dma_start3A_1077 : memref<24576xf32, #tpu.memory_space<hbm>>) target(%dma_start3A_1076 : memref<24576xf32, #tpu.memory_space<vmem>>) target_semaphore(%arg8 : memref<!tpu.dma_semaphore, #tpu.memory_space<semaphore_mem>>)
    %parallel_loop3A_1078 = arith.constant 0 : i32
    %parallel_loop3A_1079 = arith.constant 24576 : i32
    %parallel_loop3A_1080 = arith.constant 16 : i32
    scf.for %parallel_loop3A_1806 = %parallel_loop3A_1078 to %parallel_loop3A_1079 step %parallel_loop3A_1080  : i32 {
      %parallel_loop3A_1807 = arith.constant 0 : i32
      %parallel_loop3A_1808 = arith.index_cast %parallel_loop3A_1807 : i32 to index
      %parallel_loop3A_1809 = arith.index_cast %parallel_loop3A_1806 : i32 to index
      %parallel_loop3A_1810 = tpu.vector_load %arg5[%parallel_loop3A_1808, %parallel_loop3A_1809] {strides = array<i32>} : memref<2x24576xf32, #tpu.memory_space<vmem>>, vector<1x16xf32>,
      %parallel_loop3A_1811 = vector.shape_cast %parallel_loop3A_1810 : vector<1x16xf32> to vector<16xf32>
      %parallel_loop3A_1812 = arith.constant 0 : i32
      %parallel_loop3A_1813 = arith.index_cast %parallel_loop3A_1812 : i32 to index
      %parallel_loop3A_1814 = arith.index_cast %parallel_loop3A_1806 : i32 to index
      %parallel_loop3A_1815 = tpu.vector_load %arg6[%parallel_loop3A_1813, %parallel_loop3A_1814] {strides = array<i32>} : memref<2x24576xf32, #tpu.memory_space<vmem>>, vector<1x16xf32>,
      %parallel_loop3A_1816 = vector.shape_cast %parallel_loop3A_1815 : vector<1x16xf32> to vector<16xf32>
      %parallel_loop3A_1817 = vector.shape_cast %parallel_loop3A_1811 : vector<16xf32> to vector<1x16xf32>
      tpu.vector_store %arg6[%parallel_loop3A_1813, %parallel_loop3A_1814], %parallel_loop3A_1817 {add = true, strides = array<i32>} : memref<2x24576xf32, #tpu.memory_space<vmem>>, vector<1x16xf32>,
    } {sc.loop_unroll_factor = 8 : i64, sc.parallel_access}
    %add3A_1081 = arith.constant 128 : i32
    %add3A_1082 = arith.addi %mul3A_2, %add3A_1081 : i32
    %mul3A_1083 = arith.constant 768 : i32
    %mul3A_1084 = arith.muli %add3A_1082, %mul3A_1083 : i32
    %add3A_1085 = arith.constant 12582912 : i32
    %add3A_1086 = arith.addi %add3A_1085, %mul3A_1084 : i32
    %dma_start3A_1087 = arith.constant 0 : i32
    %dma_start3A_1088 = arith.constant 0 : i32
    %dma_start3A_1089 = tpu.memref_slice %arg6[%dma_start3A_1087, %dma_start3A_1088] : memref<2x24576xf32, #tpu.memory_space<vmem>> -> memref<1x24576xf32, #tpu.memory_space<vmem>>
    %dma_start3A_1090 = tpu.memref_squeeze %dma_start3A_1089 : memref<1x24576xf32, #tpu.memory_space<vmem>> -> memref<24576xf32, #tpu.memory_space<vmem>>
    %dma_start3A_1091 = tpu.memref_slice %arg4[%add3A_1086] : memref<25165824xf32, #tpu.memory_space<hbm>> -> memref<24576xf32, #tpu.memory_space<hbm>>
    %dma_start3A_1092 = tpu.memref_slice %arg4[%add3A_1086] : memref<25165824xf32, #tpu.memory_space<hbm>> -> memref<24576xf32, #tpu.memory_space<hbm>>
    %dma_start3A_1093 = arith.constant 0 : i32
    %dma_start3A_1094 = tpu.memref_slice %arg6[%dma_start3A_1087, %dma_start3A_1093] : memref<2x24576xf32, #tpu.memory_space<vmem>> -> memref<1x24576xf32, #tpu.memory_space<vmem>>
    %dma_start3A_1095 = tpu.memref_squeeze %dma_start3A_1094 : memref<1x24576xf32, #tpu.memory_space<vmem>> -> memref<24576xf32, #tpu.memory_space<vmem>>
    tpu.enqueue_dma source(%dma_start3A_1095 : memref<24576xf32, #tpu.memory_space<vmem>>) target(%dma_start3A_1092 : memref<24576xf32, #tpu.memory_space<hbm>>) target_semaphore(%arg9 : memref<!tpu.dma_semaphore, #tpu.memory_space<semaphore_mem>>)
    %dma_wait3A_1096 = arith.constant 1 : i32
    %dma_wait3A_1097 = arith.constant 0 : i32
    %dma_wait3A_1098 = tpu.memref_slice %arg6[%dma_wait3A_1096, %dma_wait3A_1097] : memref<2x24576xf32, #tpu.memory_space<vmem>> -> memref<1x24576xf32, #tpu.memory_space<vmem>>
    %dma_wait3A_1099 = tpu.memref_squeeze %dma_wait3A_1098 : memref<1x24576xf32, #tpu.memory_space<vmem>> -> memref<24576xf32, #tpu.memory_space<vmem>>
    %dma_wait3A_1100 = tpu.memref_slice %arg2[%add3A_1068] : memref<25165824xf32, #tpu.memory_space<hbm>> -> memref<24576xf32, #tpu.memory_space<hbm>>
    %dma_wait3A_1101 = arith.constant 0 : i32
    %dma_wait3A_1102 = tpu.memref_slice %arg6[%dma_wait3A_1096, %dma_wait3A_1101] : memref<2x24576xf32, #tpu.memory_space<vmem>> -> memref<1x24576xf32, #tpu.memory_space<vmem>>
    %dma_wait3A_1103 = tpu.memref_squeeze %dma_wait3A_1102 : memref<1x24576xf32, #tpu.memory_space<vmem>> -> memref<24576xf32, #tpu.memory_space<vmem>>
    %dma_wait3A_1104 = tpu.memref_slice %arg2[%add3A_1068] : memref<25165824xf32, #tpu.memory_space<hbm>> -> memref<24576xf32, #tpu.memory_space<hbm>>
    tpu.wait_dma2 semaphore(%arg8 : memref<!tpu.dma_semaphore, #tpu.memory_space<semaphore_mem>>) src(%dma_wait3A_1104 : memref<24576xf32, #tpu.memory_space<hbm>>) dst(%dma_wait3A_1103 : memref<24576xf32, #tpu.memory_space<vmem>>)
    %dma_wait3A_1105 = arith.constant 0 : i32
    %dma_wait3A_1106 = arith.constant 0 : i32
    %dma_wait3A_1107 = tpu.memref_slice %arg6[%dma_wait3A_1105, %dma_wait3A_1106] : memref<2x24576xf32, #tpu.memory_space<vmem>> -> memref<1x24576xf32, #tpu.memory_space<vmem>>
    %dma_wait3A_1108 = tpu.memref_squeeze %dma_wait3A_1107 : memref<1x24576xf32, #tpu.memory_space<vmem>> -> memref<24576xf32, #tpu.memory_space<vmem>>
    %dma_wait3A_1109 = tpu.memref_slice %arg4[%add3A_1086] : memref<25165824xf32, #tpu.memory_space<hbm>> -> memref<24576xf32, #tpu.memory_space<hbm>>
    %dma_wait3A_1110 = tpu.memref_slice %arg4[%add3A_1086] : memref<25165824xf32, #tpu.memory_space<hbm>> -> memref<24576xf32, #tpu.memory_space<hbm>>
    %dma_wait3A_1111 = arith.constant 0 : i32
    %dma_wait3A_1112 = tpu.memref_slice %arg6[%dma_wait3A_1105, %dma_wait3A_1111] : memref<2x24576xf32, #tpu.memory_space<vmem>> -> memref<1x24576xf32, #tpu.memory_space<vmem>>
    %dma_wait3A_1113 = tpu.memref_squeeze %dma_wait3A_1112 : memref<1x24576xf32, #tpu.memory_space<vmem>> -> memref<24576xf32, #tpu.memory_space<vmem>>
    tpu.wait_dma2 semaphore(%arg9 : memref<!tpu.dma_semaphore, #tpu.memory_space<semaphore_mem>>) src(%dma_wait3A_1113 : memref<24576xf32, #tpu.memory_space<vmem>>) dst(%dma_wait3A_1110 : memref<24576xf32, #tpu.memory_space<hbm>>)
    %add3A_1114 = arith.constant 160 : i32
    %add3A_1115 = arith.addi %mul3A_2, %add3A_1114 : i32
    %mul3A_1116 = arith.constant 768 : i32
    %mul3A_1117 = arith.muli %add3A_1115, %mul3A_1116 : i32
    %add3A_1118 = arith.constant 0 : i32
    %add3A_1119 = arith.addi %add3A_1118, %mul3A_1117 : i32
    %dma_start3A_1120 = arith.constant 0 : i32
    %dma_start3A_1121 = arith.constant 0 : i32
    %dma_start3A_1122 = tpu.memref_slice %arg6[%dma_start3A_1120, %dma_start3A_1121] : memref<2x24576xf32, #tpu.memory_space<vmem>> -> memref<1x24576xf32, #tpu.memory_space<vmem>>
    %dma_start3A_1123 = tpu.memref_squeeze %dma_start3A_1122 : memref<1x24576xf32, #tpu.memory_space<vmem>> -> memref<24576xf32, #tpu.memory_space<vmem>>
    %dma_start3A_1124 = tpu.memref_slice %arg2[%add3A_1119] : memref<25165824xf32, #tpu.memory_space<hbm>> -> memref<24576xf32, #tpu.memory_space<hbm>>
    %dma_start3A_1125 = arith.constant 0 : i32
    %dma_start3A_1126 = tpu.memref_slice %arg6[%dma_start3A_1120, %dma_start3A_1125] : memref<2x24576xf32, #tpu.memory_space<vmem>> -> memref<1x24576xf32, #tpu.memory_space<vmem>>
    %dma_start3A_1127 = tpu.memref_squeeze %dma_start3A_1126 : memref<1x24576xf32, #tpu.memory_space<vmem>> -> memref<24576xf32, #tpu.memory_space<vmem>>
    %dma_start3A_1128 = tpu.memref_slice %arg2[%add3A_1119] : memref<25165824xf32, #tpu.memory_space<hbm>> -> memref<24576xf32, #tpu.memory_space<hbm>>
    tpu.enqueue_dma source(%dma_start3A_1128 : memref<24576xf32, #tpu.memory_space<hbm>>) target(%dma_start3A_1127 : memref<24576xf32, #tpu.memory_space<vmem>>) target_semaphore(%arg7 : memref<!tpu.dma_semaphore, #tpu.memory_space<semaphore_mem>>)
    %parallel_loop3A_1129 = arith.constant 0 : i32
    %parallel_loop3A_1130 = arith.constant 24576 : i32
    %parallel_loop3A_1131 = arith.constant 16 : i32
    scf.for %parallel_loop3A_1806 = %parallel_loop3A_1129 to %parallel_loop3A_1130 step %parallel_loop3A_1131  : i32 {
      %parallel_loop3A_1807 = arith.constant 0 : i32
      %parallel_loop3A_1808 = arith.index_cast %parallel_loop3A_1807 : i32 to index
      %parallel_loop3A_1809 = arith.index_cast %parallel_loop3A_1806 : i32 to index
      %parallel_loop3A_1810 = tpu.vector_load %arg5[%parallel_loop3A_1808, %parallel_loop3A_1809] {strides = array<i32>} : memref<2x24576xf32, #tpu.memory_space<vmem>>, vector<1x16xf32>,
      %parallel_loop3A_1811 = vector.shape_cast %parallel_loop3A_1810 : vector<1x16xf32> to vector<16xf32>
      %parallel_loop3A_1812 = arith.constant 1 : i32
      %parallel_loop3A_1813 = arith.index_cast %parallel_loop3A_1812 : i32 to index
      %parallel_loop3A_1814 = arith.index_cast %parallel_loop3A_1806 : i32 to index
      %parallel_loop3A_1815 = tpu.vector_load %arg6[%parallel_loop3A_1813, %parallel_loop3A_1814] {strides = array<i32>} : memref<2x24576xf32, #tpu.memory_space<vmem>>, vector<1x16xf32>,
      %parallel_loop3A_1816 = vector.shape_cast %parallel_loop3A_1815 : vector<1x16xf32> to vector<16xf32>
      %parallel_loop3A_1817 = vector.shape_cast %parallel_loop3A_1811 : vector<16xf32> to vector<1x16xf32>
      tpu.vector_store %arg6[%parallel_loop3A_1813, %parallel_loop3A_1814], %parallel_loop3A_1817 {add = true, strides = array<i32>} : memref<2x24576xf32, #tpu.memory_space<vmem>>, vector<1x16xf32>,
    } {sc.loop_unroll_factor = 8 : i64, sc.parallel_access}
    %add3A_1132 = arith.constant 128 : i32
    %add3A_1133 = arith.addi %mul3A_2, %add3A_1132 : i32
    %mul3A_1134 = arith.constant 768 : i32
    %mul3A_1135 = arith.muli %add3A_1133, %mul3A_1134 : i32
    %add3A_1136 = arith.constant 18874368 : i32
    %add3A_1137 = arith.addi %add3A_1136, %mul3A_1135 : i32
    %dma_start3A_1138 = arith.constant 1 : i32
    %dma_start3A_1139 = arith.constant 0 : i32
    %dma_start3A_1140 = tpu.memref_slice %arg6[%dma_start3A_1138, %dma_start3A_1139] : memref<2x24576xf32, #tpu.memory_space<vmem>> -> memref<1x24576xf32, #tpu.memory_space<vmem>>
    %dma_start3A_1141 = tpu.memref_squeeze %dma_start3A_1140 : memref<1x24576xf32, #tpu.memory_space<vmem>> -> memref<24576xf32, #tpu.memory_space<vmem>>
    %dma_start3A_1142 = tpu.memref_slice %arg4[%add3A_1137] : memref<25165824xf32, #tpu.memory_space<hbm>> -> memref<24576xf32, #tpu.memory_space<hbm>>
    %dma_start3A_1143 = tpu.memref_slice %arg4[%add3A_1137] : memref<25165824xf32, #tpu.memory_space<hbm>> -> memref<24576xf32, #tpu.memory_space<hbm>>
    %dma_start3A_1144 = arith.constant 0 : i32
    %dma_start3A_1145 = tpu.memref_slice %arg6[%dma_start3A_1138, %dma_start3A_1144] : memref<2x24576xf32, #tpu.memory_space<vmem>> -> memref<1x24576xf32, #tpu.memory_space<vmem>>
    %dma_start3A_1146 = tpu.memref_squeeze %dma_start3A_1145 : memref<1x24576xf32, #tpu.memory_space<vmem>> -> memref<24576xf32, #tpu.memory_space<vmem>>
    tpu.enqueue_dma source(%dma_start3A_1146 : memref<24576xf32, #tpu.memory_space<vmem>>) target(%dma_start3A_1143 : memref<24576xf32, #tpu.memory_space<hbm>>) target_semaphore(%arg10 : memref<!tpu.dma_semaphore, #tpu.memory_space<semaphore_mem>>)
    %dma_wait3A_1147 = arith.constant 0 : i32
    %dma_wait3A_1148 = arith.constant 0 : i32
    %dma_wait3A_1149 = tpu.memref_slice %arg6[%dma_wait3A_1147, %dma_wait3A_1148] : memref<2x24576xf32, #tpu.memory_space<vmem>> -> memref<1x24576xf32, #tpu.memory_space<vmem>>
    %dma_wait3A_1150 = tpu.memref_squeeze %dma_wait3A_1149 : memref<1x24576xf32, #tpu.memory_space<vmem>> -> memref<24576xf32, #tpu.memory_space<vmem>>
    %dma_wait3A_1151 = tpu.memref_slice %arg2[%add3A_1119] : memref<25165824xf32, #tpu.memory_space<hbm>> -> memref<24576xf32, #tpu.memory_space<hbm>>
    %dma_wait3A_1152 = arith.constant 0 : i32
    %dma_wait3A_1153 = tpu.memref_slice %arg6[%dma_wait3A_1147, %dma_wait3A_1152] : memref<2x24576xf32, #tpu.memory_space<vmem>> -> memref<1x24576xf32, #tpu.memory_space<vmem>>
    %dma_wait3A_1154 = tpu.memref_squeeze %dma_wait3A_1153 : memref<1x24576xf32, #tpu.memory_space<vmem>> -> memref<24576xf32, #tpu.memory_space<vmem>>
    %dma_wait3A_1155 = tpu.memref_slice %arg2[%add3A_1119] : memref<25165824xf32, #tpu.memory_space<hbm>> -> memref<24576xf32, #tpu.memory_space<hbm>>
    tpu.wait_dma2 semaphore(%arg7 : memref<!tpu.dma_semaphore, #tpu.memory_space<semaphore_mem>>) src(%dma_wait3A_1155 : memref<24576xf32, #tpu.memory_space<hbm>>) dst(%dma_wait3A_1154 : memref<24576xf32, #tpu.memory_space<vmem>>)
    %dma_wait3A_1156 = arith.constant 1 : i32
    %dma_wait3A_1157 = arith.constant 0 : i32
    %dma_wait3A_1158 = tpu.memref_slice %arg5[%dma_wait3A_1156, %dma_wait3A_1157] : memref<2x24576xf32, #tpu.memory_space<vmem>> -> memref<1x24576xf32, #tpu.memory_space<vmem>>
    %dma_wait3A_1159 = tpu.memref_squeeze %dma_wait3A_1158 : memref<1x24576xf32, #tpu.memory_space<vmem>> -> memref<24576xf32, #tpu.memory_space<vmem>>
    %dma_wait3A_1160 = tpu.memref_slice %arg3[%mul3A_942] : memref<6291456xf32, #tpu.memory_space<hbm>> -> memref<24576xf32, #tpu.memory_space<hbm>>
    %dma_wait3A_1161 = arith.constant 0 : i32
    %dma_wait3A_1162 = tpu.memref_slice %arg5[%dma_wait3A_1156, %dma_wait3A_1161] : memref<2x24576xf32, #tpu.memory_space<vmem>> -> memref<1x24576xf32, #tpu.memory_space<vmem>>
    %dma_wait3A_1163 = tpu.memref_squeeze %dma_wait3A_1162 : memref<1x24576xf32, #tpu.memory_space<vmem>> -> memref<24576xf32, #tpu.memory_space<vmem>>
    %dma_wait3A_1164 = tpu.memref_slice %arg3[%mul3A_942] : memref<6291456xf32, #tpu.memory_space<hbm>> -> memref<24576xf32, #tpu.memory_space<hbm>>
    tpu.wait_dma2 semaphore(%arg12 : memref<!tpu.dma_semaphore, #tpu.memory_space<semaphore_mem>>) src(%dma_wait3A_1164 : memref<24576xf32, #tpu.memory_space<hbm>>) dst(%dma_wait3A_1163 : memref<24576xf32, #tpu.memory_space<vmem>>)
    %add3A_1165 = arith.constant 192 : i32
    %add3A_1166 = arith.addi %mul3A_2, %add3A_1165 : i32
    %mul3A_1167 = arith.constant 768 : i32
    %mul3A_1168 = arith.muli %add3A_1166, %mul3A_1167 : i32
    %dma_start3A_1169 = arith.constant 0 : i32
    %dma_start3A_1170 = arith.constant 0 : i32
    %dma_start3A_1171 = tpu.memref_slice %arg5[%dma_start3A_1169, %dma_start3A_1170] : memref<2x24576xf32, #tpu.memory_space<vmem>> -> memref<1x24576xf32, #tpu.memory_space<vmem>>
    %dma_start3A_1172 = tpu.memref_squeeze %dma_start3A_1171 : memref<1x24576xf32, #tpu.memory_space<vmem>> -> memref<24576xf32, #tpu.memory_space<vmem>>
    %dma_start3A_1173 = tpu.memref_slice %arg3[%mul3A_1168] : memref<6291456xf32, #tpu.memory_space<hbm>> -> memref<24576xf32, #tpu.memory_space<hbm>>
    %dma_start3A_1174 = arith.constant 0 : i32
    %dma_start3A_1175 = tpu.memref_slice %arg5[%dma_start3A_1169, %dma_start3A_1174] : memref<2x24576xf32, #tpu.memory_space<vmem>> -> memref<1x24576xf32, #tpu.memory_space<vmem>>
    %dma_start3A_1176 = tpu.memref_squeeze %dma_start3A_1175 : memref<1x24576xf32, #tpu.memory_space<vmem>> -> memref<24576xf32, #tpu.memory_space<vmem>>
    %dma_start3A_1177 = tpu.memref_slice %arg3[%mul3A_1168] : memref<6291456xf32, #tpu.memory_space<hbm>> -> memref<24576xf32, #tpu.memory_space<hbm>>
    tpu.enqueue_dma source(%dma_start3A_1177 : memref<24576xf32, #tpu.memory_space<hbm>>) target(%dma_start3A_1176 : memref<24576xf32, #tpu.memory_space<vmem>>) target_semaphore(%arg11 : memref<!tpu.dma_semaphore, #tpu.memory_space<semaphore_mem>>)
    %dma_wait3A_1178 = arith.constant 1 : i32
    %dma_wait3A_1179 = arith.constant 0 : i32
    %dma_wait3A_1180 = tpu.memref_slice %arg6[%dma_wait3A_1178, %dma_wait3A_1179] : memref<2x24576xf32, #tpu.memory_space<vmem>> -> memref<1x24576xf32, #tpu.memory_space<vmem>>
    %dma_wait3A_1181 = tpu.memref_squeeze %dma_wait3A_1180 : memref<1x24576xf32, #tpu.memory_space<vmem>> -> memref<24576xf32, #tpu.memory_space<vmem>>
    %dma_wait3A_1182 = tpu.memref_slice %arg4[%add3A_1137] : memref<25165824xf32, #tpu.memory_space<hbm>> -> memref<24576xf32, #tpu.memory_space<hbm>>
    %dma_wait3A_1183 = tpu.memref_slice %arg4[%add3A_1137] : memref<25165824xf32, #tpu.memory_space<hbm>> -> memref<24576xf32, #tpu.memory_space<hbm>>
    %dma_wait3A_1184 = arith.constant 0 : i32
    %dma_wait3A_1185 = tpu.memref_slice %arg6[%dma_wait3A_1178, %dma_wait3A_1184] : memref<2x24576xf32, #tpu.memory_space<vmem>> -> memref<1x24576xf32, #tpu.memory_space<vmem>>
    %dma_wait3A_1186 = tpu.memref_squeeze %dma_wait3A_1185 : memref<1x24576xf32, #tpu.memory_space<vmem>> -> memref<24576xf32, #tpu.memory_space<vmem>>
    tpu.wait_dma2 semaphore(%arg10 : memref<!tpu.dma_semaphore, #tpu.memory_space<semaphore_mem>>) src(%dma_wait3A_1186 : memref<24576xf32, #tpu.memory_space<vmem>>) dst(%dma_wait3A_1183 : memref<24576xf32, #tpu.memory_space<hbm>>)
    %add3A_1187 = arith.constant 160 : i32
    %add3A_1188 = arith.addi %mul3A_2, %add3A_1187 : i32
    %mul3A_1189 = arith.constant 768 : i32
    %mul3A_1190 = arith.muli %add3A_1188, %mul3A_1189 : i32
    %add3A_1191 = arith.constant 6291456 : i32
    %add3A_1192 = arith.addi %add3A_1191, %mul3A_1190 : i32
    %dma_start3A_1193 = arith.constant 1 : i32
    %dma_start3A_1194 = arith.constant 0 : i32
    %dma_start3A_1195 = tpu.memref_slice %arg6[%dma_start3A_1193, %dma_start3A_1194] : memref<2x24576xf32, #tpu.memory_space<vmem>> -> memref<1x24576xf32, #tpu.memory_space<vmem>>
    %dma_start3A_1196 = tpu.memref_squeeze %dma_start3A_1195 : memref<1x24576xf32, #tpu.memory_space<vmem>> -> memref<24576xf32, #tpu.memory_space<vmem>>
    %dma_start3A_1197 = tpu.memref_slice %arg2[%add3A_1192] : memref<25165824xf32, #tpu.memory_space<hbm>> -> memref<24576xf32, #tpu.memory_space<hbm>>
    %dma_start3A_1198 = arith.constant 0 : i32
    %dma_start3A_1199 = tpu.memref_slice %arg6[%dma_start3A_1193, %dma_start3A_1198] : memref<2x24576xf32, #tpu.memory_space<vmem>> -> memref<1x24576xf32, #tpu.memory_space<vmem>>
    %dma_start3A_1200 = tpu.memref_squeeze %dma_start3A_1199 : memref<1x24576xf32, #tpu.memory_space<vmem>> -> memref<24576xf32, #tpu.memory_space<vmem>>
    %dma_start3A_1201 = tpu.memref_slice %arg2[%add3A_1192] : memref<25165824xf32, #tpu.memory_space<hbm>> -> memref<24576xf32, #tpu.memory_space<hbm>>
    tpu.enqueue_dma source(%dma_start3A_1201 : memref<24576xf32, #tpu.memory_space<hbm>>) target(%dma_start3A_1200 : memref<24576xf32, #tpu.memory_space<vmem>>) target_semaphore(%arg8 : memref<!tpu.dma_semaphore, #tpu.memory_space<semaphore_mem>>)
    %parallel_loop3A_1202 = arith.constant 0 : i32
    %parallel_loop3A_1203 = arith.constant 24576 : i32
    %parallel_loop3A_1204 = arith.constant 16 : i32
    scf.for %parallel_loop3A_1806 = %parallel_loop3A_1202 to %parallel_loop3A_1203 step %parallel_loop3A_1204  : i32 {
      %parallel_loop3A_1807 = arith.constant 1 : i32
      %parallel_loop3A_1808 = arith.index_cast %parallel_loop3A_1807 : i32 to index
      %parallel_loop3A_1809 = arith.index_cast %parallel_loop3A_1806 : i32 to index
      %parallel_loop3A_1810 = tpu.vector_load %arg5[%parallel_loop3A_1808, %parallel_loop3A_1809] {strides = array<i32>} : memref<2x24576xf32, #tpu.memory_space<vmem>>, vector<1x16xf32>,
      %parallel_loop3A_1811 = vector.shape_cast %parallel_loop3A_1810 : vector<1x16xf32> to vector<16xf32>
      %parallel_loop3A_1812 = arith.constant 0 : i32
      %parallel_loop3A_1813 = arith.index_cast %parallel_loop3A_1812 : i32 to index
      %parallel_loop3A_1814 = arith.index_cast %parallel_loop3A_1806 : i32 to index
      %parallel_loop3A_1815 = tpu.vector_load %arg6[%parallel_loop3A_1813, %parallel_loop3A_1814] {strides = array<i32>} : memref<2x24576xf32, #tpu.memory_space<vmem>>, vector<1x16xf32>,
      %parallel_loop3A_1816 = vector.shape_cast %parallel_loop3A_1815 : vector<1x16xf32> to vector<16xf32>
      %parallel_loop3A_1817 = vector.shape_cast %parallel_loop3A_1811 : vector<16xf32> to vector<1x16xf32>
      tpu.vector_store %arg6[%parallel_loop3A_1813, %parallel_loop3A_1814], %parallel_loop3A_1817 {add = true, strides = array<i32>} : memref<2x24576xf32, #tpu.memory_space<vmem>>, vector<1x16xf32>,
    } {sc.loop_unroll_factor = 8 : i64, sc.parallel_access}
    %add3A_1205 = arith.constant 160 : i32
    %add3A_1206 = arith.addi %mul3A_2, %add3A_1205 : i32
    %mul3A_1207 = arith.constant 768 : i32
    %mul3A_1208 = arith.muli %add3A_1206, %mul3A_1207 : i32
    %add3A_1209 = arith.constant 0 : i32
    %add3A_1210 = arith.addi %add3A_1209, %mul3A_1208 : i32
    %dma_start3A_1211 = arith.constant 0 : i32
    %dma_start3A_1212 = arith.constant 0 : i32
    %dma_start3A_1213 = tpu.memref_slice %arg6[%dma_start3A_1211, %dma_start3A_1212] : memref<2x24576xf32, #tpu.memory_space<vmem>> -> memref<1x24576xf32, #tpu.memory_space<vmem>>
    %dma_start3A_1214 = tpu.memref_squeeze %dma_start3A_1213 : memref<1x24576xf32, #tpu.memory_space<vmem>> -> memref<24576xf32, #tpu.memory_space<vmem>>
    %dma_start3A_1215 = tpu.memref_slice %arg4[%add3A_1210] : memref<25165824xf32, #tpu.memory_space<hbm>> -> memref<24576xf32, #tpu.memory_space<hbm>>
    %dma_start3A_1216 = tpu.memref_slice %arg4[%add3A_1210] : memref<25165824xf32, #tpu.memory_space<hbm>> -> memref<24576xf32, #tpu.memory_space<hbm>>
    %dma_start3A_1217 = arith.constant 0 : i32
    %dma_start3A_1218 = tpu.memref_slice %arg6[%dma_start3A_1211, %dma_start3A_1217] : memref<2x24576xf32, #tpu.memory_space<vmem>> -> memref<1x24576xf32, #tpu.memory_space<vmem>>
    %dma_start3A_1219 = tpu.memref_squeeze %dma_start3A_1218 : memref<1x24576xf32, #tpu.memory_space<vmem>> -> memref<24576xf32, #tpu.memory_space<vmem>>
    tpu.enqueue_dma source(%dma_start3A_1219 : memref<24576xf32, #tpu.memory_space<vmem>>) target(%dma_start3A_1216 : memref<24576xf32, #tpu.memory_space<hbm>>) target_semaphore(%arg9 : memref<!tpu.dma_semaphore, #tpu.memory_space<semaphore_mem>>)
    %dma_wait3A_1220 = arith.constant 1 : i32
    %dma_wait3A_1221 = arith.constant 0 : i32
    %dma_wait3A_1222 = tpu.memref_slice %arg6[%dma_wait3A_1220, %dma_wait3A_1221] : memref<2x24576xf32, #tpu.memory_space<vmem>> -> memref<1x24576xf32, #tpu.memory_space<vmem>>
    %dma_wait3A_1223 = tpu.memref_squeeze %dma_wait3A_1222 : memref<1x24576xf32, #tpu.memory_space<vmem>> -> memref<24576xf32, #tpu.memory_space<vmem>>
    %dma_wait3A_1224 = tpu.memref_slice %arg2[%add3A_1192] : memref<25165824xf32, #tpu.memory_space<hbm>> -> memref<24576xf32, #tpu.memory_space<hbm>>
    %dma_wait3A_1225 = arith.constant 0 : i32
    %dma_wait3A_1226 = tpu.memref_slice %arg6[%dma_wait3A_1220, %dma_wait3A_1225] : memref<2x24576xf32, #tpu.memory_space<vmem>> -> memref<1x24576xf32, #tpu.memory_space<vmem>>
    %dma_wait3A_1227 = tpu.memref_squeeze %dma_wait3A_1226 : memref<1x24576xf32, #tpu.memory_space<vmem>> -> memref<24576xf32, #tpu.memory_space<vmem>>
    %dma_wait3A_1228 = tpu.memref_slice %arg2[%add3A_1192] : memref<25165824xf32, #tpu.memory_space<hbm>> -> memref<24576xf32, #tpu.memory_space<hbm>>
    tpu.wait_dma2 semaphore(%arg8 : memref<!tpu.dma_semaphore, #tpu.memory_space<semaphore_mem>>) src(%dma_wait3A_1228 : memref<24576xf32, #tpu.memory_space<hbm>>) dst(%dma_wait3A_1227 : memref<24576xf32, #tpu.memory_space<vmem>>)
    %dma_wait3A_1229 = arith.constant 0 : i32
    %dma_wait3A_1230 = arith.constant 0 : i32
    %dma_wait3A_1231 = tpu.memref_slice %arg6[%dma_wait3A_1229, %dma_wait3A_1230] : memref<2x24576xf32, #tpu.memory_space<vmem>> -> memref<1x24576xf32, #tpu.memory_space<vmem>>
    %dma_wait3A_1232 = tpu.memref_squeeze %dma_wait3A_1231 : memref<1x24576xf32, #tpu.memory_space<vmem>> -> memref<24576xf32, #tpu.memory_space<vmem>>
    %dma_wait3A_1233 = tpu.memref_slice %arg4[%add3A_1210] : memref<25165824xf32, #tpu.memory_space<hbm>> -> memref<24576xf32, #tpu.memory_space<hbm>>
    %dma_wait3A_1234 = tpu.memref_slice %arg4[%add3A_1210] : memref<25165824xf32, #tpu.memory_space<hbm>> -> memref<24576xf32, #tpu.memory_space<hbm>>
    %dma_wait3A_1235 = arith.constant 0 : i32
    %dma_wait3A_1236 = tpu.memref_slice %arg6[%dma_wait3A_1229, %dma_wait3A_1235] : memref<2x24576xf32, #tpu.memory_space<vmem>> -> memref<1x24576xf32, #tpu.memory_space<vmem>>
    %dma_wait3A_1237 = tpu.memref_squeeze %dma_wait3A_1236 : memref<1x24576xf32, #tpu.memory_space<vmem>> -> memref<24576xf32, #tpu.memory_space<vmem>>
    tpu.wait_dma2 semaphore(%arg9 : memref<!tpu.dma_semaphore, #tpu.memory_space<semaphore_mem>>) src(%dma_wait3A_1237 : memref<24576xf32, #tpu.memory_space<vmem>>) dst(%dma_wait3A_1234 : memref<24576xf32, #tpu.memory_space<hbm>>)
    %add3A_1238 = arith.constant 160 : i32
    %add3A_1239 = arith.addi %mul3A_2, %add3A_1238 : i32
    %mul3A_1240 = arith.constant 768 : i32
    %mul3A_1241 = arith.muli %add3A_1239, %mul3A_1240 : i32
    %add3A_1242 = arith.constant 12582912 : i32
    %add3A_1243 = arith.addi %add3A_1242, %mul3A_1241 : i32
    %dma_start3A_1244 = arith.constant 0 : i32
    %dma_start3A_1245 = arith.constant 0 : i32
    %dma_start3A_1246 = tpu.memref_slice %arg6[%dma_start3A_1244, %dma_start3A_1245] : memref<2x24576xf32, #tpu.memory_space<vmem>> -> memref<1x24576xf32, #tpu.memory_space<vmem>>
    %dma_start3A_1247 = tpu.memref_squeeze %dma_start3A_1246 : memref<1x24576xf32, #tpu.memory_space<vmem>> -> memref<24576xf32, #tpu.memory_space<vmem>>
    %dma_start3A_1248 = tpu.memref_slice %arg2[%add3A_1243] : memref<25165824xf32, #tpu.memory_space<hbm>> -> memref<24576xf32, #tpu.memory_space<hbm>>
    %dma_start3A_1249 = arith.constant 0 : i32
    %dma_start3A_1250 = tpu.memref_slice %arg6[%dma_start3A_1244, %dma_start3A_1249] : memref<2x24576xf32, #tpu.memory_space<vmem>> -> memref<1x24576xf32, #tpu.memory_space<vmem>>
    %dma_start3A_1251 = tpu.memref_squeeze %dma_start3A_1250 : memref<1x24576xf32, #tpu.memory_space<vmem>> -> memref<24576xf32, #tpu.memory_space<vmem>>
    %dma_start3A_1252 = tpu.memref_slice %arg2[%add3A_1243] : memref<25165824xf32, #tpu.memory_space<hbm>> -> memref<24576xf32, #tpu.memory_space<hbm>>
    tpu.enqueue_dma source(%dma_start3A_1252 : memref<24576xf32, #tpu.memory_space<hbm>>) target(%dma_start3A_1251 : memref<24576xf32, #tpu.memory_space<vmem>>) target_semaphore(%arg7 : memref<!tpu.dma_semaphore, #tpu.memory_space<semaphore_mem>>)
    %parallel_loop3A_1253 = arith.constant 0 : i32
    %parallel_loop3A_1254 = arith.constant 24576 : i32
    %parallel_loop3A_1255 = arith.constant 16 : i32
    scf.for %parallel_loop3A_1806 = %parallel_loop3A_1253 to %parallel_loop3A_1254 step %parallel_loop3A_1255  : i32 {
      %parallel_loop3A_1807 = arith.constant 1 : i32
      %parallel_loop3A_1808 = arith.index_cast %parallel_loop3A_1807 : i32 to index
      %parallel_loop3A_1809 = arith.index_cast %parallel_loop3A_1806 : i32 to index
      %parallel_loop3A_1810 = tpu.vector_load %arg5[%parallel_loop3A_1808, %parallel_loop3A_1809] {strides = array<i32>} : memref<2x24576xf32, #tpu.memory_space<vmem>>, vector<1x16xf32>,
      %parallel_loop3A_1811 = vector.shape_cast %parallel_loop3A_1810 : vector<1x16xf32> to vector<16xf32>
      %parallel_loop3A_1812 = arith.constant 1 : i32
      %parallel_loop3A_1813 = arith.index_cast %parallel_loop3A_1812 : i32 to index
      %parallel_loop3A_1814 = arith.index_cast %parallel_loop3A_1806 : i32 to index
      %parallel_loop3A_1815 = tpu.vector_load %arg6[%parallel_loop3A_1813, %parallel_loop3A_1814] {strides = array<i32>} : memref<2x24576xf32, #tpu.memory_space<vmem>>, vector<1x16xf32>,
      %parallel_loop3A_1816 = vector.shape_cast %parallel_loop3A_1815 : vector<1x16xf32> to vector<16xf32>
      %parallel_loop3A_1817 = vector.shape_cast %parallel_loop3A_1811 : vector<16xf32> to vector<1x16xf32>
      tpu.vector_store %arg6[%parallel_loop3A_1813, %parallel_loop3A_1814], %parallel_loop3A_1817 {add = true, strides = array<i32>} : memref<2x24576xf32, #tpu.memory_space<vmem>>, vector<1x16xf32>,
    } {sc.loop_unroll_factor = 8 : i64, sc.parallel_access}
    %add3A_1256 = arith.constant 160 : i32
    %add3A_1257 = arith.addi %mul3A_2, %add3A_1256 : i32
    %mul3A_1258 = arith.constant 768 : i32
    %mul3A_1259 = arith.muli %add3A_1257, %mul3A_1258 : i32
    %add3A_1260 = arith.constant 6291456 : i32
    %add3A_1261 = arith.addi %add3A_1260, %mul3A_1259 : i32
    %dma_start3A_1262 = arith.constant 1 : i32
    %dma_start3A_1263 = arith.constant 0 : i32
    %dma_start3A_1264 = tpu.memref_slice %arg6[%dma_start3A_1262, %dma_start3A_1263] : memref<2x24576xf32, #tpu.memory_space<vmem>> -> memref<1x24576xf32, #tpu.memory_space<vmem>>
    %dma_start3A_1265 = tpu.memref_squeeze %dma_start3A_1264 : memref<1x24576xf32, #tpu.memory_space<vmem>> -> memref<24576xf32, #tpu.memory_space<vmem>>
    %dma_start3A_1266 = tpu.memref_slice %arg4[%add3A_1261] : memref<25165824xf32, #tpu.memory_space<hbm>> -> memref<24576xf32, #tpu.memory_space<hbm>>
    %dma_start3A_1267 = tpu.memref_slice %arg4[%add3A_1261] : memref<25165824xf32, #tpu.memory_space<hbm>> -> memref<24576xf32, #tpu.memory_space<hbm>>
    %dma_start3A_1268 = arith.constant 0 : i32
    %dma_start3A_1269 = tpu.memref_slice %arg6[%dma_start3A_1262, %dma_start3A_1268] : memref<2x24576xf32, #tpu.memory_space<vmem>> -> memref<1x24576xf32, #tpu.memory_space<vmem>>
    %dma_start3A_1270 = tpu.memref_squeeze %dma_start3A_1269 : memref<1x24576xf32, #tpu.memory_space<vmem>> -> memref<24576xf32, #tpu.memory_space<vmem>>
    tpu.enqueue_dma source(%dma_start3A_1270 : memref<24576xf32, #tpu.memory_space<vmem>>) target(%dma_start3A_1267 : memref<24576xf32, #tpu.memory_space<hbm>>) target_semaphore(%arg10 : memref<!tpu.dma_semaphore, #tpu.memory_space<semaphore_mem>>)
    %dma_wait3A_1271 = arith.constant 0 : i32
    %dma_wait3A_1272 = arith.constant 0 : i32
    %dma_wait3A_1273 = tpu.memref_slice %arg6[%dma_wait3A_1271, %dma_wait3A_1272] : memref<2x24576xf32, #tpu.memory_space<vmem>> -> memref<1x24576xf32, #tpu.memory_space<vmem>>
    %dma_wait3A_1274 = tpu.memref_squeeze %dma_wait3A_1273 : memref<1x24576xf32, #tpu.memory_space<vmem>> -> memref<24576xf32, #tpu.memory_space<vmem>>
    %dma_wait3A_1275 = tpu.memref_slice %arg2[%add3A_1243] : memref<25165824xf32, #tpu.memory_space<hbm>> -> memref<24576xf32, #tpu.memory_space<hbm>>
    %dma_wait3A_1276 = arith.constant 0 : i32
    %dma_wait3A_1277 = tpu.memref_slice %arg6[%dma_wait3A_1271, %dma_wait3A_1276] : memref<2x24576xf32, #tpu.memory_space<vmem>> -> memref<1x24576xf32, #tpu.memory_space<vmem>>
    %dma_wait3A_1278 = tpu.memref_squeeze %dma_wait3A_1277 : memref<1x24576xf32, #tpu.memory_space<vmem>> -> memref<24576xf32, #tpu.memory_space<vmem>>
    %dma_wait3A_1279 = tpu.memref_slice %arg2[%add3A_1243] : memref<25165824xf32, #tpu.memory_space<hbm>> -> memref<24576xf32, #tpu.memory_space<hbm>>
    tpu.wait_dma2 semaphore(%arg7 : memref<!tpu.dma_semaphore, #tpu.memory_space<semaphore_mem>>) src(%dma_wait3A_1279 : memref<24576xf32, #tpu.memory_space<hbm>>) dst(%dma_wait3A_1278 : memref<24576xf32, #tpu.memory_space<vmem>>)
    %dma_wait3A_1280 = arith.constant 1 : i32
    %dma_wait3A_1281 = arith.constant 0 : i32
    %dma_wait3A_1282 = tpu.memref_slice %arg6[%dma_wait3A_1280, %dma_wait3A_1281] : memref<2x24576xf32, #tpu.memory_space<vmem>> -> memref<1x24576xf32, #tpu.memory_space<vmem>>
    %dma_wait3A_1283 = tpu.memref_squeeze %dma_wait3A_1282 : memref<1x24576xf32, #tpu.memory_space<vmem>> -> memref<24576xf32, #tpu.memory_space<vmem>>
    %dma_wait3A_1284 = tpu.memref_slice %arg4[%add3A_1261] : memref<25165824xf32, #tpu.memory_space<hbm>> -> memref<24576xf32, #tpu.memory_space<hbm>>
    %dma_wait3A_1285 = tpu.memref_slice %arg4[%add3A_1261] : memref<25165824xf32, #tpu.memory_space<hbm>> -> memref<24576xf32, #tpu.memory_space<hbm>>
    %dma_wait3A_1286 = arith.constant 0 : i32
    %dma_wait3A_1287 = tpu.memref_slice %arg6[%dma_wait3A_1280, %dma_wait3A_1286] : memref<2x24576xf32, #tpu.memory_space<vmem>> -> memref<1x24576xf32, #tpu.memory_space<vmem>>
    %dma_wait3A_1288 = tpu.memref_squeeze %dma_wait3A_1287 : memref<1x24576xf32, #tpu.memory_space<vmem>> -> memref<24576xf32, #tpu.memory_space<vmem>>
    tpu.wait_dma2 semaphore(%arg10 : memref<!tpu.dma_semaphore, #tpu.memory_space<semaphore_mem>>) src(%dma_wait3A_1288 : memref<24576xf32, #tpu.memory_space<vmem>>) dst(%dma_wait3A_1285 : memref<24576xf32, #tpu.memory_space<hbm>>)
    %add3A_1289 = arith.constant 160 : i32
    %add3A_1290 = arith.addi %mul3A_2, %add3A_1289 : i32
    %mul3A_1291 = arith.constant 768 : i32
    %mul3A_1292 = arith.muli %add3A_1290, %mul3A_1291 : i32
    %add3A_1293 = arith.constant 18874368 : i32
    %add3A_1294 = arith.addi %add3A_1293, %mul3A_1292 : i32
    %dma_start3A_1295 = arith.constant 1 : i32
    %dma_start3A_1296 = arith.constant 0 : i32
    %dma_start3A_1297 = tpu.memref_slice %arg6[%dma_start3A_1295, %dma_start3A_1296] : memref<2x24576xf32, #tpu.memory_space<vmem>> -> memref<1x24576xf32, #tpu.memory_space<vmem>>
    %dma_start3A_1298 = tpu.memref_squeeze %dma_start3A_1297 : memref<1x24576xf32, #tpu.memory_space<vmem>> -> memref<24576xf32, #tpu.memory_space<vmem>>
    %dma_start3A_1299 = tpu.memref_slice %arg2[%add3A_1294] : memref<25165824xf32, #tpu.memory_space<hbm>> -> memref<24576xf32, #tpu.memory_space<hbm>>
    %dma_start3A_1300 = arith.constant 0 : i32
    %dma_start3A_1301 = tpu.memref_slice %arg6[%dma_start3A_1295, %dma_start3A_1300] : memref<2x24576xf32, #tpu.memory_space<vmem>> -> memref<1x24576xf32, #tpu.memory_space<vmem>>
    %dma_start3A_1302 = tpu.memref_squeeze %dma_start3A_1301 : memref<1x24576xf32, #tpu.memory_space<vmem>> -> memref<24576xf32, #tpu.memory_space<vmem>>
    %dma_start3A_1303 = tpu.memref_slice %arg2[%add3A_1294] : memref<25165824xf32, #tpu.memory_space<hbm>> -> memref<24576xf32, #tpu.memory_space<hbm>>
    tpu.enqueue_dma source(%dma_start3A_1303 : memref<24576xf32, #tpu.memory_space<hbm>>) target(%dma_start3A_1302 : memref<24576xf32, #tpu.memory_space<vmem>>) target_semaphore(%arg8 : memref<!tpu.dma_semaphore, #tpu.memory_space<semaphore_mem>>)
    %parallel_loop3A_1304 = arith.constant 0 : i32
    %parallel_loop3A_1305 = arith.constant 24576 : i32
    %parallel_loop3A_1306 = arith.constant 16 : i32
    scf.for %parallel_loop3A_1806 = %parallel_loop3A_1304 to %parallel_loop3A_1305 step %parallel_loop3A_1306  : i32 {
      %parallel_loop3A_1807 = arith.constant 1 : i32
      %parallel_loop3A_1808 = arith.index_cast %parallel_loop3A_1807 : i32 to index
      %parallel_loop3A_1809 = arith.index_cast %parallel_loop3A_1806 : i32 to index
      %parallel_loop3A_1810 = tpu.vector_load %arg5[%parallel_loop3A_1808, %parallel_loop3A_1809] {strides = array<i32>} : memref<2x24576xf32, #tpu.memory_space<vmem>>, vector<1x16xf32>,
      %parallel_loop3A_1811 = vector.shape_cast %parallel_loop3A_1810 : vector<1x16xf32> to vector<16xf32>
      %parallel_loop3A_1812 = arith.constant 0 : i32
      %parallel_loop3A_1813 = arith.index_cast %parallel_loop3A_1812 : i32 to index
      %parallel_loop3A_1814 = arith.index_cast %parallel_loop3A_1806 : i32 to index
      %parallel_loop3A_1815 = tpu.vector_load %arg6[%parallel_loop3A_1813, %parallel_loop3A_1814] {strides = array<i32>} : memref<2x24576xf32, #tpu.memory_space<vmem>>, vector<1x16xf32>,
      %parallel_loop3A_1816 = vector.shape_cast %parallel_loop3A_1815 : vector<1x16xf32> to vector<16xf32>
      %parallel_loop3A_1817 = vector.shape_cast %parallel_loop3A_1811 : vector<16xf32> to vector<1x16xf32>
      tpu.vector_store %arg6[%parallel_loop3A_1813, %parallel_loop3A_1814], %parallel_loop3A_1817 {add = true, strides = array<i32>} : memref<2x24576xf32, #tpu.memory_space<vmem>>, vector<1x16xf32>,
    } {sc.loop_unroll_factor = 8 : i64, sc.parallel_access}
    %add3A_1307 = arith.constant 160 : i32
    %add3A_1308 = arith.addi %mul3A_2, %add3A_1307 : i32
    %mul3A_1309 = arith.constant 768 : i32
    %mul3A_1310 = arith.muli %add3A_1308, %mul3A_1309 : i32
    %add3A_1311 = arith.constant 12582912 : i32
    %add3A_1312 = arith.addi %add3A_1311, %mul3A_1310 : i32
    %dma_start3A_1313 = arith.constant 0 : i32
    %dma_start3A_1314 = arith.constant 0 : i32
    %dma_start3A_1315 = tpu.memref_slice %arg6[%dma_start3A_1313, %dma_start3A_1314] : memref<2x24576xf32, #tpu.memory_space<vmem>> -> memref<1x24576xf32, #tpu.memory_space<vmem>>
    %dma_start3A_1316 = tpu.memref_squeeze %dma_start3A_1315 : memref<1x24576xf32, #tpu.memory_space<vmem>> -> memref<24576xf32, #tpu.memory_space<vmem>>
    %dma_start3A_1317 = tpu.memref_slice %arg4[%add3A_1312] : memref<25165824xf32, #tpu.memory_space<hbm>> -> memref<24576xf32, #tpu.memory_space<hbm>>
    %dma_start3A_1318 = tpu.memref_slice %arg4[%add3A_1312] : memref<25165824xf32, #tpu.memory_space<hbm>> -> memref<24576xf32, #tpu.memory_space<hbm>>
    %dma_start3A_1319 = arith.constant 0 : i32
    %dma_start3A_1320 = tpu.memref_slice %arg6[%dma_start3A_1313, %dma_start3A_1319] : memref<2x24576xf32, #tpu.memory_space<vmem>> -> memref<1x24576xf32, #tpu.memory_space<vmem>>
    %dma_start3A_1321 = tpu.memref_squeeze %dma_start3A_1320 : memref<1x24576xf32, #tpu.memory_space<vmem>> -> memref<24576xf32, #tpu.memory_space<vmem>>
    tpu.enqueue_dma source(%dma_start3A_1321 : memref<24576xf32, #tpu.memory_space<vmem>>) target(%dma_start3A_1318 : memref<24576xf32, #tpu.memory_space<hbm>>) target_semaphore(%arg9 : memref<!tpu.dma_semaphore, #tpu.memory_space<semaphore_mem>>)
    %dma_wait3A_1322 = arith.constant 1 : i32
    %dma_wait3A_1323 = arith.constant 0 : i32
    %dma_wait3A_1324 = tpu.memref_slice %arg6[%dma_wait3A_1322, %dma_wait3A_1323] : memref<2x24576xf32, #tpu.memory_space<vmem>> -> memref<1x24576xf32, #tpu.memory_space<vmem>>
    %dma_wait3A_1325 = tpu.memref_squeeze %dma_wait3A_1324 : memref<1x24576xf32, #tpu.memory_space<vmem>> -> memref<24576xf32, #tpu.memory_space<vmem>>
    %dma_wait3A_1326 = tpu.memref_slice %arg2[%add3A_1294] : memref<25165824xf32, #tpu.memory_space<hbm>> -> memref<24576xf32, #tpu.memory_space<hbm>>
    %dma_wait3A_1327 = arith.constant 0 : i32
    %dma_wait3A_1328 = tpu.memref_slice %arg6[%dma_wait3A_1322, %dma_wait3A_1327] : memref<2x24576xf32, #tpu.memory_space<vmem>> -> memref<1x24576xf32, #tpu.memory_space<vmem>>
    %dma_wait3A_1329 = tpu.memref_squeeze %dma_wait3A_1328 : memref<1x24576xf32, #tpu.memory_space<vmem>> -> memref<24576xf32, #tpu.memory_space<vmem>>
    %dma_wait3A_1330 = tpu.memref_slice %arg2[%add3A_1294] : memref<25165824xf32, #tpu.memory_space<hbm>> -> memref<24576xf32, #tpu.memory_space<hbm>>
    tpu.wait_dma2 semaphore(%arg8 : memref<!tpu.dma_semaphore, #tpu.memory_space<semaphore_mem>>) src(%dma_wait3A_1330 : memref<24576xf32, #tpu.memory_space<hbm>>) dst(%dma_wait3A_1329 : memref<24576xf32, #tpu.memory_space<vmem>>)
    %dma_wait3A_1331 = arith.constant 0 : i32
    %dma_wait3A_1332 = arith.constant 0 : i32
    %dma_wait3A_1333 = tpu.memref_slice %arg6[%dma_wait3A_1331, %dma_wait3A_1332] : memref<2x24576xf32, #tpu.memory_space<vmem>> -> memref<1x24576xf32, #tpu.memory_space<vmem>>
    %dma_wait3A_1334 = tpu.memref_squeeze %dma_wait3A_1333 : memref<1x24576xf32, #tpu.memory_space<vmem>> -> memref<24576xf32, #tpu.memory_space<vmem>>
    %dma_wait3A_1335 = tpu.memref_slice %arg4[%add3A_1312] : memref<25165824xf32, #tpu.memory_space<hbm>> -> memref<24576xf32, #tpu.memory_space<hbm>>
    %dma_wait3A_1336 = tpu.memref_slice %arg4[%add3A_1312] : memref<25165824xf32, #tpu.memory_space<hbm>> -> memref<24576xf32, #tpu.memory_space<hbm>>
    %dma_wait3A_1337 = arith.constant 0 : i32
    %dma_wait3A_1338 = tpu.memref_slice %arg6[%dma_wait3A_1331, %dma_wait3A_1337] : memref<2x24576xf32, #tpu.memory_space<vmem>> -> memref<1x24576xf32, #tpu.memory_space<vmem>>
    %dma_wait3A_1339 = tpu.memref_squeeze %dma_wait3A_1338 : memref<1x24576xf32, #tpu.memory_space<vmem>> -> memref<24576xf32, #tpu.memory_space<vmem>>
    tpu.wait_dma2 semaphore(%arg9 : memref<!tpu.dma_semaphore, #tpu.memory_space<semaphore_mem>>) src(%dma_wait3A_1339 : memref<24576xf32, #tpu.memory_space<vmem>>) dst(%dma_wait3A_1336 : memref<24576xf32, #tpu.memory_space<hbm>>)
    %add3A_1340 = arith.constant 192 : i32
    %add3A_1341 = arith.addi %mul3A_2, %add3A_1340 : i32
    %mul3A_1342 = arith.constant 768 : i32
    %mul3A_1343 = arith.muli %add3A_1341, %mul3A_1342 : i32
    %add3A_1344 = arith.constant 0 : i32
    %add3A_1345 = arith.addi %add3A_1344, %mul3A_1343 : i32
    %dma_start3A_1346 = arith.constant 0 : i32
    %dma_start3A_1347 = arith.constant 0 : i32
    %dma_start3A_1348 = tpu.memref_slice %arg6[%dma_start3A_1346, %dma_start3A_1347] : memref<2x24576xf32, #tpu.memory_space<vmem>> -> memref<1x24576xf32, #tpu.memory_space<vmem>>
    %dma_start3A_1349 = tpu.memref_squeeze %dma_start3A_1348 : memref<1x24576xf32, #tpu.memory_space<vmem>> -> memref<24576xf32, #tpu.memory_space<vmem>>
    %dma_start3A_1350 = tpu.memref_slice %arg2[%add3A_1345] : memref<25165824xf32, #tpu.memory_space<hbm>> -> memref<24576xf32, #tpu.memory_space<hbm>>
    %dma_start3A_1351 = arith.constant 0 : i32
    %dma_start3A_1352 = tpu.memref_slice %arg6[%dma_start3A_1346, %dma_start3A_1351] : memref<2x24576xf32, #tpu.memory_space<vmem>> -> memref<1x24576xf32, #tpu.memory_space<vmem>>
    %dma_start3A_1353 = tpu.memref_squeeze %dma_start3A_1352 : memref<1x24576xf32, #tpu.memory_space<vmem>> -> memref<24576xf32, #tpu.memory_space<vmem>>
    %dma_start3A_1354 = tpu.memref_slice %arg2[%add3A_1345] : memref<25165824xf32, #tpu.memory_space<hbm>> -> memref<24576xf32, #tpu.memory_space<hbm>>
    tpu.enqueue_dma source(%dma_start3A_1354 : memref<24576xf32, #tpu.memory_space<hbm>>) target(%dma_start3A_1353 : memref<24576xf32, #tpu.memory_space<vmem>>) target_semaphore(%arg7 : memref<!tpu.dma_semaphore, #tpu.memory_space<semaphore_mem>>)
    %parallel_loop3A_1355 = arith.constant 0 : i32
    %parallel_loop3A_1356 = arith.constant 24576 : i32
    %parallel_loop3A_1357 = arith.constant 16 : i32
    scf.for %parallel_loop3A_1806 = %parallel_loop3A_1355 to %parallel_loop3A_1356 step %parallel_loop3A_1357  : i32 {
      %parallel_loop3A_1807 = arith.constant 1 : i32
      %parallel_loop3A_1808 = arith.index_cast %parallel_loop3A_1807 : i32 to index
      %parallel_loop3A_1809 = arith.index_cast %parallel_loop3A_1806 : i32 to index
      %parallel_loop3A_1810 = tpu.vector_load %arg5[%parallel_loop3A_1808, %parallel_loop3A_1809] {strides = array<i32>} : memref<2x24576xf32, #tpu.memory_space<vmem>>, vector<1x16xf32>,
      %parallel_loop3A_1811 = vector.shape_cast %parallel_loop3A_1810 : vector<1x16xf32> to vector<16xf32>
      %parallel_loop3A_1812 = arith.constant 1 : i32
      %parallel_loop3A_1813 = arith.index_cast %parallel_loop3A_1812 : i32 to index
      %parallel_loop3A_1814 = arith.index_cast %parallel_loop3A_1806 : i32 to index
      %parallel_loop3A_1815 = tpu.vector_load %arg6[%parallel_loop3A_1813, %parallel_loop3A_1814] {strides = array<i32>} : memref<2x24576xf32, #tpu.memory_space<vmem>>, vector<1x16xf32>,
      %parallel_loop3A_1816 = vector.shape_cast %parallel_loop3A_1815 : vector<1x16xf32> to vector<16xf32>
      %parallel_loop3A_1817 = vector.shape_cast %parallel_loop3A_1811 : vector<16xf32> to vector<1x16xf32>
      tpu.vector_store %arg6[%parallel_loop3A_1813, %parallel_loop3A_1814], %parallel_loop3A_1817 {add = true, strides = array<i32>} : memref<2x24576xf32, #tpu.memory_space<vmem>>, vector<1x16xf32>,
    } {sc.loop_unroll_factor = 8 : i64, sc.parallel_access}
    %add3A_1358 = arith.constant 160 : i32
    %add3A_1359 = arith.addi %mul3A_2, %add3A_1358 : i32
    %mul3A_1360 = arith.constant 768 : i32
    %mul3A_1361 = arith.muli %add3A_1359, %mul3A_1360 : i32
    %add3A_1362 = arith.constant 18874368 : i32
    %add3A_1363 = arith.addi %add3A_1362, %mul3A_1361 : i32
    %dma_start3A_1364 = arith.constant 1 : i32
    %dma_start3A_1365 = arith.constant 0 : i32
    %dma_start3A_1366 = tpu.memref_slice %arg6[%dma_start3A_1364, %dma_start3A_1365] : memref<2x24576xf32, #tpu.memory_space<vmem>> -> memref<1x24576xf32, #tpu.memory_space<vmem>>
    %dma_start3A_1367 = tpu.memref_squeeze %dma_start3A_1366 : memref<1x24576xf32, #tpu.memory_space<vmem>> -> memref<24576xf32, #tpu.memory_space<vmem>>
    %dma_start3A_1368 = tpu.memref_slice %arg4[%add3A_1363] : memref<25165824xf32, #tpu.memory_space<hbm>> -> memref<24576xf32, #tpu.memory_space<hbm>>
    %dma_start3A_1369 = tpu.memref_slice %arg4[%add3A_1363] : memref<25165824xf32, #tpu.memory_space<hbm>> -> memref<24576xf32, #tpu.memory_space<hbm>>
    %dma_start3A_1370 = arith.constant 0 : i32
    %dma_start3A_1371 = tpu.memref_slice %arg6[%dma_start3A_1364, %dma_start3A_1370] : memref<2x24576xf32, #tpu.memory_space<vmem>> -> memref<1x24576xf32, #tpu.memory_space<vmem>>
    %dma_start3A_1372 = tpu.memref_squeeze %dma_start3A_1371 : memref<1x24576xf32, #tpu.memory_space<vmem>> -> memref<24576xf32, #tpu.memory_space<vmem>>
    tpu.enqueue_dma source(%dma_start3A_1372 : memref<24576xf32, #tpu.memory_space<vmem>>) target(%dma_start3A_1369 : memref<24576xf32, #tpu.memory_space<hbm>>) target_semaphore(%arg10 : memref<!tpu.dma_semaphore, #tpu.memory_space<semaphore_mem>>)
    %dma_wait3A_1373 = arith.constant 0 : i32
    %dma_wait3A_1374 = arith.constant 0 : i32
    %dma_wait3A_1375 = tpu.memref_slice %arg6[%dma_wait3A_1373, %dma_wait3A_1374] : memref<2x24576xf32, #tpu.memory_space<vmem>> -> memref<1x24576xf32, #tpu.memory_space<vmem>>
    %dma_wait3A_1376 = tpu.memref_squeeze %dma_wait3A_1375 : memref<1x24576xf32, #tpu.memory_space<vmem>> -> memref<24576xf32, #tpu.memory_space<vmem>>
    %dma_wait3A_1377 = tpu.memref_slice %arg2[%add3A_1345] : memref<25165824xf32, #tpu.memory_space<hbm>> -> memref<24576xf32, #tpu.memory_space<hbm>>
    %dma_wait3A_1378 = arith.constant 0 : i32
    %dma_wait3A_1379 = tpu.memref_slice %arg6[%dma_wait3A_1373, %dma_wait3A_1378] : memref<2x24576xf32, #tpu.memory_space<vmem>> -> memref<1x24576xf32, #tpu.memory_space<vmem>>
    %dma_wait3A_1380 = tpu.memref_squeeze %dma_wait3A_1379 : memref<1x24576xf32, #tpu.memory_space<vmem>> -> memref<24576xf32, #tpu.memory_space<vmem>>
    %dma_wait3A_1381 = tpu.memref_slice %arg2[%add3A_1345] : memref<25165824xf32, #tpu.memory_space<hbm>> -> memref<24576xf32, #tpu.memory_space<hbm>>
    tpu.wait_dma2 semaphore(%arg7 : memref<!tpu.dma_semaphore, #tpu.memory_space<semaphore_mem>>) src(%dma_wait3A_1381 : memref<24576xf32, #tpu.memory_space<hbm>>) dst(%dma_wait3A_1380 : memref<24576xf32, #tpu.memory_space<vmem>>)
    %dma_wait3A_1382 = arith.constant 0 : i32
    %dma_wait3A_1383 = arith.constant 0 : i32
    %dma_wait3A_1384 = tpu.memref_slice %arg5[%dma_wait3A_1382, %dma_wait3A_1383] : memref<2x24576xf32, #tpu.memory_space<vmem>> -> memref<1x24576xf32, #tpu.memory_space<vmem>>
    %dma_wait3A_1385 = tpu.memref_squeeze %dma_wait3A_1384 : memref<1x24576xf32, #tpu.memory_space<vmem>> -> memref<24576xf32, #tpu.memory_space<vmem>>
    %dma_wait3A_1386 = tpu.memref_slice %arg3[%mul3A_1168] : memref<6291456xf32, #tpu.memory_space<hbm>> -> memref<24576xf32, #tpu.memory_space<hbm>>
    %dma_wait3A_1387 = arith.constant 0 : i32
    %dma_wait3A_1388 = tpu.memref_slice %arg5[%dma_wait3A_1382, %dma_wait3A_1387] : memref<2x24576xf32, #tpu.memory_space<vmem>> -> memref<1x24576xf32, #tpu.memory_space<vmem>>
    %dma_wait3A_1389 = tpu.memref_squeeze %dma_wait3A_1388 : memref<1x24576xf32, #tpu.memory_space<vmem>> -> memref<24576xf32, #tpu.memory_space<vmem>>
    %dma_wait3A_1390 = tpu.memref_slice %arg3[%mul3A_1168] : memref<6291456xf32, #tpu.memory_space<hbm>> -> memref<24576xf32, #tpu.memory_space<hbm>>
    tpu.wait_dma2 semaphore(%arg11 : memref<!tpu.dma_semaphore, #tpu.memory_space<semaphore_mem>>) src(%dma_wait3A_1390 : memref<24576xf32, #tpu.memory_space<hbm>>) dst(%dma_wait3A_1389 : memref<24576xf32, #tpu.memory_space<vmem>>)
    %add3A_1391 = arith.constant 224 : i32
    %add3A_1392 = arith.addi %mul3A_2, %add3A_1391 : i32
    %mul3A_1393 = arith.constant 768 : i32
    %mul3A_1394 = arith.muli %add3A_1392, %mul3A_1393 : i32
    %dma_start3A_1395 = arith.constant 1 : i32
    %dma_start3A_1396 = arith.constant 0 : i32
    %dma_start3A_1397 = tpu.memref_slice %arg5[%dma_start3A_1395, %dma_start3A_1396] : memref<2x24576xf32, #tpu.memory_space<vmem>> -> memref<1x24576xf32, #tpu.memory_space<vmem>>
    %dma_start3A_1398 = tpu.memref_squeeze %dma_start3A_1397 : memref<1x24576xf32, #tpu.memory_space<vmem>> -> memref<24576xf32, #tpu.memory_space<vmem>>
    %dma_start3A_1399 = tpu.memref_slice %arg3[%mul3A_1394] : memref<6291456xf32, #tpu.memory_space<hbm>> -> memref<24576xf32, #tpu.memory_space<hbm>>
    %dma_start3A_1400 = arith.constant 0 : i32
    %dma_start3A_1401 = tpu.memref_slice %arg5[%dma_start3A_1395, %dma_start3A_1400] : memref<2x24576xf32, #tpu.memory_space<vmem>> -> memref<1x24576xf32, #tpu.memory_space<vmem>>
    %dma_start3A_1402 = tpu.memref_squeeze %dma_start3A_1401 : memref<1x24576xf32, #tpu.memory_space<vmem>> -> memref<24576xf32, #tpu.memory_space<vmem>>
    %dma_start3A_1403 = tpu.memref_slice %arg3[%mul3A_1394] : memref<6291456xf32, #tpu.memory_space<hbm>> -> memref<24576xf32, #tpu.memory_space<hbm>>
    tpu.enqueue_dma source(%dma_start3A_1403 : memref<24576xf32, #tpu.memory_space<hbm>>) target(%dma_start3A_1402 : memref<24576xf32, #tpu.memory_space<vmem>>) target_semaphore(%arg12 : memref<!tpu.dma_semaphore, #tpu.memory_space<semaphore_mem>>)
    %dma_wait3A_1404 = arith.constant 1 : i32
    %dma_wait3A_1405 = arith.constant 0 : i32
    %dma_wait3A_1406 = tpu.memref_slice %arg6[%dma_wait3A_1404, %dma_wait3A_1405] : memref<2x24576xf32, #tpu.memory_space<vmem>> -> memref<1x24576xf32, #tpu.memory_space<vmem>>
    %dma_wait3A_1407 = tpu.memref_squeeze %dma_wait3A_1406 : memref<1x24576xf32, #tpu.memory_space<vmem>> -> memref<24576xf32, #tpu.memory_space<vmem>>
    %dma_wait3A_1408 = tpu.memref_slice %arg4[%add3A_1363] : memref<25165824xf32, #tpu.memory_space<hbm>> -> memref<24576xf32, #tpu.memory_space<hbm>>
    %dma_wait3A_1409 = tpu.memref_slice %arg4[%add3A_1363] : memref<25165824xf32, #tpu.memory_space<hbm>> -> memref<24576xf32, #tpu.memory_space<hbm>>
    %dma_wait3A_1410 = arith.constant 0 : i32
    %dma_wait3A_1411 = tpu.memref_slice %arg6[%dma_wait3A_1404, %dma_wait3A_1410] : memref<2x24576xf32, #tpu.memory_space<vmem>> -> memref<1x24576xf32, #tpu.memory_space<vmem>>
    %dma_wait3A_1412 = tpu.memref_squeeze %dma_wait3A_1411 : memref<1x24576xf32, #tpu.memory_space<vmem>> -> memref<24576xf32, #tpu.memory_space<vmem>>
    tpu.wait_dma2 semaphore(%arg10 : memref<!tpu.dma_semaphore, #tpu.memory_space<semaphore_mem>>) src(%dma_wait3A_1412 : memref<24576xf32, #tpu.memory_space<vmem>>) dst(%dma_wait3A_1409 : memref<24576xf32, #tpu.memory_space<hbm>>)
    %add3A_1413 = arith.constant 192 : i32
    %add3A_1414 = arith.addi %mul3A_2, %add3A_1413 : i32
    %mul3A_1415 = arith.constant 768 : i32
    %mul3A_1416 = arith.muli %add3A_1414, %mul3A_1415 : i32
    %add3A_1417 = arith.constant 6291456 : i32
    %add3A_1418 = arith.addi %add3A_1417, %mul3A_1416 : i32
    %dma_start3A_1419 = arith.constant 1 : i32
    %dma_start3A_1420 = arith.constant 0 : i32
    %dma_start3A_1421 = tpu.memref_slice %arg6[%dma_start3A_1419, %dma_start3A_1420] : memref<2x24576xf32, #tpu.memory_space<vmem>> -> memref<1x24576xf32, #tpu.memory_space<vmem>>
    %dma_start3A_1422 = tpu.memref_squeeze %dma_start3A_1421 : memref<1x24576xf32, #tpu.memory_space<vmem>> -> memref<24576xf32, #tpu.memory_space<vmem>>
    %dma_start3A_1423 = tpu.memref_slice %arg2[%add3A_1418] : memref<25165824xf32, #tpu.memory_space<hbm>> -> memref<24576xf32, #tpu.memory_space<hbm>>
    %dma_start3A_1424 = arith.constant 0 : i32
    %dma_start3A_1425 = tpu.memref_slice %arg6[%dma_start3A_1419, %dma_start3A_1424] : memref<2x24576xf32, #tpu.memory_space<vmem>> -> memref<1x24576xf32, #tpu.memory_space<vmem>>
    %dma_start3A_1426 = tpu.memref_squeeze %dma_start3A_1425 : memref<1x24576xf32, #tpu.memory_space<vmem>> -> memref<24576xf32, #tpu.memory_space<vmem>>
    %dma_start3A_1427 = tpu.memref_slice %arg2[%add3A_1418] : memref<25165824xf32, #tpu.memory_space<hbm>> -> memref<24576xf32, #tpu.memory_space<hbm>>
    tpu.enqueue_dma source(%dma_start3A_1427 : memref<24576xf32, #tpu.memory_space<hbm>>) target(%dma_start3A_1426 : memref<24576xf32, #tpu.memory_space<vmem>>) target_semaphore(%arg8 : memref<!tpu.dma_semaphore, #tpu.memory_space<semaphore_mem>>)
    %parallel_loop3A_1428 = arith.constant 0 : i32
    %parallel_loop3A_1429 = arith.constant 24576 : i32
    %parallel_loop3A_1430 = arith.constant 16 : i32
    scf.for %parallel_loop3A_1806 = %parallel_loop3A_1428 to %parallel_loop3A_1429 step %parallel_loop3A_1430  : i32 {
      %parallel_loop3A_1807 = arith.constant 0 : i32
      %parallel_loop3A_1808 = arith.index_cast %parallel_loop3A_1807 : i32 to index
      %parallel_loop3A_1809 = arith.index_cast %parallel_loop3A_1806 : i32 to index
      %parallel_loop3A_1810 = tpu.vector_load %arg5[%parallel_loop3A_1808, %parallel_loop3A_1809] {strides = array<i32>} : memref<2x24576xf32, #tpu.memory_space<vmem>>, vector<1x16xf32>,
      %parallel_loop3A_1811 = vector.shape_cast %parallel_loop3A_1810 : vector<1x16xf32> to vector<16xf32>
      %parallel_loop3A_1812 = arith.constant 0 : i32
      %parallel_loop3A_1813 = arith.index_cast %parallel_loop3A_1812 : i32 to index
      %parallel_loop3A_1814 = arith.index_cast %parallel_loop3A_1806 : i32 to index
      %parallel_loop3A_1815 = tpu.vector_load %arg6[%parallel_loop3A_1813, %parallel_loop3A_1814] {strides = array<i32>} : memref<2x24576xf32, #tpu.memory_space<vmem>>, vector<1x16xf32>,
      %parallel_loop3A_1816 = vector.shape_cast %parallel_loop3A_1815 : vector<1x16xf32> to vector<16xf32>
      %parallel_loop3A_1817 = vector.shape_cast %parallel_loop3A_1811 : vector<16xf32> to vector<1x16xf32>
      tpu.vector_store %arg6[%parallel_loop3A_1813, %parallel_loop3A_1814], %parallel_loop3A_1817 {add = true, strides = array<i32>} : memref<2x24576xf32, #tpu.memory_space<vmem>>, vector<1x16xf32>,
    } {sc.loop_unroll_factor = 8 : i64, sc.parallel_access}
    %add3A_1431 = arith.constant 192 : i32
    %add3A_1432 = arith.addi %mul3A_2, %add3A_1431 : i32
    %mul3A_1433 = arith.constant 768 : i32
    %mul3A_1434 = arith.muli %add3A_1432, %mul3A_1433 : i32
    %add3A_1435 = arith.constant 0 : i32
    %add3A_1436 = arith.addi %add3A_1435, %mul3A_1434 : i32
    %dma_start3A_1437 = arith.constant 0 : i32
    %dma_start3A_1438 = arith.constant 0 : i32
    %dma_start3A_1439 = tpu.memref_slice %arg6[%dma_start3A_1437, %dma_start3A_1438] : memref<2x24576xf32, #tpu.memory_space<vmem>> -> memref<1x24576xf32, #tpu.memory_space<vmem>>
    %dma_start3A_1440 = tpu.memref_squeeze %dma_start3A_1439 : memref<1x24576xf32, #tpu.memory_space<vmem>> -> memref<24576xf32, #tpu.memory_space<vmem>>
    %dma_start3A_1441 = tpu.memref_slice %arg4[%add3A_1436] : memref<25165824xf32, #tpu.memory_space<hbm>> -> memref<24576xf32, #tpu.memory_space<hbm>>
    %dma_start3A_1442 = tpu.memref_slice %arg4[%add3A_1436] : memref<25165824xf32, #tpu.memory_space<hbm>> -> memref<24576xf32, #tpu.memory_space<hbm>>
    %dma_start3A_1443 = arith.constant 0 : i32
    %dma_start3A_1444 = tpu.memref_slice %arg6[%dma_start3A_1437, %dma_start3A_1443] : memref<2x24576xf32, #tpu.memory_space<vmem>> -> memref<1x24576xf32, #tpu.memory_space<vmem>>
    %dma_start3A_1445 = tpu.memref_squeeze %dma_start3A_1444 : memref<1x24576xf32, #tpu.memory_space<vmem>> -> memref<24576xf32, #tpu.memory_space<vmem>>
    tpu.enqueue_dma source(%dma_start3A_1445 : memref<24576xf32, #tpu.memory_space<vmem>>) target(%dma_start3A_1442 : memref<24576xf32, #tpu.memory_space<hbm>>) target_semaphore(%arg9 : memref<!tpu.dma_semaphore, #tpu.memory_space<semaphore_mem>>)
    %dma_wait3A_1446 = arith.constant 1 : i32
    %dma_wait3A_1447 = arith.constant 0 : i32
    %dma_wait3A_1448 = tpu.memref_slice %arg6[%dma_wait3A_1446, %dma_wait3A_1447] : memref<2x24576xf32, #tpu.memory_space<vmem>> -> memref<1x24576xf32, #tpu.memory_space<vmem>>
    %dma_wait3A_1449 = tpu.memref_squeeze %dma_wait3A_1448 : memref<1x24576xf32, #tpu.memory_space<vmem>> -> memref<24576xf32, #tpu.memory_space<vmem>>
    %dma_wait3A_1450 = tpu.memref_slice %arg2[%add3A_1418] : memref<25165824xf32, #tpu.memory_space<hbm>> -> memref<24576xf32, #tpu.memory_space<hbm>>
    %dma_wait3A_1451 = arith.constant 0 : i32
    %dma_wait3A_1452 = tpu.memref_slice %arg6[%dma_wait3A_1446, %dma_wait3A_1451] : memref<2x24576xf32, #tpu.memory_space<vmem>> -> memref<1x24576xf32, #tpu.memory_space<vmem>>
    %dma_wait3A_1453 = tpu.memref_squeeze %dma_wait3A_1452 : memref<1x24576xf32, #tpu.memory_space<vmem>> -> memref<24576xf32, #tpu.memory_space<vmem>>
    %dma_wait3A_1454 = tpu.memref_slice %arg2[%add3A_1418] : memref<25165824xf32, #tpu.memory_space<hbm>> -> memref<24576xf32, #tpu.memory_space<hbm>>
    tpu.wait_dma2 semaphore(%arg8 : memref<!tpu.dma_semaphore, #tpu.memory_space<semaphore_mem>>) src(%dma_wait3A_1454 : memref<24576xf32, #tpu.memory_space<hbm>>) dst(%dma_wait3A_1453 : memref<24576xf32, #tpu.memory_space<vmem>>)
    %dma_wait3A_1455 = arith.constant 0 : i32
    %dma_wait3A_1456 = arith.constant 0 : i32
    %dma_wait3A_1457 = tpu.memref_slice %arg6[%dma_wait3A_1455, %dma_wait3A_1456] : memref<2x24576xf32, #tpu.memory_space<vmem>> -> memref<1x24576xf32, #tpu.memory_space<vmem>>
    %dma_wait3A_1458 = tpu.memref_squeeze %dma_wait3A_1457 : memref<1x24576xf32, #tpu.memory_space<vmem>> -> memref<24576xf32, #tpu.memory_space<vmem>>
    %dma_wait3A_1459 = tpu.memref_slice %arg4[%add3A_1436] : memref<25165824xf32, #tpu.memory_space<hbm>> -> memref<24576xf32, #tpu.memory_space<hbm>>
    %dma_wait3A_1460 = tpu.memref_slice %arg4[%add3A_1436] : memref<25165824xf32, #tpu.memory_space<hbm>> -> memref<24576xf32, #tpu.memory_space<hbm>>
    %dma_wait3A_1461 = arith.constant 0 : i32
    %dma_wait3A_1462 = tpu.memref_slice %arg6[%dma_wait3A_1455, %dma_wait3A_1461] : memref<2x24576xf32, #tpu.memory_space<vmem>> -> memref<1x24576xf32, #tpu.memory_space<vmem>>
    %dma_wait3A_1463 = tpu.memref_squeeze %dma_wait3A_1462 : memref<1x24576xf32, #tpu.memory_space<vmem>> -> memref<24576xf32, #tpu.memory_space<vmem>>
    tpu.wait_dma2 semaphore(%arg9 : memref<!tpu.dma_semaphore, #tpu.memory_space<semaphore_mem>>) src(%dma_wait3A_1463 : memref<24576xf32, #tpu.memory_space<vmem>>) dst(%dma_wait3A_1460 : memref<24576xf32, #tpu.memory_space<hbm>>)
    %add3A_1464 = arith.constant 192 : i32
    %add3A_1465 = arith.addi %mul3A_2, %add3A_1464 : i32
    %mul3A_1466 = arith.constant 768 : i32
    %mul3A_1467 = arith.muli %add3A_1465, %mul3A_1466 : i32
    %add3A_1468 = arith.constant 12582912 : i32
    %add3A_1469 = arith.addi %add3A_1468, %mul3A_1467 : i32
    %dma_start3A_1470 = arith.constant 0 : i32
    %dma_start3A_1471 = arith.constant 0 : i32
    %dma_start3A_1472 = tpu.memref_slice %arg6[%dma_start3A_1470, %dma_start3A_1471] : memref<2x24576xf32, #tpu.memory_space<vmem>> -> memref<1x24576xf32, #tpu.memory_space<vmem>>
    %dma_start3A_1473 = tpu.memref_squeeze %dma_start3A_1472 : memref<1x24576xf32, #tpu.memory_space<vmem>> -> memref<24576xf32, #tpu.memory_space<vmem>>
    %dma_start3A_1474 = tpu.memref_slice %arg2[%add3A_1469] : memref<25165824xf32, #tpu.memory_space<hbm>> -> memref<24576xf32, #tpu.memory_space<hbm>>
    %dma_start3A_1475 = arith.constant 0 : i32
    %dma_start3A_1476 = tpu.memref_slice %arg6[%dma_start3A_1470, %dma_start3A_1475] : memref<2x24576xf32, #tpu.memory_space<vmem>> -> memref<1x24576xf32, #tpu.memory_space<vmem>>
    %dma_start3A_1477 = tpu.memref_squeeze %dma_start3A_1476 : memref<1x24576xf32, #tpu.memory_space<vmem>> -> memref<24576xf32, #tpu.memory_space<vmem>>
    %dma_start3A_1478 = tpu.memref_slice %arg2[%add3A_1469] : memref<25165824xf32, #tpu.memory_space<hbm>> -> memref<24576xf32, #tpu.memory_space<hbm>>
    tpu.enqueue_dma source(%dma_start3A_1478 : memref<24576xf32, #tpu.memory_space<hbm>>) target(%dma_start3A_1477 : memref<24576xf32, #tpu.memory_space<vmem>>) target_semaphore(%arg7 : memref<!tpu.dma_semaphore, #tpu.memory_space<semaphore_mem>>)
    %parallel_loop3A_1479 = arith.constant 0 : i32
    %parallel_loop3A_1480 = arith.constant 24576 : i32
    %parallel_loop3A_1481 = arith.constant 16 : i32
    scf.for %parallel_loop3A_1806 = %parallel_loop3A_1479 to %parallel_loop3A_1480 step %parallel_loop3A_1481  : i32 {
      %parallel_loop3A_1807 = arith.constant 0 : i32
      %parallel_loop3A_1808 = arith.index_cast %parallel_loop3A_1807 : i32 to index
      %parallel_loop3A_1809 = arith.index_cast %parallel_loop3A_1806 : i32 to index
      %parallel_loop3A_1810 = tpu.vector_load %arg5[%parallel_loop3A_1808, %parallel_loop3A_1809] {strides = array<i32>} : memref<2x24576xf32, #tpu.memory_space<vmem>>, vector<1x16xf32>,
      %parallel_loop3A_1811 = vector.shape_cast %parallel_loop3A_1810 : vector<1x16xf32> to vector<16xf32>
      %parallel_loop3A_1812 = arith.constant 1 : i32
      %parallel_loop3A_1813 = arith.index_cast %parallel_loop3A_1812 : i32 to index
      %parallel_loop3A_1814 = arith.index_cast %parallel_loop3A_1806 : i32 to index
      %parallel_loop3A_1815 = tpu.vector_load %arg6[%parallel_loop3A_1813, %parallel_loop3A_1814] {strides = array<i32>} : memref<2x24576xf32, #tpu.memory_space<vmem>>, vector<1x16xf32>,
      %parallel_loop3A_1816 = vector.shape_cast %parallel_loop3A_1815 : vector<1x16xf32> to vector<16xf32>
      %parallel_loop3A_1817 = vector.shape_cast %parallel_loop3A_1811 : vector<16xf32> to vector<1x16xf32>
      tpu.vector_store %arg6[%parallel_loop3A_1813, %parallel_loop3A_1814], %parallel_loop3A_1817 {add = true, strides = array<i32>} : memref<2x24576xf32, #tpu.memory_space<vmem>>, vector<1x16xf32>,
    } {sc.loop_unroll_factor = 8 : i64, sc.parallel_access}
    %add3A_1482 = arith.constant 192 : i32
    %add3A_1483 = arith.addi %mul3A_2, %add3A_1482 : i32
    %mul3A_1484 = arith.constant 768 : i32
    %mul3A_1485 = arith.muli %add3A_1483, %mul3A_1484 : i32
    %add3A_1486 = arith.constant 6291456 : i32
    %add3A_1487 = arith.addi %add3A_1486, %mul3A_1485 : i32
    %dma_start3A_1488 = arith.constant 1 : i32
    %dma_start3A_1489 = arith.constant 0 : i32
    %dma_start3A_1490 = tpu.memref_slice %arg6[%dma_start3A_1488, %dma_start3A_1489] : memref<2x24576xf32, #tpu.memory_space<vmem>> -> memref<1x24576xf32, #tpu.memory_space<vmem>>
    %dma_start3A_1491 = tpu.memref_squeeze %dma_start3A_1490 : memref<1x24576xf32, #tpu.memory_space<vmem>> -> memref<24576xf32, #tpu.memory_space<vmem>>
    %dma_start3A_1492 = tpu.memref_slice %arg4[%add3A_1487] : memref<25165824xf32, #tpu.memory_space<hbm>> -> memref<24576xf32, #tpu.memory_space<hbm>>
    %dma_start3A_1493 = tpu.memref_slice %arg4[%add3A_1487] : memref<25165824xf32, #tpu.memory_space<hbm>> -> memref<24576xf32, #tpu.memory_space<hbm>>
    %dma_start3A_1494 = arith.constant 0 : i32
    %dma_start3A_1495 = tpu.memref_slice %arg6[%dma_start3A_1488, %dma_start3A_1494] : memref<2x24576xf32, #tpu.memory_space<vmem>> -> memref<1x24576xf32, #tpu.memory_space<vmem>>
    %dma_start3A_1496 = tpu.memref_squeeze %dma_start3A_1495 : memref<1x24576xf32, #tpu.memory_space<vmem>> -> memref<24576xf32, #tpu.memory_space<vmem>>
    tpu.enqueue_dma source(%dma_start3A_1496 : memref<24576xf32, #tpu.memory_space<vmem>>) target(%dma_start3A_1493 : memref<24576xf32, #tpu.memory_space<hbm>>) target_semaphore(%arg10 : memref<!tpu.dma_semaphore, #tpu.memory_space<semaphore_mem>>)
    %dma_wait3A_1497 = arith.constant 0 : i32
    %dma_wait3A_1498 = arith.constant 0 : i32
    %dma_wait3A_1499 = tpu.memref_slice %arg6[%dma_wait3A_1497, %dma_wait3A_1498] : memref<2x24576xf32, #tpu.memory_space<vmem>> -> memref<1x24576xf32, #tpu.memory_space<vmem>>
    %dma_wait3A_1500 = tpu.memref_squeeze %dma_wait3A_1499 : memref<1x24576xf32, #tpu.memory_space<vmem>> -> memref<24576xf32, #tpu.memory_space<vmem>>
    %dma_wait3A_1501 = tpu.memref_slice %arg2[%add3A_1469] : memref<25165824xf32, #tpu.memory_space<hbm>> -> memref<24576xf32, #tpu.memory_space<hbm>>
    %dma_wait3A_1502 = arith.constant 0 : i32
    %dma_wait3A_1503 = tpu.memref_slice %arg6[%dma_wait3A_1497, %dma_wait3A_1502] : memref<2x24576xf32, #tpu.memory_space<vmem>> -> memref<1x24576xf32, #tpu.memory_space<vmem>>
    %dma_wait3A_1504 = tpu.memref_squeeze %dma_wait3A_1503 : memref<1x24576xf32, #tpu.memory_space<vmem>> -> memref<24576xf32, #tpu.memory_space<vmem>>
    %dma_wait3A_1505 = tpu.memref_slice %arg2[%add3A_1469] : memref<25165824xf32, #tpu.memory_space<hbm>> -> memref<24576xf32, #tpu.memory_space<hbm>>
    tpu.wait_dma2 semaphore(%arg7 : memref<!tpu.dma_semaphore, #tpu.memory_space<semaphore_mem>>) src(%dma_wait3A_1505 : memref<24576xf32, #tpu.memory_space<hbm>>) dst(%dma_wait3A_1504 : memref<24576xf32, #tpu.memory_space<vmem>>)
    %dma_wait3A_1506 = arith.constant 1 : i32
    %dma_wait3A_1507 = arith.constant 0 : i32
    %dma_wait3A_1508 = tpu.memref_slice %arg6[%dma_wait3A_1506, %dma_wait3A_1507] : memref<2x24576xf32, #tpu.memory_space<vmem>> -> memref<1x24576xf32, #tpu.memory_space<vmem>>
    %dma_wait3A_1509 = tpu.memref_squeeze %dma_wait3A_1508 : memref<1x24576xf32, #tpu.memory_space<vmem>> -> memref<24576xf32, #tpu.memory_space<vmem>>
    %dma_wait3A_1510 = tpu.memref_slice %arg4[%add3A_1487] : memref<25165824xf32, #tpu.memory_space<hbm>> -> memref<24576xf32, #tpu.memory_space<hbm>>
    %dma_wait3A_1511 = tpu.memref_slice %arg4[%add3A_1487] : memref<25165824xf32, #tpu.memory_space<hbm>> -> memref<24576xf32, #tpu.memory_space<hbm>>
    %dma_wait3A_1512 = arith.constant 0 : i32
    %dma_wait3A_1513 = tpu.memref_slice %arg6[%dma_wait3A_1506, %dma_wait3A_1512] : memref<2x24576xf32, #tpu.memory_space<vmem>> -> memref<1x24576xf32, #tpu.memory_space<vmem>>
    %dma_wait3A_1514 = tpu.memref_squeeze %dma_wait3A_1513 : memref<1x24576xf32, #tpu.memory_space<vmem>> -> memref<24576xf32, #tpu.memory_space<vmem>>
    tpu.wait_dma2 semaphore(%arg10 : memref<!tpu.dma_semaphore, #tpu.memory_space<semaphore_mem>>) src(%dma_wait3A_1514 : memref<24576xf32, #tpu.memory_space<vmem>>) dst(%dma_wait3A_1511 : memref<24576xf32, #tpu.memory_space<hbm>>)
    %add3A_1515 = arith.constant 192 : i32
    %add3A_1516 = arith.addi %mul3A_2, %add3A_1515 : i32
    %mul3A_1517 = arith.constant 768 : i32
    %mul3A_1518 = arith.muli %add3A_1516, %mul3A_1517 : i32
    %add3A_1519 = arith.constant 18874368 : i32
    %add3A_1520 = arith.addi %add3A_1519, %mul3A_1518 : i32
    %dma_start3A_1521 = arith.constant 1 : i32
    %dma_start3A_1522 = arith.constant 0 : i32
    %dma_start3A_1523 = tpu.memref_slice %arg6[%dma_start3A_1521, %dma_start3A_1522] : memref<2x24576xf32, #tpu.memory_space<vmem>> -> memref<1x24576xf32, #tpu.memory_space<vmem>>
    %dma_start3A_1524 = tpu.memref_squeeze %dma_start3A_1523 : memref<1x24576xf32, #tpu.memory_space<vmem>> -> memref<24576xf32, #tpu.memory_space<vmem>>
    %dma_start3A_1525 = tpu.memref_slice %arg2[%add3A_1520] : memref<25165824xf32, #tpu.memory_space<hbm>> -> memref<24576xf32, #tpu.memory_space<hbm>>
    %dma_start3A_1526 = arith.constant 0 : i32
    %dma_start3A_1527 = tpu.memref_slice %arg6[%dma_start3A_1521, %dma_start3A_1526] : memref<2x24576xf32, #tpu.memory_space<vmem>> -> memref<1x24576xf32, #tpu.memory_space<vmem>>
    %dma_start3A_1528 = tpu.memref_squeeze %dma_start3A_1527 : memref<1x24576xf32, #tpu.memory_space<vmem>> -> memref<24576xf32, #tpu.memory_space<vmem>>
    %dma_start3A_1529 = tpu.memref_slice %arg2[%add3A_1520] : memref<25165824xf32, #tpu.memory_space<hbm>> -> memref<24576xf32, #tpu.memory_space<hbm>>
    tpu.enqueue_dma source(%dma_start3A_1529 : memref<24576xf32, #tpu.memory_space<hbm>>) target(%dma_start3A_1528 : memref<24576xf32, #tpu.memory_space<vmem>>) target_semaphore(%arg8 : memref<!tpu.dma_semaphore, #tpu.memory_space<semaphore_mem>>)
    %parallel_loop3A_1530 = arith.constant 0 : i32
    %parallel_loop3A_1531 = arith.constant 24576 : i32
    %parallel_loop3A_1532 = arith.constant 16 : i32
    scf.for %parallel_loop3A_1806 = %parallel_loop3A_1530 to %parallel_loop3A_1531 step %parallel_loop3A_1532  : i32 {
      %parallel_loop3A_1807 = arith.constant 0 : i32
      %parallel_loop3A_1808 = arith.index_cast %parallel_loop3A_1807 : i32 to index
      %parallel_loop3A_1809 = arith.index_cast %parallel_loop3A_1806 : i32 to index
      %parallel_loop3A_1810 = tpu.vector_load %arg5[%parallel_loop3A_1808, %parallel_loop3A_1809] {strides = array<i32>} : memref<2x24576xf32, #tpu.memory_space<vmem>>, vector<1x16xf32>,
      %parallel_loop3A_1811 = vector.shape_cast %parallel_loop3A_1810 : vector<1x16xf32> to vector<16xf32>
      %parallel_loop3A_1812 = arith.constant 0 : i32
      %parallel_loop3A_1813 = arith.index_cast %parallel_loop3A_1812 : i32 to index
      %parallel_loop3A_1814 = arith.index_cast %parallel_loop3A_1806 : i32 to index
      %parallel_loop3A_1815 = tpu.vector_load %arg6[%parallel_loop3A_1813, %parallel_loop3A_1814] {strides = array<i32>} : memref<2x24576xf32, #tpu.memory_space<vmem>>, vector<1x16xf32>,
      %parallel_loop3A_1816 = vector.shape_cast %parallel_loop3A_1815 : vector<1x16xf32> to vector<16xf32>
      %parallel_loop3A_1817 = vector.shape_cast %parallel_loop3A_1811 : vector<16xf32> to vector<1x16xf32>
      tpu.vector_store %arg6[%parallel_loop3A_1813, %parallel_loop3A_1814], %parallel_loop3A_1817 {add = true, strides = array<i32>} : memref<2x24576xf32, #tpu.memory_space<vmem>>, vector<1x16xf32>,
    } {sc.loop_unroll_factor = 8 : i64, sc.parallel_access}
    %add3A_1533 = arith.constant 192 : i32
    %add3A_1534 = arith.addi %mul3A_2, %add3A_1533 : i32
    %mul3A_1535 = arith.constant 768 : i32
    %mul3A_1536 = arith.muli %add3A_1534, %mul3A_1535 : i32
    %add3A_1537 = arith.constant 12582912 : i32
    %add3A_1538 = arith.addi %add3A_1537, %mul3A_1536 : i32
    %dma_start3A_1539 = arith.constant 0 : i32
    %dma_start3A_1540 = arith.constant 0 : i32
    %dma_start3A_1541 = tpu.memref_slice %arg6[%dma_start3A_1539, %dma_start3A_1540] : memref<2x24576xf32, #tpu.memory_space<vmem>> -> memref<1x24576xf32, #tpu.memory_space<vmem>>
    %dma_start3A_1542 = tpu.memref_squeeze %dma_start3A_1541 : memref<1x24576xf32, #tpu.memory_space<vmem>> -> memref<24576xf32, #tpu.memory_space<vmem>>
    %dma_start3A_1543 = tpu.memref_slice %arg4[%add3A_1538] : memref<25165824xf32, #tpu.memory_space<hbm>> -> memref<24576xf32, #tpu.memory_space<hbm>>
    %dma_start3A_1544 = tpu.memref_slice %arg4[%add3A_1538] : memref<25165824xf32, #tpu.memory_space<hbm>> -> memref<24576xf32, #tpu.memory_space<hbm>>
    %dma_start3A_1545 = arith.constant 0 : i32
    %dma_start3A_1546 = tpu.memref_slice %arg6[%dma_start3A_1539, %dma_start3A_1545] : memref<2x24576xf32, #tpu.memory_space<vmem>> -> memref<1x24576xf32, #tpu.memory_space<vmem>>
    %dma_start3A_1547 = tpu.memref_squeeze %dma_start3A_1546 : memref<1x24576xf32, #tpu.memory_space<vmem>> -> memref<24576xf32, #tpu.memory_space<vmem>>
    tpu.enqueue_dma source(%dma_start3A_1547 : memref<24576xf32, #tpu.memory_space<vmem>>) target(%dma_start3A_1544 : memref<24576xf32, #tpu.memory_space<hbm>>) target_semaphore(%arg9 : memref<!tpu.dma_semaphore, #tpu.memory_space<semaphore_mem>>)
    %dma_wait3A_1548 = arith.constant 1 : i32
    %dma_wait3A_1549 = arith.constant 0 : i32
    %dma_wait3A_1550 = tpu.memref_slice %arg6[%dma_wait3A_1548, %dma_wait3A_1549] : memref<2x24576xf32, #tpu.memory_space<vmem>> -> memref<1x24576xf32, #tpu.memory_space<vmem>>
    %dma_wait3A_1551 = tpu.memref_squeeze %dma_wait3A_1550 : memref<1x24576xf32, #tpu.memory_space<vmem>> -> memref<24576xf32, #tpu.memory_space<vmem>>
    %dma_wait3A_1552 = tpu.memref_slice %arg2[%add3A_1520] : memref<25165824xf32, #tpu.memory_space<hbm>> -> memref<24576xf32, #tpu.memory_space<hbm>>
    %dma_wait3A_1553 = arith.constant 0 : i32
    %dma_wait3A_1554 = tpu.memref_slice %arg6[%dma_wait3A_1548, %dma_wait3A_1553] : memref<2x24576xf32, #tpu.memory_space<vmem>> -> memref<1x24576xf32, #tpu.memory_space<vmem>>
    %dma_wait3A_1555 = tpu.memref_squeeze %dma_wait3A_1554 : memref<1x24576xf32, #tpu.memory_space<vmem>> -> memref<24576xf32, #tpu.memory_space<vmem>>
    %dma_wait3A_1556 = tpu.memref_slice %arg2[%add3A_1520] : memref<25165824xf32, #tpu.memory_space<hbm>> -> memref<24576xf32, #tpu.memory_space<hbm>>
    tpu.wait_dma2 semaphore(%arg8 : memref<!tpu.dma_semaphore, #tpu.memory_space<semaphore_mem>>) src(%dma_wait3A_1556 : memref<24576xf32, #tpu.memory_space<hbm>>) dst(%dma_wait3A_1555 : memref<24576xf32, #tpu.memory_space<vmem>>)
    %dma_wait3A_1557 = arith.constant 0 : i32
    %dma_wait3A_1558 = arith.constant 0 : i32
    %dma_wait3A_1559 = tpu.memref_slice %arg6[%dma_wait3A_1557, %dma_wait3A_1558] : memref<2x24576xf32, #tpu.memory_space<vmem>> -> memref<1x24576xf32, #tpu.memory_space<vmem>>
    %dma_wait3A_1560 = tpu.memref_squeeze %dma_wait3A_1559 : memref<1x24576xf32, #tpu.memory_space<vmem>> -> memref<24576xf32, #tpu.memory_space<vmem>>
    %dma_wait3A_1561 = tpu.memref_slice %arg4[%add3A_1538] : memref<25165824xf32, #tpu.memory_space<hbm>> -> memref<24576xf32, #tpu.memory_space<hbm>>
    %dma_wait3A_1562 = tpu.memref_slice %arg4[%add3A_1538] : memref<25165824xf32, #tpu.memory_space<hbm>> -> memref<24576xf32, #tpu.memory_space<hbm>>
    %dma_wait3A_1563 = arith.constant 0 : i32
    %dma_wait3A_1564 = tpu.memref_slice %arg6[%dma_wait3A_1557, %dma_wait3A_1563] : memref<2x24576xf32, #tpu.memory_space<vmem>> -> memref<1x24576xf32, #tpu.memory_space<vmem>>
    %dma_wait3A_1565 = tpu.memref_squeeze %dma_wait3A_1564 : memref<1x24576xf32, #tpu.memory_space<vmem>> -> memref<24576xf32, #tpu.memory_space<vmem>>
    tpu.wait_dma2 semaphore(%arg9 : memref<!tpu.dma_semaphore, #tpu.memory_space<semaphore_mem>>) src(%dma_wait3A_1565 : memref<24576xf32, #tpu.memory_space<vmem>>) dst(%dma_wait3A_1562 : memref<24576xf32, #tpu.memory_space<hbm>>)
    %add3A_1566 = arith.constant 224 : i32
    %add3A_1567 = arith.addi %mul3A_2, %add3A_1566 : i32
    %mul3A_1568 = arith.constant 768 : i32
    %mul3A_1569 = arith.muli %add3A_1567, %mul3A_1568 : i32
    %add3A_1570 = arith.constant 0 : i32
    %add3A_1571 = arith.addi %add3A_1570, %mul3A_1569 : i32
    %dma_start3A_1572 = arith.constant 0 : i32
    %dma_start3A_1573 = arith.constant 0 : i32
    %dma_start3A_1574 = tpu.memref_slice %arg6[%dma_start3A_1572, %dma_start3A_1573] : memref<2x24576xf32, #tpu.memory_space<vmem>> -> memref<1x24576xf32, #tpu.memory_space<vmem>>
    %dma_start3A_1575 = tpu.memref_squeeze %dma_start3A_1574 : memref<1x24576xf32, #tpu.memory_space<vmem>> -> memref<24576xf32, #tpu.memory_space<vmem>>
    %dma_start3A_1576 = tpu.memref_slice %arg2[%add3A_1571] : memref<25165824xf32, #tpu.memory_space<hbm>> -> memref<24576xf32, #tpu.memory_space<hbm>>
    %dma_start3A_1577 = arith.constant 0 : i32
    %dma_start3A_1578 = tpu.memref_slice %arg6[%dma_start3A_1572, %dma_start3A_1577] : memref<2x24576xf32, #tpu.memory_space<vmem>> -> memref<1x24576xf32, #tpu.memory_space<vmem>>
    %dma_start3A_1579 = tpu.memref_squeeze %dma_start3A_1578 : memref<1x24576xf32, #tpu.memory_space<vmem>> -> memref<24576xf32, #tpu.memory_space<vmem>>
    %dma_start3A_1580 = tpu.memref_slice %arg2[%add3A_1571] : memref<25165824xf32, #tpu.memory_space<hbm>> -> memref<24576xf32, #tpu.memory_space<hbm>>
    tpu.enqueue_dma source(%dma_start3A_1580 : memref<24576xf32, #tpu.memory_space<hbm>>) target(%dma_start3A_1579 : memref<24576xf32, #tpu.memory_space<vmem>>) target_semaphore(%arg7 : memref<!tpu.dma_semaphore, #tpu.memory_space<semaphore_mem>>)
    %parallel_loop3A_1581 = arith.constant 0 : i32
    %parallel_loop3A_1582 = arith.constant 24576 : i32
    %parallel_loop3A_1583 = arith.constant 16 : i32
    scf.for %parallel_loop3A_1806 = %parallel_loop3A_1581 to %parallel_loop3A_1582 step %parallel_loop3A_1583  : i32 {
      %parallel_loop3A_1807 = arith.constant 0 : i32
      %parallel_loop3A_1808 = arith.index_cast %parallel_loop3A_1807 : i32 to index
      %parallel_loop3A_1809 = arith.index_cast %parallel_loop3A_1806 : i32 to index
      %parallel_loop3A_1810 = tpu.vector_load %arg5[%parallel_loop3A_1808, %parallel_loop3A_1809] {strides = array<i32>} : memref<2x24576xf32, #tpu.memory_space<vmem>>, vector<1x16xf32>,
      %parallel_loop3A_1811 = vector.shape_cast %parallel_loop3A_1810 : vector<1x16xf32> to vector<16xf32>
      %parallel_loop3A_1812 = arith.constant 1 : i32
      %parallel_loop3A_1813 = arith.index_cast %parallel_loop3A_1812 : i32 to index
      %parallel_loop3A_1814 = arith.index_cast %parallel_loop3A_1806 : i32 to index
      %parallel_loop3A_1815 = tpu.vector_load %arg6[%parallel_loop3A_1813, %parallel_loop3A_1814] {strides = array<i32>} : memref<2x24576xf32, #tpu.memory_space<vmem>>, vector<1x16xf32>,
      %parallel_loop3A_1816 = vector.shape_cast %parallel_loop3A_1815 : vector<1x16xf32> to vector<16xf32>
      %parallel_loop3A_1817 = vector.shape_cast %parallel_loop3A_1811 : vector<16xf32> to vector<1x16xf32>
      tpu.vector_store %arg6[%parallel_loop3A_1813, %parallel_loop3A_1814], %parallel_loop3A_1817 {add = true, strides = array<i32>} : memref<2x24576xf32, #tpu.memory_space<vmem>>, vector<1x16xf32>,
    } {sc.loop_unroll_factor = 8 : i64, sc.parallel_access}
    %add3A_1584 = arith.constant 192 : i32
    %add3A_1585 = arith.addi %mul3A_2, %add3A_1584 : i32
    %mul3A_1586 = arith.constant 768 : i32
    %mul3A_1587 = arith.muli %add3A_1585, %mul3A_1586 : i32
    %add3A_1588 = arith.constant 18874368 : i32
    %add3A_1589 = arith.addi %add3A_1588, %mul3A_1587 : i32
    %dma_start3A_1590 = arith.constant 1 : i32
    %dma_start3A_1591 = arith.constant 0 : i32
    %dma_start3A_1592 = tpu.memref_slice %arg6[%dma_start3A_1590, %dma_start3A_1591] : memref<2x24576xf32, #tpu.memory_space<vmem>> -> memref<1x24576xf32, #tpu.memory_space<vmem>>
    %dma_start3A_1593 = tpu.memref_squeeze %dma_start3A_1592 : memref<1x24576xf32, #tpu.memory_space<vmem>> -> memref<24576xf32, #tpu.memory_space<vmem>>
    %dma_start3A_1594 = tpu.memref_slice %arg4[%add3A_1589] : memref<25165824xf32, #tpu.memory_space<hbm>> -> memref<24576xf32, #tpu.memory_space<hbm>>
    %dma_start3A_1595 = tpu.memref_slice %arg4[%add3A_1589] : memref<25165824xf32, #tpu.memory_space<hbm>> -> memref<24576xf32, #tpu.memory_space<hbm>>
    %dma_start3A_1596 = arith.constant 0 : i32
    %dma_start3A_1597 = tpu.memref_slice %arg6[%dma_start3A_1590, %dma_start3A_1596] : memref<2x24576xf32, #tpu.memory_space<vmem>> -> memref<1x24576xf32, #tpu.memory_space<vmem>>
    %dma_start3A_1598 = tpu.memref_squeeze %dma_start3A_1597 : memref<1x24576xf32, #tpu.memory_space<vmem>> -> memref<24576xf32, #tpu.memory_space<vmem>>
    tpu.enqueue_dma source(%dma_start3A_1598 : memref<24576xf32, #tpu.memory_space<vmem>>) target(%dma_start3A_1595 : memref<24576xf32, #tpu.memory_space<hbm>>) target_semaphore(%arg10 : memref<!tpu.dma_semaphore, #tpu.memory_space<semaphore_mem>>)
    %dma_wait3A_1599 = arith.constant 0 : i32
    %dma_wait3A_1600 = arith.constant 0 : i32
    %dma_wait3A_1601 = tpu.memref_slice %arg6[%dma_wait3A_1599, %dma_wait3A_1600] : memref<2x24576xf32, #tpu.memory_space<vmem>> -> memref<1x24576xf32, #tpu.memory_space<vmem>>
    %dma_wait3A_1602 = tpu.memref_squeeze %dma_wait3A_1601 : memref<1x24576xf32, #tpu.memory_space<vmem>> -> memref<24576xf32, #tpu.memory_space<vmem>>
    %dma_wait3A_1603 = tpu.memref_slice %arg2[%add3A_1571] : memref<25165824xf32, #tpu.memory_space<hbm>> -> memref<24576xf32, #tpu.memory_space<hbm>>
    %dma_wait3A_1604 = arith.constant 0 : i32
    %dma_wait3A_1605 = tpu.memref_slice %arg6[%dma_wait3A_1599, %dma_wait3A_1604] : memref<2x24576xf32, #tpu.memory_space<vmem>> -> memref<1x24576xf32, #tpu.memory_space<vmem>>
    %dma_wait3A_1606 = tpu.memref_squeeze %dma_wait3A_1605 : memref<1x24576xf32, #tpu.memory_space<vmem>> -> memref<24576xf32, #tpu.memory_space<vmem>>
    %dma_wait3A_1607 = tpu.memref_slice %arg2[%add3A_1571] : memref<25165824xf32, #tpu.memory_space<hbm>> -> memref<24576xf32, #tpu.memory_space<hbm>>
    tpu.wait_dma2 semaphore(%arg7 : memref<!tpu.dma_semaphore, #tpu.memory_space<semaphore_mem>>) src(%dma_wait3A_1607 : memref<24576xf32, #tpu.memory_space<hbm>>) dst(%dma_wait3A_1606 : memref<24576xf32, #tpu.memory_space<vmem>>)
    %dma_wait3A_1608 = arith.constant 1 : i32
    %dma_wait3A_1609 = arith.constant 0 : i32
    %dma_wait3A_1610 = tpu.memref_slice %arg5[%dma_wait3A_1608, %dma_wait3A_1609] : memref<2x24576xf32, #tpu.memory_space<vmem>> -> memref<1x24576xf32, #tpu.memory_space<vmem>>
    %dma_wait3A_1611 = tpu.memref_squeeze %dma_wait3A_1610 : memref<1x24576xf32, #tpu.memory_space<vmem>> -> memref<24576xf32, #tpu.memory_space<vmem>>
    %dma_wait3A_1612 = tpu.memref_slice %arg3[%mul3A_1394] : memref<6291456xf32, #tpu.memory_space<hbm>> -> memref<24576xf32, #tpu.memory_space<hbm>>
    %dma_wait3A_1613 = arith.constant 0 : i32
    %dma_wait3A_1614 = tpu.memref_slice %arg5[%dma_wait3A_1608, %dma_wait3A_1613] : memref<2x24576xf32, #tpu.memory_space<vmem>> -> memref<1x24576xf32, #tpu.memory_space<vmem>>
    %dma_wait3A_1615 = tpu.memref_squeeze %dma_wait3A_1614 : memref<1x24576xf32, #tpu.memory_space<vmem>> -> memref<24576xf32, #tpu.memory_space<vmem>>
    %dma_wait3A_1616 = tpu.memref_slice %arg3[%mul3A_1394] : memref<6291456xf32, #tpu.memory_space<hbm>> -> memref<24576xf32, #tpu.memory_space<hbm>>
    tpu.wait_dma2 semaphore(%arg12 : memref<!tpu.dma_semaphore, #tpu.memory_space<semaphore_mem>>) src(%dma_wait3A_1616 : memref<24576xf32, #tpu.memory_space<hbm>>) dst(%dma_wait3A_1615 : memref<24576xf32, #tpu.memory_space<vmem>>)
    %dma_wait3A_1617 = arith.constant 1 : i32
    %dma_wait3A_1618 = arith.constant 0 : i32
    %dma_wait3A_1619 = tpu.memref_slice %arg6[%dma_wait3A_1617, %dma_wait3A_1618] : memref<2x24576xf32, #tpu.memory_space<vmem>> -> memref<1x24576xf32, #tpu.memory_space<vmem>>
    %dma_wait3A_1620 = tpu.memref_squeeze %dma_wait3A_1619 : memref<1x24576xf32, #tpu.memory_space<vmem>> -> memref<24576xf32, #tpu.memory_space<vmem>>
    %dma_wait3A_1621 = tpu.memref_slice %arg4[%add3A_1589] : memref<25165824xf32, #tpu.memory_space<hbm>> -> memref<24576xf32, #tpu.memory_space<hbm>>
    %dma_wait3A_1622 = tpu.memref_slice %arg4[%add3A_1589] : memref<25165824xf32, #tpu.memory_space<hbm>> -> memref<24576xf32, #tpu.memory_space<hbm>>
    %dma_wait3A_1623 = arith.constant 0 : i32
    %dma_wait3A_1624 = tpu.memref_slice %arg6[%dma_wait3A_1617, %dma_wait3A_1623] : memref<2x24576xf32, #tpu.memory_space<vmem>> -> memref<1x24576xf32, #tpu.memory_space<vmem>>
    %dma_wait3A_1625 = tpu.memref_squeeze %dma_wait3A_1624 : memref<1x24576xf32, #tpu.memory_space<vmem>> -> memref<24576xf32, #tpu.memory_space<vmem>>
    tpu.wait_dma2 semaphore(%arg10 : memref<!tpu.dma_semaphore, #tpu.memory_space<semaphore_mem>>) src(%dma_wait3A_1625 : memref<24576xf32, #tpu.memory_space<vmem>>) dst(%dma_wait3A_1622 : memref<24576xf32, #tpu.memory_space<hbm>>)
    %add3A_1626 = arith.constant 224 : i32
    %add3A_1627 = arith.addi %mul3A_2, %add3A_1626 : i32
    %mul3A_1628 = arith.constant 768 : i32
    %mul3A_1629 = arith.muli %add3A_1627, %mul3A_1628 : i32
    %add3A_1630 = arith.constant 6291456 : i32
    %add3A_1631 = arith.addi %add3A_1630, %mul3A_1629 : i32
    %dma_start3A_1632 = arith.constant 1 : i32
    %dma_start3A_1633 = arith.constant 0 : i32
    %dma_start3A_1634 = tpu.memref_slice %arg6[%dma_start3A_1632, %dma_start3A_1633] : memref<2x24576xf32, #tpu.memory_space<vmem>> -> memref<1x24576xf32, #tpu.memory_space<vmem>>
    %dma_start3A_1635 = tpu.memref_squeeze %dma_start3A_1634 : memref<1x24576xf32, #tpu.memory_space<vmem>> -> memref<24576xf32, #tpu.memory_space<vmem>>
    %dma_start3A_1636 = tpu.memref_slice %arg2[%add3A_1631] : memref<25165824xf32, #tpu.memory_space<hbm>> -> memref<24576xf32, #tpu.memory_space<hbm>>
    %dma_start3A_1637 = arith.constant 0 : i32
    %dma_start3A_1638 = tpu.memref_slice %arg6[%dma_start3A_1632, %dma_start3A_1637] : memref<2x24576xf32, #tpu.memory_space<vmem>> -> memref<1x24576xf32, #tpu.memory_space<vmem>>
    %dma_start3A_1639 = tpu.memref_squeeze %dma_start3A_1638 : memref<1x24576xf32, #tpu.memory_space<vmem>> -> memref<24576xf32, #tpu.memory_space<vmem>>
    %dma_start3A_1640 = tpu.memref_slice %arg2[%add3A_1631] : memref<25165824xf32, #tpu.memory_space<hbm>> -> memref<24576xf32, #tpu.memory_space<hbm>>
    tpu.enqueue_dma source(%dma_start3A_1640 : memref<24576xf32, #tpu.memory_space<hbm>>) target(%dma_start3A_1639 : memref<24576xf32, #tpu.memory_space<vmem>>) target_semaphore(%arg8 : memref<!tpu.dma_semaphore, #tpu.memory_space<semaphore_mem>>)
    %parallel_loop3A_1641 = arith.constant 0 : i32
    %parallel_loop3A_1642 = arith.constant 24576 : i32
    %parallel_loop3A_1643 = arith.constant 16 : i32
    scf.for %parallel_loop3A_1806 = %parallel_loop3A_1641 to %parallel_loop3A_1642 step %parallel_loop3A_1643  : i32 {
      %parallel_loop3A_1807 = arith.constant 1 : i32
      %parallel_loop3A_1808 = arith.index_cast %parallel_loop3A_1807 : i32 to index
      %parallel_loop3A_1809 = arith.index_cast %parallel_loop3A_1806 : i32 to index
      %parallel_loop3A_1810 = tpu.vector_load %arg5[%parallel_loop3A_1808, %parallel_loop3A_1809] {strides = array<i32>} : memref<2x24576xf32, #tpu.memory_space<vmem>>, vector<1x16xf32>,
      %parallel_loop3A_1811 = vector.shape_cast %parallel_loop3A_1810 : vector<1x16xf32> to vector<16xf32>
      %parallel_loop3A_1812 = arith.constant 0 : i32
      %parallel_loop3A_1813 = arith.index_cast %parallel_loop3A_1812 : i32 to index
      %parallel_loop3A_1814 = arith.index_cast %parallel_loop3A_1806 : i32 to index
      %parallel_loop3A_1815 = tpu.vector_load %arg6[%parallel_loop3A_1813, %parallel_loop3A_1814] {strides = array<i32>} : memref<2x24576xf32, #tpu.memory_space<vmem>>, vector<1x16xf32>,
      %parallel_loop3A_1816 = vector.shape_cast %parallel_loop3A_1815 : vector<1x16xf32> to vector<16xf32>
      %parallel_loop3A_1817 = vector.shape_cast %parallel_loop3A_1811 : vector<16xf32> to vector<1x16xf32>
      tpu.vector_store %arg6[%parallel_loop3A_1813, %parallel_loop3A_1814], %parallel_loop3A_1817 {add = true, strides = array<i32>} : memref<2x24576xf32, #tpu.memory_space<vmem>>, vector<1x16xf32>,
    } {sc.loop_unroll_factor = 8 : i64, sc.parallel_access}
    %add3A_1644 = arith.constant 224 : i32
    %add3A_1645 = arith.addi %mul3A_2, %add3A_1644 : i32
    %mul3A_1646 = arith.constant 768 : i32
    %mul3A_1647 = arith.muli %add3A_1645, %mul3A_1646 : i32
    %add3A_1648 = arith.constant 0 : i32
    %add3A_1649 = arith.addi %add3A_1648, %mul3A_1647 : i32
    %dma_start3A_1650 = arith.constant 0 : i32
    %dma_start3A_1651 = arith.constant 0 : i32
    %dma_start3A_1652 = tpu.memref_slice %arg6[%dma_start3A_1650, %dma_start3A_1651] : memref<2x24576xf32, #tpu.memory_space<vmem>> -> memref<1x24576xf32, #tpu.memory_space<vmem>>
    %dma_start3A_1653 = tpu.memref_squeeze %dma_start3A_1652 : memref<1x24576xf32, #tpu.memory_space<vmem>> -> memref<24576xf32, #tpu.memory_space<vmem>>
    %dma_start3A_1654 = tpu.memref_slice %arg4[%add3A_1649] : memref<25165824xf32, #tpu.memory_space<hbm>> -> memref<24576xf32, #tpu.memory_space<hbm>>
    %dma_start3A_1655 = tpu.memref_slice %arg4[%add3A_1649] : memref<25165824xf32, #tpu.memory_space<hbm>> -> memref<24576xf32, #tpu.memory_space<hbm>>
    %dma_start3A_1656 = arith.constant 0 : i32
    %dma_start3A_1657 = tpu.memref_slice %arg6[%dma_start3A_1650, %dma_start3A_1656] : memref<2x24576xf32, #tpu.memory_space<vmem>> -> memref<1x24576xf32, #tpu.memory_space<vmem>>
    %dma_start3A_1658 = tpu.memref_squeeze %dma_start3A_1657 : memref<1x24576xf32, #tpu.memory_space<vmem>> -> memref<24576xf32, #tpu.memory_space<vmem>>
    tpu.enqueue_dma source(%dma_start3A_1658 : memref<24576xf32, #tpu.memory_space<vmem>>) target(%dma_start3A_1655 : memref<24576xf32, #tpu.memory_space<hbm>>) target_semaphore(%arg9 : memref<!tpu.dma_semaphore, #tpu.memory_space<semaphore_mem>>)
    %dma_wait3A_1659 = arith.constant 1 : i32
    %dma_wait3A_1660 = arith.constant 0 : i32
    %dma_wait3A_1661 = tpu.memref_slice %arg6[%dma_wait3A_1659, %dma_wait3A_1660] : memref<2x24576xf32, #tpu.memory_space<vmem>> -> memref<1x24576xf32, #tpu.memory_space<vmem>>
    %dma_wait3A_1662 = tpu.memref_squeeze %dma_wait3A_1661 : memref<1x24576xf32, #tpu.memory_space<vmem>> -> memref<24576xf32, #tpu.memory_space<vmem>>
    %dma_wait3A_1663 = tpu.memref_slice %arg2[%add3A_1631] : memref<25165824xf32, #tpu.memory_space<hbm>> -> memref<24576xf32, #tpu.memory_space<hbm>>
    %dma_wait3A_1664 = arith.constant 0 : i32
    %dma_wait3A_1665 = tpu.memref_slice %arg6[%dma_wait3A_1659, %dma_wait3A_1664] : memref<2x24576xf32, #tpu.memory_space<vmem>> -> memref<1x24576xf32, #tpu.memory_space<vmem>>
    %dma_wait3A_1666 = tpu.memref_squeeze %dma_wait3A_1665 : memref<1x24576xf32, #tpu.memory_space<vmem>> -> memref<24576xf32, #tpu.memory_space<vmem>>
    %dma_wait3A_1667 = tpu.memref_slice %arg2[%add3A_1631] : memref<25165824xf32, #tpu.memory_space<hbm>> -> memref<24576xf32, #tpu.memory_space<hbm>>
    tpu.wait_dma2 semaphore(%arg8 : memref<!tpu.dma_semaphore, #tpu.memory_space<semaphore_mem>>) src(%dma_wait3A_1667 : memref<24576xf32, #tpu.memory_space<hbm>>) dst(%dma_wait3A_1666 : memref<24576xf32, #tpu.memory_space<vmem>>)
    %dma_wait3A_1668 = arith.constant 0 : i32
    %dma_wait3A_1669 = arith.constant 0 : i32
    %dma_wait3A_1670 = tpu.memref_slice %arg6[%dma_wait3A_1668, %dma_wait3A_1669] : memref<2x24576xf32, #tpu.memory_space<vmem>> -> memref<1x24576xf32, #tpu.memory_space<vmem>>
    %dma_wait3A_1671 = tpu.memref_squeeze %dma_wait3A_1670 : memref<1x24576xf32, #tpu.memory_space<vmem>> -> memref<24576xf32, #tpu.memory_space<vmem>>
    %dma_wait3A_1672 = tpu.memref_slice %arg4[%add3A_1649] : memref<25165824xf32, #tpu.memory_space<hbm>> -> memref<24576xf32, #tpu.memory_space<hbm>>
    %dma_wait3A_1673 = tpu.memref_slice %arg4[%add3A_1649] : memref<25165824xf32, #tpu.memory_space<hbm>> -> memref<24576xf32, #tpu.memory_space<hbm>>
    %dma_wait3A_1674 = arith.constant 0 : i32
    %dma_wait3A_1675 = tpu.memref_slice %arg6[%dma_wait3A_1668, %dma_wait3A_1674] : memref<2x24576xf32, #tpu.memory_space<vmem>> -> memref<1x24576xf32, #tpu.memory_space<vmem>>
    %dma_wait3A_1676 = tpu.memref_squeeze %dma_wait3A_1675 : memref<1x24576xf32, #tpu.memory_space<vmem>> -> memref<24576xf32, #tpu.memory_space<vmem>>
    tpu.wait_dma2 semaphore(%arg9 : memref<!tpu.dma_semaphore, #tpu.memory_space<semaphore_mem>>) src(%dma_wait3A_1676 : memref<24576xf32, #tpu.memory_space<vmem>>) dst(%dma_wait3A_1673 : memref<24576xf32, #tpu.memory_space<hbm>>)
    %add3A_1677 = arith.constant 224 : i32
    %add3A_1678 = arith.addi %mul3A_2, %add3A_1677 : i32
    %mul3A_1679 = arith.constant 768 : i32
    %mul3A_1680 = arith.muli %add3A_1678, %mul3A_1679 : i32
    %add3A_1681 = arith.constant 12582912 : i32
    %add3A_1682 = arith.addi %add3A_1681, %mul3A_1680 : i32
    %dma_start3A_1683 = arith.constant 0 : i32
    %dma_start3A_1684 = arith.constant 0 : i32
    %dma_start3A_1685 = tpu.memref_slice %arg6[%dma_start3A_1683, %dma_start3A_1684] : memref<2x24576xf32, #tpu.memory_space<vmem>> -> memref<1x24576xf32, #tpu.memory_space<vmem>>
    %dma_start3A_1686 = tpu.memref_squeeze %dma_start3A_1685 : memref<1x24576xf32, #tpu.memory_space<vmem>> -> memref<24576xf32, #tpu.memory_space<vmem>>
    %dma_start3A_1687 = tpu.memref_slice %arg2[%add3A_1682] : memref<25165824xf32, #tpu.memory_space<hbm>> -> memref<24576xf32, #tpu.memory_space<hbm>>
    %dma_start3A_1688 = arith.constant 0 : i32
    %dma_start3A_1689 = tpu.memref_slice %arg6[%dma_start3A_1683, %dma_start3A_1688] : memref<2x24576xf32, #tpu.memory_space<vmem>> -> memref<1x24576xf32, #tpu.memory_space<vmem>>
    %dma_start3A_1690 = tpu.memref_squeeze %dma_start3A_1689 : memref<1x24576xf32, #tpu.memory_space<vmem>> -> memref<24576xf32, #tpu.memory_space<vmem>>
    %dma_start3A_1691 = tpu.memref_slice %arg2[%add3A_1682] : memref<25165824xf32, #tpu.memory_space<hbm>> -> memref<24576xf32, #tpu.memory_space<hbm>>
    tpu.enqueue_dma source(%dma_start3A_1691 : memref<24576xf32, #tpu.memory_space<hbm>>) target(%dma_start3A_1690 : memref<24576xf32, #tpu.memory_space<vmem>>) target_semaphore(%arg7 : memref<!tpu.dma_semaphore, #tpu.memory_space<semaphore_mem>>)
    %parallel_loop3A_1692 = arith.constant 0 : i32
    %parallel_loop3A_1693 = arith.constant 24576 : i32
    %parallel_loop3A_1694 = arith.constant 16 : i32
    scf.for %parallel_loop3A_1806 = %parallel_loop3A_1692 to %parallel_loop3A_1693 step %parallel_loop3A_1694  : i32 {
      %parallel_loop3A_1807 = arith.constant 1 : i32
      %parallel_loop3A_1808 = arith.index_cast %parallel_loop3A_1807 : i32 to index
      %parallel_loop3A_1809 = arith.index_cast %parallel_loop3A_1806 : i32 to index
      %parallel_loop3A_1810 = tpu.vector_load %arg5[%parallel_loop3A_1808, %parallel_loop3A_1809] {strides = array<i32>} : memref<2x24576xf32, #tpu.memory_space<vmem>>, vector<1x16xf32>,
      %parallel_loop3A_1811 = vector.shape_cast %parallel_loop3A_1810 : vector<1x16xf32> to vector<16xf32>
      %parallel_loop3A_1812 = arith.constant 1 : i32
      %parallel_loop3A_1813 = arith.index_cast %parallel_loop3A_1812 : i32 to index
      %parallel_loop3A_1814 = arith.index_cast %parallel_loop3A_1806 : i32 to index
      %parallel_loop3A_1815 = tpu.vector_load %arg6[%parallel_loop3A_1813, %parallel_loop3A_1814] {strides = array<i32>} : memref<2x24576xf32, #tpu.memory_space<vmem>>, vector<1x16xf32>,
      %parallel_loop3A_1816 = vector.shape_cast %parallel_loop3A_1815 : vector<1x16xf32> to vector<16xf32>
      %parallel_loop3A_1817 = vector.shape_cast %parallel_loop3A_1811 : vector<16xf32> to vector<1x16xf32>
      tpu.vector_store %arg6[%parallel_loop3A_1813, %parallel_loop3A_1814], %parallel_loop3A_1817 {add = true, strides = array<i32>} : memref<2x24576xf32, #tpu.memory_space<vmem>>, vector<1x16xf32>,
    } {sc.loop_unroll_factor = 8 : i64, sc.parallel_access}
    %add3A_1695 = arith.constant 224 : i32
    %add3A_1696 = arith.addi %mul3A_2, %add3A_1695 : i32
    %mul3A_1697 = arith.constant 768 : i32
    %mul3A_1698 = arith.muli %add3A_1696, %mul3A_1697 : i32
    %add3A_1699 = arith.constant 6291456 : i32
    %add3A_1700 = arith.addi %add3A_1699, %mul3A_1698 : i32
    %dma_start3A_1701 = arith.constant 1 : i32
    %dma_start3A_1702 = arith.constant 0 : i32
    %dma_start3A_1703 = tpu.memref_slice %arg6[%dma_start3A_1701, %dma_start3A_1702] : memref<2x24576xf32, #tpu.memory_space<vmem>> -> memref<1x24576xf32, #tpu.memory_space<vmem>>
    %dma_start3A_1704 = tpu.memref_squeeze %dma_start3A_1703 : memref<1x24576xf32, #tpu.memory_space<vmem>> -> memref<24576xf32, #tpu.memory_space<vmem>>
    %dma_start3A_1705 = tpu.memref_slice %arg4[%add3A_1700] : memref<25165824xf32, #tpu.memory_space<hbm>> -> memref<24576xf32, #tpu.memory_space<hbm>>
    %dma_start3A_1706 = tpu.memref_slice %arg4[%add3A_1700] : memref<25165824xf32, #tpu.memory_space<hbm>> -> memref<24576xf32, #tpu.memory_space<hbm>>
    %dma_start3A_1707 = arith.constant 0 : i32
    %dma_start3A_1708 = tpu.memref_slice %arg6[%dma_start3A_1701, %dma_start3A_1707] : memref<2x24576xf32, #tpu.memory_space<vmem>> -> memref<1x24576xf32, #tpu.memory_space<vmem>>
    %dma_start3A_1709 = tpu.memref_squeeze %dma_start3A_1708 : memref<1x24576xf32, #tpu.memory_space<vmem>> -> memref<24576xf32, #tpu.memory_space<vmem>>
    tpu.enqueue_dma source(%dma_start3A_1709 : memref<24576xf32, #tpu.memory_space<vmem>>) target(%dma_start3A_1706 : memref<24576xf32, #tpu.memory_space<hbm>>) target_semaphore(%arg10 : memref<!tpu.dma_semaphore, #tpu.memory_space<semaphore_mem>>)
    %dma_wait3A_1710 = arith.constant 0 : i32
    %dma_wait3A_1711 = arith.constant 0 : i32
    %dma_wait3A_1712 = tpu.memref_slice %arg6[%dma_wait3A_1710, %dma_wait3A_1711] : memref<2x24576xf32, #tpu.memory_space<vmem>> -> memref<1x24576xf32, #tpu.memory_space<vmem>>
    %dma_wait3A_1713 = tpu.memref_squeeze %dma_wait3A_1712 : memref<1x24576xf32, #tpu.memory_space<vmem>> -> memref<24576xf32, #tpu.memory_space<vmem>>
    %dma_wait3A_1714 = tpu.memref_slice %arg2[%add3A_1682] : memref<25165824xf32, #tpu.memory_space<hbm>> -> memref<24576xf32, #tpu.memory_space<hbm>>
    %dma_wait3A_1715 = arith.constant 0 : i32
    %dma_wait3A_1716 = tpu.memref_slice %arg6[%dma_wait3A_1710, %dma_wait3A_1715] : memref<2x24576xf32, #tpu.memory_space<vmem>> -> memref<1x24576xf32, #tpu.memory_space<vmem>>
    %dma_wait3A_1717 = tpu.memref_squeeze %dma_wait3A_1716 : memref<1x24576xf32, #tpu.memory_space<vmem>> -> memref<24576xf32, #tpu.memory_space<vmem>>
    %dma_wait3A_1718 = tpu.memref_slice %arg2[%add3A_1682] : memref<25165824xf32, #tpu.memory_space<hbm>> -> memref<24576xf32, #tpu.memory_space<hbm>>
    tpu.wait_dma2 semaphore(%arg7 : memref<!tpu.dma_semaphore, #tpu.memory_space<semaphore_mem>>) src(%dma_wait3A_1718 : memref<24576xf32, #tpu.memory_space<hbm>>) dst(%dma_wait3A_1717 : memref<24576xf32, #tpu.memory_space<vmem>>)
    %dma_wait3A_1719 = arith.constant 1 : i32
    %dma_wait3A_1720 = arith.constant 0 : i32
    %dma_wait3A_1721 = tpu.memref_slice %arg6[%dma_wait3A_1719, %dma_wait3A_1720] : memref<2x24576xf32, #tpu.memory_space<vmem>> -> memref<1x24576xf32, #tpu.memory_space<vmem>>
    %dma_wait3A_1722 = tpu.memref_squeeze %dma_wait3A_1721 : memref<1x24576xf32, #tpu.memory_space<vmem>> -> memref<24576xf32, #tpu.memory_space<vmem>>
    %dma_wait3A_1723 = tpu.memref_slice %arg4[%add3A_1700] : memref<25165824xf32, #tpu.memory_space<hbm>> -> memref<24576xf32, #tpu.memory_space<hbm>>
    %dma_wait3A_1724 = tpu.memref_slice %arg4[%add3A_1700] : memref<25165824xf32, #tpu.memory_space<hbm>> -> memref<24576xf32, #tpu.memory_space<hbm>>
    %dma_wait3A_1725 = arith.constant 0 : i32
    %dma_wait3A_1726 = tpu.memref_slice %arg6[%dma_wait3A_1719, %dma_wait3A_1725] : memref<2x24576xf32, #tpu.memory_space<vmem>> -> memref<1x24576xf32, #tpu.memory_space<vmem>>
    %dma_wait3A_1727 = tpu.memref_squeeze %dma_wait3A_1726 : memref<1x24576xf32, #tpu.memory_space<vmem>> -> memref<24576xf32, #tpu.memory_space<vmem>>
    tpu.wait_dma2 semaphore(%arg10 : memref<!tpu.dma_semaphore, #tpu.memory_space<semaphore_mem>>) src(%dma_wait3A_1727 : memref<24576xf32, #tpu.memory_space<vmem>>) dst(%dma_wait3A_1724 : memref<24576xf32, #tpu.memory_space<hbm>>)
    %add3A_1728 = arith.constant 224 : i32
    %add3A_1729 = arith.addi %mul3A_2, %add3A_1728 : i32
    %mul3A_1730 = arith.constant 768 : i32
    %mul3A_1731 = arith.muli %add3A_1729, %mul3A_1730 : i32
    %add3A_1732 = arith.constant 18874368 : i32
    %add3A_1733 = arith.addi %add3A_1732, %mul3A_1731 : i32
    %dma_start3A_1734 = arith.constant 1 : i32
    %dma_start3A_1735 = arith.constant 0 : i32
    %dma_start3A_1736 = tpu.memref_slice %arg6[%dma_start3A_1734, %dma_start3A_1735] : memref<2x24576xf32, #tpu.memory_space<vmem>> -> memref<1x24576xf32, #tpu.memory_space<vmem>>
    %dma_start3A_1737 = tpu.memref_squeeze %dma_start3A_1736 : memref<1x24576xf32, #tpu.memory_space<vmem>> -> memref<24576xf32, #tpu.memory_space<vmem>>
    %dma_start3A_1738 = tpu.memref_slice %arg2[%add3A_1733] : memref<25165824xf32, #tpu.memory_space<hbm>> -> memref<24576xf32, #tpu.memory_space<hbm>>
    %dma_start3A_1739 = arith.constant 0 : i32
    %dma_start3A_1740 = tpu.memref_slice %arg6[%dma_start3A_1734, %dma_start3A_1739] : memref<2x24576xf32, #tpu.memory_space<vmem>> -> memref<1x24576xf32, #tpu.memory_space<vmem>>
    %dma_start3A_1741 = tpu.memref_squeeze %dma_start3A_1740 : memref<1x24576xf32, #tpu.memory_space<vmem>> -> memref<24576xf32, #tpu.memory_space<vmem>>
    %dma_start3A_1742 = tpu.memref_slice %arg2[%add3A_1733] : memref<25165824xf32, #tpu.memory_space<hbm>> -> memref<24576xf32, #tpu.memory_space<hbm>>
    tpu.enqueue_dma source(%dma_start3A_1742 : memref<24576xf32, #tpu.memory_space<hbm>>) target(%dma_start3A_1741 : memref<24576xf32, #tpu.memory_space<vmem>>) target_semaphore(%arg8 : memref<!tpu.dma_semaphore, #tpu.memory_space<semaphore_mem>>)
    %parallel_loop3A_1743 = arith.constant 0 : i32
    %parallel_loop3A_1744 = arith.constant 24576 : i32
    %parallel_loop3A_1745 = arith.constant 16 : i32
    scf.for %parallel_loop3A_1806 = %parallel_loop3A_1743 to %parallel_loop3A_1744 step %parallel_loop3A_1745  : i32 {
      %parallel_loop3A_1807 = arith.constant 1 : i32
      %parallel_loop3A_1808 = arith.index_cast %parallel_loop3A_1807 : i32 to index
      %parallel_loop3A_1809 = arith.index_cast %parallel_loop3A_1806 : i32 to index
      %parallel_loop3A_1810 = tpu.vector_load %arg5[%parallel_loop3A_1808, %parallel_loop3A_1809] {strides = array<i32>} : memref<2x24576xf32, #tpu.memory_space<vmem>>, vector<1x16xf32>,
      %parallel_loop3A_1811 = vector.shape_cast %parallel_loop3A_1810 : vector<1x16xf32> to vector<16xf32>
      %parallel_loop3A_1812 = arith.constant 0 : i32
      %parallel_loop3A_1813 = arith.index_cast %parallel_loop3A_1812 : i32 to index
      %parallel_loop3A_1814 = arith.index_cast %parallel_loop3A_1806 : i32 to index
      %parallel_loop3A_1815 = tpu.vector_load %arg6[%parallel_loop3A_1813, %parallel_loop3A_1814] {strides = array<i32>} : memref<2x24576xf32, #tpu.memory_space<vmem>>, vector<1x16xf32>,
      %parallel_loop3A_1816 = vector.shape_cast %parallel_loop3A_1815 : vector<1x16xf32> to vector<16xf32>
      %parallel_loop3A_1817 = vector.shape_cast %parallel_loop3A_1811 : vector<16xf32> to vector<1x16xf32>
      tpu.vector_store %arg6[%parallel_loop3A_1813, %parallel_loop3A_1814], %parallel_loop3A_1817 {add = true, strides = array<i32>} : memref<2x24576xf32, #tpu.memory_space<vmem>>, vector<1x16xf32>,
    } {sc.loop_unroll_factor = 8 : i64, sc.parallel_access}
    %add3A_1746 = arith.constant 224 : i32
    %add3A_1747 = arith.addi %mul3A_2, %add3A_1746 : i32
    %mul3A_1748 = arith.constant 768 : i32
    %mul3A_1749 = arith.muli %add3A_1747, %mul3A_1748 : i32
    %add3A_1750 = arith.constant 12582912 : i32
    %add3A_1751 = arith.addi %add3A_1750, %mul3A_1749 : i32
    %dma_start3A_1752 = arith.constant 0 : i32
    %dma_start3A_1753 = arith.constant 0 : i32
    %dma_start3A_1754 = tpu.memref_slice %arg6[%dma_start3A_1752, %dma_start3A_1753] : memref<2x24576xf32, #tpu.memory_space<vmem>> -> memref<1x24576xf32, #tpu.memory_space<vmem>>
    %dma_start3A_1755 = tpu.memref_squeeze %dma_start3A_1754 : memref<1x24576xf32, #tpu.memory_space<vmem>> -> memref<24576xf32, #tpu.memory_space<vmem>>
    %dma_start3A_1756 = tpu.memref_slice %arg4[%add3A_1751] : memref<25165824xf32, #tpu.memory_space<hbm>> -> memref<24576xf32, #tpu.memory_space<hbm>>
    %dma_start3A_1757 = tpu.memref_slice %arg4[%add3A_1751] : memref<25165824xf32, #tpu.memory_space<hbm>> -> memref<24576xf32, #tpu.memory_space<hbm>>
    %dma_start3A_1758 = arith.constant 0 : i32
    %dma_start3A_1759 = tpu.memref_slice %arg6[%dma_start3A_1752, %dma_start3A_1758] : memref<2x24576xf32, #tpu.memory_space<vmem>> -> memref<1x24576xf32, #tpu.memory_space<vmem>>
    %dma_start3A_1760 = tpu.memref_squeeze %dma_start3A_1759 : memref<1x24576xf32, #tpu.memory_space<vmem>> -> memref<24576xf32, #tpu.memory_space<vmem>>
    tpu.enqueue_dma source(%dma_start3A_1760 : memref<24576xf32, #tpu.memory_space<vmem>>) target(%dma_start3A_1757 : memref<24576xf32, #tpu.memory_space<hbm>>) target_semaphore(%arg9 : memref<!tpu.dma_semaphore, #tpu.memory_space<semaphore_mem>>)
    %dma_wait3A_1761 = arith.constant 1 : i32
    %dma_wait3A_1762 = arith.constant 0 : i32
    %dma_wait3A_1763 = tpu.memref_slice %arg6[%dma_wait3A_1761, %dma_wait3A_1762] : memref<2x24576xf32, #tpu.memory_space<vmem>> -> memref<1x24576xf32, #tpu.memory_space<vmem>>
    %dma_wait3A_1764 = tpu.memref_squeeze %dma_wait3A_1763 : memref<1x24576xf32, #tpu.memory_space<vmem>> -> memref<24576xf32, #tpu.memory_space<vmem>>
    %dma_wait3A_1765 = tpu.memref_slice %arg2[%add3A_1733] : memref<25165824xf32, #tpu.memory_space<hbm>> -> memref<24576xf32, #tpu.memory_space<hbm>>
    %dma_wait3A_1766 = arith.constant 0 : i32
    %dma_wait3A_1767 = tpu.memref_slice %arg6[%dma_wait3A_1761, %dma_wait3A_1766] : memref<2x24576xf32, #tpu.memory_space<vmem>> -> memref<1x24576xf32, #tpu.memory_space<vmem>>
    %dma_wait3A_1768 = tpu.memref_squeeze %dma_wait3A_1767 : memref<1x24576xf32, #tpu.memory_space<vmem>> -> memref<24576xf32, #tpu.memory_space<vmem>>
    %dma_wait3A_1769 = tpu.memref_slice %arg2[%add3A_1733] : memref<25165824xf32, #tpu.memory_space<hbm>> -> memref<24576xf32, #tpu.memory_space<hbm>>
    tpu.wait_dma2 semaphore(%arg8 : memref<!tpu.dma_semaphore, #tpu.memory_space<semaphore_mem>>) src(%dma_wait3A_1769 : memref<24576xf32, #tpu.memory_space<hbm>>) dst(%dma_wait3A_1768 : memref<24576xf32, #tpu.memory_space<vmem>>)
    %parallel_loop3A_1770 = arith.constant 0 : i32
    %parallel_loop3A_1771 = arith.constant 24576 : i32
    %parallel_loop3A_1772 = arith.constant 16 : i32
    scf.for %parallel_loop3A_1806 = %parallel_loop3A_1770 to %parallel_loop3A_1771 step %parallel_loop3A_1772  : i32 {
      %parallel_loop3A_1807 = arith.constant 1 : i32
      %parallel_loop3A_1808 = arith.index_cast %parallel_loop3A_1807 : i32 to index
      %parallel_loop3A_1809 = arith.index_cast %parallel_loop3A_1806 : i32 to index
      %parallel_loop3A_1810 = tpu.vector_load %arg5[%parallel_loop3A_1808, %parallel_loop3A_1809] {strides = array<i32>} : memref<2x24576xf32, #tpu.memory_space<vmem>>, vector<1x16xf32>,
      %parallel_loop3A_1811 = vector.shape_cast %parallel_loop3A_1810 : vector<1x16xf32> to vector<16xf32>
      %parallel_loop3A_1812 = arith.constant 1 : i32
      %parallel_loop3A_1813 = arith.index_cast %parallel_loop3A_1812 : i32 to index
      %parallel_loop3A_1814 = arith.index_cast %parallel_loop3A_1806 : i32 to index
      %parallel_loop3A_1815 = tpu.vector_load %arg6[%parallel_loop3A_1813, %parallel_loop3A_1814] {strides = array<i32>} : memref<2x24576xf32, #tpu.memory_space<vmem>>, vector<1x16xf32>,
      %parallel_loop3A_1816 = vector.shape_cast %parallel_loop3A_1815 : vector<1x16xf32> to vector<16xf32>
      %parallel_loop3A_1817 = vector.shape_cast %parallel_loop3A_1811 : vector<16xf32> to vector<1x16xf32>
      tpu.vector_store %arg6[%parallel_loop3A_1813, %parallel_loop3A_1814], %parallel_loop3A_1817 {add = true, strides = array<i32>} : memref<2x24576xf32, #tpu.memory_space<vmem>>, vector<1x16xf32>,
    } {sc.loop_unroll_factor = 8 : i64, sc.parallel_access}
    %add3A_1773 = arith.constant 224 : i32
    %add3A_1774 = arith.addi %mul3A_2, %add3A_1773 : i32
    %mul3A_1775 = arith.constant 768 : i32
    %mul3A_1776 = arith.muli %add3A_1774, %mul3A_1775 : i32
    %add3A_1777 = arith.constant 18874368 : i32
    %add3A_1778 = arith.addi %add3A_1777, %mul3A_1776 : i32
    %dma_start3A_1779 = arith.constant 1 : i32
    %dma_start3A_1780 = arith.constant 0 : i32
    %dma_start3A_1781 = tpu.memref_slice %arg6[%dma_start3A_1779, %dma_start3A_1780] : memref<2x24576xf32, #tpu.memory_space<vmem>> -> memref<1x24576xf32, #tpu.memory_space<vmem>>
    %dma_start3A_1782 = tpu.memref_squeeze %dma_start3A_1781 : memref<1x24576xf32, #tpu.memory_space<vmem>> -> memref<24576xf32, #tpu.memory_space<vmem>>
    %dma_start3A_1783 = tpu.memref_slice %arg4[%add3A_1778] : memref<25165824xf32, #tpu.memory_space<hbm>> -> memref<24576xf32, #tpu.memory_space<hbm>>
    %dma_start3A_1784 = tpu.memref_slice %arg4[%add3A_1778] : memref<25165824xf32, #tpu.memory_space<hbm>> -> memref<24576xf32, #tpu.memory_space<hbm>>
    %dma_start3A_1785 = arith.constant 0 : i32
    %dma_start3A_1786 = tpu.memref_slice %arg6[%dma_start3A_1779, %dma_start3A_1785] : memref<2x24576xf32, #tpu.memory_space<vmem>> -> memref<1x24576xf32, #tpu.memory_space<vmem>>
    %dma_start3A_1787 = tpu.memref_squeeze %dma_start3A_1786 : memref<1x24576xf32, #tpu.memory_space<vmem>> -> memref<24576xf32, #tpu.memory_space<vmem>>
    tpu.enqueue_dma source(%dma_start3A_1787 : memref<24576xf32, #tpu.memory_space<vmem>>) target(%dma_start3A_1784 : memref<24576xf32, #tpu.memory_space<hbm>>) target_semaphore(%arg10 : memref<!tpu.dma_semaphore, #tpu.memory_space<semaphore_mem>>)
    %dma_wait3A_1788 = arith.constant 0 : i32
    %dma_wait3A_1789 = arith.constant 0 : i32
    %dma_wait3A_1790 = tpu.memref_slice %arg6[%dma_wait3A_1788, %dma_wait3A_1789] : memref<2x24576xf32, #tpu.memory_space<vmem>> -> memref<1x24576xf32, #tpu.memory_space<vmem>>
    %dma_wait3A_1791 = tpu.memref_squeeze %dma_wait3A_1790 : memref<1x24576xf32, #tpu.memory_space<vmem>> -> memref<24576xf32, #tpu.memory_space<vmem>>
    %dma_wait3A_1792 = tpu.memref_slice %arg4[%add3A_1751] : memref<25165824xf32, #tpu.memory_space<hbm>> -> memref<24576xf32, #tpu.memory_space<hbm>>
    %dma_wait3A_1793 = tpu.memref_slice %arg4[%add3A_1751] : memref<25165824xf32, #tpu.memory_space<hbm>> -> memref<24576xf32, #tpu.memory_space<hbm>>
    %dma_wait3A_1794 = arith.constant 0 : i32
    %dma_wait3A_1795 = tpu.memref_slice %arg6[%dma_wait3A_1788, %dma_wait3A_1794] : memref<2x24576xf32, #tpu.memory_space<vmem>> -> memref<1x24576xf32, #tpu.memory_space<vmem>>
    %dma_wait3A_1796 = tpu.memref_squeeze %dma_wait3A_1795 : memref<1x24576xf32, #tpu.memory_space<vmem>> -> memref<24576xf32, #tpu.memory_space<vmem>>
    tpu.wait_dma2 semaphore(%arg9 : memref<!tpu.dma_semaphore, #tpu.memory_space<semaphore_mem>>) src(%dma_wait3A_1796 : memref<24576xf32, #tpu.memory_space<vmem>>) dst(%dma_wait3A_1793 : memref<24576xf32, #tpu.memory_space<hbm>>)
    %dma_wait3A_1797 = arith.constant 1 : i32
    %dma_wait3A_1798 = arith.constant 0 : i32
    %dma_wait3A_1799 = tpu.memref_slice %arg6[%dma_wait3A_1797, %dma_wait3A_1798] : memref<2x24576xf32, #tpu.memory_space<vmem>> -> memref<1x24576xf32, #tpu.memory_space<vmem>>
    %dma_wait3A_1800 = tpu.memref_squeeze %dma_wait3A_1799 : memref<1x24576xf32, #tpu.memory_space<vmem>> -> memref<24576xf32, #tpu.memory_space<vmem>>
    %dma_wait3A_1801 = tpu.memref_slice %arg4[%add3A_1778] : memref<25165824xf32, #tpu.memory_space<hbm>> -> memref<24576xf32, #tpu.memory_space<hbm>>
    %dma_wait3A_1802 = tpu.memref_slice %arg4[%add3A_1778] : memref<25165824xf32, #tpu.memory_space<hbm>> -> memref<24576xf32, #tpu.memory_space<hbm>>
    %dma_wait3A_1803 = arith.constant 0 : i32
    %dma_wait3A_1804 = tpu.memref_slice %arg6[%dma_wait3A_1797, %dma_wait3A_1803] : memref<2x24576xf32, #tpu.memory_space<vmem>> -> memref<1x24576xf32, #tpu.memory_space<vmem>>
    %dma_wait3A_1805 = tpu.memref_squeeze %dma_wait3A_1804 : memref<1x24576xf32, #tpu.memory_space<vmem>> -> memref<24576xf32, #tpu.memory_space<vmem>>
    tpu.wait_dma2 semaphore(%arg10 : memref<!tpu.dma_semaphore, #tpu.memory_space<semaphore_mem>>) src(%dma_wait3A_1805 : memref<24576xf32, #tpu.memory_space<vmem>>) dst(%dma_wait3A_1802 : memref<24576xf32, #tpu.memory_space<hbm>>)
    return
  }
}

</mosaic_0001>

<sc_bundles>
// kernel: kernel.3.cloned.1.call-start
scs
__scs_entry_jumppad:
0x0: {  	(pc) =	sbr.rel $0x88, $3  }
0x1: {  	(tag) =	ssettag $0x0;
	lr =	simm.s32 $0x1  }
0x2: {  	[smem:$0x3F9F] =	sst lr;
	_ =	strace $0xD0000000  }
0x3: {  	_ = 	snop  }
0x4: {  	_ = 	snop  }
0x5: {  	_ = 	snop  }
0x6: {  	_ = 	snop  }
0x7: {  	_ = 	snop  }
__scs_overlays_trampoline_lowered:
0x8: {  	[smem:$0x3FAE] =	sst s0  }
0x9: {  	[smem:$0x3FAF] =	sst s1  }
0xa: {  	[smem:$0x3FB0] =	sst s2  }
0xb: {  	[smem:$0x3FB1] =	sst s3  }
0xc: {  	[smem:$0x3FB2] =	sst s4  }
0xd: {  	[smem:$0x3FB3] =	sst s5  }
0xe: {  	[smem:$0x3FB4] =	sst s6  }
0xf: {  	[smem:$0x3FB5] =	sst s7  }
0x10: {  	[smem:$0x3FB6] =	sst s8  }
0x11: {  	[smem:$0x3FB7] =	sst s9;
	s0 =	simm.s32 @!p0 $0x0  }
0x12: {  	s1 =	sld [smem:$0x3F9D];
	s0 =	simm.s32 @p0 $0x1  }
0x13: {  	[smem:$0x3FB8] =	sst s0;
	s0 =	simm.s32 @!p1 $0x0  }
0x14: {  	s2 =	sld [smem:$0x3F9C];
	s0 =	simm.s32 @p1 $0x1  }
0x15: {  	[smem:$0x3FB9] =	sst s0;
	s0 =	simm.s32 @!p2 $0x0  }
0x16: {  	s3 =	sld [smem:$0x3FDB];
	s0 =	simm.s32 @p2 $0x1  }
0x17: {  	s4 =	simm.s32 $0x1BF5;
	[smem:$0x3FBB] =	sst s0  }
0x18: {  	s0 =	sld [smem:$0x3F9E];
	_ =	swait.ge [sflag:s4], $0x0  }
0x19: {  	s7 =	sld [smem:$0x3F9F]  }
0x1a: {  	s8 =	sadd.s32 $0xFFFFE003, lr  }
0x1b: {  	s9 =	sadd.s32 $0xFFFFFEF7, lr;
	s5 =	simm.s32 $0xFFFFFFFF;
	p2 =	slt.u32 s8, $0xFFFFF086  }
0x1c: {  	p1 =	slt.u32 s9, $0xF7A;
	s5 =	simm.s32 @!p2 $0x0  }
0x1d: {  	s5 =	simm.s32 @p1 $0x1;
	p0 =	seq.s32 s7, s2  }
0x1e: {  	s7 =	smul.u32 @!p0 $0xF7A, s2;
	p2 =	seq.s32 @!p0 s5, $0x0  }
0x1f: {  	s9 =	smul.u32 $0xF7A, s1;
	s8 =	simm.s32 @!p0 $0x1BF5;
	p2 =	por !p2, p0  }
0x20: {  	[sflag:s8] =	ssyncset.s32 @!p0 $0xFFFFF086;
	s6 =	sadd.s32 @!p0 s3, s7;
	s7 =	simm.s32 @!p0 $0x108  }
0x21: {  	s3 =	sadd.s32 s3, s9;
	s6 =	sadd.s32 @!p0 $0x88, s6;
	s7 =	simm.s32 @p2 $0x1082  }
0x22: {  	[simem:s7], [sflag:s8] =	dma.local @!p0 [hbm:s6], $0xF7A  }
0x23: {  	s9 =	sor.u32 $0xD0000000, s2;
	s6 =	simm.s32 $0x108;
	_ =	swait.ge @!p0 [sflag:s8], $0x0  }
0x24: {  	s3 =	sadd.s32 $0x88, s3;
	s6 =	simm.s32 @!p1 $0x1082;
	[sflag:s4] =	ssyncset.s32 $0xFFFFF086  }
0x25: {  	[simem:s6], [sflag:s4] =	dma.local [hbm:s3], $0xF7A  }
0x26: {  	[smem:$0x3F9F] =	sst s1;
	(tag) =	ssettag s2;
	_ =	strace s9  }
0x27: {  	s1 =	sld [smem:$0x3FAF]  }
0x28: {  	s2 =	sld [smem:$0x3FB0]  }
0x29: {  	s4 =	sld [smem:$0x3FB2]  }
0x2a: {  	p0 =	seq.s32 s5, $0x0;
	s5 =	sld [smem:$0x3FB3]  }
0x2b: {  	s6 =	sld [smem:$0x3FB4]  }
0x2c: {  	s7 =	sld [smem:$0x3FB5]  }
0x2d: {  	s3 =	simm.s32 $0x108;
	s8 =	sld [smem:$0x3FB6]  }
0x2e: {  	s3 =	simm.s32 @!p0 $0x1082;
	s9 =	sld [smem:$0x3FB7]  }
0x2f: {  	lr =	sadd.s32 s0, s3;
	s0 =	sld [smem:$0x3FAE]  }
0x30: {  	s3 =	sld [smem:$0x3FB1]  }
0x31: {  	[smem:$0x3FBA] =	sst s10  }
0x32: {  	s10 =	sld [smem:$0x3FB8];
	_ =	sdelay $0x3  }
0x33: {  	p0 =	seq.s32 s10, $0x1;
	s10 =	sld [smem:$0x3FBA];
	_ =	sdelay $0x3  }
0x34: {  	[smem:$0x3FBA] =	sst s10  }
0x35: {  	s10 =	sld [smem:$0x3FB9];
	_ =	sdelay $0x3  }
0x36: {  	p1 =	seq.s32 s10, $0x1;
	s10 =	sld [smem:$0x3FBA];
	_ =	sdelay $0x3  }
0x37: {  	[smem:$0x3FBA] =	sst s10  }
0x38: {  	s10 =	sld [smem:$0x3FBB]  }
0x39: {  	_ = 	snop;
	(pc) =	sbr.ind lr, $3  }
0x3a: {  	_ = 	snop  }
0x3b: {  	_ = 	snop  }
0x3c: {  	p2 =	seq.s32 s10, $0x1;
	s10 =	sld [smem:$0x3FBA]  }
0x3d: {  	_ =	shalt  }
0x3e: {  	_ =	shalt  }
0x3f: {  	_ =	shalt  }
0x40: {  	_ =	shalt  }
0x41: {  	_ =	shalt  }
0x42: {  	_ =	shalt  }
0x43: {  	_ =	shalt  }
0x44: {  	_ =	shalt  }
0x45: {  	_ =	shalt  }
0x46: {  	_ =	shalt  }
0x47: {  	_ =	shalt  }
0x48: {  	_ =	shalt  }
0x49: {  	_ =	shalt  }
0x4a: {  	_ =	shalt  }
0x4b: {  	_ =	shalt  }
0x4c: {  	_ =	shalt  }
0x4d: {  	_ =	shalt  }
0x4e: {  	_ =	shalt  }
0x4f: {  	_ =	shalt  }
0x50: {  	_ =	shalt  }
0x51: {  	_ =	shalt  }
0x52: {  	_ =	shalt  }
0x53: {  	_ =	shalt  }
0x54: {  	_ =	shalt  }
0x55: {  	_ =	shalt  }
0x56: {  	_ =	shalt  }
0x57: {  	_ =	shalt  }
0x58: {  	_ =	shalt  }
0x59: {  	_ =	shalt  }
0x5a: {  	_ =	shalt  }
0x5b: {  	_ =	shalt  }
0x5c: {  	_ =	shalt  }
0x5d: {  	_ =	shalt  }
0x5e: {  	_ =	shalt  }
0x5f: {  	_ =	shalt  }
0x60: {  	_ =	shalt  }
0x61: {  	_ =	shalt  }
0x62: {  	_ =	shalt  }
0x63: {  	_ =	shalt  }
0x64: {  	_ =	shalt  }
0x65: {  	_ =	shalt  }
0x66: {  	_ =	shalt  }
0x67: {  	_ =	shalt  }
0x68: {  	_ =	shalt  }
0x69: {  	_ =	shalt  }
0x6a: {  	_ =	shalt  }
0x6b: {  	_ =	shalt  }
0x6c: {  	_ =	shalt  }
0x6d: {  	_ =	shalt  }
0x6e: {  	_ =	shalt  }
0x6f: {  	_ =	shalt  }
0x70: {  	_ =	shalt  }
0x71: {  	_ =	shalt  }
0x72: {  	_ =	shalt  }
0x73: {  	_ =	shalt  }
0x74: {  	_ =	shalt  }
0x75: {  	_ =	shalt  }
0x76: {  	_ =	shalt  }
0x77: {  	_ =	shalt  }
0x78: {  	_ =	shalt  }
0x79: {  	_ =	shalt  }
0x7a: {  	_ =	shalt  }
0x7b: {  	_ =	shalt  }
0x7c: {  	_ =	shalt  }
0x7d: {  	_ =	shalt  }
0x7e: {  	_ =	shalt  }
0x7f: {  	_ =	shalt  }
0x80: {  	_ =	shalt  }
0x81: {  	_ =	shalt  }
0x82: {  	_ =	shalt  }
0x83: {  	_ =	shalt  }
0x84: {  	_ =	shalt  }
0x85: {  	_ =	shalt  }
0x86: {  	_ =	shalt  }
0x87: {  	_ =	shalt  }
.Lfunc_end0:
.L_simem_size_0:
called_computation_lowered:
.L_overlay_start_0:
0x88: {  	s2 =	sld [smem:$0x3FD9]  }
0x89: {  	s3 =	sld [smem:$0x3FFE];
	_ =	sdelay $0x1  }
0x8a: {  	s1 =	srdreg.scid  }
0x8b: {  	s0 =	sand.u32 $0x1, s1  }
0x8c: {  	s17 =	sshll.u32 s0, $0xA;
	s2 =	sadd.s32 s3, s2  }
0x8d: {  	s2 =	sadd.s32 s2, s17  }
0x8e: {  	[smem:$0x3FC6] =	sst s2  }
0x8f: {  	_ = 	snop  }
0x90: {  	s2 =	sld [smem:$0x3FD0];
	(tm) =	ssettm $0x1  }
0x91: {  	s18 =	sld [smem:$0x3FFB];
	_ =	sdelay $0x3  }
0x92: {  	_ =	strace s18  }
0x93: {  	s3 =	sld [smem:$0x3FFC];
	_ =	sdelay $0x3  }
0x94: {  	_ =	strace s3  }
0x95: {  	s3 =	sld [smem:$0x3FFD];
	_ =	sdelay $0x3  }
0x96: {  	_ =	strace s3  }
0x97: {  	_ =	strace $0x8FFFFFFF  }
0x98: {  	s19 =	sld [smem:$0x3FDB];
	_ =	sdelay $0x1  }
0x99: {  	s4 =	simm.s32 $_scs_section_size  }
0x9a: {  	s5 =	simm.s32 $_size__tile_overlayer_lowered;
	s6 =	simm.s32 $_tile_overlayer_lowered  }
0x9b: {  	s22 =	simm.s32 $0x1BFF;
	s21 =	sshll.u32 s6, $0x1;
	s3 =	sadd.s32 s4, s19  }
0x9c: {  	s7 =	simm.s32 $0x0;
	s20 =	sshll.u32 s5, $0x1;
	s5 =	sadd.s32 s21, s3  }
0x9d: {  	[timem:s7], [sflag:s22] =	dma.local [hbm:s5], s20  }
0x9e: {  	_ =	swait.ge [sflag:s22], s20  }
0x9f: {  	s4 =	ssub.s32 $0x0, s20;
	[sflag:s22] =	ssyncset.done $0x0  }
0xa0: {  	[sflag:s22] =	ssyncadd.s32 s4;
	_ =	sdelay $0x1  }
0xa1: {  	s23 =	simm.s32 $0x1B8B  }
0xa2: {  	_ =	swait.ge [sflag:s23], $0x1  }
0xa3: {  	[sflag:s23] =	ssyncset.done $0x0  }
0xa4: {  	s25 =	simm.s32 $0x1B8E;
	s24 =	sld [smem:$0x3FFE];
	[sflag:s23] =	ssyncadd.s32 $0xFFFFFFFF  }
0xa5: {  	s26 =	simm.s32 $execute0_lowered;
	[smem:$0x3FD2] =	sst s25  }
0xa6: {  	s5 =	sshll.u32 s26, $0x1;
	_ =	strace $0x80000046;
	[dreg:$0x1] =	wrdreg $0xFFFFFFFF  }
0xa7: {  	s28 =	simm.s32 $_size_execute0_lowered;
	s3 =	sadd.s32 s3, s5;
	[dreg:$0x0] =	wrdreg $0x0  }
0xa8: {  	s5 =	sshll.u32 s28, $0x1;
	[dreg:$0x2] =	wrdreg s3  }
0xa9: {  	[dreg:$0x3] =	wrdreg s5  }
0xaa: {  	[dreg:$0x4] =	wrdreg $0xC0  }
0xab: {  	_ =	task [dreg:s7], $0x5FFFF  }
0xac: {  	[dreg:$0x1] =	wrdreg $0xFFFFFFFF  }
0xad: {  	[dreg:$0x0] =	wrdreg $0x60  }
0xae: {  	[dreg:$0x2] =	wrdreg s2  }
0xaf: {  	[dreg:$0x3] =	wrdreg s24  }
0xb0: {  	[dreg:$0x4] =	wrdreg $0x9  }
0xb1: {  	_ =	task.clear_ibuf [dreg:s7], $0x5FFFF;
	_ =	strace $0x90000046  }
0xb2: {  	s29 =	simm.s32 $0x9;
	_ =	strace $0x80000048  }
0xb3: {  	_ =	swait.ge [sflag:s29], $0x1  }
0xb4: {  	[sflag:s29] =	ssyncadd.s32 $0xFFFFFFFF  }
0xb5: {  	_ =	strace $0x90000048  }
0xb6: {  	_ =	sfence  }
0xb7: {  	s30 =	sld [smem:$0x0];
	_ =	sdelay $0x2  }
0xb8: {  	s31 =	sshll.u32 s1, $0xD;
	s1 =	sshrl.u32 s1, $0x2  }
0xb9: {  	s3 =	sand.u32 $0x4000, s31;
	s1 =	sadd.s32 s1, s30  }
0xba: {  	s0 =	sor.u32 s3, s0;
	s1 =	sshll.u32 s1, $0x11  }
0xbb: {  	s0 =	sor.u32 s1, s0  }
0xbc: {  	s0 =	sadd.s32 $0x8F2B, s0  }
0xbd: {  	[sflag:s0] =	ssyncadd.remote.s32 $0x1  }
0xbe: {  	_ =	sfence.sel $0xFFFF  }
0xbf: {  	[dreg:$0x0] =	wrdreg $0xFFFFFFFF;
	(pc) =	sbr.abs _section_cstart, $3  }
0xc0: {  	[dreg:$0x1] =	wrdreg $0xFFFFFFFF  }
0xc1: {  	_ =	task.clear_ibuf [dreg:s7], $0x2FFFF;
	_ =	strace $0x9FFFFFFF  }
0xc2: {  	(tm) =	ssettm $0x7FFFFFFF  }
0xc3: {  	_ =	shalt  }
tec
execute0_lowered:
.L_overlay_start_1:
0x0: {  	(tag) =	ssettag $0x1  }
0x1: {  	s0 =	srdreg.scid;
	s1 =	stileid.u32  }
0x2: {  	s0 =	sand.u32 $0x1, s0;
	s1 =	sshll.u32 s1, $0x1  }
0x3: {  	s19 =	rddreg [dreg:$0x0];
	s2 =	sor.u32 s0, s1  }
0x4: {  	s3 =	rddreg [dreg:$0x1];
	s4 =	smul.u32 $0x30000, s2  }
0x5: {  	s21 =	sadd.s32 $0xC0400, s3;
	s1 =	simm.s32 $0x0;
	s0 =	ssub.s32 $0x2, s0  }
0x6: {  	[smem:$0x7FF] =	sst s1;
	s11 =	sshrl.u32 s0, $0x1;
	s18 =	sshrl.u32 s4, $0x3  }
0x7: {  	s2 =	sadd.s32 $0x400, s3;
	s0 =	ssub.s32 s0, s11;
	s12 =	sor.u32 $0xC00, s18  }
0x8: {  	[smem:$0x7EF] =	sst s0;
	s13 =	sadd.s32 $0xC0000, s18;
	s14 =	sadd.s32 s2, s12  }
0x9: {  	s16 =	sadd.s32 $0x180000, s18;
	s15 =	sadd.s32 s19, s13;
	[dreg:$0x3] =	wrdreg s14  }
0xa: {  	s17 =	sadd.s32 $0x240000, s18;
	s5 =	sadd.s32 s19, s16;
	[dreg:$0x4] =	wrdreg s15  }
0xb: {  	s23 =	sor.u32 $0x1800, s18;
	s20 =	sadd.s32 s19, s17;
	[dreg:$0x5] =	wrdreg s5  }
0xc: {  	s24 =	sadd.s32 $0xC0C00, s18;
	s22 =	sadd.s32 s19, s12;
	[dreg:$0x7] =	wrdreg s20  }
0xd: {  	s28 =	sadd.s32 $0x180C00, s18;
	s25 =	sadd.s32 s2, s23;
	[dreg:$0x9] =	wrdreg s22  }
0xe: {  	s8 =	sadd.s32 $0x240C00, s18;
	s26 =	sadd.s32 s19, s24;
	[dreg:$0xb] =	wrdreg s25  }
0xf: {  	s29 =	sadd.s32 s2, s18;
	s0 =	sadd.s32 s21, s12;
	[dreg:$0xc] =	wrdreg s26  }
0x10: {  	s31 =	sadd.s32 s21, s13;
	s30 =	sadd.s32 s19, s28;
	[dreg:$0xd] =	wrdreg s0  }
0x11: {  	s6 =	sadd.s32 s21, s16;
	s4 =	sadd.s32 s21, s24;
	[dreg:$0xe] =	wrdreg s30  }
0x12: {  	s7 =	sadd.s32 s21, s17;
	s9 =	sadd.s32 s19, s8;
	[dreg:$0xf] =	wrdreg s4  }
0x13: {  	s10 =	sadd.s32 s21, s28;
	s11 =	sadd.s32 s19, s23;
	[dreg:$0x10] =	wrdreg s9  }
0x14: {  	s12 =	sadd.s32 $0xC1800, s18;
	s16 =	sadd.s32 $0x241800, s18;
	[dreg:$0x11] =	wrdreg s10  }
0x15: {  	[dreg:$0x12] =	wrdreg s11;
	s0 =	sadd.s32 s21, s8;
	s8 =	sadd.s32 s21, s23  }
0x16: {  	s13 =	sadd.s32 s19, s12;
	s14 =	sadd.s32 $0x181800, s18;
	s20 =	sadd.s32 $0x2400, s18  }
0x17: {  	s22 =	sadd.s32 s19, s16;
	s25 =	sadd.s32 $0xC2400, s18;
	s26 =	sadd.s32 $0x182400, s18  }
0x18: {  	s3 =	smov.u32 s6;
	s6 =	smov.u32 s7;
	[dreg:$0x13] =	wrdreg s0  }
0x19: {  	s10 =	sadd.s32 $0x3000, s18;
	s11 =	sadd.s32 $0x242400, s18;
	[dreg:$0x15] =	wrdreg s13  }
0x1a: {  	s7 =	sadd.s32 $0x243000, s18;
	s15 =	sadd.s32 s19, s14;
	[dreg:$0x19] =	wrdreg s22  }
0x1b: {  	s13 =	sadd.s32 s21, s12;
	s23 =	sadd.s32 s2, s20;
	[dreg:$0x17] =	wrdreg s15  }
0x1c: {  	s17 =	sadd.s32 s21, s14;
	s24 =	sadd.s32 s19, s20;
	[dreg:$0x1b] =	wrdreg s23  }
0x1d: {  	s22 =	sadd.s32 s21, s16;
	s30 =	sadd.s32 s19, s25;
	[dreg:$0x1c] =	wrdreg s24  }
0x1e: {  	s28 =	sadd.s32 s21, s20;
	s5 =	sadd.s32 s19, s26;
	[dreg:$0x1e] =	wrdreg s30  }
0x1f: {  	s9 =	sadd.s32 s21, s26;
	s12 =	sadd.s32 s19, s11;
	[smem:$0x7D5] =	sst s5  }
0x20: {  	s14 =	sadd.s32 s2, s10;
	s16 =	sadd.s32 s19, s10;
	[smem:$0x7D6] =	sst s12  }
0x21: {  	s20 =	sadd.s32 $0xC3000, s18;
	s30 =	sadd.s32 s21, s25;
	[smem:$0x7D7] =	sst s14  }
0x22: {  	s15 =	sadd.s32 s21, s11;
	s4 =	smov.u32 s9;
	[smem:$0x7D8] =	sst s16  }
0x23: {  	s24 =	sadd.s32 s21, s10;
	s23 =	sadd.s32 s19, s20;
	s11 =	sadd.s32 s21, s20  }
0x24: {  	s25 =	sadd.s32 $0x183000, s18;
	s9 =	sadd.s32 s19, s7;
	s7 =	sadd.s32 s21, s7  }
0x25: {  	s10 =	sadd.s32 $0x3C00, s18;
	s16 =	sadd.s32 $0xC3C00, s18;
	[smem:$0x7D9] =	sst s23  }
0x26: {  	s5 =	sadd.s32 $0x4800, s18;
	s26 =	sadd.s32 s19, s25;
	[smem:$0x7DB] =	sst s9  }
0x27: {  	s20 =	sadd.s32 s21, s25;
	s12 =	sadd.s32 s2, s10;
	[smem:$0x7DA] =	sst s26  }
0x28: {  	s14 =	sadd.s32 s19, s10;
	s9 =	sadd.s32 s21, s10;
	[smem:$0x7DC] =	sst s12  }
0x29: {  	s23 =	sadd.s32 s19, s16;
	s25 =	sadd.s32 $0x183C00, s18;
	[smem:$0x7DD] =	sst s14  }
0x2a: {  	s10 =	sadd.s32 s21, s16;
	[smem:$0x7DE] =	sst s23;
	s26 =	sadd.s32 s19, s25  }
0x2b: {  	s12 =	sadd.s32 $0x243C00, s18;
	s23 =	sadd.s32 s2, s5;
	[smem:$0x7DF] =	sst s26  }
0x2c: {  	s0 =	smov.u32 s7;
	s16 =	sadd.s32 s19, s12;
	[smem:$0x7E1] =	sst s23  }
0x2d: {  	s14 =	sadd.s32 s21, s25;
	s26 =	sadd.s32 s19, s5;
	[smem:$0x7E0] =	sst s16  }
0x2e: {  	s25 =	sadd.s32 $0xC4800, s18;
	s5 =	sadd.s32 s21, s5;
	[smem:$0x7E3] =	sst s26  }
0x2f: {  	s23 =	sadd.s32 s19, s25;
	s7 =	sadd.s32 s21, s25;
	[smem:$0x7E4] =	sst s5  }
0x30: {  	s25 =	sadd.s32 $0x184800, s18;
	s16 =	sadd.s32 s21, s12;
	[smem:$0x7E5] =	sst s23  }
0x31: {  	s12 =	sadd.s32 $0x5400, s18;
	[smem:$0x7E6] =	sst s7;
	s23 =	sadd.s32 s19, s25  }
0x32: {  	s26 =	sadd.s32 $0x244800, s18;
	s2 =	sadd.s32 s2, s12;
	[smem:$0x7E7] =	sst s23  }
0x33: {  	[smem:$0x7E2] =	sst s2;
	s2 =	smov.u32 s9;
	s9 =	sadd.s32 s21, s25  }
0x34: {  	s5 =	smov.u32 s10;
	s25 =	sadd.s32 s19, s26;
	[smem:$0x7E8] =	sst s9  }
0x35: {  	s10 =	sadd.s32 s21, s26;
	s26 =	sadd.s32 s19, s12;
	[smem:$0x7E9] =	sst s25  }
0x36: {  	s23 =	sadd.s32 $0xC5400, s18;
	s9 =	smov.u32 s16;
	[smem:$0x7EA] =	sst s26  }
0x37: {  	s16 =	sadd.s32 s19, s18;
	s25 =	sadd.s32 $0x185400, s18;
	s26 =	sadd.s32 $0x245400, s18  }
0x38: {  	[smem:$0x7EB] =	sst s16;
	s16 =	sadd.s32 s21, s18;
	s18 =	sadd.s32 s19, s23  }
0x39: {  	[smem:$0x7EC] =	sst s18;
	s18 =	sadd.s32 s21, s23;
	s23 =	sadd.s32 s19, s25  }
0x3a: {  	[smem:$0x7ED] =	sst s23;
	s23 =	sadd.s32 s19, s26  }
0x3b: {  	[smem:$0x7EE] =	sst s23  }
0x3c: {  	_ =	strace $0x80000047;
	[dreg:$0x6] =	wrdreg s31  }
0x3d: {  	[dreg:$0x8] =	wrdreg s3  }
0x3e: {  	[dreg:$0xa] =	wrdreg s6  }
0x3f: {  	[dreg:$0x14] =	wrdreg s8  }
0x40: {  	[dreg:$0x16] =	wrdreg s13  }
0x41: {  	[dreg:$0x18] =	wrdreg s17  }
0x42: {  	[dreg:$0x1a] =	wrdreg s22  }
0x43: {  	[dreg:$0x1d] =	wrdreg s28  }
0x44: {  	[dreg:$0x1f] =	wrdreg s30  }
0x45: {  	[smem:$0x7F1] =	sst s4  }
0x46: {  	[smem:$0x7F2] =	sst s15  }
0x47: {  	[smem:$0x7F3] =	sst s24  }
0x48: {  	[smem:$0x7F4] =	sst s11  }
0x49: {  	[smem:$0x7F5] =	sst s20  }
0x4a: {  	[smem:$0x7F6] =	sst s0  }
0x4b: {  	[smem:$0x7F7] =	sst s2  }
0x4c: {  	s7 =	smov.u32 s14;
	[smem:$0x7F8] =	sst s5  }
0x4d: {  	[smem:$0x7F9] =	sst s7  }
0x4e: {  	s12 =	sadd.s32 s21, s12;
	[smem:$0x7FA] =	sst s9  }
0x4f: {  	s19 =	sadd.s32 s21, s25;
	s21 =	sadd.s32 s21, s26;
	s26 =	sld [smem:$0x7EF]  }
0x50: {  	[smem:$0x7FB] =	sst s29  }
0x51: {  	[smem:$0x7FC] =	sst s10  }
0x52: {  	[smem:$0x7FD] =	sst s12;
	s14 =	smax.u32 s26, $0x1  }
0x53: {  	s25 =	simm.s32 $0x0;
	[smem:$0x7F0] =	sst s14;
	s14 =	simm.s32 $0x1  }
.LBB2_1:
0x54: {  	[smem:$0x7D4] =	sst s25;
	s23 =	simm.s32 $0x10;
	s10 =	smov.u32 s29  }
0x55: {  	s29 =	sadd.s32 $0x0, s29;
	s25 =	simm.s32 $0x100;
	s26 =	simm.s32 $0x0  }
.LBB2_2:
0x56: {  	[tilespmem:s26], [sflag:$0x5] =	stream.linear.gather [hbm4b:s29+s1], $0x80, $0x38;
	[tilespmem:$0x18000] =	vst v63  }
0x57: {  	s29 =	smov.u32 s23;
	s26 =	smov.u32 s25;
	p0 =	sne.s32 s23, $0xBF0  }
.Ltmp0:
0x58: {  	s23 =	sadd.s32 $0x10, s23;
	(pc) =	sbr.rel @p0 .LBB2_2-.Ltmp0, $2  }
0x59: {  	_ =	sdelay $0x2  }
0x5a: {  	s25 =	sadd.s32 $0x100, s25;
	s29 =	sadd.s32 s29, s10  }
0x5b: {  	s10 =	sld [smem:$0x7EB]  }
0x5c: {  	[tilespmem:s26], [sflag:$0x5] =	stream.linear.gather [hbm4b:s29+s1], $0x80, $0x38;
	[tilespmem:$0x18000] =	vst v63  }
0x5d: {  	s23 =	simm.s32 $0xC000  }
0x5e: {  	s25 =	simm.s32 $0x10;
	s26 =	simm.s32 $0xC100;
	s29 =	sadd.s32 $0x0, s10  }
.LBB2_4:
0x5f: {  	[tilespmem:s23], [sflag:$0x1] =	stream.linear.gather [hbm4b:s29+s1], $0x80, $0x38;
	[tilespmem:$0x18000] =	vst v63  }
0x60: {  	s29 =	smov.u32 s25;
	s23 =	smov.u32 s26;
	p0 =	sne.s32 s25, $0xBF0  }
.Ltmp1:
0x61: {  	s25 =	sadd.s32 $0x10, s25;
	(pc) =	sbr.rel @p0 .LBB2_4-.Ltmp1, $2  }
0x62: {  	_ =	sdelay $0x2  }
0x63: {  	s26 =	sadd.s32 $0x100, s26;
	s29 =	sadd.s32 s29, s10  }
0x64: {  	[tilespmem:s23], [sflag:$0x1] =	stream.linear.gather [hbm4b:s29+s1], $0x80, $0x38;
	[tilespmem:$0x18000] =	vst v63  }
0x65: {  	_ =	swait.ge [sflag:s14], $0x6000  }
0x66: {  	[sflag:s14] =	ssyncset.done $0x0  }
0x67: {  	s10 =	simm.s32 $0x5;
	[sflag:s14] =	ssyncadd.s32 $0xFFFFA000  }
0x68: {  	s23 =	simm.s32 $0x80;
	s25 =	simm.s32 $0x10;
	_ =	swait.ge [sflag:s10], $0x6000  }
0x69: {  	s26 =	simm.s32 $0x180;
	[sflag:s10] =	ssyncset.done $0x0;
	s31 =	rddreg [dreg:$0x3]  }
0x6a: {  	[sflag:s10] =	ssyncadd.s32 $0xFFFFA000;
	s29 =	sadd.s32 $0x0, s31;
	s10 =	sld [smem:$0x7E2]  }
.LBB2_6:
0x6b: {  	[tilespmem:s23], [sflag:$0x6] =	stream.linear.gather [hbm4b:s29+s1], $0x80, $0x38;
	[tilespmem:$0x18000] =	vst v63  }
0x6c: {  	s29 =	smov.u32 s25;
	s23 =	smov.u32 s26;
	p0 =	sne.s32 s25, $0xBF0  }
.Ltmp2:
0x6d: {  	s25 =	sadd.s32 $0x10, s25;
	(pc) =	sbr.rel @p0 .LBB2_6-.Ltmp2, $2  }
0x6e: {  	_ =	sdelay $0x2  }
0x6f: {  	s26 =	sadd.s32 $0x100, s26;
	s29 =	sadd.s32 s29, s31  }
0x70: {  	[tilespmem:s23], [sflag:$0x6] =	stream.linear.gather [hbm4b:s29+s1], $0x80, $0x38;
	[tilespmem:$0x18000] =	vst v63  }
0x71: {  	s23 =	simm.s32 $0x0  }
0x72: {  	s25 =	simm.s32 $0xC080;
	s26 =	simm.s32 $0x0;
	s31 =	rddreg [dreg:$0x4]  }
.LBB2_8:
0x73: {  	p0 =	sne.s32 s26, $0xBF0  }
.Ltmp3:
0x74: {  	_ = 	snop;
	(pc) =	sbr.rel @p0 .LBB2_8-.Ltmp3, $4  }
0x75: {  	_ = 	snop  }
0x76: {  	s29 =	sadd.s32 s26, s31  }
0x77: {  	[tilespmem:s25], [sflag:$0x2] =	stream.linear.gather [hbm4b:s29+s23], $0x80, $0x38;
	[tilespmem:$0x18000] =	vst v63  }
0x78: {  	s26 =	sadd.s32 $0x10, s26;
	s25 =	sadd.s32 $0x100, s25  }
0x79: {  	s23 =	simm.s32 $0x0  }
0x7a: {  	v0 =	vld [tilespmem:s23+$0x70]  }
0x7b: {  	v1 =	vld [tilespmem:s23+$0x0]  }
0x7c: {  	v2 =	vld [tilespmem:s23+$0x10]  }
0x7d: {  	v3 =	vld [tilespmem:s23+$0x20]  }
0x7e: {  	v4 =	vld [tilespmem:s23+$0x30]  }
0x7f: {  	v5 =	vld [tilespmem:s23+$0x40]  }
0x80: {  	v6 =	vld [tilespmem:s23+$0x50]  }
0x81: {  	[tilespmem:s23+$0xC070] =	vst.add.f32.msk $0xffff, v0  }
0x82: {  	v0 =	vld [tilespmem:s23+$0x60]  }
0x83: {  	[tilespmem:s23+$0xC000] =	vst.add.f32.msk $0xffff, v1  }
0x84: {  	[tilespmem:s23+$0xC010] =	vst.add.f32.msk $0xffff, v2  }
0x85: {  	[tilespmem:s23+$0xC020] =	vst.add.f32.msk $0xffff, v3  }
0x86: {  	[tilespmem:s23+$0xC030] =	vst.add.f32.msk $0xffff, v4  }
0x87: {  	[tilespmem:s23+$0xC040] =	vst.add.f32.msk $0xffff, v5  }
0x88: {  	s25 =	simm.s32 $0x0;
	s26 =	simm.s32 $0x400;
	[tilespmem:s23+$0xC050] =	vst.add.f32.msk $0xffff, v6  }
.LBB2_10:
0x89: {  	s25 =	sadd.s32 $0x80, s25;
	[tilespmem:s23+$0xC060] =	vst.add.f32.msk $0xffff, v0;
	s23 =	sshra.s32 s26, $0x2  }
0x8a: {  	v0 =	vld [tilespmem:s23+$0x70];
	p0 =	slt.u32 s25, $0x5F80  }
0x8b: {  	v1 =	vld [tilespmem:s23+$0x0]  }
0x8c: {  	v2 =	vld [tilespmem:s23+$0x10]  }
0x8d: {  	v3 =	vld [tilespmem:s23+$0x20]  }
0x8e: {  	v4 =	vld [tilespmem:s23+$0x30]  }
0x8f: {  	[tilespmem:s23+$0xC070] =	vst.add.f32.msk $0xffff, v0  }
0x90: {  	v5 =	vld [tilespmem:s23+$0x40]  }
0x91: {  	v6 =	vld [tilespmem:s23+$0x50]  }
0x92: {  	v0 =	vld [tilespmem:s23+$0x60]  }
0x93: {  	[tilespmem:s23+$0xC000] =	vst.add.f32.msk $0xffff, v1  }
.Ltmp4:
0x94: {  	[tilespmem:s23+$0xC010] =	vst.add.f32.msk $0xffff, v2;
	(pc) =	sbr.rel @p0 .LBB2_10-.Ltmp4, $4  }
0x95: {  	[tilespmem:s23+$0xC020] =	vst.add.f32.msk $0xffff, v3  }
0x96: {  	[tilespmem:s23+$0xC030] =	vst.add.f32.msk $0xffff, v4  }
0x97: {  	[tilespmem:s23+$0xC040] =	vst.add.f32.msk $0xffff, v5  }
0x98: {  	s26 =	sadd.s32 $0x400, s26;
	[tilespmem:s23+$0xC050] =	vst.add.f32.msk $0xffff, v6  }
0x99: {  	s25 =	simm.s32 $0xC000  }
0x9a: {  	[tilespmem:s23+$0xC060] =	vst.add.f32.msk $0xffff, v0;
	s23 =	simm.s32 $0x10;
	s29 =	sadd.s32 $0x0, s16;
	s26 =	simm.s32 $0xC100  }
.LBB2_12:
0x9b: {  	[hbm4b:s29+s1] =	stream.linear.scatter [tilespmem:s25], [sflag:$0x3], $0x80, $0x38;
	[tilespmem:$0x18000] =	vst v63  }
0x9c: {  	s29 =	smov.u32 s23;
	s25 =	smov.u32 s26;
	p0 =	sne.s32 s23, $0xBF0  }
.Ltmp5:
0x9d: {  	s23 =	sadd.s32 $0x10, s23;
	(pc) =	sbr.rel @p0 .LBB2_12-.Ltmp5, $2  }
0x9e: {  	_ =	sdelay $0x2  }
0x9f: {  	s26 =	sadd.s32 $0x100, s26;
	s29 =	sadd.s32 s29, s16  }
0xa0: {  	[hbm4b:s29+s1] =	stream.linear.scatter [tilespmem:s25], [sflag:$0x3], $0x80, $0x38;
	[tilespmem:$0x18000] =	vst v63  }
0xa1: {  	s23 =	simm.s32 $0x2  }
0xa2: {  	_ =	swait.ge [sflag:s23], $0x6000  }
0xa3: {  	[sflag:s23] =	ssyncset.done $0x0  }
0xa4: {  	s30 =	simm.s32 $0x3;
	[sflag:s23] =	ssyncadd.s32 $0xFFFFA000  }
0xa5: {  	_ =	swait.ge [sflag:s30], $0x6000  }
0xa6: {  	s25 =	simm.s32 $0xC000;
	s26 =	simm.s32 $0x0;
	[sflag:s30] =	ssyncset.done $0x0  }
0xa7: {  	s23 =	simm.s32 $0x0;
	s31 =	rddreg [dreg:$0x5];
	[sflag:s30] =	ssyncadd.s32 $0xFFFFA000  }
.LBB2_14:
0xa8: {  	p0 =	sne.s32 s26, $0xBF0  }
.Ltmp6:
0xa9: {  	_ = 	snop;
	(pc) =	sbr.rel @p0 .LBB2_14-.Ltmp6, $4  }
0xaa: {  	_ = 	snop  }
0xab: {  	s29 =	sadd.s32 s26, s31  }
0xac: {  	[tilespmem:s25], [sflag:$0x1] =	stream.linear.gather [hbm4b:s29+s23], $0x80, $0x38;
	[tilespmem:$0x18000] =	vst v63  }
0xad: {  	s26 =	sadd.s32 $0x10, s26;
	s25 =	sadd.s32 $0x100, s25  }
0xae: {  	s23 =	simm.s32 $0x0  }
0xaf: {  	v0 =	vld [tilespmem:s23+$0x70]  }
0xb0: {  	v1 =	vld [tilespmem:s23+$0x0]  }
0xb1: {  	v2 =	vld [tilespmem:s23+$0x10]  }
0xb2: {  	v3 =	vld [tilespmem:s23+$0x20]  }
0xb3: {  	v4 =	vld [tilespmem:s23+$0x30]  }
0xb4: {  	v5 =	vld [tilespmem:s23+$0x40]  }
0xb5: {  	v6 =	vld [tilespmem:s23+$0x50]  }
0xb6: {  	[tilespmem:s23+$0xC0F0] =	vst.add.f32.msk $0xffff, v0  }
0xb7: {  	v0 =	vld [tilespmem:s23+$0x60]  }
0xb8: {  	[tilespmem:s23+$0xC080] =	vst.add.f32.msk $0xffff, v1  }
0xb9: {  	[tilespmem:s23+$0xC090] =	vst.add.f32.msk $0xffff, v2  }
0xba: {  	[tilespmem:s23+$0xC0A0] =	vst.add.f32.msk $0xffff, v3  }
0xbb: {  	[tilespmem:s23+$0xC0B0] =	vst.add.f32.msk $0xffff, v4  }
0xbc: {  	[tilespmem:s23+$0xC0C0] =	vst.add.f32.msk $0xffff, v5  }
0xbd: {  	s25 =	simm.s32 $0x0;
	s26 =	simm.s32 $0x400;
	[tilespmem:s23+$0xC0D0] =	vst.add.f32.msk $0xffff, v6  }
.LBB2_16:
0xbe: {  	s25 =	sadd.s32 $0x80, s25;
	[tilespmem:s23+$0xC0E0] =	vst.add.f32.msk $0xffff, v0;
	s23 =	sshra.s32 s26, $0x2  }
0xbf: {  	v0 =	vld [tilespmem:s23+$0x70];
	p0 =	slt.u32 s25, $0x5F80  }
0xc0: {  	v1 =	vld [tilespmem:s23+$0x0]  }
0xc1: {  	v2 =	vld [tilespmem:s23+$0x10]  }
0xc2: {  	v3 =	vld [tilespmem:s23+$0x20]  }
0xc3: {  	v4 =	vld [tilespmem:s23+$0x30]  }
0xc4: {  	[tilespmem:s23+$0xC0F0] =	vst.add.f32.msk $0xffff, v0  }
0xc5: {  	v5 =	vld [tilespmem:s23+$0x40]  }
0xc6: {  	v6 =	vld [tilespmem:s23+$0x50]  }
0xc7: {  	v0 =	vld [tilespmem:s23+$0x60]  }
0xc8: {  	[tilespmem:s23+$0xC080] =	vst.add.f32.msk $0xffff, v1  }
.Ltmp7:
0xc9: {  	[tilespmem:s23+$0xC090] =	vst.add.f32.msk $0xffff, v2;
	(pc) =	sbr.rel @p0 .LBB2_16-.Ltmp7, $4  }
0xca: {  	[tilespmem:s23+$0xC0A0] =	vst.add.f32.msk $0xffff, v3  }
0xcb: {  	[tilespmem:s23+$0xC0B0] =	vst.add.f32.msk $0xffff, v4  }
0xcc: {  	[tilespmem:s23+$0xC0C0] =	vst.add.f32.msk $0xffff, v5  }
0xcd: {  	s26 =	sadd.s32 $0x400, s26;
	[tilespmem:s23+$0xC0D0] =	vst.add.f32.msk $0xffff, v6  }
0xce: {  	[tilespmem:s23+$0xC0E0] =	vst.add.f32.msk $0xffff, v0  }
0xcf: {  	s25 =	simm.s32 $0xC080;
	s31 =	rddreg [dreg:$0x6]  }
0xd0: {  	s23 =	simm.s32 $0x10;
	s26 =	simm.s32 $0xC180;
	s29 =	sadd.s32 $0x0, s31  }
.LBB2_18:
0xd1: {  	[hbm4b:s29+s1] =	stream.linear.scatter [tilespmem:s25], [sflag:$0x4], $0x80, $0x38;
	[tilespmem:$0x18000] =	vst v63  }
0xd2: {  	s29 =	smov.u32 s23;
	s25 =	smov.u32 s26;
	p0 =	sne.s32 s23, $0xBF0  }
.Ltmp8:
0xd3: {  	s23 =	sadd.s32 $0x10, s23;
	(pc) =	sbr.rel @p0 .LBB2_18-.Ltmp8, $2  }
0xd4: {  	_ =	sdelay $0x2  }
0xd5: {  	s26 =	sadd.s32 $0x100, s26;
	s29 =	sadd.s32 s29, s31  }
0xd6: {  	[hbm4b:s29+s1] =	stream.linear.scatter [tilespmem:s25], [sflag:$0x4], $0x80, $0x38;
	[tilespmem:$0x18000] =	vst v63  }
0xd7: {  	_ =	swait.ge [sflag:s14], $0x6000  }
0xd8: {  	[sflag:s14] =	ssyncset.done $0x0  }
0xd9: {  	s3 =	simm.s32 $0x4;
	[sflag:s14] =	ssyncadd.s32 $0xFFFFA000  }
0xda: {  	_ =	swait.ge [sflag:s3], $0x6000  }
0xdb: {  	s23 =	simm.s32 $0x0;
	s25 =	simm.s32 $0xC080;
	[sflag:s3] =	ssyncset.done $0x0  }
0xdc: {  	s26 =	simm.s32 $0x0;
	[sflag:s3] =	ssyncadd.s32 $0xFFFFA000;
	s3 =	rddreg [dreg:$0x7]  }
.LBB2_20:
0xdd: {  	p0 =	sne.s32 s26, $0xBF0  }
.Ltmp9:
0xde: {  	_ = 	snop;
	(pc) =	sbr.rel @p0 .LBB2_20-.Ltmp9, $4  }
0xdf: {  	_ = 	snop  }
0xe0: {  	s29 =	sadd.s32 s26, s3  }
0xe1: {  	[tilespmem:s25], [sflag:$0x2] =	stream.linear.gather [hbm4b:s29+s23], $0x80, $0x38;
	[tilespmem:$0x18000] =	vst v63  }
0xe2: {  	s26 =	sadd.s32 $0x10, s26;
	s25 =	sadd.s32 $0x100, s25  }
0xe3: {  	s23 =	simm.s32 $0x0  }
0xe4: {  	v0 =	vld [tilespmem:s23+$0x70]  }
0xe5: {  	v1 =	vld [tilespmem:s23+$0x0]  }
0xe6: {  	v2 =	vld [tilespmem:s23+$0x10]  }
0xe7: {  	v3 =	vld [tilespmem:s23+$0x20]  }
0xe8: {  	v4 =	vld [tilespmem:s23+$0x30]  }
0xe9: {  	v5 =	vld [tilespmem:s23+$0x40]  }
0xea: {  	v6 =	vld [tilespmem:s23+$0x50]  }
0xeb: {  	[tilespmem:s23+$0xC070] =	vst.add.f32.msk $0xffff, v0  }
0xec: {  	v0 =	vld [tilespmem:s23+$0x60]  }
0xed: {  	[tilespmem:s23+$0xC000] =	vst.add.f32.msk $0xffff, v1  }
0xee: {  	[tilespmem:s23+$0xC010] =	vst.add.f32.msk $0xffff, v2  }
0xef: {  	[tilespmem:s23+$0xC020] =	vst.add.f32.msk $0xffff, v3  }
0xf0: {  	[tilespmem:s23+$0xC030] =	vst.add.f32.msk $0xffff, v4  }
0xf1: {  	[tilespmem:s23+$0xC040] =	vst.add.f32.msk $0xffff, v5  }
0xf2: {  	s25 =	simm.s32 $0x0;
	s26 =	simm.s32 $0x400;
	[tilespmem:s23+$0xC050] =	vst.add.f32.msk $0xffff, v6  }
.LBB2_22:
0xf3: {  	s25 =	sadd.s32 $0x80, s25;
	[tilespmem:s23+$0xC060] =	vst.add.f32.msk $0xffff, v0;
	s23 =	sshra.s32 s26, $0x2  }
0xf4: {  	v0 =	vld [tilespmem:s23+$0x70];
	p0 =	slt.u32 s25, $0x5F80  }
0xf5: {  	v1 =	vld [tilespmem:s23+$0x0]  }
0xf6: {  	v2 =	vld [tilespmem:s23+$0x10]  }
0xf7: {  	v3 =	vld [tilespmem:s23+$0x20]  }
0xf8: {  	v4 =	vld [tilespmem:s23+$0x30]  }
0xf9: {  	[tilespmem:s23+$0xC070] =	vst.add.f32.msk $0xffff, v0  }
0xfa: {  	v5 =	vld [tilespmem:s23+$0x40]  }
0xfb: {  	v6 =	vld [tilespmem:s23+$0x50]  }
0xfc: {  	v0 =	vld [tilespmem:s23+$0x60]  }
0xfd: {  	[tilespmem:s23+$0xC000] =	vst.add.f32.msk $0xffff, v1  }
.Ltmp10:
0xfe: {  	[tilespmem:s23+$0xC010] =	vst.add.f32.msk $0xffff, v2;
	(pc) =	sbr.rel @p0 .LBB2_22-.Ltmp10, $4  }
0xff: {  	[tilespmem:s23+$0xC020] =	vst.add.f32.msk $0xffff, v3  }
0x100: {  	[tilespmem:s23+$0xC030] =	vst.add.f32.msk $0xffff, v4  }
0x101: {  	[tilespmem:s23+$0xC040] =	vst.add.f32.msk $0xffff, v5  }
0x102: {  	s26 =	sadd.s32 $0x400, s26;
	[tilespmem:s23+$0xC050] =	vst.add.f32.msk $0xffff, v6  }
0x103: {  	[tilespmem:s23+$0xC060] =	vst.add.f32.msk $0xffff, v0  }
0x104: {  	s25 =	simm.s32 $0xC000;
	s3 =	rddreg [dreg:$0x8]  }
0x105: {  	s23 =	simm.s32 $0x10;
	s26 =	simm.s32 $0xC100;
	s29 =	sadd.s32 $0x0, s3  }
.LBB2_24:
0x106: {  	[hbm4b:s29+s1] =	stream.linear.scatter [tilespmem:s25], [sflag:$0x3], $0x80, $0x38;
	[tilespmem:$0x18000] =	vst v63  }
0x107: {  	s29 =	smov.u32 s23;
	s25 =	smov.u32 s26;
	p0 =	sne.s32 s23, $0xBF0  }
.Ltmp11:
0x108: {  	s23 =	sadd.s32 $0x10, s23;
	(pc) =	sbr.rel @p0 .LBB2_24-.Ltmp11, $2  }
0x109: {  	_ =	sdelay $0x2  }
0x10a: {  	s26 =	sadd.s32 $0x100, s26;
	s29 =	sadd.s32 s29, s3  }
0x10b: {  	[hbm4b:s29+s1] =	stream.linear.scatter [tilespmem:s25], [sflag:$0x3], $0x80, $0x38;
	[tilespmem:$0x18000] =	vst v63  }
0x10c: {  	s6 =	simm.s32 $0x2  }
0x10d: {  	_ =	swait.ge [sflag:s6], $0x6000  }
0x10e: {  	[sflag:s6] =	ssyncset.done $0x0  }
0x10f: {  	s31 =	simm.s32 $0x3;
	[sflag:s6] =	ssyncadd.s32 $0xFFFFA000  }
0x110: {  	_ =	swait.ge [sflag:s31], $0x6000  }
0x111: {  	s23 =	simm.s32 $0x0;
	s25 =	simm.s32 $0xC000;
	[sflag:s31] =	ssyncset.done $0x0  }
0x112: {  	s26 =	simm.s32 $0x0;
	s6 =	rddreg [dreg:$0x9];
	[sflag:s31] =	ssyncadd.s32 $0xFFFFA000  }
.LBB2_26:
0x113: {  	p0 =	sne.s32 s26, $0xBF0  }
.Ltmp12:
0x114: {  	_ = 	snop;
	(pc) =	sbr.rel @p0 .LBB2_26-.Ltmp12, $4  }
0x115: {  	_ = 	snop  }
0x116: {  	s29 =	sadd.s32 s26, s6  }
0x117: {  	[tilespmem:s25], [sflag:$0x1] =	stream.linear.gather [hbm4b:s29+s23], $0x80, $0x38;
	[tilespmem:$0x18000] =	vst v63  }
0x118: {  	s26 =	sadd.s32 $0x10, s26;
	s25 =	sadd.s32 $0x100, s25  }
0x119: {  	s23 =	simm.s32 $0x0  }
0x11a: {  	v0 =	vld [tilespmem:s23+$0x70]  }
0x11b: {  	v1 =	vld [tilespmem:s23+$0x0]  }
0x11c: {  	v2 =	vld [tilespmem:s23+$0x10]  }
0x11d: {  	v3 =	vld [tilespmem:s23+$0x20]  }
0x11e: {  	v4 =	vld [tilespmem:s23+$0x30]  }
0x11f: {  	v5 =	vld [tilespmem:s23+$0x40]  }
0x120: {  	v6 =	vld [tilespmem:s23+$0x50]  }
0x121: {  	[tilespmem:s23+$0xC0F0] =	vst.add.f32.msk $0xffff, v0  }
0x122: {  	v0 =	vld [tilespmem:s23+$0x60]  }
0x123: {  	[tilespmem:s23+$0xC080] =	vst.add.f32.msk $0xffff, v1  }
0x124: {  	[tilespmem:s23+$0xC090] =	vst.add.f32.msk $0xffff, v2  }
0x125: {  	[tilespmem:s23+$0xC0A0] =	vst.add.f32.msk $0xffff, v3  }
0x126: {  	[tilespmem:s23+$0xC0B0] =	vst.add.f32.msk $0xffff, v4  }
0x127: {  	[tilespmem:s23+$0xC0C0] =	vst.add.f32.msk $0xffff, v5  }
0x128: {  	s25 =	simm.s32 $0x0;
	s26 =	simm.s32 $0x400;
	[tilespmem:s23+$0xC0D0] =	vst.add.f32.msk $0xffff, v6  }
.LBB2_28:
0x129: {  	s25 =	sadd.s32 $0x80, s25;
	[tilespmem:s23+$0xC0E0] =	vst.add.f32.msk $0xffff, v0;
	s23 =	sshra.s32 s26, $0x2  }
0x12a: {  	v0 =	vld [tilespmem:s23+$0x70];
	p0 =	slt.u32 s25, $0x5F80  }
0x12b: {  	v1 =	vld [tilespmem:s23+$0x0]  }
0x12c: {  	v2 =	vld [tilespmem:s23+$0x10]  }
0x12d: {  	v3 =	vld [tilespmem:s23+$0x20]  }
0x12e: {  	v4 =	vld [tilespmem:s23+$0x30]  }
0x12f: {  	[tilespmem:s23+$0xC0F0] =	vst.add.f32.msk $0xffff, v0  }
0x130: {  	v5 =	vld [tilespmem:s23+$0x40]  }
0x131: {  	v6 =	vld [tilespmem:s23+$0x50]  }
0x132: {  	v0 =	vld [tilespmem:s23+$0x60]  }
0x133: {  	[tilespmem:s23+$0xC080] =	vst.add.f32.msk $0xffff, v1  }
.Ltmp13:
0x134: {  	[tilespmem:s23+$0xC090] =	vst.add.f32.msk $0xffff, v2;
	(pc) =	sbr.rel @p0 .LBB2_28-.Ltmp13, $4  }
0x135: {  	[tilespmem:s23+$0xC0A0] =	vst.add.f32.msk $0xffff, v3  }
0x136: {  	[tilespmem:s23+$0xC0B0] =	vst.add.f32.msk $0xffff, v4  }
0x137: {  	[tilespmem:s23+$0xC0C0] =	vst.add.f32.msk $0xffff, v5  }
0x138: {  	s26 =	sadd.s32 $0x400, s26;
	[tilespmem:s23+$0xC0D0] =	vst.add.f32.msk $0xffff, v6  }
0x139: {  	[tilespmem:s23+$0xC0E0] =	vst.add.f32.msk $0xffff, v0  }
0x13a: {  	s25 =	simm.s32 $0xC080;
	s6 =	rddreg [dreg:$0xa]  }
0x13b: {  	s23 =	simm.s32 $0x10;
	s26 =	simm.s32 $0xC180;
	s29 =	sadd.s32 $0x0, s6  }
.LBB2_30:
0x13c: {  	[hbm4b:s29+s1] =	stream.linear.scatter [tilespmem:s25], [sflag:$0x4], $0x80, $0x38;
	[tilespmem:$0x18000] =	vst v63  }
0x13d: {  	s29 =	smov.u32 s23;
	s25 =	smov.u32 s26;
	p0 =	sne.s32 s23, $0xBF0  }
.Ltmp14:
0x13e: {  	s23 =	sadd.s32 $0x10, s23;
	(pc) =	sbr.rel @p0 .LBB2_30-.Ltmp14, $2  }
0x13f: {  	_ =	sdelay $0x2  }
0x140: {  	s26 =	sadd.s32 $0x100, s26;
	s29 =	sadd.s32 s29, s6  }
0x141: {  	[hbm4b:s29+s1] =	stream.linear.scatter [tilespmem:s25], [sflag:$0x4], $0x80, $0x38;
	[tilespmem:$0x18000] =	vst v63  }
0x142: {  	_ =	swait.ge [sflag:s14], $0x6000  }
0x143: {  	[sflag:s14] =	ssyncset.done $0x0  }
0x144: {  	s8 =	simm.s32 $0x6;
	[sflag:s14] =	ssyncadd.s32 $0xFFFFA000  }
0x145: {  	_ =	swait.ge [sflag:s8], $0x6000  }
0x146: {  	[sflag:s8] =	ssyncset.done $0x0  }
0x147: {  	s23 =	simm.s32 $0x0;
	[sflag:s8] =	ssyncadd.s32 $0xFFFFA000;
	s8 =	rddreg [dreg:$0xb]  }
0x148: {  	s25 =	simm.s32 $0x10;
	s26 =	simm.s32 $0x100;
	s29 =	sadd.s32 $0x0, s8  }
.LBB2_32:
0x149: {  	[tilespmem:s23], [sflag:$0x5] =	stream.linear.gather [hbm4b:s29+s1], $0x80, $0x38;
	[tilespmem:$0x18000] =	vst v63  }
0x14a: {  	s29 =	smov.u32 s25;
	s23 =	smov.u32 s26;
	p0 =	sne.s32 s25, $0xBF0  }
.Ltmp15:
0x14b: {  	s25 =	sadd.s32 $0x10, s25;
	(pc) =	sbr.rel @p0 .LBB2_32-.Ltmp15, $2  }
0x14c: {  	_ =	sdelay $0x2  }
0x14d: {  	s26 =	sadd.s32 $0x100, s26;
	s29 =	sadd.s32 s29, s8  }
0x14e: {  	[tilespmem:s23], [sflag:$0x5] =	stream.linear.gather [hbm4b:s29+s1], $0x80, $0x38;
	[tilespmem:$0x18000] =	vst v63  }
0x14f: {  	s8 =	simm.s32 $0x4  }
0x150: {  	_ =	swait.ge [sflag:s8], $0x6000  }
0x151: {  	s23 =	simm.s32 $0x0;
	s25 =	simm.s32 $0xC080;
	[sflag:s8] =	ssyncset.done $0x0  }
0x152: {  	s26 =	simm.s32 $0x0;
	[sflag:s8] =	ssyncadd.s32 $0xFFFFA000;
	s8 =	rddreg [dreg:$0xc]  }
.LBB2_34:
0x153: {  	p0 =	sne.s32 s26, $0xBF0  }
.Ltmp16:
0x154: {  	_ = 	snop;
	(pc) =	sbr.rel @p0 .LBB2_34-.Ltmp16, $4  }
0x155: {  	_ = 	snop  }
0x156: {  	s29 =	sadd.s32 s26, s8  }
0x157: {  	[tilespmem:s25], [sflag:$0x2] =	stream.linear.gather [hbm4b:s29+s23], $0x80, $0x38;
	[tilespmem:$0x18000] =	vst v63  }
0x158: {  	s26 =	sadd.s32 $0x10, s26;
	s25 =	sadd.s32 $0x100, s25  }
0x159: {  	s23 =	simm.s32 $0x0  }
0x15a: {  	v0 =	vld [tilespmem:s23+$0xF0]  }
0x15b: {  	v1 =	vld [tilespmem:s23+$0x80]  }
0x15c: {  	v2 =	vld [tilespmem:s23+$0x90]  }
0x15d: {  	v3 =	vld [tilespmem:s23+$0xA0]  }
0x15e: {  	v4 =	vld [tilespmem:s23+$0xB0]  }
0x15f: {  	v5 =	vld [tilespmem:s23+$0xC0]  }
0x160: {  	v6 =	vld [tilespmem:s23+$0xD0]  }
0x161: {  	[tilespmem:s23+$0xC070] =	vst.add.f32.msk $0xffff, v0  }
0x162: {  	v0 =	vld [tilespmem:s23+$0xE0]  }
0x163: {  	[tilespmem:s23+$0xC000] =	vst.add.f32.msk $0xffff, v1  }
0x164: {  	[tilespmem:s23+$0xC010] =	vst.add.f32.msk $0xffff, v2  }
0x165: {  	[tilespmem:s23+$0xC020] =	vst.add.f32.msk $0xffff, v3  }
0x166: {  	[tilespmem:s23+$0xC030] =	vst.add.f32.msk $0xffff, v4  }
0x167: {  	[tilespmem:s23+$0xC040] =	vst.add.f32.msk $0xffff, v5  }
0x168: {  	s25 =	simm.s32 $0x0;
	s26 =	simm.s32 $0x400;
	[tilespmem:s23+$0xC050] =	vst.add.f32.msk $0xffff, v6  }
.LBB2_36:
0x169: {  	s25 =	sadd.s32 $0x80, s25;
	[tilespmem:s23+$0xC060] =	vst.add.f32.msk $0xffff, v0;
	s23 =	sshra.s32 s26, $0x2  }
0x16a: {  	v0 =	vld [tilespmem:s23+$0xF0];
	p0 =	slt.u32 s25, $0x5F80  }
0x16b: {  	v1 =	vld [tilespmem:s23+$0x80]  }
0x16c: {  	v2 =	vld [tilespmem:s23+$0x90]  }
0x16d: {  	v3 =	vld [tilespmem:s23+$0xA0]  }
0x16e: {  	v4 =	vld [tilespmem:s23+$0xB0]  }
0x16f: {  	[tilespmem:s23+$0xC070] =	vst.add.f32.msk $0xffff, v0  }
0x170: {  	v5 =	vld [tilespmem:s23+$0xC0]  }
0x171: {  	v6 =	vld [tilespmem:s23+$0xD0]  }
0x172: {  	v0 =	vld [tilespmem:s23+$0xE0]  }
0x173: {  	[tilespmem:s23+$0xC000] =	vst.add.f32.msk $0xffff, v1  }
.Ltmp17:
0x174: {  	[tilespmem:s23+$0xC010] =	vst.add.f32.msk $0xffff, v2;
	(pc) =	sbr.rel @p0 .LBB2_36-.Ltmp17, $4  }
0x175: {  	[tilespmem:s23+$0xC020] =	vst.add.f32.msk $0xffff, v3  }
0x176: {  	[tilespmem:s23+$0xC030] =	vst.add.f32.msk $0xffff, v4  }
0x177: {  	[tilespmem:s23+$0xC040] =	vst.add.f32.msk $0xffff, v5  }
0x178: {  	s26 =	sadd.s32 $0x400, s26;
	[tilespmem:s23+$0xC050] =	vst.add.f32.msk $0xffff, v6  }
0x179: {  	[tilespmem:s23+$0xC060] =	vst.add.f32.msk $0xffff, v0  }
0x17a: {  	s25 =	simm.s32 $0xC000;
	s8 =	rddreg [dreg:$0xd]  }
0x17b: {  	s23 =	simm.s32 $0x10;
	s26 =	simm.s32 $0xC100;
	s29 =	sadd.s32 $0x0, s8  }
.LBB2_38:
0x17c: {  	[hbm4b:s29+s1] =	stream.linear.scatter [tilespmem:s25], [sflag:$0x3], $0x80, $0x38;
	[tilespmem:$0x18000] =	vst v63  }
0x17d: {  	s29 =	smov.u32 s23;
	s25 =	smov.u32 s26;
	p0 =	sne.s32 s23, $0xBF0  }
.Ltmp18:
0x17e: {  	s23 =	sadd.s32 $0x10, s23;
	(pc) =	sbr.rel @p0 .LBB2_38-.Ltmp18, $2  }
0x17f: {  	_ =	sdelay $0x2  }
0x180: {  	s26 =	sadd.s32 $0x100, s26;
	s29 =	sadd.s32 s29, s8  }
0x181: {  	[hbm4b:s29+s1] =	stream.linear.scatter [tilespmem:s25], [sflag:$0x3], $0x80, $0x38;
	[tilespmem:$0x18000] =	vst v63  }
0x182: {  	s8 =	simm.s32 $0x2  }
0x183: {  	_ =	swait.ge [sflag:s8], $0x6000  }
0x184: {  	[sflag:s8] =	ssyncset.done $0x0  }
0x185: {  	s31 =	simm.s32 $0x3;
	[sflag:s8] =	ssyncadd.s32 $0xFFFFA000  }
0x186: {  	_ =	swait.ge [sflag:s31], $0x6000  }
0x187: {  	s23 =	simm.s32 $0x0;
	s25 =	simm.s32 $0xC000;
	[sflag:s31] =	ssyncset.done $0x0  }
0x188: {  	s26 =	simm.s32 $0x0;
	s8 =	rddreg [dreg:$0xe];
	[sflag:s31] =	ssyncadd.s32 $0xFFFFA000  }
.LBB2_40:
0x189: {  	p0 =	sne.s32 s26, $0xBF0  }
.Ltmp19:
0x18a: {  	_ = 	snop;
	(pc) =	sbr.rel @p0 .LBB2_40-.Ltmp19, $4  }
0x18b: {  	_ = 	snop  }
0x18c: {  	s29 =	sadd.s32 s26, s8  }
0x18d: {  	[tilespmem:s25], [sflag:$0x1] =	stream.linear.gather [hbm4b:s29+s23], $0x80, $0x38;
	[tilespmem:$0x18000] =	vst v63  }
0x18e: {  	s26 =	sadd.s32 $0x10, s26;
	s25 =	sadd.s32 $0x100, s25  }
0x18f: {  	s23 =	simm.s32 $0x0  }
0x190: {  	v0 =	vld [tilespmem:s23+$0xF0]  }
0x191: {  	v1 =	vld [tilespmem:s23+$0x80]  }
0x192: {  	v2 =	vld [tilespmem:s23+$0x90]  }
0x193: {  	v3 =	vld [tilespmem:s23+$0xA0]  }
0x194: {  	v4 =	vld [tilespmem:s23+$0xB0]  }
0x195: {  	v5 =	vld [tilespmem:s23+$0xC0]  }
0x196: {  	v6 =	vld [tilespmem:s23+$0xD0]  }
0x197: {  	[tilespmem:s23+$0xC0F0] =	vst.add.f32.msk $0xffff, v0  }
0x198: {  	v0 =	vld [tilespmem:s23+$0xE0]  }
0x199: {  	[tilespmem:s23+$0xC080] =	vst.add.f32.msk $0xffff, v1  }
0x19a: {  	[tilespmem:s23+$0xC090] =	vst.add.f32.msk $0xffff, v2  }
0x19b: {  	[tilespmem:s23+$0xC0A0] =	vst.add.f32.msk $0xffff, v3  }
0x19c: {  	[tilespmem:s23+$0xC0B0] =	vst.add.f32.msk $0xffff, v4  }
0x19d: {  	[tilespmem:s23+$0xC0C0] =	vst.add.f32.msk $0xffff, v5  }
0x19e: {  	s25 =	simm.s32 $0x0;
	s26 =	simm.s32 $0x400;
	[tilespmem:s23+$0xC0D0] =	vst.add.f32.msk $0xffff, v6  }
.LBB2_42:
0x19f: {  	s25 =	sadd.s32 $0x80, s25;
	[tilespmem:s23+$0xC0E0] =	vst.add.f32.msk $0xffff, v0;
	s23 =	sshra.s32 s26, $0x2  }
0x1a0: {  	v0 =	vld [tilespmem:s23+$0xF0];
	p0 =	slt.u32 s25, $0x5F80  }
0x1a1: {  	v1 =	vld [tilespmem:s23+$0x80]  }
0x1a2: {  	v2 =	vld [tilespmem:s23+$0x90]  }
0x1a3: {  	v3 =	vld [tilespmem:s23+$0xA0]  }
0x1a4: {  	v4 =	vld [tilespmem:s23+$0xB0]  }
0x1a5: {  	[tilespmem:s23+$0xC0F0] =	vst.add.f32.msk $0xffff, v0  }
0x1a6: {  	v5 =	vld [tilespmem:s23+$0xC0]  }
0x1a7: {  	v6 =	vld [tilespmem:s23+$0xD0]  }
0x1a8: {  	v0 =	vld [tilespmem:s23+$0xE0]  }
0x1a9: {  	[tilespmem:s23+$0xC080] =	vst.add.f32.msk $0xffff, v1  }
.Ltmp20:
0x1aa: {  	[tilespmem:s23+$0xC090] =	vst.add.f32.msk $0xffff, v2;
	(pc) =	sbr.rel @p0 .LBB2_42-.Ltmp20, $4  }
0x1ab: {  	[tilespmem:s23+$0xC0A0] =	vst.add.f32.msk $0xffff, v3  }
0x1ac: {  	[tilespmem:s23+$0xC0B0] =	vst.add.f32.msk $0xffff, v4  }
0x1ad: {  	[tilespmem:s23+$0xC0C0] =	vst.add.f32.msk $0xffff, v5  }
0x1ae: {  	s26 =	sadd.s32 $0x400, s26;
	[tilespmem:s23+$0xC0D0] =	vst.add.f32.msk $0xffff, v6  }
0x1af: {  	[tilespmem:s23+$0xC0E0] =	vst.add.f32.msk $0xffff, v0  }
0x1b0: {  	s25 =	simm.s32 $0xC080;
	s8 =	rddreg [dreg:$0xf]  }
0x1b1: {  	s23 =	simm.s32 $0x10;
	s26 =	simm.s32 $0xC180;
	s29 =	sadd.s32 $0x0, s8  }
.LBB2_44:
0x1b2: {  	[hbm4b:s29+s1] =	stream.linear.scatter [tilespmem:s25], [sflag:$0x4], $0x80, $0x38;
	[tilespmem:$0x18000] =	vst v63  }
0x1b3: {  	s29 =	smov.u32 s23;
	s25 =	smov.u32 s26;
	p0 =	sne.s32 s23, $0xBF0  }
.Ltmp21:
0x1b4: {  	s23 =	sadd.s32 $0x10, s23;
	(pc) =	sbr.rel @p0 .LBB2_44-.Ltmp21, $2  }
0x1b5: {  	_ =	sdelay $0x2  }
0x1b6: {  	s26 =	sadd.s32 $0x100, s26;
	s29 =	sadd.s32 s29, s8  }
0x1b7: {  	[hbm4b:s29+s1] =	stream.linear.scatter [tilespmem:s25], [sflag:$0x4], $0x80, $0x38;
	[tilespmem:$0x18000] =	vst v63  }
0x1b8: {  	_ =	swait.ge [sflag:s14], $0x6000  }
0x1b9: {  	[sflag:s14] =	ssyncset.done $0x0  }
0x1ba: {  	s8 =	simm.s32 $0x4;
	[sflag:s14] =	ssyncadd.s32 $0xFFFFA000  }
0x1bb: {  	_ =	swait.ge [sflag:s8], $0x6000  }
0x1bc: {  	s23 =	simm.s32 $0x0;
	s25 =	simm.s32 $0xC080;
	[sflag:s8] =	ssyncset.done $0x0  }
0x1bd: {  	s26 =	simm.s32 $0x0;
	[sflag:s8] =	ssyncadd.s32 $0xFFFFA000;
	s8 =	rddreg [dreg:$0x10]  }
.LBB2_46:
0x1be: {  	p0 =	sne.s32 s26, $0xBF0  }
.Ltmp22:
0x1bf: {  	_ = 	snop;
	(pc) =	sbr.rel @p0 .LBB2_46-.Ltmp22, $4  }
0x1c0: {  	_ = 	snop  }
0x1c1: {  	s29 =	sadd.s32 s26, s8  }
0x1c2: {  	[tilespmem:s25], [sflag:$0x2] =	stream.linear.gather [hbm4b:s29+s23], $0x80, $0x38;
	[tilespmem:$0x18000] =	vst v63  }
0x1c3: {  	s26 =	sadd.s32 $0x10, s26;
	s25 =	sadd.s32 $0x100, s25  }
0x1c4: {  	s23 =	simm.s32 $0x0  }
0x1c5: {  	v0 =	vld [tilespmem:s23+$0xF0]  }
0x1c6: {  	v1 =	vld [tilespmem:s23+$0x80]  }
0x1c7: {  	v2 =	vld [tilespmem:s23+$0x90]  }
0x1c8: {  	v3 =	vld [tilespmem:s23+$0xA0]  }
0x1c9: {  	v4 =	vld [tilespmem:s23+$0xB0]  }
0x1ca: {  	v5 =	vld [tilespmem:s23+$0xC0]  }
0x1cb: {  	v6 =	vld [tilespmem:s23+$0xD0]  }
0x1cc: {  	[tilespmem:s23+$0xC070] =	vst.add.f32.msk $0xffff, v0  }
0x1cd: {  	v0 =	vld [tilespmem:s23+$0xE0]  }
0x1ce: {  	[tilespmem:s23+$0xC000] =	vst.add.f32.msk $0xffff, v1  }
0x1cf: {  	[tilespmem:s23+$0xC010] =	vst.add.f32.msk $0xffff, v2  }
0x1d0: {  	[tilespmem:s23+$0xC020] =	vst.add.f32.msk $0xffff, v3  }
0x1d1: {  	[tilespmem:s23+$0xC030] =	vst.add.f32.msk $0xffff, v4  }
0x1d2: {  	[tilespmem:s23+$0xC040] =	vst.add.f32.msk $0xffff, v5  }
0x1d3: {  	s25 =	simm.s32 $0x0;
	s26 =	simm.s32 $0x400;
	[tilespmem:s23+$0xC050] =	vst.add.f32.msk $0xffff, v6  }
.LBB2_48:
0x1d4: {  	s25 =	sadd.s32 $0x80, s25;
	[tilespmem:s23+$0xC060] =	vst.add.f32.msk $0xffff, v0;
	s23 =	sshra.s32 s26, $0x2  }
0x1d5: {  	v0 =	vld [tilespmem:s23+$0xF0];
	p0 =	slt.u32 s25, $0x5F80  }
0x1d6: {  	v1 =	vld [tilespmem:s23+$0x80]  }
0x1d7: {  	v2 =	vld [tilespmem:s23+$0x90]  }
0x1d8: {  	v3 =	vld [tilespmem:s23+$0xA0]  }
0x1d9: {  	v4 =	vld [tilespmem:s23+$0xB0]  }
0x1da: {  	[tilespmem:s23+$0xC070] =	vst.add.f32.msk $0xffff, v0  }
0x1db: {  	v5 =	vld [tilespmem:s23+$0xC0]  }
0x1dc: {  	v6 =	vld [tilespmem:s23+$0xD0]  }
0x1dd: {  	v0 =	vld [tilespmem:s23+$0xE0]  }
0x1de: {  	[tilespmem:s23+$0xC000] =	vst.add.f32.msk $0xffff, v1  }
.Ltmp23:
0x1df: {  	[tilespmem:s23+$0xC010] =	vst.add.f32.msk $0xffff, v2;
	(pc) =	sbr.rel @p0 .LBB2_48-.Ltmp23, $4  }
0x1e0: {  	[tilespmem:s23+$0xC020] =	vst.add.f32.msk $0xffff, v3  }
0x1e1: {  	[tilespmem:s23+$0xC030] =	vst.add.f32.msk $0xffff, v4  }
0x1e2: {  	[tilespmem:s23+$0xC040] =	vst.add.f32.msk $0xffff, v5  }
0x1e3: {  	s26 =	sadd.s32 $0x400, s26;
	[tilespmem:s23+$0xC050] =	vst.add.f32.msk $0xffff, v6  }
0x1e4: {  	[tilespmem:s23+$0xC060] =	vst.add.f32.msk $0xffff, v0  }
0x1e5: {  	s25 =	simm.s32 $0xC000;
	s8 =	rddreg [dreg:$0x11]  }
0x1e6: {  	s23 =	simm.s32 $0x10;
	s26 =	simm.s32 $0xC100;
	s29 =	sadd.s32 $0x0, s8  }
.LBB2_50:
0x1e7: {  	[hbm4b:s29+s1] =	stream.linear.scatter [tilespmem:s25], [sflag:$0x3], $0x80, $0x38;
	[tilespmem:$0x18000] =	vst v63  }
0x1e8: {  	s29 =	smov.u32 s23;
	s25 =	smov.u32 s26;
	p0 =	sne.s32 s23, $0xBF0  }
.Ltmp24:
0x1e9: {  	s23 =	sadd.s32 $0x10, s23;
	(pc) =	sbr.rel @p0 .LBB2_50-.Ltmp24, $2  }
0x1ea: {  	_ =	sdelay $0x2  }
0x1eb: {  	s26 =	sadd.s32 $0x100, s26;
	s29 =	sadd.s32 s29, s8  }
0x1ec: {  	[hbm4b:s29+s1] =	stream.linear.scatter [tilespmem:s25], [sflag:$0x3], $0x80, $0x38;
	[tilespmem:$0x18000] =	vst v63  }
0x1ed: {  	s8 =	simm.s32 $0x2  }
0x1ee: {  	_ =	swait.ge [sflag:s8], $0x6000  }
0x1ef: {  	[sflag:s8] =	ssyncset.done $0x0  }
0x1f0: {  	s31 =	simm.s32 $0x3;
	[sflag:s8] =	ssyncadd.s32 $0xFFFFA000  }
0x1f1: {  	_ =	swait.ge [sflag:s31], $0x6000  }
0x1f2: {  	s23 =	simm.s32 $0x0;
	s25 =	simm.s32 $0xC000;
	[sflag:s31] =	ssyncset.done $0x0  }
0x1f3: {  	s26 =	simm.s32 $0x0;
	s8 =	rddreg [dreg:$0x12];
	[sflag:s31] =	ssyncadd.s32 $0xFFFFA000  }
.LBB2_52:
0x1f4: {  	p0 =	sne.s32 s26, $0xBF0  }
.Ltmp25:
0x1f5: {  	_ = 	snop;
	(pc) =	sbr.rel @p0 .LBB2_52-.Ltmp25, $4  }
0x1f6: {  	_ = 	snop  }
0x1f7: {  	s29 =	sadd.s32 s26, s8  }
0x1f8: {  	[tilespmem:s25], [sflag:$0x1] =	stream.linear.gather [hbm4b:s29+s23], $0x80, $0x38;
	[tilespmem:$0x18000] =	vst v63  }
0x1f9: {  	s26 =	sadd.s32 $0x10, s26;
	s25 =	sadd.s32 $0x100, s25  }
0x1fa: {  	s23 =	simm.s32 $0x0  }
0x1fb: {  	v0 =	vld [tilespmem:s23+$0xF0]  }
0x1fc: {  	v1 =	vld [tilespmem:s23+$0x80]  }
0x1fd: {  	v2 =	vld [tilespmem:s23+$0x90]  }
0x1fe: {  	v3 =	vld [tilespmem:s23+$0xA0]  }
0x1ff: {  	v4 =	vld [tilespmem:s23+$0xB0]  }
0x200: {  	v5 =	vld [tilespmem:s23+$0xC0]  }
0x201: {  	v6 =	vld [tilespmem:s23+$0xD0]  }
0x202: {  	[tilespmem:s23+$0xC0F0] =	vst.add.f32.msk $0xffff, v0  }
0x203: {  	v0 =	vld [tilespmem:s23+$0xE0]  }
0x204: {  	[tilespmem:s23+$0xC080] =	vst.add.f32.msk $0xffff, v1  }
0x205: {  	[tilespmem:s23+$0xC090] =	vst.add.f32.msk $0xffff, v2  }
0x206: {  	[tilespmem:s23+$0xC0A0] =	vst.add.f32.msk $0xffff, v3  }
0x207: {  	[tilespmem:s23+$0xC0B0] =	vst.add.f32.msk $0xffff, v4  }
0x208: {  	[tilespmem:s23+$0xC0C0] =	vst.add.f32.msk $0xffff, v5  }
0x209: {  	s25 =	simm.s32 $0x0;
	s26 =	simm.s32 $0x400;
	[tilespmem:s23+$0xC0D0] =	vst.add.f32.msk $0xffff, v6  }
.LBB2_54:
0x20a: {  	s25 =	sadd.s32 $0x80, s25;
	[tilespmem:s23+$0xC0E0] =	vst.add.f32.msk $0xffff, v0;
	s23 =	sshra.s32 s26, $0x2  }
0x20b: {  	v0 =	vld [tilespmem:s23+$0xF0];
	p0 =	slt.u32 s25, $0x5F80  }
0x20c: {  	v1 =	vld [tilespmem:s23+$0x80]  }
0x20d: {  	v2 =	vld [tilespmem:s23+$0x90]  }
0x20e: {  	v3 =	vld [tilespmem:s23+$0xA0]  }
0x20f: {  	v4 =	vld [tilespmem:s23+$0xB0]  }
0x210: {  	[tilespmem:s23+$0xC0F0] =	vst.add.f32.msk $0xffff, v0  }
0x211: {  	v5 =	vld [tilespmem:s23+$0xC0]  }
0x212: {  	v6 =	vld [tilespmem:s23+$0xD0]  }
0x213: {  	v0 =	vld [tilespmem:s23+$0xE0]  }
0x214: {  	[tilespmem:s23+$0xC080] =	vst.add.f32.msk $0xffff, v1  }
.Ltmp26:
0x215: {  	[tilespmem:s23+$0xC090] =	vst.add.f32.msk $0xffff, v2;
	(pc) =	sbr.rel @p0 .LBB2_54-.Ltmp26, $4  }
0x216: {  	[tilespmem:s23+$0xC0A0] =	vst.add.f32.msk $0xffff, v3  }
0x217: {  	[tilespmem:s23+$0xC0B0] =	vst.add.f32.msk $0xffff, v4  }
0x218: {  	[tilespmem:s23+$0xC0C0] =	vst.add.f32.msk $0xffff, v5  }
0x219: {  	s26 =	sadd.s32 $0x400, s26;
	[tilespmem:s23+$0xC0D0] =	vst.add.f32.msk $0xffff, v6  }
0x21a: {  	[tilespmem:s23+$0xC0E0] =	vst.add.f32.msk $0xffff, v0  }
0x21b: {  	s25 =	simm.s32 $0xC080;
	s8 =	rddreg [dreg:$0x13]  }
0x21c: {  	s23 =	simm.s32 $0x10;
	s26 =	simm.s32 $0xC180;
	s29 =	sadd.s32 $0x0, s8  }
.LBB2_56:
0x21d: {  	[hbm4b:s29+s1] =	stream.linear.scatter [tilespmem:s25], [sflag:$0x4], $0x80, $0x38;
	[tilespmem:$0x18000] =	vst v63  }
0x21e: {  	s29 =	smov.u32 s23;
	s25 =	smov.u32 s26;
	p0 =	sne.s32 s23, $0xBF0  }
.Ltmp27:
0x21f: {  	s23 =	sadd.s32 $0x10, s23;
	(pc) =	sbr.rel @p0 .LBB2_56-.Ltmp27, $2  }
0x220: {  	_ =	sdelay $0x2  }
0x221: {  	s26 =	sadd.s32 $0x100, s26;
	s29 =	sadd.s32 s29, s8  }
0x222: {  	[hbm4b:s29+s1] =	stream.linear.scatter [tilespmem:s25], [sflag:$0x4], $0x80, $0x38;
	[tilespmem:$0x18000] =	vst v63  }
0x223: {  	_ =	swait.ge [sflag:s14], $0x6000  }
0x224: {  	[sflag:s14] =	ssyncset.done $0x0  }
0x225: {  	s8 =	simm.s32 $0x5;
	[sflag:s14] =	ssyncadd.s32 $0xFFFFA000  }
0x226: {  	_ =	swait.ge [sflag:s8], $0x6000  }
0x227: {  	[sflag:s8] =	ssyncset.done $0x0  }
0x228: {  	s23 =	simm.s32 $0x80;
	[sflag:s8] =	ssyncadd.s32 $0xFFFFA000;
	s8 =	rddreg [dreg:$0x1b]  }
0x229: {  	s25 =	simm.s32 $0x10;
	s26 =	simm.s32 $0x180;
	s29 =	sadd.s32 $0x0, s8  }
.LBB2_58:
0x22a: {  	[tilespmem:s23], [sflag:$0x6] =	stream.linear.gather [hbm4b:s29+s1], $0x80, $0x38;
	[tilespmem:$0x18000] =	vst v63  }
0x22b: {  	s29 =	smov.u32 s25;
	s23 =	smov.u32 s26;
	p0 =	sne.s32 s25, $0xBF0  }
.Ltmp28:
0x22c: {  	s25 =	sadd.s32 $0x10, s25;
	(pc) =	sbr.rel @p0 .LBB2_58-.Ltmp28, $2  }
0x22d: {  	_ =	sdelay $0x2  }
0x22e: {  	s26 =	sadd.s32 $0x100, s26;
	s29 =	sadd.s32 s29, s8  }
0x22f: {  	[tilespmem:s23], [sflag:$0x6] =	stream.linear.gather [hbm4b:s29+s1], $0x80, $0x38;
	[tilespmem:$0x18000] =	vst v63  }
0x230: {  	s8 =	simm.s32 $0x4  }
0x231: {  	s23 =	simm.s32 $0x0;
	_ =	swait.ge [sflag:s8], $0x6000  }
0x232: {  	s25 =	simm.s32 $0xC080;
	[sflag:s8] =	ssyncset.done $0x0;
	s13 =	rddreg [dreg:$0x15]  }
0x233: {  	s26 =	simm.s32 $0x0;
	[sflag:s8] =	ssyncadd.s32 $0xFFFFA000;
	s8 =	rddreg [dreg:$0x14]  }
.LBB2_60:
0x234: {  	p0 =	sne.s32 s26, $0xBF0  }
.Ltmp29:
0x235: {  	_ = 	snop;
	(pc) =	sbr.rel @p0 .LBB2_60-.Ltmp29, $4  }
0x236: {  	_ = 	snop  }
0x237: {  	s29 =	sadd.s32 s26, s13  }
0x238: {  	[tilespmem:s25], [sflag:$0x2] =	stream.linear.gather [hbm4b:s29+s23], $0x80, $0x38;
	[tilespmem:$0x18000] =	vst v63  }
0x239: {  	s26 =	sadd.s32 $0x10, s26;
	s25 =	sadd.s32 $0x100, s25  }
0x23a: {  	s23 =	simm.s32 $0x0  }
0x23b: {  	v0 =	vld [tilespmem:s23+$0x70]  }
0x23c: {  	v1 =	vld [tilespmem:s23+$0x0]  }
0x23d: {  	v2 =	vld [tilespmem:s23+$0x10]  }
0x23e: {  	v3 =	vld [tilespmem:s23+$0x20]  }
0x23f: {  	v4 =	vld [tilespmem:s23+$0x30]  }
0x240: {  	v5 =	vld [tilespmem:s23+$0x40]  }
0x241: {  	v6 =	vld [tilespmem:s23+$0x50]  }
0x242: {  	[tilespmem:s23+$0xC070] =	vst.add.f32.msk $0xffff, v0  }
0x243: {  	v0 =	vld [tilespmem:s23+$0x60]  }
0x244: {  	[tilespmem:s23+$0xC000] =	vst.add.f32.msk $0xffff, v1  }
0x245: {  	[tilespmem:s23+$0xC010] =	vst.add.f32.msk $0xffff, v2  }
0x246: {  	[tilespmem:s23+$0xC020] =	vst.add.f32.msk $0xffff, v3  }
0x247: {  	[tilespmem:s23+$0xC030] =	vst.add.f32.msk $0xffff, v4  }
0x248: {  	[tilespmem:s23+$0xC040] =	vst.add.f32.msk $0xffff, v5  }
0x249: {  	s25 =	simm.s32 $0x0;
	s26 =	simm.s32 $0x400;
	[tilespmem:s23+$0xC050] =	vst.add.f32.msk $0xffff, v6  }
.LBB2_62:
0x24a: {  	s25 =	sadd.s32 $0x80, s25;
	[tilespmem:s23+$0xC060] =	vst.add.f32.msk $0xffff, v0;
	s23 =	sshra.s32 s26, $0x2  }
0x24b: {  	v0 =	vld [tilespmem:s23+$0x70];
	p0 =	slt.u32 s25, $0x5F80  }
0x24c: {  	v1 =	vld [tilespmem:s23+$0x0]  }
0x24d: {  	v2 =	vld [tilespmem:s23+$0x10]  }
0x24e: {  	v3 =	vld [tilespmem:s23+$0x20]  }
0x24f: {  	v4 =	vld [tilespmem:s23+$0x30]  }
0x250: {  	[tilespmem:s23+$0xC070] =	vst.add.f32.msk $0xffff, v0  }
0x251: {  	v5 =	vld [tilespmem:s23+$0x40]  }
0x252: {  	v6 =	vld [tilespmem:s23+$0x50]  }
0x253: {  	v0 =	vld [tilespmem:s23+$0x60]  }
0x254: {  	[tilespmem:s23+$0xC000] =	vst.add.f32.msk $0xffff, v1  }
.Ltmp30:
0x255: {  	[tilespmem:s23+$0xC010] =	vst.add.f32.msk $0xffff, v2;
	(pc) =	sbr.rel @p0 .LBB2_62-.Ltmp30, $4  }
0x256: {  	[tilespmem:s23+$0xC020] =	vst.add.f32.msk $0xffff, v3  }
0x257: {  	[tilespmem:s23+$0xC030] =	vst.add.f32.msk $0xffff, v4  }
0x258: {  	[tilespmem:s23+$0xC040] =	vst.add.f32.msk $0xffff, v5  }
0x259: {  	s26 =	sadd.s32 $0x400, s26;
	[tilespmem:s23+$0xC050] =	vst.add.f32.msk $0xffff, v6  }
0x25a: {  	s25 =	simm.s32 $0xC000;
	[tilespmem:s23+$0xC060] =	vst.add.f32.msk $0xffff, v0;
	s23 =	simm.s32 $0x10  }
0x25b: {  	s29 =	sadd.s32 $0x0, s8;
	s26 =	simm.s32 $0xC100;
	s13 =	rddreg [dreg:$0x16]  }
.LBB2_64:
0x25c: {  	[hbm4b:s29+s1] =	stream.linear.scatter [tilespmem:s25], [sflag:$0x3], $0x80, $0x38;
	[tilespmem:$0x18000] =	vst v63  }
0x25d: {  	s29 =	smov.u32 s23;
	s25 =	smov.u32 s26;
	p0 =	sne.s32 s23, $0xBF0  }
.Ltmp31:
0x25e: {  	s23 =	sadd.s32 $0x10, s23;
	(pc) =	sbr.rel @p0 .LBB2_64-.Ltmp31, $2  }
0x25f: {  	_ =	sdelay $0x2  }
0x260: {  	s26 =	sadd.s32 $0x100, s26;
	s29 =	sadd.s32 s29, s8  }
0x261: {  	[hbm4b:s29+s1] =	stream.linear.scatter [tilespmem:s25], [sflag:$0x3], $0x80, $0x38;
	[tilespmem:$0x18000] =	vst v63  }
0x262: {  	s17 =	simm.s32 $0x2  }
0x263: {  	_ =	swait.ge [sflag:s17], $0x6000  }
0x264: {  	[sflag:s17] =	ssyncset.done $0x0  }
0x265: {  	s31 =	simm.s32 $0x3;
	[sflag:s17] =	ssyncadd.s32 $0xFFFFA000  }
0x266: {  	_ =	swait.ge [sflag:s31], $0x6000  }
0x267: {  	s23 =	simm.s32 $0x0;
	s25 =	simm.s32 $0xC000;
	[sflag:s31] =	ssyncset.done $0x0  }
0x268: {  	s26 =	simm.s32 $0x0;
	s17 =	rddreg [dreg:$0x17];
	[sflag:s31] =	ssyncadd.s32 $0xFFFFA000  }
.LBB2_66:
0x269: {  	p0 =	sne.s32 s26, $0xBF0  }
.Ltmp32:
0x26a: {  	_ = 	snop;
	(pc) =	sbr.rel @p0 .LBB2_66-.Ltmp32, $4  }
0x26b: {  	_ = 	snop  }
0x26c: {  	s29 =	sadd.s32 s26, s17  }
0x26d: {  	[tilespmem:s25], [sflag:$0x1] =	stream.linear.gather [hbm4b:s29+s23], $0x80, $0x38;
	[tilespmem:$0x18000] =	vst v63  }
0x26e: {  	s26 =	sadd.s32 $0x10, s26;
	s25 =	sadd.s32 $0x100, s25  }
0x26f: {  	s23 =	simm.s32 $0x0  }
0x270: {  	v0 =	vld [tilespmem:s23+$0x70]  }
0x271: {  	v1 =	vld [tilespmem:s23+$0x0]  }
0x272: {  	v2 =	vld [tilespmem:s23+$0x10]  }
0x273: {  	v3 =	vld [tilespmem:s23+$0x20]  }
0x274: {  	v4 =	vld [tilespmem:s23+$0x30]  }
0x275: {  	v5 =	vld [tilespmem:s23+$0x40]  }
0x276: {  	v6 =	vld [tilespmem:s23+$0x50]  }
0x277: {  	[tilespmem:s23+$0xC0F0] =	vst.add.f32.msk $0xffff, v0  }
0x278: {  	v0 =	vld [tilespmem:s23+$0x60]  }
0x279: {  	[tilespmem:s23+$0xC080] =	vst.add.f32.msk $0xffff, v1  }
0x27a: {  	[tilespmem:s23+$0xC090] =	vst.add.f32.msk $0xffff, v2  }
0x27b: {  	[tilespmem:s23+$0xC0A0] =	vst.add.f32.msk $0xffff, v3  }
0x27c: {  	[tilespmem:s23+$0xC0B0] =	vst.add.f32.msk $0xffff, v4  }
0x27d: {  	[tilespmem:s23+$0xC0C0] =	vst.add.f32.msk $0xffff, v5  }
0x27e: {  	s25 =	simm.s32 $0x0;
	s26 =	simm.s32 $0x400;
	[tilespmem:s23+$0xC0D0] =	vst.add.f32.msk $0xffff, v6  }
.LBB2_68:
0x27f: {  	s25 =	sadd.s32 $0x80, s25;
	[tilespmem:s23+$0xC0E0] =	vst.add.f32.msk $0xffff, v0;
	s23 =	sshra.s32 s26, $0x2  }
0x280: {  	v0 =	vld [tilespmem:s23+$0x70];
	p0 =	slt.u32 s25, $0x5F80  }
0x281: {  	v1 =	vld [tilespmem:s23+$0x0]  }
0x282: {  	v2 =	vld [tilespmem:s23+$0x10]  }
0x283: {  	v3 =	vld [tilespmem:s23+$0x20]  }
0x284: {  	v4 =	vld [tilespmem:s23+$0x30]  }
0x285: {  	[tilespmem:s23+$0xC0F0] =	vst.add.f32.msk $0xffff, v0  }
0x286: {  	v5 =	vld [tilespmem:s23+$0x40]  }
0x287: {  	v6 =	vld [tilespmem:s23+$0x50]  }
0x288: {  	v0 =	vld [tilespmem:s23+$0x60]  }
0x289: {  	[tilespmem:s23+$0xC080] =	vst.add.f32.msk $0xffff, v1  }
.Ltmp33:
0x28a: {  	[tilespmem:s23+$0xC090] =	vst.add.f32.msk $0xffff, v2;
	(pc) =	sbr.rel @p0 .LBB2_68-.Ltmp33, $4  }
0x28b: {  	[tilespmem:s23+$0xC0A0] =	vst.add.f32.msk $0xffff, v3  }
0x28c: {  	[tilespmem:s23+$0xC0B0] =	vst.add.f32.msk $0xffff, v4  }
0x28d: {  	[tilespmem:s23+$0xC0C0] =	vst.add.f32.msk $0xffff, v5  }
0x28e: {  	s26 =	sadd.s32 $0x400, s26;
	[tilespmem:s23+$0xC0D0] =	vst.add.f32.msk $0xffff, v6  }
0x28f: {  	s25 =	simm.s32 $0xC080;
	[tilespmem:s23+$0xC0E0] =	vst.add.f32.msk $0xffff, v0;
	s23 =	simm.s32 $0x10  }
0x290: {  	s29 =	sadd.s32 $0x0, s13;
	s26 =	simm.s32 $0xC180;
	s17 =	rddreg [dreg:$0x18]  }
.LBB2_70:
0x291: {  	[hbm4b:s29+s1] =	stream.linear.scatter [tilespmem:s25], [sflag:$0x4], $0x80, $0x38;
	[tilespmem:$0x18000] =	vst v63  }
0x292: {  	s29 =	smov.u32 s23;
	s25 =	smov.u32 s26;
	p0 =	sne.s32 s23, $0xBF0  }
.Ltmp34:
0x293: {  	s23 =	sadd.s32 $0x10, s23;
	(pc) =	sbr.rel @p0 .LBB2_70-.Ltmp34, $2  }
0x294: {  	_ =	sdelay $0x2  }
0x295: {  	s26 =	sadd.s32 $0x100, s26;
	s29 =	sadd.s32 s29, s13  }
0x296: {  	[hbm4b:s29+s1] =	stream.linear.scatter [tilespmem:s25], [sflag:$0x4], $0x80, $0x38;
	[tilespmem:$0x18000] =	vst v63  }
0x297: {  	_ =	swait.ge [sflag:s14], $0x6000  }
0x298: {  	[sflag:s14] =	ssyncset.done $0x0  }
0x299: {  	s22 =	simm.s32 $0x4;
	[sflag:s14] =	ssyncadd.s32 $0xFFFFA000  }
0x29a: {  	_ =	swait.ge [sflag:s22], $0x6000  }
0x29b: {  	s23 =	simm.s32 $0x0;
	s25 =	simm.s32 $0xC080;
	[sflag:s22] =	ssyncset.done $0x0  }
0x29c: {  	s26 =	simm.s32 $0x0;
	[sflag:s22] =	ssyncadd.s32 $0xFFFFA000;
	s22 =	rddreg [dreg:$0x19]  }
.LBB2_72:
0x29d: {  	p0 =	sne.s32 s26, $0xBF0  }
.Ltmp35:
0x29e: {  	_ = 	snop;
	(pc) =	sbr.rel @p0 .LBB2_72-.Ltmp35, $4  }
0x29f: {  	_ = 	snop  }
0x2a0: {  	s29 =	sadd.s32 s26, s22  }
0x2a1: {  	[tilespmem:s25], [sflag:$0x2] =	stream.linear.gather [hbm4b:s29+s23], $0x80, $0x38;
	[tilespmem:$0x18000] =	vst v63  }
0x2a2: {  	s26 =	sadd.s32 $0x10, s26;
	s25 =	sadd.s32 $0x100, s25  }
0x2a3: {  	s23 =	simm.s32 $0x0  }
0x2a4: {  	v0 =	vld [tilespmem:s23+$0x70]  }
0x2a5: {  	v1 =	vld [tilespmem:s23+$0x0]  }
0x2a6: {  	v2 =	vld [tilespmem:s23+$0x10]  }
0x2a7: {  	v3 =	vld [tilespmem:s23+$0x20]  }
0x2a8: {  	v4 =	vld [tilespmem:s23+$0x30]  }
0x2a9: {  	v5 =	vld [tilespmem:s23+$0x40]  }
0x2aa: {  	v6 =	vld [tilespmem:s23+$0x50]  }
0x2ab: {  	[tilespmem:s23+$0xC070] =	vst.add.f32.msk $0xffff, v0  }
0x2ac: {  	v0 =	vld [tilespmem:s23+$0x60]  }
0x2ad: {  	[tilespmem:s23+$0xC000] =	vst.add.f32.msk $0xffff, v1  }
0x2ae: {  	[tilespmem:s23+$0xC010] =	vst.add.f32.msk $0xffff, v2  }
0x2af: {  	[tilespmem:s23+$0xC020] =	vst.add.f32.msk $0xffff, v3  }
0x2b0: {  	[tilespmem:s23+$0xC030] =	vst.add.f32.msk $0xffff, v4  }
0x2b1: {  	[tilespmem:s23+$0xC040] =	vst.add.f32.msk $0xffff, v5  }
0x2b2: {  	s25 =	simm.s32 $0x0;
	s26 =	simm.s32 $0x400;
	[tilespmem:s23+$0xC050] =	vst.add.f32.msk $0xffff, v6  }
.LBB2_74:
0x2b3: {  	s25 =	sadd.s32 $0x80, s25;
	[tilespmem:s23+$0xC060] =	vst.add.f32.msk $0xffff, v0;
	s23 =	sshra.s32 s26, $0x2  }
0x2b4: {  	v0 =	vld [tilespmem:s23+$0x70];
	p0 =	slt.u32 s25, $0x5F80  }
0x2b5: {  	v1 =	vld [tilespmem:s23+$0x0]  }
0x2b6: {  	v2 =	vld [tilespmem:s23+$0x10]  }
0x2b7: {  	v3 =	vld [tilespmem:s23+$0x20]  }
0x2b8: {  	v4 =	vld [tilespmem:s23+$0x30]  }
0x2b9: {  	[tilespmem:s23+$0xC070] =	vst.add.f32.msk $0xffff, v0  }
0x2ba: {  	v5 =	vld [tilespmem:s23+$0x40]  }
0x2bb: {  	v6 =	vld [tilespmem:s23+$0x50]  }
0x2bc: {  	v0 =	vld [tilespmem:s23+$0x60]  }
0x2bd: {  	[tilespmem:s23+$0xC000] =	vst.add.f32.msk $0xffff, v1  }
.Ltmp36:
0x2be: {  	[tilespmem:s23+$0xC010] =	vst.add.f32.msk $0xffff, v2;
	(pc) =	sbr.rel @p0 .LBB2_74-.Ltmp36, $4  }
0x2bf: {  	[tilespmem:s23+$0xC020] =	vst.add.f32.msk $0xffff, v3  }
0x2c0: {  	[tilespmem:s23+$0xC030] =	vst.add.f32.msk $0xffff, v4  }
0x2c1: {  	[tilespmem:s23+$0xC040] =	vst.add.f32.msk $0xffff, v5  }
0x2c2: {  	s26 =	sadd.s32 $0x400, s26;
	[tilespmem:s23+$0xC050] =	vst.add.f32.msk $0xffff, v6  }
0x2c3: {  	s25 =	simm.s32 $0xC000;
	[tilespmem:s23+$0xC060] =	vst.add.f32.msk $0xffff, v0;
	s23 =	simm.s32 $0x10  }
0x2c4: {  	s29 =	sadd.s32 $0x0, s17;
	s26 =	simm.s32 $0xC100;
	s22 =	rddreg [dreg:$0x1a]  }
.LBB2_76:
0x2c5: {  	[hbm4b:s29+s1] =	stream.linear.scatter [tilespmem:s25], [sflag:$0x3], $0x80, $0x38;
	[tilespmem:$0x18000] =	vst v63  }
0x2c6: {  	s29 =	smov.u32 s23;
	s25 =	smov.u32 s26;
	p0 =	sne.s32 s23, $0xBF0  }
.Ltmp37:
0x2c7: {  	s23 =	sadd.s32 $0x10, s23;
	(pc) =	sbr.rel @p0 .LBB2_76-.Ltmp37, $2  }
0x2c8: {  	_ =	sdelay $0x2  }
0x2c9: {  	s26 =	sadd.s32 $0x100, s26;
	s29 =	sadd.s32 s29, s17  }
0x2ca: {  	[hbm4b:s29+s1] =	stream.linear.scatter [tilespmem:s25], [sflag:$0x3], $0x80, $0x38;
	[tilespmem:$0x18000] =	vst v63  }
0x2cb: {  	s23 =	simm.s32 $0x2  }
0x2cc: {  	_ =	swait.ge [sflag:s23], $0x6000  }
0x2cd: {  	[sflag:s23] =	ssyncset.done $0x0  }
0x2ce: {  	s31 =	simm.s32 $0x3;
	[sflag:s23] =	ssyncadd.s32 $0xFFFFA000  }
0x2cf: {  	_ =	swait.ge [sflag:s31], $0x6000  }
0x2d0: {  	s25 =	simm.s32 $0xC000;
	s26 =	simm.s32 $0x0;
	[sflag:s31] =	ssyncset.done $0x0  }
0x2d1: {  	s23 =	simm.s32 $0x0;
	s28 =	rddreg [dreg:$0x1c];
	[sflag:s31] =	ssyncadd.s32 $0xFFFFA000  }
.LBB2_78:
0x2d2: {  	p0 =	sne.s32 s26, $0xBF0  }
.Ltmp38:
0x2d3: {  	_ = 	snop;
	(pc) =	sbr.rel @p0 .LBB2_78-.Ltmp38, $4  }
0x2d4: {  	_ = 	snop  }
0x2d5: {  	s29 =	sadd.s32 s26, s28  }
0x2d6: {  	[tilespmem:s25], [sflag:$0x1] =	stream.linear.gather [hbm4b:s29+s23], $0x80, $0x38;
	[tilespmem:$0x18000] =	vst v63  }
0x2d7: {  	s26 =	sadd.s32 $0x10, s26;
	s25 =	sadd.s32 $0x100, s25  }
0x2d8: {  	s23 =	simm.s32 $0x0  }
0x2d9: {  	v0 =	vld [tilespmem:s23+$0x70]  }
0x2da: {  	v1 =	vld [tilespmem:s23+$0x0]  }
0x2db: {  	v2 =	vld [tilespmem:s23+$0x10]  }
0x2dc: {  	v3 =	vld [tilespmem:s23+$0x20]  }
0x2dd: {  	v4 =	vld [tilespmem:s23+$0x30]  }
0x2de: {  	v5 =	vld [tilespmem:s23+$0x40]  }
0x2df: {  	v6 =	vld [tilespmem:s23+$0x50]  }
0x2e0: {  	[tilespmem:s23+$0xC0F0] =	vst.add.f32.msk $0xffff, v0  }
0x2e1: {  	v0 =	vld [tilespmem:s23+$0x60]  }
0x2e2: {  	[tilespmem:s23+$0xC080] =	vst.add.f32.msk $0xffff, v1  }
0x2e3: {  	[tilespmem:s23+$0xC090] =	vst.add.f32.msk $0xffff, v2  }
0x2e4: {  	[tilespmem:s23+$0xC0A0] =	vst.add.f32.msk $0xffff, v3  }
0x2e5: {  	[tilespmem:s23+$0xC0B0] =	vst.add.f32.msk $0xffff, v4  }
0x2e6: {  	[tilespmem:s23+$0xC0C0] =	vst.add.f32.msk $0xffff, v5  }
0x2e7: {  	s25 =	simm.s32 $0x0;
	s26 =	simm.s32 $0x400;
	[tilespmem:s23+$0xC0D0] =	vst.add.f32.msk $0xffff, v6  }
.LBB2_80:
0x2e8: {  	s25 =	sadd.s32 $0x80, s25;
	[tilespmem:s23+$0xC0E0] =	vst.add.f32.msk $0xffff, v0;
	s23 =	sshra.s32 s26, $0x2  }
0x2e9: {  	v0 =	vld [tilespmem:s23+$0x70];
	p0 =	slt.u32 s25, $0x5F80  }
0x2ea: {  	v1 =	vld [tilespmem:s23+$0x0]  }
0x2eb: {  	v2 =	vld [tilespmem:s23+$0x10]  }
0x2ec: {  	v3 =	vld [tilespmem:s23+$0x20]  }
0x2ed: {  	v4 =	vld [tilespmem:s23+$0x30]  }
0x2ee: {  	[tilespmem:s23+$0xC0F0] =	vst.add.f32.msk $0xffff, v0  }
0x2ef: {  	v5 =	vld [tilespmem:s23+$0x40]  }
0x2f0: {  	v6 =	vld [tilespmem:s23+$0x50]  }
0x2f1: {  	v0 =	vld [tilespmem:s23+$0x60]  }
0x2f2: {  	[tilespmem:s23+$0xC080] =	vst.add.f32.msk $0xffff, v1  }
.Ltmp39:
0x2f3: {  	[tilespmem:s23+$0xC090] =	vst.add.f32.msk $0xffff, v2;
	(pc) =	sbr.rel @p0 .LBB2_80-.Ltmp39, $4  }
0x2f4: {  	[tilespmem:s23+$0xC0A0] =	vst.add.f32.msk $0xffff, v3  }
0x2f5: {  	[tilespmem:s23+$0xC0B0] =	vst.add.f32.msk $0xffff, v4  }
0x2f6: {  	[tilespmem:s23+$0xC0C0] =	vst.add.f32.msk $0xffff, v5  }
0x2f7: {  	s26 =	sadd.s32 $0x400, s26;
	[tilespmem:s23+$0xC0D0] =	vst.add.f32.msk $0xffff, v6  }
0x2f8: {  	s25 =	simm.s32 $0xC080;
	[tilespmem:s23+$0xC0E0] =	vst.add.f32.msk $0xffff, v0;
	s23 =	simm.s32 $0x10  }
0x2f9: {  	s29 =	sadd.s32 $0x0, s22;
	s26 =	simm.s32 $0xC180;
	s28 =	rddreg [dreg:$0x1d]  }
.LBB2_82:
0x2fa: {  	[hbm4b:s29+s1] =	stream.linear.scatter [tilespmem:s25], [sflag:$0x4], $0x80, $0x38;
	[tilespmem:$0x18000] =	vst v63  }
0x2fb: {  	s29 =	smov.u32 s23;
	s25 =	smov.u32 s26;
	p0 =	sne.s32 s23, $0xBF0  }
.Ltmp40:
0x2fc: {  	s23 =	sadd.s32 $0x10, s23;
	(pc) =	sbr.rel @p0 .LBB2_82-.Ltmp40, $2  }
0x2fd: {  	_ =	sdelay $0x2  }
0x2fe: {  	s26 =	sadd.s32 $0x100, s26;
	s29 =	sadd.s32 s29, s22  }
0x2ff: {  	[hbm4b:s29+s1] =	stream.linear.scatter [tilespmem:s25], [sflag:$0x4], $0x80, $0x38;
	[tilespmem:$0x18000] =	vst v63  }
0x300: {  	_ =	swait.ge [sflag:s14], $0x6000  }
0x301: {  	[sflag:s14] =	ssyncset.done $0x0  }
0x302: {  	s23 =	simm.s32 $0x6;
	[sflag:s14] =	ssyncadd.s32 $0xFFFFA000  }
0x303: {  	_ =	swait.ge [sflag:s23], $0x6000  }
0x304: {  	s30 =	sld [smem:$0x7D7];
	_ =	sdelay $0x1  }
0x305: {  	s25 =	simm.s32 $0x10;
	s26 =	simm.s32 $0x100;
	[sflag:s23] =	ssyncset.done $0x0  }
0x306: {  	[sflag:s23] =	ssyncadd.s32 $0xFFFFA000;
	s23 =	simm.s32 $0x0;
	s29 =	sadd.s32 $0x0, s30  }
.LBB2_84:
0x307: {  	[tilespmem:s23], [sflag:$0x5] =	stream.linear.gather [hbm4b:s29+s1], $0x80, $0x38;
	[tilespmem:$0x18000] =	vst v63  }
0x308: {  	s29 =	smov.u32 s25;
	s23 =	smov.u32 s26;
	p0 =	sne.s32 s25, $0xBF0  }
.Ltmp41:
0x309: {  	s25 =	sadd.s32 $0x10, s25;
	(pc) =	sbr.rel @p0 .LBB2_84-.Ltmp41, $2  }
0x30a: {  	_ =	sdelay $0x2  }
0x30b: {  	s26 =	sadd.s32 $0x100, s26;
	s29 =	sadd.s32 s29, s30  }
0x30c: {  	[tilespmem:s23], [sflag:$0x5] =	stream.linear.gather [hbm4b:s29+s1], $0x80, $0x38;
	[tilespmem:$0x18000] =	vst v63  }
0x30d: {  	s31 =	simm.s32 $0x4  }
0x30e: {  	_ =	swait.ge [sflag:s31], $0x6000  }
0x30f: {  	s23 =	simm.s32 $0x0;
	s25 =	simm.s32 $0xC080;
	[sflag:s31] =	ssyncset.done $0x0  }
0x310: {  	s26 =	simm.s32 $0x0;
	s30 =	rddreg [dreg:$0x1e];
	[sflag:s31] =	ssyncadd.s32 $0xFFFFA000  }
.LBB2_86:
0x311: {  	p0 =	sne.s32 s26, $0xBF0  }
.Ltmp42:
0x312: {  	_ = 	snop;
	(pc) =	sbr.rel @p0 .LBB2_86-.Ltmp42, $4  }
0x313: {  	_ = 	snop  }
0x314: {  	s29 =	sadd.s32 s26, s30  }
0x315: {  	[tilespmem:s25], [sflag:$0x2] =	stream.linear.gather [hbm4b:s29+s23], $0x80, $0x38;
	[tilespmem:$0x18000] =	vst v63  }
0x316: {  	s26 =	sadd.s32 $0x10, s26;
	s25 =	sadd.s32 $0x100, s25  }
0x317: {  	s23 =	simm.s32 $0x0  }
0x318: {  	v0 =	vld [tilespmem:s23+$0xF0]  }
0x319: {  	v1 =	vld [tilespmem:s23+$0x80]  }
0x31a: {  	v2 =	vld [tilespmem:s23+$0x90]  }
0x31b: {  	v3 =	vld [tilespmem:s23+$0xA0]  }
0x31c: {  	v4 =	vld [tilespmem:s23+$0xB0]  }
0x31d: {  	v5 =	vld [tilespmem:s23+$0xC0]  }
0x31e: {  	v6 =	vld [tilespmem:s23+$0xD0]  }
0x31f: {  	[tilespmem:s23+$0xC070] =	vst.add.f32.msk $0xffff, v0  }
0x320: {  	v0 =	vld [tilespmem:s23+$0xE0]  }
0x321: {  	[tilespmem:s23+$0xC000] =	vst.add.f32.msk $0xffff, v1  }
0x322: {  	[tilespmem:s23+$0xC010] =	vst.add.f32.msk $0xffff, v2  }
0x323: {  	[tilespmem:s23+$0xC020] =	vst.add.f32.msk $0xffff, v3  }
0x324: {  	[tilespmem:s23+$0xC030] =	vst.add.f32.msk $0xffff, v4  }
0x325: {  	[tilespmem:s23+$0xC040] =	vst.add.f32.msk $0xffff, v5  }
0x326: {  	s25 =	simm.s32 $0x0;
	s26 =	simm.s32 $0x400;
	[tilespmem:s23+$0xC050] =	vst.add.f32.msk $0xffff, v6  }
.LBB2_88:
0x327: {  	s25 =	sadd.s32 $0x80, s25;
	[tilespmem:s23+$0xC060] =	vst.add.f32.msk $0xffff, v0;
	s23 =	sshra.s32 s26, $0x2  }
0x328: {  	v0 =	vld [tilespmem:s23+$0xF0];
	p0 =	slt.u32 s25, $0x5F80  }
0x329: {  	v1 =	vld [tilespmem:s23+$0x80]  }
0x32a: {  	v2 =	vld [tilespmem:s23+$0x90]  }
0x32b: {  	v3 =	vld [tilespmem:s23+$0xA0]  }
0x32c: {  	v4 =	vld [tilespmem:s23+$0xB0]  }
0x32d: {  	[tilespmem:s23+$0xC070] =	vst.add.f32.msk $0xffff, v0  }
0x32e: {  	v5 =	vld [tilespmem:s23+$0xC0]  }
0x32f: {  	v6 =	vld [tilespmem:s23+$0xD0]  }
0x330: {  	v0 =	vld [tilespmem:s23+$0xE0]  }
0x331: {  	[tilespmem:s23+$0xC000] =	vst.add.f32.msk $0xffff, v1  }
.Ltmp43:
0x332: {  	[tilespmem:s23+$0xC010] =	vst.add.f32.msk $0xffff, v2;
	(pc) =	sbr.rel @p0 .LBB2_88-.Ltmp43, $4  }
0x333: {  	[tilespmem:s23+$0xC020] =	vst.add.f32.msk $0xffff, v3  }
0x334: {  	[tilespmem:s23+$0xC030] =	vst.add.f32.msk $0xffff, v4  }
0x335: {  	[tilespmem:s23+$0xC040] =	vst.add.f32.msk $0xffff, v5  }
0x336: {  	s26 =	sadd.s32 $0x400, s26;
	[tilespmem:s23+$0xC050] =	vst.add.f32.msk $0xffff, v6  }
0x337: {  	s25 =	simm.s32 $0xC000;
	[tilespmem:s23+$0xC060] =	vst.add.f32.msk $0xffff, v0;
	s23 =	simm.s32 $0x10  }
0x338: {  	s29 =	sadd.s32 $0x0, s28;
	s26 =	simm.s32 $0xC100;
	s30 =	rddreg [dreg:$0x1f]  }
.LBB2_90:
0x339: {  	[hbm4b:s29+s1] =	stream.linear.scatter [tilespmem:s25], [sflag:$0x3], $0x80, $0x38;
	[tilespmem:$0x18000] =	vst v63  }
0x33a: {  	s29 =	smov.u32 s23;
	s25 =	smov.u32 s26;
	p0 =	sne.s32 s23, $0xBF0  }
.Ltmp44:
0x33b: {  	s23 =	sadd.s32 $0x10, s23;
	(pc) =	sbr.rel @p0 .LBB2_90-.Ltmp44, $2  }
0x33c: {  	_ =	sdelay $0x2  }
0x33d: {  	s26 =	sadd.s32 $0x100, s26;
	s29 =	sadd.s32 s29, s28  }
0x33e: {  	[hbm4b:s29+s1] =	stream.linear.scatter [tilespmem:s25], [sflag:$0x3], $0x80, $0x38;
	[tilespmem:$0x18000] =	vst v63  }
0x33f: {  	s4 =	simm.s32 $0x2  }
0x340: {  	_ =	swait.ge [sflag:s4], $0x6000  }
0x341: {  	[sflag:s4] =	ssyncset.done $0x0  }
0x342: {  	s31 =	simm.s32 $0x3;
	[sflag:s4] =	ssyncadd.s32 $0xFFFFA000  }
0x343: {  	_ =	swait.ge [sflag:s31], $0x6000  }
0x344: {  	s23 =	simm.s32 $0x0;
	s25 =	simm.s32 $0xC000;
	[sflag:s31] =	ssyncset.done $0x0  }
0x345: {  	s26 =	simm.s32 $0x0;
	s4 =	sld [smem:$0x7D5];
	[sflag:s31] =	ssyncadd.s32 $0xFFFFA000  }
.LBB2_92:
0x346: {  	p0 =	sne.s32 s26, $0xBF0  }
.Ltmp45:
0x347: {  	_ = 	snop;
	(pc) =	sbr.rel @p0 .LBB2_92-.Ltmp45, $4  }
0x348: {  	_ = 	snop  }
0x349: {  	s29 =	sadd.s32 s26, s4  }
0x34a: {  	[tilespmem:s25], [sflag:$0x1] =	stream.linear.gather [hbm4b:s29+s23], $0x80, $0x38;
	[tilespmem:$0x18000] =	vst v63  }
0x34b: {  	s26 =	sadd.s32 $0x10, s26;
	s25 =	sadd.s32 $0x100, s25  }
0x34c: {  	s23 =	simm.s32 $0x0  }
0x34d: {  	v0 =	vld [tilespmem:s23+$0xF0]  }
0x34e: {  	v1 =	vld [tilespmem:s23+$0x80]  }
0x34f: {  	v2 =	vld [tilespmem:s23+$0x90]  }
0x350: {  	v3 =	vld [tilespmem:s23+$0xA0]  }
0x351: {  	v4 =	vld [tilespmem:s23+$0xB0]  }
0x352: {  	v5 =	vld [tilespmem:s23+$0xC0]  }
0x353: {  	v6 =	vld [tilespmem:s23+$0xD0]  }
0x354: {  	[tilespmem:s23+$0xC0F0] =	vst.add.f32.msk $0xffff, v0  }
0x355: {  	v0 =	vld [tilespmem:s23+$0xE0]  }
0x356: {  	[tilespmem:s23+$0xC080] =	vst.add.f32.msk $0xffff, v1  }
0x357: {  	[tilespmem:s23+$0xC090] =	vst.add.f32.msk $0xffff, v2  }
0x358: {  	[tilespmem:s23+$0xC0A0] =	vst.add.f32.msk $0xffff, v3  }
0x359: {  	[tilespmem:s23+$0xC0B0] =	vst.add.f32.msk $0xffff, v4  }
0x35a: {  	[tilespmem:s23+$0xC0C0] =	vst.add.f32.msk $0xffff, v5  }
0x35b: {  	s25 =	simm.s32 $0x0;
	s26 =	simm.s32 $0x400;
	[tilespmem:s23+$0xC0D0] =	vst.add.f32.msk $0xffff, v6  }
.LBB2_94:
0x35c: {  	s25 =	sadd.s32 $0x80, s25;
	[tilespmem:s23+$0xC0E0] =	vst.add.f32.msk $0xffff, v0;
	s23 =	sshra.s32 s26, $0x2  }
0x35d: {  	v0 =	vld [tilespmem:s23+$0xF0];
	p0 =	slt.u32 s25, $0x5F80  }
0x35e: {  	v1 =	vld [tilespmem:s23+$0x80]  }
0x35f: {  	v2 =	vld [tilespmem:s23+$0x90]  }
0x360: {  	v3 =	vld [tilespmem:s23+$0xA0]  }
0x361: {  	v4 =	vld [tilespmem:s23+$0xB0]  }
0x362: {  	[tilespmem:s23+$0xC0F0] =	vst.add.f32.msk $0xffff, v0  }
0x363: {  	v5 =	vld [tilespmem:s23+$0xC0]  }
0x364: {  	v6 =	vld [tilespmem:s23+$0xD0]  }
0x365: {  	v0 =	vld [tilespmem:s23+$0xE0]  }
0x366: {  	[tilespmem:s23+$0xC080] =	vst.add.f32.msk $0xffff, v1  }
.Ltmp46:
0x367: {  	[tilespmem:s23+$0xC090] =	vst.add.f32.msk $0xffff, v2;
	(pc) =	sbr.rel @p0 .LBB2_94-.Ltmp46, $4  }
0x368: {  	[tilespmem:s23+$0xC0A0] =	vst.add.f32.msk $0xffff, v3  }
0x369: {  	[tilespmem:s23+$0xC0B0] =	vst.add.f32.msk $0xffff, v4  }
0x36a: {  	[tilespmem:s23+$0xC0C0] =	vst.add.f32.msk $0xffff, v5  }
0x36b: {  	s26 =	sadd.s32 $0x400, s26;
	[tilespmem:s23+$0xC0D0] =	vst.add.f32.msk $0xffff, v6  }
0x36c: {  	s25 =	simm.s32 $0xC080;
	[tilespmem:s23+$0xC0E0] =	vst.add.f32.msk $0xffff, v0;
	s23 =	simm.s32 $0x10  }
0x36d: {  	s29 =	sadd.s32 $0x0, s30;
	s26 =	simm.s32 $0xC180;
	s4 =	sld [smem:$0x7F1]  }
.LBB2_96:
0x36e: {  	[hbm4b:s29+s1] =	stream.linear.scatter [tilespmem:s25], [sflag:$0x4], $0x80, $0x38;
	[tilespmem:$0x18000] =	vst v63  }
0x36f: {  	s29 =	smov.u32 s23;
	s25 =	smov.u32 s26;
	p0 =	sne.s32 s23, $0xBF0  }
.Ltmp47:
0x370: {  	s23 =	sadd.s32 $0x10, s23;
	(pc) =	sbr.rel @p0 .LBB2_96-.Ltmp47, $2  }
0x371: {  	_ =	sdelay $0x2  }
0x372: {  	s26 =	sadd.s32 $0x100, s26;
	s29 =	sadd.s32 s29, s30  }
0x373: {  	[hbm4b:s29+s1] =	stream.linear.scatter [tilespmem:s25], [sflag:$0x4], $0x80, $0x38;
	[tilespmem:$0x18000] =	vst v63  }
0x374: {  	_ =	swait.ge [sflag:s14], $0x6000  }
0x375: {  	[sflag:s14] =	ssyncset.done $0x0  }
0x376: {  	s15 =	simm.s32 $0x4;
	[sflag:s14] =	ssyncadd.s32 $0xFFFFA000  }
0x377: {  	_ =	swait.ge [sflag:s15], $0x6000  }
0x378: {  	s23 =	simm.s32 $0x0;
	s25 =	simm.s32 $0xC080;
	[sflag:s15] =	ssyncset.done $0x0  }
0x379: {  	s26 =	simm.s32 $0x0;
	[sflag:s15] =	ssyncadd.s32 $0xFFFFA000;
	s15 =	sld [smem:$0x7D6]  }
.LBB2_98:
0x37a: {  	p0 =	sne.s32 s26, $0xBF0  }
.Ltmp48:
0x37b: {  	_ = 	snop;
	(pc) =	sbr.rel @p0 .LBB2_98-.Ltmp48, $4  }
0x37c: {  	_ = 	snop  }
0x37d: {  	s29 =	sadd.s32 s26, s15  }
0x37e: {  	[tilespmem:s25], [sflag:$0x2] =	stream.linear.gather [hbm4b:s29+s23], $0x80, $0x38;
	[tilespmem:$0x18000] =	vst v63  }
0x37f: {  	s26 =	sadd.s32 $0x10, s26;
	s25 =	sadd.s32 $0x100, s25  }
0x380: {  	s23 =	simm.s32 $0x0  }
0x381: {  	v0 =	vld [tilespmem:s23+$0xF0]  }
0x382: {  	v1 =	vld [tilespmem:s23+$0x80]  }
0x383: {  	v2 =	vld [tilespmem:s23+$0x90]  }
0x384: {  	v3 =	vld [tilespmem:s23+$0xA0]  }
0x385: {  	v4 =	vld [tilespmem:s23+$0xB0]  }
0x386: {  	v5 =	vld [tilespmem:s23+$0xC0]  }
0x387: {  	v6 =	vld [tilespmem:s23+$0xD0]  }
0x388: {  	[tilespmem:s23+$0xC070] =	vst.add.f32.msk $0xffff, v0  }
0x389: {  	v0 =	vld [tilespmem:s23+$0xE0]  }
0x38a: {  	[tilespmem:s23+$0xC000] =	vst.add.f32.msk $0xffff, v1  }
0x38b: {  	[tilespmem:s23+$0xC010] =	vst.add.f32.msk $0xffff, v2  }
0x38c: {  	[tilespmem:s23+$0xC020] =	vst.add.f32.msk $0xffff, v3  }
0x38d: {  	[tilespmem:s23+$0xC030] =	vst.add.f32.msk $0xffff, v4  }
0x38e: {  	[tilespmem:s23+$0xC040] =	vst.add.f32.msk $0xffff, v5  }
0x38f: {  	s25 =	simm.s32 $0x0;
	s26 =	simm.s32 $0x400;
	[tilespmem:s23+$0xC050] =	vst.add.f32.msk $0xffff, v6  }
.LBB2_100:
0x390: {  	s25 =	sadd.s32 $0x80, s25;
	[tilespmem:s23+$0xC060] =	vst.add.f32.msk $0xffff, v0;
	s23 =	sshra.s32 s26, $0x2  }
0x391: {  	v0 =	vld [tilespmem:s23+$0xF0];
	p0 =	slt.u32 s25, $0x5F80  }
0x392: {  	v1 =	vld [tilespmem:s23+$0x80]  }
0x393: {  	v2 =	vld [tilespmem:s23+$0x90]  }
0x394: {  	v3 =	vld [tilespmem:s23+$0xA0]  }
0x395: {  	v4 =	vld [tilespmem:s23+$0xB0]  }
0x396: {  	[tilespmem:s23+$0xC070] =	vst.add.f32.msk $0xffff, v0  }
0x397: {  	v5 =	vld [tilespmem:s23+$0xC0]  }
0x398: {  	v6 =	vld [tilespmem:s23+$0xD0]  }
0x399: {  	v0 =	vld [tilespmem:s23+$0xE0]  }
0x39a: {  	[tilespmem:s23+$0xC000] =	vst.add.f32.msk $0xffff, v1  }
.Ltmp49:
0x39b: {  	[tilespmem:s23+$0xC010] =	vst.add.f32.msk $0xffff, v2;
	(pc) =	sbr.rel @p0 .LBB2_100-.Ltmp49, $4  }
0x39c: {  	[tilespmem:s23+$0xC020] =	vst.add.f32.msk $0xffff, v3  }
0x39d: {  	[tilespmem:s23+$0xC030] =	vst.add.f32.msk $0xffff, v4  }
0x39e: {  	[tilespmem:s23+$0xC040] =	vst.add.f32.msk $0xffff, v5  }
0x39f: {  	s26 =	sadd.s32 $0x400, s26;
	[tilespmem:s23+$0xC050] =	vst.add.f32.msk $0xffff, v6  }
0x3a0: {  	s25 =	simm.s32 $0xC000;
	[tilespmem:s23+$0xC060] =	vst.add.f32.msk $0xffff, v0;
	s23 =	simm.s32 $0x10  }
0x3a1: {  	s29 =	sadd.s32 $0x0, s4;
	s26 =	simm.s32 $0xC100;
	s15 =	sld [smem:$0x7F2]  }
.LBB2_102:
0x3a2: {  	[hbm4b:s29+s1] =	stream.linear.scatter [tilespmem:s25], [sflag:$0x3], $0x80, $0x38;
	[tilespmem:$0x18000] =	vst v63  }
0x3a3: {  	s29 =	smov.u32 s23;
	s25 =	smov.u32 s26;
	p0 =	sne.s32 s23, $0xBF0  }
.Ltmp50:
0x3a4: {  	s23 =	sadd.s32 $0x10, s23;
	(pc) =	sbr.rel @p0 .LBB2_102-.Ltmp50, $2  }
0x3a5: {  	_ =	sdelay $0x2  }
0x3a6: {  	s26 =	sadd.s32 $0x100, s26;
	s29 =	sadd.s32 s29, s4  }
0x3a7: {  	[hbm4b:s29+s1] =	stream.linear.scatter [tilespmem:s25], [sflag:$0x3], $0x80, $0x38;
	[tilespmem:$0x18000] =	vst v63  }
0x3a8: {  	s23 =	simm.s32 $0x2  }
0x3a9: {  	_ =	swait.ge [sflag:s23], $0x6000  }
0x3aa: {  	[sflag:s23] =	ssyncset.done $0x0  }
0x3ab: {  	s31 =	simm.s32 $0x3;
	[sflag:s23] =	ssyncadd.s32 $0xFFFFA000  }
0x3ac: {  	_ =	swait.ge [sflag:s31], $0x6000  }
0x3ad: {  	s25 =	simm.s32 $0xC000;
	s26 =	simm.s32 $0x0;
	[sflag:s31] =	ssyncset.done $0x0  }
0x3ae: {  	s23 =	simm.s32 $0x0;
	s24 =	sld [smem:$0x7D8];
	[sflag:s31] =	ssyncadd.s32 $0xFFFFA000  }
.LBB2_104:
0x3af: {  	p0 =	sne.s32 s26, $0xBF0  }
.Ltmp51:
0x3b0: {  	_ = 	snop;
	(pc) =	sbr.rel @p0 .LBB2_104-.Ltmp51, $4  }
0x3b1: {  	_ = 	snop  }
0x3b2: {  	s29 =	sadd.s32 s26, s24  }
0x3b3: {  	[tilespmem:s25], [sflag:$0x1] =	stream.linear.gather [hbm4b:s29+s23], $0x80, $0x38;
	[tilespmem:$0x18000] =	vst v63  }
0x3b4: {  	s26 =	sadd.s32 $0x10, s26;
	s25 =	sadd.s32 $0x100, s25  }
0x3b5: {  	s23 =	simm.s32 $0x0  }
0x3b6: {  	v0 =	vld [tilespmem:s23+$0xF0]  }
0x3b7: {  	v1 =	vld [tilespmem:s23+$0x80]  }
0x3b8: {  	v2 =	vld [tilespmem:s23+$0x90]  }
0x3b9: {  	v3 =	vld [tilespmem:s23+$0xA0]  }
0x3ba: {  	v4 =	vld [tilespmem:s23+$0xB0]  }
0x3bb: {  	v5 =	vld [tilespmem:s23+$0xC0]  }
0x3bc: {  	v6 =	vld [tilespmem:s23+$0xD0]  }
0x3bd: {  	[tilespmem:s23+$0xC0F0] =	vst.add.f32.msk $0xffff, v0  }
0x3be: {  	v0 =	vld [tilespmem:s23+$0xE0]  }
0x3bf: {  	[tilespmem:s23+$0xC080] =	vst.add.f32.msk $0xffff, v1  }
0x3c0: {  	[tilespmem:s23+$0xC090] =	vst.add.f32.msk $0xffff, v2  }
0x3c1: {  	[tilespmem:s23+$0xC0A0] =	vst.add.f32.msk $0xffff, v3  }
0x3c2: {  	[tilespmem:s23+$0xC0B0] =	vst.add.f32.msk $0xffff, v4  }
0x3c3: {  	[tilespmem:s23+$0xC0C0] =	vst.add.f32.msk $0xffff, v5  }
0x3c4: {  	s25 =	simm.s32 $0x0;
	s26 =	simm.s32 $0x400;
	[tilespmem:s23+$0xC0D0] =	vst.add.f32.msk $0xffff, v6  }
.LBB2_106:
0x3c5: {  	s25 =	sadd.s32 $0x80, s25;
	[tilespmem:s23+$0xC0E0] =	vst.add.f32.msk $0xffff, v0;
	s23 =	sshra.s32 s26, $0x2  }
0x3c6: {  	v0 =	vld [tilespmem:s23+$0xF0];
	p0 =	slt.u32 s25, $0x5F80  }
0x3c7: {  	v1 =	vld [tilespmem:s23+$0x80]  }
0x3c8: {  	v2 =	vld [tilespmem:s23+$0x90]  }
0x3c9: {  	v3 =	vld [tilespmem:s23+$0xA0]  }
0x3ca: {  	v4 =	vld [tilespmem:s23+$0xB0]  }
0x3cb: {  	[tilespmem:s23+$0xC0F0] =	vst.add.f32.msk $0xffff, v0  }
0x3cc: {  	v5 =	vld [tilespmem:s23+$0xC0]  }
0x3cd: {  	v6 =	vld [tilespmem:s23+$0xD0]  }
0x3ce: {  	v0 =	vld [tilespmem:s23+$0xE0]  }
0x3cf: {  	[tilespmem:s23+$0xC080] =	vst.add.f32.msk $0xffff, v1  }
.Ltmp52:
0x3d0: {  	[tilespmem:s23+$0xC090] =	vst.add.f32.msk $0xffff, v2;
	(pc) =	sbr.rel @p0 .LBB2_106-.Ltmp52, $4  }
0x3d1: {  	[tilespmem:s23+$0xC0A0] =	vst.add.f32.msk $0xffff, v3  }
0x3d2: {  	[tilespmem:s23+$0xC0B0] =	vst.add.f32.msk $0xffff, v4  }
0x3d3: {  	[tilespmem:s23+$0xC0C0] =	vst.add.f32.msk $0xffff, v5  }
0x3d4: {  	s26 =	sadd.s32 $0x400, s26;
	[tilespmem:s23+$0xC0D0] =	vst.add.f32.msk $0xffff, v6  }
0x3d5: {  	s25 =	simm.s32 $0xC080;
	[tilespmem:s23+$0xC0E0] =	vst.add.f32.msk $0xffff, v0;
	s23 =	simm.s32 $0x10  }
0x3d6: {  	s29 =	sadd.s32 $0x0, s15;
	s26 =	simm.s32 $0xC180;
	s24 =	sld [smem:$0x7F3]  }
.LBB2_108:
0x3d7: {  	[hbm4b:s29+s1] =	stream.linear.scatter [tilespmem:s25], [sflag:$0x4], $0x80, $0x38;
	[tilespmem:$0x18000] =	vst v63  }
0x3d8: {  	s29 =	smov.u32 s23;
	s25 =	smov.u32 s26;
	p0 =	sne.s32 s23, $0xBF0  }
.Ltmp53:
0x3d9: {  	s23 =	sadd.s32 $0x10, s23;
	(pc) =	sbr.rel @p0 .LBB2_108-.Ltmp53, $2  }
0x3da: {  	_ =	sdelay $0x2  }
0x3db: {  	s26 =	sadd.s32 $0x100, s26;
	s29 =	sadd.s32 s29, s15  }
0x3dc: {  	[hbm4b:s29+s1] =	stream.linear.scatter [tilespmem:s25], [sflag:$0x4], $0x80, $0x38;
	[tilespmem:$0x18000] =	vst v63  }
0x3dd: {  	_ =	swait.ge [sflag:s14], $0x6000  }
0x3de: {  	[sflag:s14] =	ssyncset.done $0x0  }
0x3df: {  	s11 =	simm.s32 $0x5;
	[sflag:s14] =	ssyncadd.s32 $0xFFFFA000  }
0x3e0: {  	_ =	swait.ge [sflag:s11], $0x6000  }
0x3e1: {  	[sflag:s11] =	ssyncset.done $0x0  }
0x3e2: {  	[sflag:s11] =	ssyncadd.s32 $0xFFFFA000;
	s11 =	sld [smem:$0x7DC];
	_ =	sdelay $0x1  }
0x3e3: {  	s23 =	simm.s32 $0x80  }
0x3e4: {  	s25 =	simm.s32 $0x10;
	s26 =	simm.s32 $0x180;
	s29 =	sadd.s32 $0x0, s11  }
.LBB2_110:
0x3e5: {  	[tilespmem:s23], [sflag:$0x6] =	stream.linear.gather [hbm4b:s29+s1], $0x80, $0x38;
	[tilespmem:$0x18000] =	vst v63  }
0x3e6: {  	s29 =	smov.u32 s25;
	s23 =	smov.u32 s26;
	p0 =	sne.s32 s25, $0xBF0  }
.Ltmp54:
0x3e7: {  	s25 =	sadd.s32 $0x10, s25;
	(pc) =	sbr.rel @p0 .LBB2_110-.Ltmp54, $2  }
0x3e8: {  	_ =	sdelay $0x2  }
0x3e9: {  	s26 =	sadd.s32 $0x100, s26;
	s29 =	sadd.s32 s29, s11  }
0x3ea: {  	[tilespmem:s23], [sflag:$0x6] =	stream.linear.gather [hbm4b:s29+s1], $0x80, $0x38;
	[tilespmem:$0x18000] =	vst v63  }
0x3eb: {  	s11 =	simm.s32 $0x4  }
0x3ec: {  	_ =	swait.ge [sflag:s11], $0x6000  }
0x3ed: {  	s23 =	simm.s32 $0x0;
	s25 =	simm.s32 $0xC080;
	[sflag:s11] =	ssyncset.done $0x0  }
0x3ee: {  	s26 =	simm.s32 $0x0;
	[sflag:s11] =	ssyncadd.s32 $0xFFFFA000;
	s11 =	sld [smem:$0x7D9]  }
.LBB2_112:
0x3ef: {  	p0 =	sne.s32 s26, $0xBF0  }
.Ltmp55:
0x3f0: {  	_ = 	snop;
	(pc) =	sbr.rel @p0 .LBB2_112-.Ltmp55, $4  }
0x3f1: {  	_ = 	snop  }
0x3f2: {  	s29 =	sadd.s32 s26, s11  }
0x3f3: {  	[tilespmem:s25], [sflag:$0x2] =	stream.linear.gather [hbm4b:s29+s23], $0x80, $0x38;
	[tilespmem:$0x18000] =	vst v63  }
0x3f4: {  	s26 =	sadd.s32 $0x10, s26;
	s25 =	sadd.s32 $0x100, s25  }
0x3f5: {  	s23 =	simm.s32 $0x0  }
0x3f6: {  	v0 =	vld [tilespmem:s23+$0x70]  }
0x3f7: {  	v1 =	vld [tilespmem:s23+$0x0]  }
0x3f8: {  	v2 =	vld [tilespmem:s23+$0x10]  }
0x3f9: {  	v3 =	vld [tilespmem:s23+$0x20]  }
0x3fa: {  	v4 =	vld [tilespmem:s23+$0x30]  }
0x3fb: {  	v5 =	vld [tilespmem:s23+$0x40]  }
0x3fc: {  	v6 =	vld [tilespmem:s23+$0x50]  }
0x3fd: {  	[tilespmem:s23+$0xC070] =	vst.add.f32.msk $0xffff, v0  }
0x3fe: {  	v0 =	vld [tilespmem:s23+$0x60]  }
0x3ff: {  	[tilespmem:s23+$0xC000] =	vst.add.f32.msk $0xffff, v1  }
0x400: {  	[tilespmem:s23+$0xC010] =	vst.add.f32.msk $0xffff, v2  }
0x401: {  	[tilespmem:s23+$0xC020] =	vst.add.f32.msk $0xffff, v3  }
0x402: {  	[tilespmem:s23+$0xC030] =	vst.add.f32.msk $0xffff, v4  }
0x403: {  	[tilespmem:s23+$0xC040] =	vst.add.f32.msk $0xffff, v5  }
0x404: {  	s25 =	simm.s32 $0x0;
	s26 =	simm.s32 $0x400;
	[tilespmem:s23+$0xC050] =	vst.add.f32.msk $0xffff, v6  }
.LBB2_114:
0x405: {  	s25 =	sadd.s32 $0x80, s25;
	[tilespmem:s23+$0xC060] =	vst.add.f32.msk $0xffff, v0;
	s23 =	sshra.s32 s26, $0x2  }
0x406: {  	v0 =	vld [tilespmem:s23+$0x70];
	p0 =	slt.u32 s25, $0x5F80  }
0x407: {  	v1 =	vld [tilespmem:s23+$0x0]  }
0x408: {  	v2 =	vld [tilespmem:s23+$0x10]  }
0x409: {  	v3 =	vld [tilespmem:s23+$0x20]  }
0x40a: {  	v4 =	vld [tilespmem:s23+$0x30]  }
0x40b: {  	[tilespmem:s23+$0xC070] =	vst.add.f32.msk $0xffff, v0  }
0x40c: {  	v5 =	vld [tilespmem:s23+$0x40]  }
0x40d: {  	v6 =	vld [tilespmem:s23+$0x50]  }
0x40e: {  	v0 =	vld [tilespmem:s23+$0x60]  }
0x40f: {  	[tilespmem:s23+$0xC000] =	vst.add.f32.msk $0xffff, v1  }
.Ltmp56:
0x410: {  	[tilespmem:s23+$0xC010] =	vst.add.f32.msk $0xffff, v2;
	(pc) =	sbr.rel @p0 .LBB2_114-.Ltmp56, $4  }
0x411: {  	[tilespmem:s23+$0xC020] =	vst.add.f32.msk $0xffff, v3  }
0x412: {  	[tilespmem:s23+$0xC030] =	vst.add.f32.msk $0xffff, v4  }
0x413: {  	[tilespmem:s23+$0xC040] =	vst.add.f32.msk $0xffff, v5  }
0x414: {  	s26 =	sadd.s32 $0x400, s26;
	[tilespmem:s23+$0xC050] =	vst.add.f32.msk $0xffff, v6  }
0x415: {  	s25 =	simm.s32 $0xC000;
	[tilespmem:s23+$0xC060] =	vst.add.f32.msk $0xffff, v0;
	s23 =	simm.s32 $0x10  }
0x416: {  	s29 =	sadd.s32 $0x0, s24;
	s26 =	simm.s32 $0xC100;
	s11 =	sld [smem:$0x7F4]  }
.LBB2_116:
0x417: {  	[hbm4b:s29+s1] =	stream.linear.scatter [tilespmem:s25], [sflag:$0x3], $0x80, $0x38;
	[tilespmem:$0x18000] =	vst v63  }
0x418: {  	s29 =	smov.u32 s23;
	s25 =	smov.u32 s26;
	p0 =	sne.s32 s23, $0xBF0  }
.Ltmp57:
0x419: {  	s23 =	sadd.s32 $0x10, s23;
	(pc) =	sbr.rel @p0 .LBB2_116-.Ltmp57, $2  }
0x41a: {  	_ =	sdelay $0x2  }
0x41b: {  	s26 =	sadd.s32 $0x100, s26;
	s29 =	sadd.s32 s29, s24  }
0x41c: {  	[hbm4b:s29+s1] =	stream.linear.scatter [tilespmem:s25], [sflag:$0x3], $0x80, $0x38;
	[tilespmem:$0x18000] =	vst v63  }
0x41d: {  	s20 =	simm.s32 $0x2  }
0x41e: {  	_ =	swait.ge [sflag:s20], $0x6000  }
0x41f: {  	[sflag:s20] =	ssyncset.done $0x0  }
0x420: {  	s31 =	simm.s32 $0x3;
	[sflag:s20] =	ssyncadd.s32 $0xFFFFA000  }
0x421: {  	_ =	swait.ge [sflag:s31], $0x6000  }
0x422: {  	s23 =	simm.s32 $0x0;
	s25 =	simm.s32 $0xC000;
	[sflag:s31] =	ssyncset.done $0x0  }
0x423: {  	s26 =	simm.s32 $0x0;
	s20 =	sld [smem:$0x7DA];
	[sflag:s31] =	ssyncadd.s32 $0xFFFFA000  }
.LBB2_118:
0x424: {  	p0 =	sne.s32 s26, $0xBF0  }
.Ltmp58:
0x425: {  	_ = 	snop;
	(pc) =	sbr.rel @p0 .LBB2_118-.Ltmp58, $4  }
0x426: {  	_ = 	snop  }
0x427: {  	s29 =	sadd.s32 s26, s20  }
0x428: {  	[tilespmem:s25], [sflag:$0x1] =	stream.linear.gather [hbm4b:s29+s23], $0x80, $0x38;
	[tilespmem:$0x18000] =	vst v63  }
0x429: {  	s26 =	sadd.s32 $0x10, s26;
	s25 =	sadd.s32 $0x100, s25  }
0x42a: {  	s23 =	simm.s32 $0x0  }
0x42b: {  	v0 =	vld [tilespmem:s23+$0x70]  }
0x42c: {  	v1 =	vld [tilespmem:s23+$0x0]  }
0x42d: {  	v2 =	vld [tilespmem:s23+$0x10]  }
0x42e: {  	v3 =	vld [tilespmem:s23+$0x20]  }
0x42f: {  	v4 =	vld [tilespmem:s23+$0x30]  }
0x430: {  	v5 =	vld [tilespmem:s23+$0x40]  }
0x431: {  	v6 =	vld [tilespmem:s23+$0x50]  }
0x432: {  	[tilespmem:s23+$0xC0F0] =	vst.add.f32.msk $0xffff, v0  }
0x433: {  	v0 =	vld [tilespmem:s23+$0x60]  }
0x434: {  	[tilespmem:s23+$0xC080] =	vst.add.f32.msk $0xffff, v1  }
0x435: {  	[tilespmem:s23+$0xC090] =	vst.add.f32.msk $0xffff, v2  }
0x436: {  	[tilespmem:s23+$0xC0A0] =	vst.add.f32.msk $0xffff, v3  }
0x437: {  	[tilespmem:s23+$0xC0B0] =	vst.add.f32.msk $0xffff, v4  }
0x438: {  	[tilespmem:s23+$0xC0C0] =	vst.add.f32.msk $0xffff, v5  }
0x439: {  	s25 =	simm.s32 $0x0;
	s26 =	simm.s32 $0x400;
	[tilespmem:s23+$0xC0D0] =	vst.add.f32.msk $0xffff, v6  }
.LBB2_120:
0x43a: {  	s25 =	sadd.s32 $0x80, s25;
	[tilespmem:s23+$0xC0E0] =	vst.add.f32.msk $0xffff, v0;
	s23 =	sshra.s32 s26, $0x2  }
0x43b: {  	v0 =	vld [tilespmem:s23+$0x70];
	p0 =	slt.u32 s25, $0x5F80  }
0x43c: {  	v1 =	vld [tilespmem:s23+$0x0]  }
0x43d: {  	v2 =	vld [tilespmem:s23+$0x10]  }
0x43e: {  	v3 =	vld [tilespmem:s23+$0x20]  }
0x43f: {  	v4 =	vld [tilespmem:s23+$0x30]  }
0x440: {  	[tilespmem:s23+$0xC0F0] =	vst.add.f32.msk $0xffff, v0  }
0x441: {  	v5 =	vld [tilespmem:s23+$0x40]  }
0x442: {  	v6 =	vld [tilespmem:s23+$0x50]  }
0x443: {  	v0 =	vld [tilespmem:s23+$0x60]  }
0x444: {  	[tilespmem:s23+$0xC080] =	vst.add.f32.msk $0xffff, v1  }
.Ltmp59:
0x445: {  	[tilespmem:s23+$0xC090] =	vst.add.f32.msk $0xffff, v2;
	(pc) =	sbr.rel @p0 .LBB2_120-.Ltmp59, $4  }
0x446: {  	[tilespmem:s23+$0xC0A0] =	vst.add.f32.msk $0xffff, v3  }
0x447: {  	[tilespmem:s23+$0xC0B0] =	vst.add.f32.msk $0xffff, v4  }
0x448: {  	[tilespmem:s23+$0xC0C0] =	vst.add.f32.msk $0xffff, v5  }
0x449: {  	s26 =	sadd.s32 $0x400, s26;
	[tilespmem:s23+$0xC0D0] =	vst.add.f32.msk $0xffff, v6  }
0x44a: {  	s25 =	simm.s32 $0xC080;
	[tilespmem:s23+$0xC0E0] =	vst.add.f32.msk $0xffff, v0;
	s23 =	simm.s32 $0x10  }
0x44b: {  	s29 =	sadd.s32 $0x0, s11;
	s26 =	simm.s32 $0xC180;
	s20 =	sld [smem:$0x7F5]  }
.LBB2_122:
0x44c: {  	[hbm4b:s29+s1] =	stream.linear.scatter [tilespmem:s25], [sflag:$0x4], $0x80, $0x38;
	[tilespmem:$0x18000] =	vst v63  }
0x44d: {  	s29 =	smov.u32 s23;
	s25 =	smov.u32 s26;
	p0 =	sne.s32 s23, $0xBF0  }
.Ltmp60:
0x44e: {  	s23 =	sadd.s32 $0x10, s23;
	(pc) =	sbr.rel @p0 .LBB2_122-.Ltmp60, $2  }
0x44f: {  	_ =	sdelay $0x2  }
0x450: {  	s26 =	sadd.s32 $0x100, s26;
	s29 =	sadd.s32 s29, s11  }
0x451: {  	[hbm4b:s29+s1] =	stream.linear.scatter [tilespmem:s25], [sflag:$0x4], $0x80, $0x38;
	[tilespmem:$0x18000] =	vst v63  }
0x452: {  	_ =	swait.ge [sflag:s14], $0x6000  }
0x453: {  	[sflag:s14] =	ssyncset.done $0x0  }
0x454: {  	s0 =	simm.s32 $0x4;
	[sflag:s14] =	ssyncadd.s32 $0xFFFFA000  }
0x455: {  	_ =	swait.ge [sflag:s0], $0x6000  }
0x456: {  	s23 =	simm.s32 $0x0;
	s25 =	simm.s32 $0xC080;
	[sflag:s0] =	ssyncset.done $0x0  }
0x457: {  	s26 =	simm.s32 $0x0;
	[sflag:s0] =	ssyncadd.s32 $0xFFFFA000;
	s0 =	sld [smem:$0x7DB]  }
.LBB2_124:
0x458: {  	p0 =	sne.s32 s26, $0xBF0  }
.Ltmp61:
0x459: {  	_ = 	snop;
	(pc) =	sbr.rel @p0 .LBB2_124-.Ltmp61, $4  }
0x45a: {  	_ = 	snop  }
0x45b: {  	s29 =	sadd.s32 s26, s0  }
0x45c: {  	[tilespmem:s25], [sflag:$0x2] =	stream.linear.gather [hbm4b:s29+s23], $0x80, $0x38;
	[tilespmem:$0x18000] =	vst v63  }
0x45d: {  	s26 =	sadd.s32 $0x10, s26;
	s25 =	sadd.s32 $0x100, s25  }
0x45e: {  	s23 =	simm.s32 $0x0  }
0x45f: {  	v0 =	vld [tilespmem:s23+$0x70]  }
0x460: {  	v1 =	vld [tilespmem:s23+$0x0]  }
0x461: {  	v2 =	vld [tilespmem:s23+$0x10]  }
0x462: {  	v3 =	vld [tilespmem:s23+$0x20]  }
0x463: {  	v4 =	vld [tilespmem:s23+$0x30]  }
0x464: {  	v5 =	vld [tilespmem:s23+$0x40]  }
0x465: {  	v6 =	vld [tilespmem:s23+$0x50]  }
0x466: {  	[tilespmem:s23+$0xC070] =	vst.add.f32.msk $0xffff, v0  }
0x467: {  	v0 =	vld [tilespmem:s23+$0x60]  }
0x468: {  	[tilespmem:s23+$0xC000] =	vst.add.f32.msk $0xffff, v1  }
0x469: {  	[tilespmem:s23+$0xC010] =	vst.add.f32.msk $0xffff, v2  }
0x46a: {  	[tilespmem:s23+$0xC020] =	vst.add.f32.msk $0xffff, v3  }
0x46b: {  	[tilespmem:s23+$0xC030] =	vst.add.f32.msk $0xffff, v4  }
0x46c: {  	[tilespmem:s23+$0xC040] =	vst.add.f32.msk $0xffff, v5  }
0x46d: {  	s25 =	simm.s32 $0x0;
	s26 =	simm.s32 $0x400;
	[tilespmem:s23+$0xC050] =	vst.add.f32.msk $0xffff, v6  }
.LBB2_126:
0x46e: {  	s25 =	sadd.s32 $0x80, s25;
	[tilespmem:s23+$0xC060] =	vst.add.f32.msk $0xffff, v0;
	s23 =	sshra.s32 s26, $0x2  }
0x46f: {  	v0 =	vld [tilespmem:s23+$0x70];
	p0 =	slt.u32 s25, $0x5F80  }
0x470: {  	v1 =	vld [tilespmem:s23+$0x0]  }
0x471: {  	v2 =	vld [tilespmem:s23+$0x10]  }
0x472: {  	v3 =	vld [tilespmem:s23+$0x20]  }
0x473: {  	v4 =	vld [tilespmem:s23+$0x30]  }
0x474: {  	[tilespmem:s23+$0xC070] =	vst.add.f32.msk $0xffff, v0  }
0x475: {  	v5 =	vld [tilespmem:s23+$0x40]  }
0x476: {  	v6 =	vld [tilespmem:s23+$0x50]  }
0x477: {  	v0 =	vld [tilespmem:s23+$0x60]  }
0x478: {  	[tilespmem:s23+$0xC000] =	vst.add.f32.msk $0xffff, v1  }
.Ltmp62:
0x479: {  	[tilespmem:s23+$0xC010] =	vst.add.f32.msk $0xffff, v2;
	(pc) =	sbr.rel @p0 .LBB2_126-.Ltmp62, $4  }
0x47a: {  	[tilespmem:s23+$0xC020] =	vst.add.f32.msk $0xffff, v3  }
0x47b: {  	[tilespmem:s23+$0xC030] =	vst.add.f32.msk $0xffff, v4  }
0x47c: {  	[tilespmem:s23+$0xC040] =	vst.add.f32.msk $0xffff, v5  }
0x47d: {  	s26 =	sadd.s32 $0x400, s26;
	[tilespmem:s23+$0xC050] =	vst.add.f32.msk $0xffff, v6  }
0x47e: {  	s25 =	simm.s32 $0xC000;
	[tilespmem:s23+$0xC060] =	vst.add.f32.msk $0xffff, v0;
	s23 =	simm.s32 $0x10  }
0x47f: {  	s29 =	sadd.s32 $0x0, s20;
	s26 =	simm.s32 $0xC100;
	s0 =	sld [smem:$0x7F6]  }
.LBB2_128:
0x480: {  	[hbm4b:s29+s1] =	stream.linear.scatter [tilespmem:s25], [sflag:$0x3], $0x80, $0x38;
	[tilespmem:$0x18000] =	vst v63  }
0x481: {  	s29 =	smov.u32 s23;
	s25 =	smov.u32 s26;
	p0 =	sne.s32 s23, $0xBF0  }
.Ltmp63:
0x482: {  	s23 =	sadd.s32 $0x10, s23;
	(pc) =	sbr.rel @p0 .LBB2_128-.Ltmp63, $2  }
0x483: {  	_ =	sdelay $0x2  }
0x484: {  	s26 =	sadd.s32 $0x100, s26;
	s29 =	sadd.s32 s29, s20  }
0x485: {  	[hbm4b:s29+s1] =	stream.linear.scatter [tilespmem:s25], [sflag:$0x3], $0x80, $0x38;
	[tilespmem:$0x18000] =	vst v63  }
0x486: {  	s2 =	simm.s32 $0x2  }
0x487: {  	_ =	swait.ge [sflag:s2], $0x6000  }
0x488: {  	[sflag:s2] =	ssyncset.done $0x0  }
0x489: {  	s31 =	simm.s32 $0x3;
	[sflag:s2] =	ssyncadd.s32 $0xFFFFA000  }
0x48a: {  	_ =	swait.ge [sflag:s31], $0x6000  }
0x48b: {  	s23 =	simm.s32 $0x0;
	s25 =	simm.s32 $0xC000;
	[sflag:s31] =	ssyncset.done $0x0  }
0x48c: {  	s26 =	simm.s32 $0x0;
	s2 =	sld [smem:$0x7DD];
	[sflag:s31] =	ssyncadd.s32 $0xFFFFA000  }
.LBB2_130:
0x48d: {  	p0 =	sne.s32 s26, $0xBF0  }
.Ltmp64:
0x48e: {  	_ = 	snop;
	(pc) =	sbr.rel @p0 .LBB2_130-.Ltmp64, $4  }
0x48f: {  	_ = 	snop  }
0x490: {  	s29 =	sadd.s32 s26, s2  }
0x491: {  	[tilespmem:s25], [sflag:$0x1] =	stream.linear.gather [hbm4b:s29+s23], $0x80, $0x38;
	[tilespmem:$0x18000] =	vst v63  }
0x492: {  	s26 =	sadd.s32 $0x10, s26;
	s25 =	sadd.s32 $0x100, s25  }
0x493: {  	s23 =	simm.s32 $0x0  }
0x494: {  	v0 =	vld [tilespmem:s23+$0x70]  }
0x495: {  	v1 =	vld [tilespmem:s23+$0x0]  }
0x496: {  	v2 =	vld [tilespmem:s23+$0x10]  }
0x497: {  	v3 =	vld [tilespmem:s23+$0x20]  }
0x498: {  	v4 =	vld [tilespmem:s23+$0x30]  }
0x499: {  	v5 =	vld [tilespmem:s23+$0x40]  }
0x49a: {  	v6 =	vld [tilespmem:s23+$0x50]  }
0x49b: {  	[tilespmem:s23+$0xC0F0] =	vst.add.f32.msk $0xffff, v0  }
0x49c: {  	v0 =	vld [tilespmem:s23+$0x60]  }
0x49d: {  	[tilespmem:s23+$0xC080] =	vst.add.f32.msk $0xffff, v1  }
0x49e: {  	[tilespmem:s23+$0xC090] =	vst.add.f32.msk $0xffff, v2  }
0x49f: {  	[tilespmem:s23+$0xC0A0] =	vst.add.f32.msk $0xffff, v3  }
0x4a0: {  	[tilespmem:s23+$0xC0B0] =	vst.add.f32.msk $0xffff, v4  }
0x4a1: {  	[tilespmem:s23+$0xC0C0] =	vst.add.f32.msk $0xffff, v5  }
0x4a2: {  	s25 =	simm.s32 $0x0;
	s26 =	simm.s32 $0x400;
	[tilespmem:s23+$0xC0D0] =	vst.add.f32.msk $0xffff, v6  }
.LBB2_132:
0x4a3: {  	s25 =	sadd.s32 $0x80, s25;
	[tilespmem:s23+$0xC0E0] =	vst.add.f32.msk $0xffff, v0;
	s23 =	sshra.s32 s26, $0x2  }
0x4a4: {  	v0 =	vld [tilespmem:s23+$0x70];
	p0 =	slt.u32 s25, $0x5F80  }
0x4a5: {  	v1 =	vld [tilespmem:s23+$0x0]  }
0x4a6: {  	v2 =	vld [tilespmem:s23+$0x10]  }
0x4a7: {  	v3 =	vld [tilespmem:s23+$0x20]  }
0x4a8: {  	v4 =	vld [tilespmem:s23+$0x30]  }
0x4a9: {  	[tilespmem:s23+$0xC0F0] =	vst.add.f32.msk $0xffff, v0  }
0x4aa: {  	v5 =	vld [tilespmem:s23+$0x40]  }
0x4ab: {  	v6 =	vld [tilespmem:s23+$0x50]  }
0x4ac: {  	v0 =	vld [tilespmem:s23+$0x60]  }
0x4ad: {  	[tilespmem:s23+$0xC080] =	vst.add.f32.msk $0xffff, v1  }
.Ltmp65:
0x4ae: {  	[tilespmem:s23+$0xC090] =	vst.add.f32.msk $0xffff, v2;
	(pc) =	sbr.rel @p0 .LBB2_132-.Ltmp65, $4  }
0x4af: {  	[tilespmem:s23+$0xC0A0] =	vst.add.f32.msk $0xffff, v3  }
0x4b0: {  	[tilespmem:s23+$0xC0B0] =	vst.add.f32.msk $0xffff, v4  }
0x4b1: {  	[tilespmem:s23+$0xC0C0] =	vst.add.f32.msk $0xffff, v5  }
0x4b2: {  	s26 =	sadd.s32 $0x400, s26;
	[tilespmem:s23+$0xC0D0] =	vst.add.f32.msk $0xffff, v6  }
0x4b3: {  	s25 =	simm.s32 $0xC080;
	[tilespmem:s23+$0xC0E0] =	vst.add.f32.msk $0xffff, v0;
	s23 =	simm.s32 $0x10  }
0x4b4: {  	s29 =	sadd.s32 $0x0, s0;
	s26 =	simm.s32 $0xC180;
	s2 =	sld [smem:$0x7F7]  }
.LBB2_134:
0x4b5: {  	[hbm4b:s29+s1] =	stream.linear.scatter [tilespmem:s25], [sflag:$0x4], $0x80, $0x38;
	[tilespmem:$0x18000] =	vst v63  }
0x4b6: {  	s29 =	smov.u32 s23;
	s25 =	smov.u32 s26;
	p0 =	sne.s32 s23, $0xBF0  }
.Ltmp66:
0x4b7: {  	s23 =	sadd.s32 $0x10, s23;
	(pc) =	sbr.rel @p0 .LBB2_134-.Ltmp66, $2  }
0x4b8: {  	_ =	sdelay $0x2  }
0x4b9: {  	s26 =	sadd.s32 $0x100, s26;
	s29 =	sadd.s32 s29, s0  }
0x4ba: {  	[hbm4b:s29+s1] =	stream.linear.scatter [tilespmem:s25], [sflag:$0x4], $0x80, $0x38;
	[tilespmem:$0x18000] =	vst v63  }
0x4bb: {  	_ =	swait.ge [sflag:s14], $0x6000  }
0x4bc: {  	[sflag:s14] =	ssyncset.done $0x0  }
0x4bd: {  	s5 =	simm.s32 $0x6;
	[sflag:s14] =	ssyncadd.s32 $0xFFFFA000  }
0x4be: {  	_ =	swait.ge [sflag:s5], $0x6000  }
0x4bf: {  	[sflag:s5] =	ssyncset.done $0x0  }
0x4c0: {  	[sflag:s5] =	ssyncadd.s32 $0xFFFFA000;
	s5 =	sld [smem:$0x7E1];
	_ =	sdelay $0x1  }
0x4c1: {  	s23 =	simm.s32 $0x0  }
0x4c2: {  	s25 =	simm.s32 $0x10;
	s26 =	simm.s32 $0x100;
	s29 =	sadd.s32 $0x0, s5  }
.LBB2_136:
0x4c3: {  	[tilespmem:s23], [sflag:$0x5] =	stream.linear.gather [hbm4b:s29+s1], $0x80, $0x38;
	[tilespmem:$0x18000] =	vst v63  }
0x4c4: {  	s29 =	smov.u32 s25;
	s23 =	smov.u32 s26;
	p0 =	sne.s32 s25, $0xBF0  }
.Ltmp67:
0x4c5: {  	s25 =	sadd.s32 $0x10, s25;
	(pc) =	sbr.rel @p0 .LBB2_136-.Ltmp67, $2  }
0x4c6: {  	_ =	sdelay $0x2  }
0x4c7: {  	s26 =	sadd.s32 $0x100, s26;
	s29 =	sadd.s32 s29, s5  }
0x4c8: {  	[tilespmem:s23], [sflag:$0x5] =	stream.linear.gather [hbm4b:s29+s1], $0x80, $0x38;
	[tilespmem:$0x18000] =	vst v63  }
0x4c9: {  	s5 =	simm.s32 $0x4  }
0x4ca: {  	_ =	swait.ge [sflag:s5], $0x6000  }
0x4cb: {  	s23 =	simm.s32 $0x0;
	s25 =	simm.s32 $0xC080;
	[sflag:s5] =	ssyncset.done $0x0  }
0x4cc: {  	s26 =	simm.s32 $0x0;
	[sflag:s5] =	ssyncadd.s32 $0xFFFFA000;
	s5 =	sld [smem:$0x7DE]  }
.LBB2_138:
0x4cd: {  	p0 =	sne.s32 s26, $0xBF0  }
.Ltmp68:
0x4ce: {  	_ = 	snop;
	(pc) =	sbr.rel @p0 .LBB2_138-.Ltmp68, $4  }
0x4cf: {  	_ = 	snop  }
0x4d0: {  	s29 =	sadd.s32 s26, s5  }
0x4d1: {  	[tilespmem:s25], [sflag:$0x2] =	stream.linear.gather [hbm4b:s29+s23], $0x80, $0x38;
	[tilespmem:$0x18000] =	vst v63  }
0x4d2: {  	s26 =	sadd.s32 $0x10, s26;
	s25 =	sadd.s32 $0x100, s25  }
0x4d3: {  	s23 =	simm.s32 $0x0  }
0x4d4: {  	v0 =	vld [tilespmem:s23+$0xF0]  }
0x4d5: {  	v1 =	vld [tilespmem:s23+$0x80]  }
0x4d6: {  	v2 =	vld [tilespmem:s23+$0x90]  }
0x4d7: {  	v3 =	vld [tilespmem:s23+$0xA0]  }
0x4d8: {  	v4 =	vld [tilespmem:s23+$0xB0]  }
0x4d9: {  	v5 =	vld [tilespmem:s23+$0xC0]  }
0x4da: {  	v6 =	vld [tilespmem:s23+$0xD0]  }
0x4db: {  	[tilespmem:s23+$0xC070] =	vst.add.f32.msk $0xffff, v0  }
0x4dc: {  	v0 =	vld [tilespmem:s23+$0xE0]  }
0x4dd: {  	[tilespmem:s23+$0xC000] =	vst.add.f32.msk $0xffff, v1  }
0x4de: {  	[tilespmem:s23+$0xC010] =	vst.add.f32.msk $0xffff, v2  }
0x4df: {  	[tilespmem:s23+$0xC020] =	vst.add.f32.msk $0xffff, v3  }
0x4e0: {  	[tilespmem:s23+$0xC030] =	vst.add.f32.msk $0xffff, v4  }
0x4e1: {  	[tilespmem:s23+$0xC040] =	vst.add.f32.msk $0xffff, v5  }
0x4e2: {  	s25 =	simm.s32 $0x0;
	s26 =	simm.s32 $0x400;
	[tilespmem:s23+$0xC050] =	vst.add.f32.msk $0xffff, v6  }
.LBB2_140:
0x4e3: {  	s25 =	sadd.s32 $0x80, s25;
	[tilespmem:s23+$0xC060] =	vst.add.f32.msk $0xffff, v0;
	s23 =	sshra.s32 s26, $0x2  }
0x4e4: {  	v0 =	vld [tilespmem:s23+$0xF0];
	p0 =	slt.u32 s25, $0x5F80  }
0x4e5: {  	v1 =	vld [tilespmem:s23+$0x80]  }
0x4e6: {  	v2 =	vld [tilespmem:s23+$0x90]  }
0x4e7: {  	v3 =	vld [tilespmem:s23+$0xA0]  }
0x4e8: {  	v4 =	vld [tilespmem:s23+$0xB0]  }
0x4e9: {  	[tilespmem:s23+$0xC070] =	vst.add.f32.msk $0xffff, v0  }
0x4ea: {  	v5 =	vld [tilespmem:s23+$0xC0]  }
0x4eb: {  	v6 =	vld [tilespmem:s23+$0xD0]  }
0x4ec: {  	v0 =	vld [tilespmem:s23+$0xE0]  }
0x4ed: {  	[tilespmem:s23+$0xC000] =	vst.add.f32.msk $0xffff, v1  }
.Ltmp69:
0x4ee: {  	[tilespmem:s23+$0xC010] =	vst.add.f32.msk $0xffff, v2;
	(pc) =	sbr.rel @p0 .LBB2_140-.Ltmp69, $4  }
0x4ef: {  	[tilespmem:s23+$0xC020] =	vst.add.f32.msk $0xffff, v3  }
0x4f0: {  	[tilespmem:s23+$0xC030] =	vst.add.f32.msk $0xffff, v4  }
0x4f1: {  	[tilespmem:s23+$0xC040] =	vst.add.f32.msk $0xffff, v5  }
0x4f2: {  	s26 =	sadd.s32 $0x400, s26;
	[tilespmem:s23+$0xC050] =	vst.add.f32.msk $0xffff, v6  }
0x4f3: {  	s25 =	simm.s32 $0xC000;
	[tilespmem:s23+$0xC060] =	vst.add.f32.msk $0xffff, v0;
	s23 =	simm.s32 $0x10  }
0x4f4: {  	s29 =	sadd.s32 $0x0, s2;
	s26 =	simm.s32 $0xC100;
	s5 =	sld [smem:$0x7F8]  }
.LBB2_142:
0x4f5: {  	[hbm4b:s29+s1] =	stream.linear.scatter [tilespmem:s25], [sflag:$0x3], $0x80, $0x38;
	[tilespmem:$0x18000] =	vst v63  }
0x4f6: {  	s29 =	smov.u32 s23;
	s25 =	smov.u32 s26;
	p0 =	sne.s32 s23, $0xBF0  }
.Ltmp70:
0x4f7: {  	s23 =	sadd.s32 $0x10, s23;
	(pc) =	sbr.rel @p0 .LBB2_142-.Ltmp70, $2  }
0x4f8: {  	_ =	sdelay $0x2  }
0x4f9: {  	s26 =	sadd.s32 $0x100, s26;
	s29 =	sadd.s32 s29, s2  }
0x4fa: {  	[hbm4b:s29+s1] =	stream.linear.scatter [tilespmem:s25], [sflag:$0x3], $0x80, $0x38;
	[tilespmem:$0x18000] =	vst v63  }
0x4fb: {  	s7 =	simm.s32 $0x2  }
0x4fc: {  	_ =	swait.ge [sflag:s7], $0x6000  }
0x4fd: {  	[sflag:s7] =	ssyncset.done $0x0  }
0x4fe: {  	s31 =	simm.s32 $0x3;
	[sflag:s7] =	ssyncadd.s32 $0xFFFFA000  }
0x4ff: {  	_ =	swait.ge [sflag:s31], $0x6000  }
0x500: {  	s23 =	simm.s32 $0x0;
	s25 =	simm.s32 $0xC000;
	[sflag:s31] =	ssyncset.done $0x0  }
0x501: {  	s26 =	simm.s32 $0x0;
	s7 =	sld [smem:$0x7DF];
	[sflag:s31] =	ssyncadd.s32 $0xFFFFA000  }
.LBB2_144:
0x502: {  	p0 =	sne.s32 s26, $0xBF0  }
.Ltmp71:
0x503: {  	_ = 	snop;
	(pc) =	sbr.rel @p0 .LBB2_144-.Ltmp71, $4  }
0x504: {  	_ = 	snop  }
0x505: {  	s29 =	sadd.s32 s26, s7  }
0x506: {  	[tilespmem:s25], [sflag:$0x1] =	stream.linear.gather [hbm4b:s29+s23], $0x80, $0x38;
	[tilespmem:$0x18000] =	vst v63  }
0x507: {  	s26 =	sadd.s32 $0x10, s26;
	s25 =	sadd.s32 $0x100, s25  }
0x508: {  	s23 =	simm.s32 $0x0  }
0x509: {  	v0 =	vld [tilespmem:s23+$0xF0]  }
0x50a: {  	v1 =	vld [tilespmem:s23+$0x80]  }
0x50b: {  	v2 =	vld [tilespmem:s23+$0x90]  }
0x50c: {  	v3 =	vld [tilespmem:s23+$0xA0]  }
0x50d: {  	v4 =	vld [tilespmem:s23+$0xB0]  }
0x50e: {  	v5 =	vld [tilespmem:s23+$0xC0]  }
0x50f: {  	v6 =	vld [tilespmem:s23+$0xD0]  }
0x510: {  	[tilespmem:s23+$0xC0F0] =	vst.add.f32.msk $0xffff, v0  }
0x511: {  	v0 =	vld [tilespmem:s23+$0xE0]  }
0x512: {  	[tilespmem:s23+$0xC080] =	vst.add.f32.msk $0xffff, v1  }
0x513: {  	[tilespmem:s23+$0xC090] =	vst.add.f32.msk $0xffff, v2  }
0x514: {  	[tilespmem:s23+$0xC0A0] =	vst.add.f32.msk $0xffff, v3  }
0x515: {  	[tilespmem:s23+$0xC0B0] =	vst.add.f32.msk $0xffff, v4  }
0x516: {  	[tilespmem:s23+$0xC0C0] =	vst.add.f32.msk $0xffff, v5  }
0x517: {  	s25 =	simm.s32 $0x0;
	s26 =	simm.s32 $0x400;
	[tilespmem:s23+$0xC0D0] =	vst.add.f32.msk $0xffff, v6  }
.LBB2_146:
0x518: {  	s25 =	sadd.s32 $0x80, s25;
	[tilespmem:s23+$0xC0E0] =	vst.add.f32.msk $0xffff, v0;
	s23 =	sshra.s32 s26, $0x2  }
0x519: {  	v0 =	vld [tilespmem:s23+$0xF0];
	p0 =	slt.u32 s25, $0x5F80  }
0x51a: {  	v1 =	vld [tilespmem:s23+$0x80]  }
0x51b: {  	v2 =	vld [tilespmem:s23+$0x90]  }
0x51c: {  	v3 =	vld [tilespmem:s23+$0xA0]  }
0x51d: {  	v4 =	vld [tilespmem:s23+$0xB0]  }
0x51e: {  	[tilespmem:s23+$0xC0F0] =	vst.add.f32.msk $0xffff, v0  }
0x51f: {  	v5 =	vld [tilespmem:s23+$0xC0]  }
0x520: {  	v6 =	vld [tilespmem:s23+$0xD0]  }
0x521: {  	v0 =	vld [tilespmem:s23+$0xE0]  }
0x522: {  	[tilespmem:s23+$0xC080] =	vst.add.f32.msk $0xffff, v1  }
.Ltmp72:
0x523: {  	[tilespmem:s23+$0xC090] =	vst.add.f32.msk $0xffff, v2;
	(pc) =	sbr.rel @p0 .LBB2_146-.Ltmp72, $4  }
0x524: {  	[tilespmem:s23+$0xC0A0] =	vst.add.f32.msk $0xffff, v3  }
0x525: {  	[tilespmem:s23+$0xC0B0] =	vst.add.f32.msk $0xffff, v4  }
0x526: {  	[tilespmem:s23+$0xC0C0] =	vst.add.f32.msk $0xffff, v5  }
0x527: {  	s26 =	sadd.s32 $0x400, s26;
	[tilespmem:s23+$0xC0D0] =	vst.add.f32.msk $0xffff, v6  }
0x528: {  	s25 =	simm.s32 $0xC080;
	[tilespmem:s23+$0xC0E0] =	vst.add.f32.msk $0xffff, v0;
	s23 =	simm.s32 $0x10  }
0x529: {  	s29 =	sadd.s32 $0x0, s5;
	s26 =	simm.s32 $0xC180;
	s7 =	sld [smem:$0x7F9]  }
.LBB2_148:
0x52a: {  	[hbm4b:s29+s1] =	stream.linear.scatter [tilespmem:s25], [sflag:$0x4], $0x80, $0x38;
	[tilespmem:$0x18000] =	vst v63  }
0x52b: {  	s29 =	smov.u32 s23;
	s25 =	smov.u32 s26;
	p0 =	sne.s32 s23, $0xBF0  }
.Ltmp73:
0x52c: {  	s23 =	sadd.s32 $0x10, s23;
	(pc) =	sbr.rel @p0 .LBB2_148-.Ltmp73, $2  }
0x52d: {  	_ =	sdelay $0x2  }
0x52e: {  	s26 =	sadd.s32 $0x100, s26;
	s29 =	sadd.s32 s29, s5  }
0x52f: {  	[hbm4b:s29+s1] =	stream.linear.scatter [tilespmem:s25], [sflag:$0x4], $0x80, $0x38;
	[tilespmem:$0x18000] =	vst v63  }
0x530: {  	_ =	swait.ge [sflag:s14], $0x6000  }
0x531: {  	[sflag:s14] =	ssyncset.done $0x0  }
0x532: {  	s9 =	simm.s32 $0x4;
	[sflag:s14] =	ssyncadd.s32 $0xFFFFA000  }
0x533: {  	_ =	swait.ge [sflag:s9], $0x6000  }
0x534: {  	s23 =	simm.s32 $0x0;
	s25 =	simm.s32 $0xC080;
	[sflag:s9] =	ssyncset.done $0x0  }
0x535: {  	s26 =	simm.s32 $0x0;
	[sflag:s9] =	ssyncadd.s32 $0xFFFFA000;
	s9 =	sld [smem:$0x7E0]  }
.LBB2_150:
0x536: {  	p0 =	sne.s32 s26, $0xBF0  }
.Ltmp74:
0x537: {  	_ = 	snop;
	(pc) =	sbr.rel @p0 .LBB2_150-.Ltmp74, $4  }
0x538: {  	_ = 	snop  }
0x539: {  	s29 =	sadd.s32 s26, s9  }
0x53a: {  	[tilespmem:s25], [sflag:$0x2] =	stream.linear.gather [hbm4b:s29+s23], $0x80, $0x38;
	[tilespmem:$0x18000] =	vst v63  }
0x53b: {  	s26 =	sadd.s32 $0x10, s26;
	s25 =	sadd.s32 $0x100, s25  }
0x53c: {  	s23 =	simm.s32 $0x0  }
0x53d: {  	v0 =	vld [tilespmem:s23+$0xF0]  }
0x53e: {  	v1 =	vld [tilespmem:s23+$0x80]  }
0x53f: {  	v2 =	vld [tilespmem:s23+$0x90]  }
0x540: {  	v3 =	vld [tilespmem:s23+$0xA0]  }
0x541: {  	v4 =	vld [tilespmem:s23+$0xB0]  }
0x542: {  	v5 =	vld [tilespmem:s23+$0xC0]  }
0x543: {  	v6 =	vld [tilespmem:s23+$0xD0]  }
0x544: {  	[tilespmem:s23+$0xC070] =	vst.add.f32.msk $0xffff, v0  }
0x545: {  	v0 =	vld [tilespmem:s23+$0xE0]  }
0x546: {  	[tilespmem:s23+$0xC000] =	vst.add.f32.msk $0xffff, v1  }
0x547: {  	[tilespmem:s23+$0xC010] =	vst.add.f32.msk $0xffff, v2  }
0x548: {  	[tilespmem:s23+$0xC020] =	vst.add.f32.msk $0xffff, v3  }
0x549: {  	[tilespmem:s23+$0xC030] =	vst.add.f32.msk $0xffff, v4  }
0x54a: {  	[tilespmem:s23+$0xC040] =	vst.add.f32.msk $0xffff, v5  }
0x54b: {  	s25 =	simm.s32 $0x0;
	s26 =	simm.s32 $0x400;
	[tilespmem:s23+$0xC050] =	vst.add.f32.msk $0xffff, v6  }
.LBB2_152:
0x54c: {  	s25 =	sadd.s32 $0x80, s25;
	[tilespmem:s23+$0xC060] =	vst.add.f32.msk $0xffff, v0;
	s23 =	sshra.s32 s26, $0x2  }
0x54d: {  	v0 =	vld [tilespmem:s23+$0xF0];
	p0 =	slt.u32 s25, $0x5F80  }
0x54e: {  	v1 =	vld [tilespmem:s23+$0x80]  }
0x54f: {  	v2 =	vld [tilespmem:s23+$0x90]  }
0x550: {  	v3 =	vld [tilespmem:s23+$0xA0]  }
0x551: {  	v4 =	vld [tilespmem:s23+$0xB0]  }
0x552: {  	[tilespmem:s23+$0xC070] =	vst.add.f32.msk $0xffff, v0  }
0x553: {  	v5 =	vld [tilespmem:s23+$0xC0]  }
0x554: {  	v6 =	vld [tilespmem:s23+$0xD0]  }
0x555: {  	v0 =	vld [tilespmem:s23+$0xE0]  }
0x556: {  	[tilespmem:s23+$0xC000] =	vst.add.f32.msk $0xffff, v1  }
.Ltmp75:
0x557: {  	[tilespmem:s23+$0xC010] =	vst.add.f32.msk $0xffff, v2;
	(pc) =	sbr.rel @p0 .LBB2_152-.Ltmp75, $4  }
0x558: {  	[tilespmem:s23+$0xC020] =	vst.add.f32.msk $0xffff, v3  }
0x559: {  	[tilespmem:s23+$0xC030] =	vst.add.f32.msk $0xffff, v4  }
0x55a: {  	[tilespmem:s23+$0xC040] =	vst.add.f32.msk $0xffff, v5  }
0x55b: {  	s26 =	sadd.s32 $0x400, s26;
	[tilespmem:s23+$0xC050] =	vst.add.f32.msk $0xffff, v6  }
0x55c: {  	s25 =	simm.s32 $0xC000;
	[tilespmem:s23+$0xC060] =	vst.add.f32.msk $0xffff, v0;
	s23 =	simm.s32 $0x10  }
0x55d: {  	s29 =	sadd.s32 $0x0, s7;
	s26 =	simm.s32 $0xC100;
	s9 =	sld [smem:$0x7FA]  }
.LBB2_154:
0x55e: {  	[hbm4b:s29+s1] =	stream.linear.scatter [tilespmem:s25], [sflag:$0x3], $0x80, $0x38;
	[tilespmem:$0x18000] =	vst v63  }
0x55f: {  	s29 =	smov.u32 s23;
	s25 =	smov.u32 s26;
	p0 =	sne.s32 s23, $0xBF0  }
.Ltmp76:
0x560: {  	s23 =	sadd.s32 $0x10, s23;
	(pc) =	sbr.rel @p0 .LBB2_154-.Ltmp76, $2  }
0x561: {  	_ =	sdelay $0x2  }
0x562: {  	s26 =	sadd.s32 $0x100, s26;
	s29 =	sadd.s32 s29, s7  }
0x563: {  	[hbm4b:s29+s1] =	stream.linear.scatter [tilespmem:s25], [sflag:$0x3], $0x80, $0x38;
	[tilespmem:$0x18000] =	vst v63  }
0x564: {  	s12 =	simm.s32 $0x2  }
0x565: {  	_ =	swait.ge [sflag:s12], $0x6000  }
0x566: {  	[sflag:s12] =	ssyncset.done $0x0  }
0x567: {  	s31 =	simm.s32 $0x3;
	[sflag:s12] =	ssyncadd.s32 $0xFFFFA000  }
0x568: {  	_ =	swait.ge [sflag:s31], $0x6000  }
0x569: {  	s23 =	simm.s32 $0x0;
	s25 =	simm.s32 $0xC000;
	[sflag:s31] =	ssyncset.done $0x0  }
0x56a: {  	s26 =	simm.s32 $0x0;
	s12 =	sld [smem:$0x7E3];
	[sflag:s31] =	ssyncadd.s32 $0xFFFFA000  }
.LBB2_156:
0x56b: {  	p0 =	sne.s32 s26, $0xBF0  }
.Ltmp77:
0x56c: {  	_ = 	snop;
	(pc) =	sbr.rel @p0 .LBB2_156-.Ltmp77, $4  }
0x56d: {  	_ = 	snop  }
0x56e: {  	s29 =	sadd.s32 s26, s12  }
0x56f: {  	[tilespmem:s25], [sflag:$0x1] =	stream.linear.gather [hbm4b:s29+s23], $0x80, $0x38;
	[tilespmem:$0x18000] =	vst v63  }
0x570: {  	s26 =	sadd.s32 $0x10, s26;
	s25 =	sadd.s32 $0x100, s25  }
0x571: {  	s23 =	simm.s32 $0x0  }
0x572: {  	v0 =	vld [tilespmem:s23+$0xF0]  }
0x573: {  	v1 =	vld [tilespmem:s23+$0x80]  }
0x574: {  	v2 =	vld [tilespmem:s23+$0x90]  }
0x575: {  	v3 =	vld [tilespmem:s23+$0xA0]  }
0x576: {  	v4 =	vld [tilespmem:s23+$0xB0]  }
0x577: {  	v5 =	vld [tilespmem:s23+$0xC0]  }
0x578: {  	v6 =	vld [tilespmem:s23+$0xD0]  }
0x579: {  	[tilespmem:s23+$0xC0F0] =	vst.add.f32.msk $0xffff, v0  }
0x57a: {  	v0 =	vld [tilespmem:s23+$0xE0]  }
0x57b: {  	[tilespmem:s23+$0xC080] =	vst.add.f32.msk $0xffff, v1  }
0x57c: {  	[tilespmem:s23+$0xC090] =	vst.add.f32.msk $0xffff, v2  }
0x57d: {  	[tilespmem:s23+$0xC0A0] =	vst.add.f32.msk $0xffff, v3  }
0x57e: {  	[tilespmem:s23+$0xC0B0] =	vst.add.f32.msk $0xffff, v4  }
0x57f: {  	[tilespmem:s23+$0xC0C0] =	vst.add.f32.msk $0xffff, v5  }
0x580: {  	s25 =	simm.s32 $0x0;
	s26 =	simm.s32 $0x400;
	[tilespmem:s23+$0xC0D0] =	vst.add.f32.msk $0xffff, v6  }
.LBB2_158:
0x581: {  	s25 =	sadd.s32 $0x80, s25;
	[tilespmem:s23+$0xC0E0] =	vst.add.f32.msk $0xffff, v0;
	s23 =	sshra.s32 s26, $0x2  }
0x582: {  	v0 =	vld [tilespmem:s23+$0xF0];
	p0 =	slt.u32 s25, $0x5F80  }
0x583: {  	v1 =	vld [tilespmem:s23+$0x80]  }
0x584: {  	v2 =	vld [tilespmem:s23+$0x90]  }
0x585: {  	v3 =	vld [tilespmem:s23+$0xA0]  }
0x586: {  	v4 =	vld [tilespmem:s23+$0xB0]  }
0x587: {  	[tilespmem:s23+$0xC0F0] =	vst.add.f32.msk $0xffff, v0  }
0x588: {  	v5 =	vld [tilespmem:s23+$0xC0]  }
0x589: {  	v6 =	vld [tilespmem:s23+$0xD0]  }
0x58a: {  	v0 =	vld [tilespmem:s23+$0xE0]  }
0x58b: {  	[tilespmem:s23+$0xC080] =	vst.add.f32.msk $0xffff, v1  }
.Ltmp78:
0x58c: {  	[tilespmem:s23+$0xC090] =	vst.add.f32.msk $0xffff, v2;
	(pc) =	sbr.rel @p0 .LBB2_158-.Ltmp78, $4  }
0x58d: {  	[tilespmem:s23+$0xC0A0] =	vst.add.f32.msk $0xffff, v3  }
0x58e: {  	[tilespmem:s23+$0xC0B0] =	vst.add.f32.msk $0xffff, v4  }
0x58f: {  	[tilespmem:s23+$0xC0C0] =	vst.add.f32.msk $0xffff, v5  }
0x590: {  	s26 =	sadd.s32 $0x400, s26;
	[tilespmem:s23+$0xC0D0] =	vst.add.f32.msk $0xffff, v6  }
0x591: {  	s25 =	simm.s32 $0xC080;
	[tilespmem:s23+$0xC0E0] =	vst.add.f32.msk $0xffff, v0;
	s23 =	simm.s32 $0x10  }
0x592: {  	s29 =	sadd.s32 $0x0, s9;
	s26 =	simm.s32 $0xC180;
	s12 =	sld [smem:$0x7FD]  }
.LBB2_160:
0x593: {  	[hbm4b:s29+s1] =	stream.linear.scatter [tilespmem:s25], [sflag:$0x4], $0x80, $0x38;
	[tilespmem:$0x18000] =	vst v63  }
0x594: {  	s29 =	smov.u32 s23;
	s25 =	smov.u32 s26;
	p0 =	sne.s32 s23, $0xBF0  }
.Ltmp79:
0x595: {  	s23 =	sadd.s32 $0x10, s23;
	(pc) =	sbr.rel @p0 .LBB2_160-.Ltmp79, $2  }
0x596: {  	_ =	sdelay $0x2  }
0x597: {  	s26 =	sadd.s32 $0x100, s26;
	s29 =	sadd.s32 s29, s9  }
0x598: {  	[hbm4b:s29+s1] =	stream.linear.scatter [tilespmem:s25], [sflag:$0x4], $0x80, $0x38;
	[tilespmem:$0x18000] =	vst v63  }
0x599: {  	_ =	swait.ge [sflag:s14], $0x6000  }
0x59a: {  	[sflag:s14] =	ssyncset.done $0x0  }
0x59b: {  	s23 =	simm.s32 $0x5;
	[sflag:s14] =	ssyncadd.s32 $0xFFFFA000  }
0x59c: {  	_ =	swait.ge [sflag:s23], $0x6000  }
0x59d: {  	s25 =	simm.s32 $0x10;
	s29 =	sadd.s32 $0x0, s10;
	[sflag:s23] =	ssyncset.done $0x0  }
0x59e: {  	s26 =	simm.s32 $0x180;
	[sflag:s23] =	ssyncadd.s32 $0xFFFFA000;
	s23 =	simm.s32 $0x80  }
.LBB2_162:
0x59f: {  	[tilespmem:s23], [sflag:$0x6] =	stream.linear.gather [hbm4b:s29+s1], $0x80, $0x38;
	[tilespmem:$0x18000] =	vst v63  }
0x5a0: {  	s29 =	smov.u32 s25;
	s23 =	smov.u32 s26;
	p0 =	sne.s32 s25, $0xBF0  }
.Ltmp80:
0x5a1: {  	s25 =	sadd.s32 $0x10, s25;
	(pc) =	sbr.rel @p0 .LBB2_162-.Ltmp80, $2  }
0x5a2: {  	_ =	sdelay $0x2  }
0x5a3: {  	s26 =	sadd.s32 $0x100, s26;
	s29 =	sadd.s32 s29, s10  }
0x5a4: {  	[tilespmem:s23], [sflag:$0x6] =	stream.linear.gather [hbm4b:s29+s1], $0x80, $0x38;
	[tilespmem:$0x18000] =	vst v63  }
0x5a5: {  	s10 =	simm.s32 $0x4  }
0x5a6: {  	_ =	swait.ge [sflag:s10], $0x6000  }
0x5a7: {  	s23 =	simm.s32 $0x0;
	s25 =	simm.s32 $0xC080;
	[sflag:s10] =	ssyncset.done $0x0  }
0x5a8: {  	s26 =	simm.s32 $0x0;
	[sflag:s10] =	ssyncadd.s32 $0xFFFFA000;
	s10 =	sld [smem:$0x7E5]  }
.LBB2_164:
0x5a9: {  	p0 =	sne.s32 s26, $0xBF0  }
.Ltmp81:
0x5aa: {  	_ = 	snop;
	(pc) =	sbr.rel @p0 .LBB2_164-.Ltmp81, $4  }
0x5ab: {  	_ = 	snop  }
0x5ac: {  	s29 =	sadd.s32 s26, s10  }
0x5ad: {  	[tilespmem:s25], [sflag:$0x2] =	stream.linear.gather [hbm4b:s29+s23], $0x80, $0x38;
	[tilespmem:$0x18000] =	vst v63  }
0x5ae: {  	s26 =	sadd.s32 $0x10, s26;
	s25 =	sadd.s32 $0x100, s25  }
0x5af: {  	s23 =	simm.s32 $0x0  }
0x5b0: {  	v0 =	vld [tilespmem:s23+$0x70]  }
0x5b1: {  	v1 =	vld [tilespmem:s23+$0x0]  }
0x5b2: {  	v2 =	vld [tilespmem:s23+$0x10]  }
0x5b3: {  	v3 =	vld [tilespmem:s23+$0x20]  }
0x5b4: {  	v4 =	vld [tilespmem:s23+$0x30]  }
0x5b5: {  	v5 =	vld [tilespmem:s23+$0x40]  }
0x5b6: {  	v6 =	vld [tilespmem:s23+$0x50]  }
0x5b7: {  	[tilespmem:s23+$0xC070] =	vst.add.f32.msk $0xffff, v0  }
0x5b8: {  	v0 =	vld [tilespmem:s23+$0x60]  }
0x5b9: {  	[tilespmem:s23+$0xC000] =	vst.add.f32.msk $0xffff, v1  }
0x5ba: {  	[tilespmem:s23+$0xC010] =	vst.add.f32.msk $0xffff, v2  }
0x5bb: {  	[tilespmem:s23+$0xC020] =	vst.add.f32.msk $0xffff, v3  }
0x5bc: {  	[tilespmem:s23+$0xC030] =	vst.add.f32.msk $0xffff, v4  }
0x5bd: {  	[tilespmem:s23+$0xC040] =	vst.add.f32.msk $0xffff, v5  }
0x5be: {  	[tilespmem:s23+$0xC050] =	vst.add.f32.msk $0xffff, v6  }
0x5bf: {  	s25 =	simm.s32 $0x0;
	s26 =	simm.s32 $0x400;
	s10 =	sld [smem:$0x7E4]  }
.LBB2_166:
0x5c0: {  	s25 =	sadd.s32 $0x80, s25;
	[tilespmem:s23+$0xC060] =	vst.add.f32.msk $0xffff, v0;
	s23 =	sshra.s32 s26, $0x2  }
0x5c1: {  	v0 =	vld [tilespmem:s23+$0x70];
	p0 =	slt.u32 s25, $0x5F80  }
0x5c2: {  	v1 =	vld [tilespmem:s23+$0x0]  }
0x5c3: {  	v2 =	vld [tilespmem:s23+$0x10]  }
0x5c4: {  	v3 =	vld [tilespmem:s23+$0x20]  }
0x5c5: {  	v4 =	vld [tilespmem:s23+$0x30]  }
0x5c6: {  	[tilespmem:s23+$0xC070] =	vst.add.f32.msk $0xffff, v0  }
0x5c7: {  	v5 =	vld [tilespmem:s23+$0x40]  }
0x5c8: {  	v6 =	vld [tilespmem:s23+$0x50]  }
0x5c9: {  	v0 =	vld [tilespmem:s23+$0x60]  }
0x5ca: {  	[tilespmem:s23+$0xC000] =	vst.add.f32.msk $0xffff, v1  }
.Ltmp82:
0x5cb: {  	[tilespmem:s23+$0xC010] =	vst.add.f32.msk $0xffff, v2;
	(pc) =	sbr.rel @p0 .LBB2_166-.Ltmp82, $4  }
0x5cc: {  	[tilespmem:s23+$0xC020] =	vst.add.f32.msk $0xffff, v3  }
0x5cd: {  	[tilespmem:s23+$0xC030] =	vst.add.f32.msk $0xffff, v4  }
0x5ce: {  	[tilespmem:s23+$0xC040] =	vst.add.f32.msk $0xffff, v5  }
0x5cf: {  	s26 =	sadd.s32 $0x400, s26;
	[tilespmem:s23+$0xC050] =	vst.add.f32.msk $0xffff, v6  }
0x5d0: {  	s25 =	simm.s32 $0xC000  }
0x5d1: {  	[tilespmem:s23+$0xC060] =	vst.add.f32.msk $0xffff, v0;
	s23 =	simm.s32 $0x10;
	s29 =	sadd.s32 $0x0, s10;
	s26 =	simm.s32 $0xC100  }
.LBB2_168:
0x5d2: {  	[hbm4b:s29+s1] =	stream.linear.scatter [tilespmem:s25], [sflag:$0x3], $0x80, $0x38;
	[tilespmem:$0x18000] =	vst v63  }
0x5d3: {  	s29 =	smov.u32 s23;
	s25 =	smov.u32 s26;
	p0 =	sne.s32 s23, $0xBF0  }
.Ltmp83:
0x5d4: {  	s23 =	sadd.s32 $0x10, s23;
	(pc) =	sbr.rel @p0 .LBB2_168-.Ltmp83, $2  }
0x5d5: {  	_ =	sdelay $0x2  }
0x5d6: {  	s26 =	sadd.s32 $0x100, s26;
	s29 =	sadd.s32 s29, s10  }
0x5d7: {  	[hbm4b:s29+s1] =	stream.linear.scatter [tilespmem:s25], [sflag:$0x3], $0x80, $0x38;
	[tilespmem:$0x18000] =	vst v63  }
0x5d8: {  	s10 =	simm.s32 $0x2  }
0x5d9: {  	_ =	swait.ge [sflag:s10], $0x6000  }
0x5da: {  	[sflag:s10] =	ssyncset.done $0x0  }
0x5db: {  	s31 =	simm.s32 $0x3;
	[sflag:s10] =	ssyncadd.s32 $0xFFFFA000  }
0x5dc: {  	_ =	swait.ge [sflag:s31], $0x6000  }
0x5dd: {  	s23 =	simm.s32 $0x0;
	s25 =	simm.s32 $0xC000;
	[sflag:s31] =	ssyncset.done $0x0  }
0x5de: {  	s26 =	simm.s32 $0x0;
	s10 =	sld [smem:$0x7E7];
	[sflag:s31] =	ssyncadd.s32 $0xFFFFA000  }
.LBB2_170:
0x5df: {  	p0 =	sne.s32 s26, $0xBF0  }
.Ltmp84:
0x5e0: {  	_ = 	snop;
	(pc) =	sbr.rel @p0 .LBB2_170-.Ltmp84, $4  }
0x5e1: {  	_ = 	snop  }
0x5e2: {  	s29 =	sadd.s32 s26, s10  }
0x5e3: {  	[tilespmem:s25], [sflag:$0x1] =	stream.linear.gather [hbm4b:s29+s23], $0x80, $0x38;
	[tilespmem:$0x18000] =	vst v63  }
0x5e4: {  	s26 =	sadd.s32 $0x10, s26;
	s25 =	sadd.s32 $0x100, s25  }
0x5e5: {  	s23 =	simm.s32 $0x0  }
0x5e6: {  	v0 =	vld [tilespmem:s23+$0x70]  }
0x5e7: {  	v1 =	vld [tilespmem:s23+$0x0]  }
0x5e8: {  	v2 =	vld [tilespmem:s23+$0x10]  }
0x5e9: {  	v3 =	vld [tilespmem:s23+$0x20]  }
0x5ea: {  	v4 =	vld [tilespmem:s23+$0x30]  }
0x5eb: {  	v5 =	vld [tilespmem:s23+$0x40]  }
0x5ec: {  	v6 =	vld [tilespmem:s23+$0x50]  }
0x5ed: {  	[tilespmem:s23+$0xC0F0] =	vst.add.f32.msk $0xffff, v0  }
0x5ee: {  	v0 =	vld [tilespmem:s23+$0x60]  }
0x5ef: {  	[tilespmem:s23+$0xC080] =	vst.add.f32.msk $0xffff, v1  }
0x5f0: {  	[tilespmem:s23+$0xC090] =	vst.add.f32.msk $0xffff, v2  }
0x5f1: {  	[tilespmem:s23+$0xC0A0] =	vst.add.f32.msk $0xffff, v3  }
0x5f2: {  	[tilespmem:s23+$0xC0B0] =	vst.add.f32.msk $0xffff, v4  }
0x5f3: {  	[tilespmem:s23+$0xC0C0] =	vst.add.f32.msk $0xffff, v5  }
0x5f4: {  	[tilespmem:s23+$0xC0D0] =	vst.add.f32.msk $0xffff, v6  }
0x5f5: {  	s25 =	simm.s32 $0x0;
	s26 =	simm.s32 $0x400;
	s10 =	sld [smem:$0x7E6]  }
.LBB2_172:
0x5f6: {  	s25 =	sadd.s32 $0x80, s25;
	[tilespmem:s23+$0xC0E0] =	vst.add.f32.msk $0xffff, v0;
	s23 =	sshra.s32 s26, $0x2  }
0x5f7: {  	v0 =	vld [tilespmem:s23+$0x70];
	p0 =	slt.u32 s25, $0x5F80  }
0x5f8: {  	v1 =	vld [tilespmem:s23+$0x0]  }
0x5f9: {  	v2 =	vld [tilespmem:s23+$0x10]  }
0x5fa: {  	v3 =	vld [tilespmem:s23+$0x20]  }
0x5fb: {  	v4 =	vld [tilespmem:s23+$0x30]  }
0x5fc: {  	[tilespmem:s23+$0xC0F0] =	vst.add.f32.msk $0xffff, v0  }
0x5fd: {  	v5 =	vld [tilespmem:s23+$0x40]  }
0x5fe: {  	v6 =	vld [tilespmem:s23+$0x50]  }
0x5ff: {  	v0 =	vld [tilespmem:s23+$0x60]  }
0x600: {  	[tilespmem:s23+$0xC080] =	vst.add.f32.msk $0xffff, v1  }
.Ltmp85:
0x601: {  	[tilespmem:s23+$0xC090] =	vst.add.f32.msk $0xffff, v2;
	(pc) =	sbr.rel @p0 .LBB2_172-.Ltmp85, $4  }
0x602: {  	[tilespmem:s23+$0xC0A0] =	vst.add.f32.msk $0xffff, v3  }
0x603: {  	[tilespmem:s23+$0xC0B0] =	vst.add.f32.msk $0xffff, v4  }
0x604: {  	[tilespmem:s23+$0xC0C0] =	vst.add.f32.msk $0xffff, v5  }
0x605: {  	s26 =	sadd.s32 $0x400, s26;
	[tilespmem:s23+$0xC0D0] =	vst.add.f32.msk $0xffff, v6  }
0x606: {  	s25 =	simm.s32 $0xC080  }
0x607: {  	[tilespmem:s23+$0xC0E0] =	vst.add.f32.msk $0xffff, v0;
	s23 =	simm.s32 $0x10;
	s29 =	sadd.s32 $0x0, s10;
	s26 =	simm.s32 $0xC180  }
.LBB2_174:
0x608: {  	[hbm4b:s29+s1] =	stream.linear.scatter [tilespmem:s25], [sflag:$0x4], $0x80, $0x38;
	[tilespmem:$0x18000] =	vst v63  }
0x609: {  	s29 =	smov.u32 s23;
	s25 =	smov.u32 s26;
	p0 =	sne.s32 s23, $0xBF0  }
.Ltmp86:
0x60a: {  	s23 =	sadd.s32 $0x10, s23;
	(pc) =	sbr.rel @p0 .LBB2_174-.Ltmp86, $2  }
0x60b: {  	_ =	sdelay $0x2  }
0x60c: {  	s26 =	sadd.s32 $0x100, s26;
	s29 =	sadd.s32 s29, s10  }
0x60d: {  	[hbm4b:s29+s1] =	stream.linear.scatter [tilespmem:s25], [sflag:$0x4], $0x80, $0x38;
	[tilespmem:$0x18000] =	vst v63  }
0x60e: {  	_ =	swait.ge [sflag:s14], $0x6000  }
0x60f: {  	[sflag:s14] =	ssyncset.done $0x0  }
0x610: {  	s10 =	simm.s32 $0x4;
	[sflag:s14] =	ssyncadd.s32 $0xFFFFA000  }
0x611: {  	_ =	swait.ge [sflag:s10], $0x6000  }
0x612: {  	s23 =	simm.s32 $0x0;
	s25 =	simm.s32 $0xC080;
	[sflag:s10] =	ssyncset.done $0x0  }
0x613: {  	s26 =	simm.s32 $0x0;
	[sflag:s10] =	ssyncadd.s32 $0xFFFFA000;
	s10 =	sld [smem:$0x7E9]  }
.LBB2_176:
0x614: {  	p0 =	sne.s32 s26, $0xBF0  }
.Ltmp87:
0x615: {  	_ = 	snop;
	(pc) =	sbr.rel @p0 .LBB2_176-.Ltmp87, $4  }
0x616: {  	_ = 	snop  }
0x617: {  	s29 =	sadd.s32 s26, s10  }
0x618: {  	[tilespmem:s25], [sflag:$0x2] =	stream.linear.gather [hbm4b:s29+s23], $0x80, $0x38;
	[tilespmem:$0x18000] =	vst v63  }
0x619: {  	s26 =	sadd.s32 $0x10, s26;
	s25 =	sadd.s32 $0x100, s25  }
0x61a: {  	s23 =	simm.s32 $0x0  }
0x61b: {  	v0 =	vld [tilespmem:s23+$0x70]  }
0x61c: {  	v1 =	vld [tilespmem:s23+$0x0]  }
0x61d: {  	v2 =	vld [tilespmem:s23+$0x10]  }
0x61e: {  	v3 =	vld [tilespmem:s23+$0x20]  }
0x61f: {  	v4 =	vld [tilespmem:s23+$0x30]  }
0x620: {  	v5 =	vld [tilespmem:s23+$0x40]  }
0x621: {  	v6 =	vld [tilespmem:s23+$0x50]  }
0x622: {  	[tilespmem:s23+$0xC070] =	vst.add.f32.msk $0xffff, v0  }
0x623: {  	v0 =	vld [tilespmem:s23+$0x60]  }
0x624: {  	[tilespmem:s23+$0xC000] =	vst.add.f32.msk $0xffff, v1  }
0x625: {  	[tilespmem:s23+$0xC010] =	vst.add.f32.msk $0xffff, v2  }
0x626: {  	[tilespmem:s23+$0xC020] =	vst.add.f32.msk $0xffff, v3  }
0x627: {  	[tilespmem:s23+$0xC030] =	vst.add.f32.msk $0xffff, v4  }
0x628: {  	[tilespmem:s23+$0xC040] =	vst.add.f32.msk $0xffff, v5  }
0x629: {  	[tilespmem:s23+$0xC050] =	vst.add.f32.msk $0xffff, v6  }
0x62a: {  	s25 =	simm.s32 $0x0;
	s26 =	simm.s32 $0x400;
	s10 =	sld [smem:$0x7E8]  }
.LBB2_178:
0x62b: {  	s25 =	sadd.s32 $0x80, s25;
	[tilespmem:s23+$0xC060] =	vst.add.f32.msk $0xffff, v0;
	s23 =	sshra.s32 s26, $0x2  }
0x62c: {  	v0 =	vld [tilespmem:s23+$0x70];
	p0 =	slt.u32 s25, $0x5F80  }
0x62d: {  	v1 =	vld [tilespmem:s23+$0x0]  }
0x62e: {  	v2 =	vld [tilespmem:s23+$0x10]  }
0x62f: {  	v3 =	vld [tilespmem:s23+$0x20]  }
0x630: {  	v4 =	vld [tilespmem:s23+$0x30]  }
0x631: {  	[tilespmem:s23+$0xC070] =	vst.add.f32.msk $0xffff, v0  }
0x632: {  	v5 =	vld [tilespmem:s23+$0x40]  }
0x633: {  	v6 =	vld [tilespmem:s23+$0x50]  }
0x634: {  	v0 =	vld [tilespmem:s23+$0x60]  }
0x635: {  	[tilespmem:s23+$0xC000] =	vst.add.f32.msk $0xffff, v1  }
.Ltmp88:
0x636: {  	[tilespmem:s23+$0xC010] =	vst.add.f32.msk $0xffff, v2;
	(pc) =	sbr.rel @p0 .LBB2_178-.Ltmp88, $4  }
0x637: {  	[tilespmem:s23+$0xC020] =	vst.add.f32.msk $0xffff, v3  }
0x638: {  	[tilespmem:s23+$0xC030] =	vst.add.f32.msk $0xffff, v4  }
0x639: {  	[tilespmem:s23+$0xC040] =	vst.add.f32.msk $0xffff, v5  }
0x63a: {  	s26 =	sadd.s32 $0x400, s26;
	[tilespmem:s23+$0xC050] =	vst.add.f32.msk $0xffff, v6  }
0x63b: {  	s25 =	simm.s32 $0xC000  }
0x63c: {  	[tilespmem:s23+$0xC060] =	vst.add.f32.msk $0xffff, v0;
	s23 =	simm.s32 $0x10;
	s29 =	sadd.s32 $0x0, s10;
	s26 =	simm.s32 $0xC100  }
.LBB2_180:
0x63d: {  	[hbm4b:s29+s1] =	stream.linear.scatter [tilespmem:s25], [sflag:$0x3], $0x80, $0x38;
	[tilespmem:$0x18000] =	vst v63  }
0x63e: {  	s29 =	smov.u32 s23;
	s25 =	smov.u32 s26;
	p0 =	sne.s32 s23, $0xBF0  }
.Ltmp89:
0x63f: {  	s23 =	sadd.s32 $0x10, s23;
	(pc) =	sbr.rel @p0 .LBB2_180-.Ltmp89, $2  }
0x640: {  	_ =	sdelay $0x2  }
0x641: {  	s26 =	sadd.s32 $0x100, s26;
	s29 =	sadd.s32 s29, s10  }
0x642: {  	[hbm4b:s29+s1] =	stream.linear.scatter [tilespmem:s25], [sflag:$0x3], $0x80, $0x38;
	[tilespmem:$0x18000] =	vst v63  }
0x643: {  	s10 =	simm.s32 $0x2  }
0x644: {  	_ =	swait.ge [sflag:s10], $0x6000  }
0x645: {  	[sflag:s10] =	ssyncset.done $0x0  }
0x646: {  	s31 =	simm.s32 $0x3;
	[sflag:s10] =	ssyncadd.s32 $0xFFFFA000  }
0x647: {  	_ =	swait.ge [sflag:s31], $0x6000  }
0x648: {  	s23 =	simm.s32 $0x0;
	s25 =	simm.s32 $0xC000;
	[sflag:s31] =	ssyncset.done $0x0  }
0x649: {  	s26 =	simm.s32 $0x0;
	s10 =	sld [smem:$0x7EA];
	[sflag:s31] =	ssyncadd.s32 $0xFFFFA000  }
.LBB2_182:
0x64a: {  	p0 =	sne.s32 s26, $0xBF0  }
.Ltmp90:
0x64b: {  	_ = 	snop;
	(pc) =	sbr.rel @p0 .LBB2_182-.Ltmp90, $4  }
0x64c: {  	_ = 	snop  }
0x64d: {  	s29 =	sadd.s32 s26, s10  }
0x64e: {  	[tilespmem:s25], [sflag:$0x1] =	stream.linear.gather [hbm4b:s29+s23], $0x80, $0x38;
	[tilespmem:$0x18000] =	vst v63  }
0x64f: {  	s26 =	sadd.s32 $0x10, s26;
	s25 =	sadd.s32 $0x100, s25  }
0x650: {  	s23 =	simm.s32 $0x0  }
0x651: {  	v0 =	vld [tilespmem:s23+$0x70]  }
0x652: {  	v1 =	vld [tilespmem:s23+$0x0]  }
0x653: {  	v2 =	vld [tilespmem:s23+$0x10]  }
0x654: {  	v3 =	vld [tilespmem:s23+$0x20]  }
0x655: {  	v4 =	vld [tilespmem:s23+$0x30]  }
0x656: {  	v5 =	vld [tilespmem:s23+$0x40]  }
0x657: {  	v6 =	vld [tilespmem:s23+$0x50]  }
0x658: {  	[tilespmem:s23+$0xC0F0] =	vst.add.f32.msk $0xffff, v0  }
0x659: {  	v0 =	vld [tilespmem:s23+$0x60]  }
0x65a: {  	[tilespmem:s23+$0xC080] =	vst.add.f32.msk $0xffff, v1  }
0x65b: {  	[tilespmem:s23+$0xC090] =	vst.add.f32.msk $0xffff, v2  }
0x65c: {  	[tilespmem:s23+$0xC0A0] =	vst.add.f32.msk $0xffff, v3  }
0x65d: {  	[tilespmem:s23+$0xC0B0] =	vst.add.f32.msk $0xffff, v4  }
0x65e: {  	[tilespmem:s23+$0xC0C0] =	vst.add.f32.msk $0xffff, v5  }
0x65f: {  	[tilespmem:s23+$0xC0D0] =	vst.add.f32.msk $0xffff, v6  }
0x660: {  	s25 =	simm.s32 $0x0;
	s26 =	simm.s32 $0x400;
	s10 =	sld [smem:$0x7FC]  }
.LBB2_184:
0x661: {  	s25 =	sadd.s32 $0x80, s25;
	[tilespmem:s23+$0xC0E0] =	vst.add.f32.msk $0xffff, v0;
	s23 =	sshra.s32 s26, $0x2  }
0x662: {  	v0 =	vld [tilespmem:s23+$0x70];
	p0 =	slt.u32 s25, $0x5F80  }
0x663: {  	v1 =	vld [tilespmem:s23+$0x0]  }
0x664: {  	v2 =	vld [tilespmem:s23+$0x10]  }
0x665: {  	v3 =	vld [tilespmem:s23+$0x20]  }
0x666: {  	v4 =	vld [tilespmem:s23+$0x30]  }
0x667: {  	[tilespmem:s23+$0xC0F0] =	vst.add.f32.msk $0xffff, v0  }
0x668: {  	v5 =	vld [tilespmem:s23+$0x40]  }
0x669: {  	v6 =	vld [tilespmem:s23+$0x50]  }
0x66a: {  	v0 =	vld [tilespmem:s23+$0x60]  }
0x66b: {  	[tilespmem:s23+$0xC080] =	vst.add.f32.msk $0xffff, v1  }
.Ltmp91:
0x66c: {  	[tilespmem:s23+$0xC090] =	vst.add.f32.msk $0xffff, v2;
	(pc) =	sbr.rel @p0 .LBB2_184-.Ltmp91, $4  }
0x66d: {  	[tilespmem:s23+$0xC0A0] =	vst.add.f32.msk $0xffff, v3  }
0x66e: {  	[tilespmem:s23+$0xC0B0] =	vst.add.f32.msk $0xffff, v4  }
0x66f: {  	[tilespmem:s23+$0xC0C0] =	vst.add.f32.msk $0xffff, v5  }
0x670: {  	s26 =	sadd.s32 $0x400, s26;
	[tilespmem:s23+$0xC0D0] =	vst.add.f32.msk $0xffff, v6  }
0x671: {  	s25 =	simm.s32 $0xC080  }
0x672: {  	[tilespmem:s23+$0xC0E0] =	vst.add.f32.msk $0xffff, v0;
	s23 =	simm.s32 $0x10;
	s29 =	sadd.s32 $0x0, s10;
	s26 =	simm.s32 $0xC180  }
.LBB2_186:
0x673: {  	[hbm4b:s29+s1] =	stream.linear.scatter [tilespmem:s25], [sflag:$0x4], $0x80, $0x38;
	[tilespmem:$0x18000] =	vst v63  }
0x674: {  	s29 =	smov.u32 s23;
	s25 =	smov.u32 s26;
	p0 =	sne.s32 s23, $0xBF0  }
.Ltmp92:
0x675: {  	s23 =	sadd.s32 $0x10, s23;
	(pc) =	sbr.rel @p0 .LBB2_186-.Ltmp92, $2  }
0x676: {  	_ =	sdelay $0x2  }
0x677: {  	s26 =	sadd.s32 $0x100, s26;
	s29 =	sadd.s32 s29, s10  }
0x678: {  	[hbm4b:s29+s1] =	stream.linear.scatter [tilespmem:s25], [sflag:$0x4], $0x80, $0x38;
	[tilespmem:$0x18000] =	vst v63  }
0x679: {  	_ =	swait.ge [sflag:s14], $0x6000  }
0x67a: {  	[sflag:s14] =	ssyncset.done $0x0  }
0x67b: {  	s30 =	simm.s32 $0x6;
	[sflag:s14] =	ssyncadd.s32 $0xFFFFA000  }
0x67c: {  	_ =	swait.ge [sflag:s30], $0x6000  }
0x67d: {  	[sflag:s30] =	ssyncset.done $0x0  }
0x67e: {  	s31 =	simm.s32 $0x4;
	[sflag:s30] =	ssyncadd.s32 $0xFFFFA000  }
0x67f: {  	_ =	swait.ge [sflag:s31], $0x6000  }
0x680: {  	s23 =	simm.s32 $0x0;
	s25 =	simm.s32 $0xC080;
	[sflag:s31] =	ssyncset.done $0x0  }
0x681: {  	s26 =	simm.s32 $0x0;
	s14 =	sld [smem:$0x7EC];
	[sflag:s31] =	ssyncadd.s32 $0xFFFFA000  }
.LBB2_188:
0x682: {  	p0 =	sne.s32 s26, $0xBF0  }
.Ltmp93:
0x683: {  	_ = 	snop;
	(pc) =	sbr.rel @p0 .LBB2_188-.Ltmp93, $4  }
0x684: {  	_ = 	snop  }
0x685: {  	s29 =	sadd.s32 s26, s14  }
0x686: {  	[tilespmem:s25], [sflag:$0x2] =	stream.linear.gather [hbm4b:s29+s23], $0x80, $0x38;
	[tilespmem:$0x18000] =	vst v63  }
0x687: {  	s26 =	sadd.s32 $0x10, s26;
	s25 =	sadd.s32 $0x100, s25  }
0x688: {  	s23 =	simm.s32 $0x0  }
0x689: {  	v0 =	vld [tilespmem:s23+$0xF0]  }
0x68a: {  	v1 =	vld [tilespmem:s23+$0x80]  }
0x68b: {  	v2 =	vld [tilespmem:s23+$0x90]  }
0x68c: {  	v3 =	vld [tilespmem:s23+$0xA0]  }
0x68d: {  	v4 =	vld [tilespmem:s23+$0xB0]  }
0x68e: {  	v5 =	vld [tilespmem:s23+$0xC0]  }
0x68f: {  	v6 =	vld [tilespmem:s23+$0xD0]  }
0x690: {  	[tilespmem:s23+$0xC070] =	vst.add.f32.msk $0xffff, v0  }
0x691: {  	v0 =	vld [tilespmem:s23+$0xE0]  }
0x692: {  	[tilespmem:s23+$0xC000] =	vst.add.f32.msk $0xffff, v1  }
0x693: {  	[tilespmem:s23+$0xC010] =	vst.add.f32.msk $0xffff, v2  }
0x694: {  	[tilespmem:s23+$0xC020] =	vst.add.f32.msk $0xffff, v3  }
0x695: {  	[tilespmem:s23+$0xC030] =	vst.add.f32.msk $0xffff, v4  }
0x696: {  	[tilespmem:s23+$0xC040] =	vst.add.f32.msk $0xffff, v5  }
0x697: {  	s25 =	simm.s32 $0x0;
	s26 =	simm.s32 $0x400;
	[tilespmem:s23+$0xC050] =	vst.add.f32.msk $0xffff, v6  }
.LBB2_190:
0x698: {  	s25 =	sadd.s32 $0x80, s25;
	[tilespmem:s23+$0xC060] =	vst.add.f32.msk $0xffff, v0;
	s23 =	sshra.s32 s26, $0x2  }
0x699: {  	v0 =	vld [tilespmem:s23+$0xF0];
	p0 =	slt.u32 s25, $0x5F80  }
0x69a: {  	v1 =	vld [tilespmem:s23+$0x80]  }
0x69b: {  	v2 =	vld [tilespmem:s23+$0x90]  }
0x69c: {  	v3 =	vld [tilespmem:s23+$0xA0]  }
0x69d: {  	v4 =	vld [tilespmem:s23+$0xB0]  }
0x69e: {  	[tilespmem:s23+$0xC070] =	vst.add.f32.msk $0xffff, v0  }
0x69f: {  	v5 =	vld [tilespmem:s23+$0xC0]  }
0x6a0: {  	v6 =	vld [tilespmem:s23+$0xD0]  }
0x6a1: {  	v0 =	vld [tilespmem:s23+$0xE0]  }
0x6a2: {  	[tilespmem:s23+$0xC000] =	vst.add.f32.msk $0xffff, v1  }
.Ltmp94:
0x6a3: {  	[tilespmem:s23+$0xC010] =	vst.add.f32.msk $0xffff, v2;
	(pc) =	sbr.rel @p0 .LBB2_190-.Ltmp94, $4  }
0x6a4: {  	[tilespmem:s23+$0xC020] =	vst.add.f32.msk $0xffff, v3  }
0x6a5: {  	[tilespmem:s23+$0xC030] =	vst.add.f32.msk $0xffff, v4  }
0x6a6: {  	[tilespmem:s23+$0xC040] =	vst.add.f32.msk $0xffff, v5  }
0x6a7: {  	s26 =	sadd.s32 $0x400, s26;
	[tilespmem:s23+$0xC050] =	vst.add.f32.msk $0xffff, v6  }
0x6a8: {  	s25 =	simm.s32 $0xC000  }
0x6a9: {  	[tilespmem:s23+$0xC060] =	vst.add.f32.msk $0xffff, v0;
	s23 =	simm.s32 $0x10;
	s29 =	sadd.s32 $0x0, s12;
	s26 =	simm.s32 $0xC100  }
.LBB2_192:
0x6aa: {  	[hbm4b:s29+s1] =	stream.linear.scatter [tilespmem:s25], [sflag:$0x3], $0x80, $0x38;
	[tilespmem:$0x18000] =	vst v63  }
0x6ab: {  	s29 =	smov.u32 s23;
	s25 =	smov.u32 s26;
	p0 =	sne.s32 s23, $0xBF0  }
.Ltmp95:
0x6ac: {  	s23 =	sadd.s32 $0x10, s23;
	(pc) =	sbr.rel @p0 .LBB2_192-.Ltmp95, $2  }
0x6ad: {  	_ =	sdelay $0x2  }
0x6ae: {  	s26 =	sadd.s32 $0x100, s26;
	s29 =	sadd.s32 s29, s12  }
0x6af: {  	[hbm4b:s29+s1] =	stream.linear.scatter [tilespmem:s25], [sflag:$0x3], $0x80, $0x38;
	[tilespmem:$0x18000] =	vst v63  }
0x6b0: {  	s23 =	simm.s32 $0x2  }
0x6b1: {  	_ =	swait.ge [sflag:s23], $0x6000  }
0x6b2: {  	[sflag:s23] =	ssyncset.done $0x0  }
0x6b3: {  	s31 =	simm.s32 $0x3;
	[sflag:s23] =	ssyncadd.s32 $0xFFFFA000  }
0x6b4: {  	_ =	swait.ge [sflag:s31], $0x6000  }
0x6b5: {  	s25 =	simm.s32 $0xC000;
	s26 =	simm.s32 $0x0;
	[sflag:s31] =	ssyncset.done $0x0  }
0x6b6: {  	s23 =	simm.s32 $0x0;
	s14 =	sld [smem:$0x7ED];
	[sflag:s31] =	ssyncadd.s32 $0xFFFFA000  }
.LBB2_194:
0x6b7: {  	p0 =	sne.s32 s26, $0xBF0  }
.Ltmp96:
0x6b8: {  	_ = 	snop;
	(pc) =	sbr.rel @p0 .LBB2_194-.Ltmp96, $4  }
0x6b9: {  	_ = 	snop  }
0x6ba: {  	s29 =	sadd.s32 s26, s14  }
0x6bb: {  	[tilespmem:s25], [sflag:$0x1] =	stream.linear.gather [hbm4b:s29+s23], $0x80, $0x38;
	[tilespmem:$0x18000] =	vst v63  }
0x6bc: {  	s26 =	sadd.s32 $0x10, s26;
	s25 =	sadd.s32 $0x100, s25  }
0x6bd: {  	s23 =	simm.s32 $0x0  }
0x6be: {  	v0 =	vld [tilespmem:s23+$0xF0]  }
0x6bf: {  	v1 =	vld [tilespmem:s23+$0x80]  }
0x6c0: {  	v2 =	vld [tilespmem:s23+$0x90]  }
0x6c1: {  	v3 =	vld [tilespmem:s23+$0xA0]  }
0x6c2: {  	v4 =	vld [tilespmem:s23+$0xB0]  }
0x6c3: {  	v5 =	vld [tilespmem:s23+$0xC0]  }
0x6c4: {  	v6 =	vld [tilespmem:s23+$0xD0]  }
0x6c5: {  	[tilespmem:s23+$0xC0F0] =	vst.add.f32.msk $0xffff, v0  }
0x6c6: {  	v0 =	vld [tilespmem:s23+$0xE0]  }
0x6c7: {  	[tilespmem:s23+$0xC080] =	vst.add.f32.msk $0xffff, v1  }
0x6c8: {  	[tilespmem:s23+$0xC090] =	vst.add.f32.msk $0xffff, v2  }
0x6c9: {  	[tilespmem:s23+$0xC0A0] =	vst.add.f32.msk $0xffff, v3  }
0x6ca: {  	[tilespmem:s23+$0xC0B0] =	vst.add.f32.msk $0xffff, v4  }
0x6cb: {  	[tilespmem:s23+$0xC0C0] =	vst.add.f32.msk $0xffff, v5  }
0x6cc: {  	s25 =	simm.s32 $0x0;
	s26 =	simm.s32 $0x400;
	[tilespmem:s23+$0xC0D0] =	vst.add.f32.msk $0xffff, v6  }
.LBB2_196:
0x6cd: {  	s25 =	sadd.s32 $0x80, s25;
	[tilespmem:s23+$0xC0E0] =	vst.add.f32.msk $0xffff, v0;
	s23 =	sshra.s32 s26, $0x2  }
0x6ce: {  	v0 =	vld [tilespmem:s23+$0xF0];
	p0 =	slt.u32 s25, $0x5F80  }
0x6cf: {  	v1 =	vld [tilespmem:s23+$0x80]  }
0x6d0: {  	v2 =	vld [tilespmem:s23+$0x90]  }
0x6d1: {  	v3 =	vld [tilespmem:s23+$0xA0]  }
0x6d2: {  	v4 =	vld [tilespmem:s23+$0xB0]  }
0x6d3: {  	[tilespmem:s23+$0xC0F0] =	vst.add.f32.msk $0xffff, v0  }
0x6d4: {  	v5 =	vld [tilespmem:s23+$0xC0]  }
0x6d5: {  	v6 =	vld [tilespmem:s23+$0xD0]  }
0x6d6: {  	v0 =	vld [tilespmem:s23+$0xE0]  }
0x6d7: {  	[tilespmem:s23+$0xC080] =	vst.add.f32.msk $0xffff, v1  }
.Ltmp97:
0x6d8: {  	[tilespmem:s23+$0xC090] =	vst.add.f32.msk $0xffff, v2;
	(pc) =	sbr.rel @p0 .LBB2_196-.Ltmp97, $4  }
0x6d9: {  	[tilespmem:s23+$0xC0A0] =	vst.add.f32.msk $0xffff, v3  }
0x6da: {  	[tilespmem:s23+$0xC0B0] =	vst.add.f32.msk $0xffff, v4  }
0x6db: {  	[tilespmem:s23+$0xC0C0] =	vst.add.f32.msk $0xffff, v5  }
0x6dc: {  	s26 =	sadd.s32 $0x400, s26;
	[tilespmem:s23+$0xC0D0] =	vst.add.f32.msk $0xffff, v6  }
0x6dd: {  	s25 =	simm.s32 $0xC080  }
0x6de: {  	[tilespmem:s23+$0xC0E0] =	vst.add.f32.msk $0xffff, v0;
	s23 =	simm.s32 $0x10;
	s29 =	sadd.s32 $0x0, s18;
	s26 =	simm.s32 $0xC180  }
.LBB2_198:
0x6df: {  	[hbm4b:s29+s1] =	stream.linear.scatter [tilespmem:s25], [sflag:$0x4], $0x80, $0x38;
	[tilespmem:$0x18000] =	vst v63  }
0x6e0: {  	s29 =	smov.u32 s23;
	s25 =	smov.u32 s26;
	p0 =	sne.s32 s23, $0xBF0  }
.Ltmp98:
0x6e1: {  	s23 =	sadd.s32 $0x10, s23;
	(pc) =	sbr.rel @p0 .LBB2_198-.Ltmp98, $2  }
0x6e2: {  	_ =	sdelay $0x2  }
0x6e3: {  	s26 =	sadd.s32 $0x100, s26;
	s29 =	sadd.s32 s29, s18  }
0x6e4: {  	[hbm4b:s29+s1] =	stream.linear.scatter [tilespmem:s25], [sflag:$0x4], $0x80, $0x38;
	[tilespmem:$0x18000] =	vst v63  }
0x6e5: {  	s14 =	simm.s32 $0x1  }
0x6e6: {  	_ =	swait.ge [sflag:s14], $0x6000  }
0x6e7: {  	[sflag:s14] =	ssyncset.done $0x0  }
0x6e8: {  	s31 =	simm.s32 $0x4;
	[sflag:s14] =	ssyncadd.s32 $0xFFFFA000  }
0x6e9: {  	_ =	swait.ge [sflag:s31], $0x6000  }
0x6ea: {  	s23 =	simm.s32 $0x0;
	s25 =	simm.s32 $0xC080;
	[sflag:s31] =	ssyncset.done $0x0  }
0x6eb: {  	s26 =	simm.s32 $0x0;
	s14 =	sld [smem:$0x7EE];
	[sflag:s31] =	ssyncadd.s32 $0xFFFFA000  }
.LBB2_200:
0x6ec: {  	p0 =	sne.s32 s26, $0xBF0  }
.Ltmp99:
0x6ed: {  	_ = 	snop;
	(pc) =	sbr.rel @p0 .LBB2_200-.Ltmp99, $4  }
0x6ee: {  	_ = 	snop  }
0x6ef: {  	s29 =	sadd.s32 s26, s14  }
0x6f0: {  	[tilespmem:s25], [sflag:$0x2] =	stream.linear.gather [hbm4b:s29+s23], $0x80, $0x38;
	[tilespmem:$0x18000] =	vst v63  }
0x6f1: {  	s26 =	sadd.s32 $0x10, s26;
	s25 =	sadd.s32 $0x100, s25  }
0x6f2: {  	s23 =	simm.s32 $0x0  }
0x6f3: {  	v0 =	vld [tilespmem:s23+$0xF0]  }
0x6f4: {  	v1 =	vld [tilespmem:s23+$0x80]  }
0x6f5: {  	v2 =	vld [tilespmem:s23+$0x90]  }
0x6f6: {  	v3 =	vld [tilespmem:s23+$0xA0]  }
0x6f7: {  	v4 =	vld [tilespmem:s23+$0xB0]  }
0x6f8: {  	v5 =	vld [tilespmem:s23+$0xC0]  }
0x6f9: {  	v6 =	vld [tilespmem:s23+$0xD0]  }
0x6fa: {  	[tilespmem:s23+$0xC070] =	vst.add.f32.msk $0xffff, v0  }
0x6fb: {  	v0 =	vld [tilespmem:s23+$0xE0]  }
0x6fc: {  	[tilespmem:s23+$0xC000] =	vst.add.f32.msk $0xffff, v1  }
0x6fd: {  	[tilespmem:s23+$0xC010] =	vst.add.f32.msk $0xffff, v2  }
0x6fe: {  	[tilespmem:s23+$0xC020] =	vst.add.f32.msk $0xffff, v3  }
0x6ff: {  	[tilespmem:s23+$0xC030] =	vst.add.f32.msk $0xffff, v4  }
0x700: {  	[tilespmem:s23+$0xC040] =	vst.add.f32.msk $0xffff, v5  }
0x701: {  	s25 =	simm.s32 $0x0;
	s26 =	simm.s32 $0x400;
	[tilespmem:s23+$0xC050] =	vst.add.f32.msk $0xffff, v6  }
.LBB2_202:
0x702: {  	s25 =	sadd.s32 $0x80, s25;
	[tilespmem:s23+$0xC060] =	vst.add.f32.msk $0xffff, v0;
	s23 =	sshra.s32 s26, $0x2  }
0x703: {  	v0 =	vld [tilespmem:s23+$0xF0];
	p0 =	slt.u32 s25, $0x5F80  }
0x704: {  	v1 =	vld [tilespmem:s23+$0x80]  }
0x705: {  	v2 =	vld [tilespmem:s23+$0x90]  }
0x706: {  	v3 =	vld [tilespmem:s23+$0xA0]  }
0x707: {  	v4 =	vld [tilespmem:s23+$0xB0]  }
0x708: {  	[tilespmem:s23+$0xC070] =	vst.add.f32.msk $0xffff, v0  }
0x709: {  	v5 =	vld [tilespmem:s23+$0xC0]  }
0x70a: {  	v6 =	vld [tilespmem:s23+$0xD0]  }
0x70b: {  	v0 =	vld [tilespmem:s23+$0xE0]  }
0x70c: {  	[tilespmem:s23+$0xC000] =	vst.add.f32.msk $0xffff, v1  }
.Ltmp100:
0x70d: {  	[tilespmem:s23+$0xC010] =	vst.add.f32.msk $0xffff, v2;
	(pc) =	sbr.rel @p0 .LBB2_202-.Ltmp100, $4  }
0x70e: {  	[tilespmem:s23+$0xC020] =	vst.add.f32.msk $0xffff, v3  }
0x70f: {  	[tilespmem:s23+$0xC030] =	vst.add.f32.msk $0xffff, v4  }
0x710: {  	[tilespmem:s23+$0xC040] =	vst.add.f32.msk $0xffff, v5  }
0x711: {  	s26 =	sadd.s32 $0x400, s26;
	[tilespmem:s23+$0xC050] =	vst.add.f32.msk $0xffff, v6  }
0x712: {  	s25 =	simm.s32 $0xC000  }
0x713: {  	[tilespmem:s23+$0xC060] =	vst.add.f32.msk $0xffff, v0;
	s23 =	simm.s32 $0x10;
	s29 =	sadd.s32 $0x0, s19;
	s26 =	simm.s32 $0xC100  }
.LBB2_204:
0x714: {  	[hbm4b:s29+s1] =	stream.linear.scatter [tilespmem:s25], [sflag:$0x3], $0x80, $0x38;
	[tilespmem:$0x18000] =	vst v63  }
0x715: {  	s29 =	smov.u32 s23;
	s25 =	smov.u32 s26;
	p0 =	sne.s32 s23, $0xBF0  }
.Ltmp101:
0x716: {  	s23 =	sadd.s32 $0x10, s23;
	(pc) =	sbr.rel @p0 .LBB2_204-.Ltmp101, $2  }
0x717: {  	_ =	sdelay $0x2  }
0x718: {  	s26 =	sadd.s32 $0x100, s26;
	s29 =	sadd.s32 s29, s19  }
0x719: {  	[hbm4b:s29+s1] =	stream.linear.scatter [tilespmem:s25], [sflag:$0x3], $0x80, $0x38;
	[tilespmem:$0x18000] =	vst v63  }
0x71a: {  	s14 =	simm.s32 $0x2  }
0x71b: {  	_ =	swait.ge [sflag:s14], $0x6000  }
0x71c: {  	[sflag:s14] =	ssyncset.done $0x0  }
0x71d: {  	s23 =	simm.s32 $0x0;
	[sflag:s14] =	ssyncadd.s32 $0xFFFFA000  }
0x71e: {  	v0 =	vld [tilespmem:s23+$0xF0]  }
0x71f: {  	v1 =	vld [tilespmem:s23+$0x80]  }
0x720: {  	v2 =	vld [tilespmem:s23+$0x90]  }
0x721: {  	v3 =	vld [tilespmem:s23+$0xA0]  }
0x722: {  	v4 =	vld [tilespmem:s23+$0xB0]  }
0x723: {  	v5 =	vld [tilespmem:s23+$0xC0]  }
0x724: {  	v6 =	vld [tilespmem:s23+$0xD0]  }
0x725: {  	[tilespmem:s23+$0xC0F0] =	vst.add.f32.msk $0xffff, v0  }
0x726: {  	v0 =	vld [tilespmem:s23+$0xE0]  }
0x727: {  	[tilespmem:s23+$0xC080] =	vst.add.f32.msk $0xffff, v1  }
0x728: {  	[tilespmem:s23+$0xC090] =	vst.add.f32.msk $0xffff, v2  }
0x729: {  	[tilespmem:s23+$0xC0A0] =	vst.add.f32.msk $0xffff, v3  }
0x72a: {  	[tilespmem:s23+$0xC0B0] =	vst.add.f32.msk $0xffff, v4  }
0x72b: {  	[tilespmem:s23+$0xC0C0] =	vst.add.f32.msk $0xffff, v5  }
0x72c: {  	s25 =	simm.s32 $0x0;
	s26 =	simm.s32 $0x400;
	[tilespmem:s23+$0xC0D0] =	vst.add.f32.msk $0xffff, v6  }
.LBB2_206:
0x72d: {  	s25 =	sadd.s32 $0x80, s25;
	[tilespmem:s23+$0xC0E0] =	vst.add.f32.msk $0xffff, v0;
	s23 =	sshra.s32 s26, $0x2  }
0x72e: {  	v0 =	vld [tilespmem:s23+$0xF0];
	p0 =	slt.u32 s25, $0x5F80  }
0x72f: {  	v1 =	vld [tilespmem:s23+$0x80]  }
0x730: {  	v2 =	vld [tilespmem:s23+$0x90]  }
0x731: {  	v3 =	vld [tilespmem:s23+$0xA0]  }
0x732: {  	v4 =	vld [tilespmem:s23+$0xB0]  }
0x733: {  	[tilespmem:s23+$0xC0F0] =	vst.add.f32.msk $0xffff, v0  }
0x734: {  	v5 =	vld [tilespmem:s23+$0xC0]  }
0x735: {  	v6 =	vld [tilespmem:s23+$0xD0]  }
0x736: {  	v0 =	vld [tilespmem:s23+$0xE0]  }
0x737: {  	[tilespmem:s23+$0xC080] =	vst.add.f32.msk $0xffff, v1  }
.Ltmp102:
0x738: {  	[tilespmem:s23+$0xC090] =	vst.add.f32.msk $0xffff, v2;
	(pc) =	sbr.rel @p0 .LBB2_206-.Ltmp102, $4  }
0x739: {  	[tilespmem:s23+$0xC0A0] =	vst.add.f32.msk $0xffff, v3  }
0x73a: {  	[tilespmem:s23+$0xC0B0] =	vst.add.f32.msk $0xffff, v4  }
0x73b: {  	[tilespmem:s23+$0xC0C0] =	vst.add.f32.msk $0xffff, v5  }
0x73c: {  	s26 =	sadd.s32 $0x400, s26;
	[tilespmem:s23+$0xC0D0] =	vst.add.f32.msk $0xffff, v6  }
0x73d: {  	s25 =	simm.s32 $0xC080  }
0x73e: {  	[tilespmem:s23+$0xC0E0] =	vst.add.f32.msk $0xffff, v0;
	s23 =	simm.s32 $0x10;
	s29 =	sadd.s32 $0x0, s21;
	s26 =	simm.s32 $0xC180  }
.LBB2_208:
0x73f: {  	[hbm4b:s29+s1] =	stream.linear.scatter [tilespmem:s25], [sflag:$0x4], $0x80, $0x38;
	[tilespmem:$0x18000] =	vst v63  }
0x740: {  	s29 =	smov.u32 s23;
	s25 =	smov.u32 s26;
	p0 =	sne.s32 s23, $0xBF0  }
.Ltmp103:
0x741: {  	s23 =	sadd.s32 $0x10, s23;
	(pc) =	sbr.rel @p0 .LBB2_208-.Ltmp103, $2  }
0x742: {  	_ =	sdelay $0x2  }
0x743: {  	s26 =	sadd.s32 $0x100, s26;
	s29 =	sadd.s32 s29, s21  }
0x744: {  	[hbm4b:s29+s1] =	stream.linear.scatter [tilespmem:s25], [sflag:$0x4], $0x80, $0x38;
	[tilespmem:$0x18000] =	vst v63  }
0x745: {  	s14 =	simm.s32 $0x3  }
0x746: {  	_ =	swait.ge [sflag:s14], $0x6000  }
0x747: {  	[sflag:s14] =	ssyncset.done $0x0  }
0x748: {  	s23 =	simm.s32 $0x4;
	[sflag:s14] =	ssyncadd.s32 $0xFFFFA000  }
0x749: {  	_ =	swait.ge [sflag:s23], $0x6000  }
0x74a: {  	s30 =	sld [smem:$0x7D4]  }
0x74b: {  	s31 =	sld [smem:$0x7F0];
	_ =	sdelay $0x1  }
0x74c: {  	s25 =	sadd.s32 $0x1, s30  }
0x74d: {  	p0 =	sne.s32 s25, s31  }
.Ltmp104:
0x74e: {  	_ = 	snop;
	(pc) =	sbr.rel @p0 .LBB2_1-.Ltmp104, $4  }
0x74f: {  	_ = 	snop  }
0x750: {  	s29 =	sld [smem:$0x7FB]  }
0x751: {  	[sflag:s23] =	ssyncset.done $0x0  }
0x752: {  	s14 =	simm.s32 $0x1;
	[sflag:s23] =	ssyncadd.s32 $0xFFFFA000  }
0x753: {  	_ =	sfence.sel $0x180000  }
0x754: {  	[bflag:$0x0] =	sbarrier.arrive $0xFFFF  }
0x755: {  	_ =	strace $0x90000047  }
0x756: {  	s0 =	stileid.u32;
	[bflag:$0x2] =	sbarrier.arrive $0xFFFF  }
0x757: {  	p0 =	sne.s32 s0, $0x0;
	s0 =	rddreg [dreg:$0x2]  }
0x758: {  	s0 =	sadd.s32 @!p0 $0x100000, s0  }
0x759: {  	[sflag:s0] =	ssyncadd.tile.s32 @!p0 $0x1;
	_ =	shalt  }
.Lfunc_end2:
_tile_overlayer_lowered:
.L_overlay_start_2:
0x75a: {  	(tag) =	ssettag $0x2  }
0x75b: {  	s0 =	rddreg [dreg:$0x0];
	s2 =	stileid.u32  }
0x75c: {  	s1 =	rddreg [dreg:$0x1];
	p0 =	sne.s32 s2, $0x0  }
0x75d: {  	s3 =	rddreg [dreg:$0x2];
	[bflag:$0x3] =	sbarrier.arrive $0xFFFF;
	s2 =	simm.s32 @!p0 $0x1C07  }
0x75e: {  	[timem:s3], [sflag:s2] =	dma.local @!p0 [hbm:s0], s1  }
0x75f: {  	s0 =	simm.s32 @!p0 $0x7  }
0x760: {  	_ =	swait.ge @!p0 [sflag:s0], s1  }
0x761: {  	s1 =	ssub.s32 @!p0 $0x0, s1;
	[sflag:s0] =	ssyncset.done @!p0 $0x0  }
0x762: {  	[sflag:s0] =	ssyncadd.s32 @!p0 s1  }
0x763: {  	[bflag:$0x3] =	sbarrier.arrive $0xFFFF  }
0x764: {  	_ =	shalt  }

</sc_bundles>
